<compile_context>
chip_gen: v7x
topology: tpu7x:2x2x1
jax: 0.10.2.dev20260603
libtpu: 0.0.44.dev20260713+nightly
codegen_flags: <defaults>
</compile_context>

<pallas_src>
import functools

import jax
import jax.numpy as jnp
from jax import lax
from jax.experimental import pallas as pl
from jax.experimental.pallas import tpu as pltpu
from jax.experimental.pallas import tpu_sc as plsc

_V = 128
_D = 49152
_B = 1024
_NC = 2
_NS = 16
_DH = _D // _NC
_BPT = _B // _NS
_C = 4096
_NCHUNK = _DH // _C
_RPT = _V // _NS
_L = 16


def _gather_body(table_hbm, idx_hbm, out_hbm,
                 idx_v, sbuf0, sbuf1, lsem0, lsem1, gsem):
    cid = lax.axis_index("c")
    sid = lax.axis_index("s")
    base = sid * _BPT
    chalf = cid * _DH
    pltpu.sync_copy(idx_hbm.at[pl.ds(base, _BPT)], idx_v)

    scalars = []
    for v in range(_BPT // _L):
        vec = idx_v[pl.ds(v * _L, _L)]
        for j in range(_L):
            scalars.append(vec[j])

    sbufs = (sbuf0, sbuf1)
    lsems = (lsem0, lsem1)
    row0 = sid * _RPT

    def load_desc(c, slot):
        off = chalf + pl.multiple_of(c * _C, _C)
        return pltpu.make_async_copy(
            table_hbm.at[pl.ds(row0, _RPT), pl.ds(off, _C)],
            sbufs[slot].at[pl.ds(row0, _RPT)],
            lsems[slot])

    def do_chunk(c, slot):
        load_desc(c, slot).wait()
        plsc.subcore_barrier()

        @pl.when(c + 1 < _NCHUNK)
        def _():
            load_desc(c + 1, 1 - slot).start()

        off = chalf + pl.multiple_of(c * _C, _C)
        copies = []
        for j in range(_BPT):
            cp = pltpu.make_async_copy(
                sbufs[slot].at[pl.ds(scalars[j], 1)],
                out_hbm.at[pl.ds(base + j, 1), pl.ds(off, _C)],
                gsem)
            cp.start()
            copies.append(cp)
        for cp in copies:
            cp.wait()

    load_desc(0, 0).start()

    def pair_body(p, carry):
        c = p * 2
        do_chunk(c, 0)
        do_chunk(c + 1, 1)
        return carry

    lax.fori_loop(0, _NCHUNK // 2, pair_body, 0)


@jax.jit
def _gather(table, idx):
    mesh = plsc.VectorSubcoreMesh(core_axis_name="c", subcore_axis_name="s")
    f = pl.kernel(
        _gather_body,
        out_type=jax.ShapeDtypeStruct((_B, _D), jnp.float32),
        mesh=mesh,
        scratch_types=[
            pltpu.VMEM((_BPT,), jnp.int32),
            pltpu.VMEM_SHARED((_V, _C), jnp.float32),
            pltpu.VMEM_SHARED((_V, _C), jnp.float32),
            pltpu.SemaphoreType.DMA,
            pltpu.SemaphoreType.DMA,
            pltpu.SemaphoreType.DMA,
        ],
    )
    return f(table, idx)


def kernel(prefix, embedding):
    idx = prefix.reshape(-1).astype(jnp.int32)
    out = _gather(embedding, idx)
    return out.reshape(prefix.shape[0], prefix.shape[1], _D)

# --- scband reference (transcript-rebuilt; emitter-appended) ---
"""Pipeline reference for scband-prefix-encoder-79370995630771 (READ-ONLY COPY).

The authoritative reference and input builder live on the scoring server;
editing this copy changes nothing except your own understanding.
"""

import jax, jax.numpy as jnp
import numpy as np

PRE_SEQ_LEN = 128
NUM_LAYERS = 24
HIDDEN = 1024
EMB_DIM = NUM_LAYERS * 2 * HIDDEN  # 49152
BATCH = 8


def setup_inputs(seed: int = 0) -> dict:
    key = jax.random.key(seed)
    k1, k2 = jax.random.split(key)
    prefix = jax.random.randint(k1, (BATCH, PRE_SEQ_LEN), 0, PRE_SEQ_LEN, dtype=jnp.int64 if jax.config.jax_enable_x64 else jnp.int32)
    embedding = jax.random.normal(k2, (PRE_SEQ_LEN, EMB_DIM), dtype=jnp.float32) * 0.02
    return {"prefix": prefix, "embedding": embedding}


def reference(prefix, embedding):
    # prefix_projection=False branch: past_key_values = Embedding(prefix)
    past_key_values = jnp.take(embedding, prefix, axis=0)
    return past_key_values

if __name__ == "__main__":
    import jax
    _d = setup_inputs()
    print(jax.jit(kernel)(*tuple(_d.values())))

</pallas_src>

<mosaic_0001>
#map = affine_map<(d0, d1) -> (0, 0)>
#map1 = affine_map<(d0, d1) -> (0)>
module attributes {stable_mosaic.version = 14 : i64} {
  func.func @_gather_body(%arg0: i32, %arg1: i32, %arg2: memref<128x49152xf32, #tpu.memory_space<hbm>>, %arg3: memref<1024xi32, #tpu.memory_space<hbm>>, %arg4: memref<1024x49152xf32, #tpu.memory_space<hbm>>, %arg5: memref<64xi32, #tpu.memory_space<vmem>>, %arg6: memref<128x4096xf32, #tpu.memory_space<vmem_shared>>, %arg7: memref<128x4096xf32, #tpu.memory_space<vmem_shared>>, %arg8: memref<!tpu.dma_semaphore, #tpu.memory_space<semaphore_mem>>, %arg9: memref<!tpu.dma_semaphore, #tpu.memory_space<semaphore_mem>>, %arg10: memref<!tpu.dma_semaphore, #tpu.memory_space<semaphore_mem>>) attributes {dimension_semantics = [#tpu.dimension_semantics<core_parallel>, #tpu.dimension_semantics<subcore_parallel>], iteration_bounds = array<i64: 2, 16>, scalar_prefetch = 0 : i64, scratch_operands = 6 : i64, tpu.core_type = #tpu.core_type<sc_vector_subcore>, window_params = [{transform_indices = #map}, {transform_indices = #map1}, {transform_indices = #map}]} {
    %mul3A = arith.constant 64 : i32
    %mul3A_0 = arith.muli %arg1, %mul3A : i32
    %mul3A_1 = arith.constant 24576 : i32
    %mul3A_2 = arith.muli %arg0, %mul3A_1 : i32
    "tpu.region"() ({
      %run_scoped3A = tpu.sem_alloc : memref<!tpu.dma_semaphore, #tpu.memory_space<semaphore_mem>>
      %dma_start3A_150 = tpu.memref_slice %arg3[%mul3A_0] : memref<1024xi32, #tpu.memory_space<hbm>> -> memref<64xi32, #tpu.memory_space<hbm>>
      %dma_start3A_151 = tpu.memref_slice %arg3[%mul3A_0] : memref<1024xi32, #tpu.memory_space<hbm>> -> memref<64xi32, #tpu.memory_space<hbm>>
      tpu.enqueue_dma source(%dma_start3A_151 : memref<64xi32, #tpu.memory_space<hbm>>) target(%arg5 : memref<64xi32, #tpu.memory_space<vmem>>) target_semaphore(%run_scoped3A : memref<!tpu.dma_semaphore, #tpu.memory_space<semaphore_mem>>)
      %dma_wait3A = tpu.memref_slice %arg3[%mul3A_0] : memref<1024xi32, #tpu.memory_space<hbm>> -> memref<64xi32, #tpu.memory_space<hbm>>
      %dma_wait3A_152 = tpu.memref_slice %arg3[%mul3A_0] : memref<1024xi32, #tpu.memory_space<hbm>> -> memref<64xi32, #tpu.memory_space<hbm>>
      tpu.wait_dma2 semaphore(%run_scoped3A : memref<!tpu.dma_semaphore, #tpu.memory_space<semaphore_mem>>) src(%dma_wait3A_152 : memref<64xi32, #tpu.memory_space<hbm>>) dst(%arg5 : memref<64xi32, #tpu.memory_space<vmem>>)
      tpu.yield
    }) : () -> ()
    %get3A = arith.constant 0 : index
    %get3A_3 = tpu.vector_load %arg5[%get3A] {strides = array<i32>} : memref<64xi32, #tpu.memory_space<vmem>>, vector<16xi32>,
    %get3A_4 = vector.shape_cast %get3A_3 : vector<16xi32> to vector<16xi32>
    %slice3A = vector.extract_strided_slice %get3A_4 {offsets = [0], sizes = [1], strides = [1]} : vector<16xi32> to vector<1xi32>
    %squeeze3A = vector.extract %slice3A[0] : i32 from vector<1xi32>
    %slice3A_5 = vector.extract_strided_slice %get3A_4 {offsets = [1], sizes = [1], strides = [1]} : vector<16xi32> to vector<1xi32>
    %squeeze3A_6 = vector.extract %slice3A_5[0] : i32 from vector<1xi32>
    %slice3A_7 = vector.extract_strided_slice %get3A_4 {offsets = [2], sizes = [1], strides = [1]} : vector<16xi32> to vector<1xi32>
    %squeeze3A_8 = vector.extract %slice3A_7[0] : i32 from vector<1xi32>
    %slice3A_9 = vector.extract_strided_slice %get3A_4 {offsets = [3], sizes = [1], strides = [1]} : vector<16xi32> to vector<1xi32>
    %squeeze3A_10 = vector.extract %slice3A_9[0] : i32 from vector<1xi32>
    %slice3A_11 = vector.extract_strided_slice %get3A_4 {offsets = [4], sizes = [1], strides = [1]} : vector<16xi32> to vector<1xi32>
    %squeeze3A_12 = vector.extract %slice3A_11[0] : i32 from vector<1xi32>
    %slice3A_13 = vector.extract_strided_slice %get3A_4 {offsets = [5], sizes = [1], strides = [1]} : vector<16xi32> to vector<1xi32>
    %squeeze3A_14 = vector.extract %slice3A_13[0] : i32 from vector<1xi32>
    %slice3A_15 = vector.extract_strided_slice %get3A_4 {offsets = [6], sizes = [1], strides = [1]} : vector<16xi32> to vector<1xi32>
    %squeeze3A_16 = vector.extract %slice3A_15[0] : i32 from vector<1xi32>
    %slice3A_17 = vector.extract_strided_slice %get3A_4 {offsets = [7], sizes = [1], strides = [1]} : vector<16xi32> to vector<1xi32>
    %squeeze3A_18 = vector.extract %slice3A_17[0] : i32 from vector<1xi32>
    %slice3A_19 = vector.extract_strided_slice %get3A_4 {offsets = [8], sizes = [1], strides = [1]} : vector<16xi32> to vector<1xi32>
    %squeeze3A_20 = vector.extract %slice3A_19[0] : i32 from vector<1xi32>
    %slice3A_21 = vector.extract_strided_slice %get3A_4 {offsets = [9], sizes = [1], strides = [1]} : vector<16xi32> to vector<1xi32>
    %squeeze3A_22 = vector.extract %slice3A_21[0] : i32 from vector<1xi32>
    %slice3A_23 = vector.extract_strided_slice %get3A_4 {offsets = [10], sizes = [1], strides = [1]} : vector<16xi32> to vector<1xi32>
    %squeeze3A_24 = vector.extract %slice3A_23[0] : i32 from vector<1xi32>
    %slice3A_25 = vector.extract_strided_slice %get3A_4 {offsets = [11], sizes = [1], strides = [1]} : vector<16xi32> to vector<1xi32>
    %squeeze3A_26 = vector.extract %slice3A_25[0] : i32 from vector<1xi32>
    %slice3A_27 = vector.extract_strided_slice %get3A_4 {offsets = [12], sizes = [1], strides = [1]} : vector<16xi32> to vector<1xi32>
    %squeeze3A_28 = vector.extract %slice3A_27[0] : i32 from vector<1xi32>
    %slice3A_29 = vector.extract_strided_slice %get3A_4 {offsets = [13], sizes = [1], strides = [1]} : vector<16xi32> to vector<1xi32>
    %squeeze3A_30 = vector.extract %slice3A_29[0] : i32 from vector<1xi32>
    %slice3A_31 = vector.extract_strided_slice %get3A_4 {offsets = [14], sizes = [1], strides = [1]} : vector<16xi32> to vector<1xi32>
    %squeeze3A_32 = vector.extract %slice3A_31[0] : i32 from vector<1xi32>
    %slice3A_33 = vector.extract_strided_slice %get3A_4 {offsets = [15], sizes = [1], strides = [1]} : vector<16xi32> to vector<1xi32>
    %squeeze3A_34 = vector.extract %slice3A_33[0] : i32 from vector<1xi32>
    %get3A_35 = arith.constant 16 : index
    %get3A_36 = tpu.vector_load %arg5[%get3A_35] {strides = array<i32>} : memref<64xi32, #tpu.memory_space<vmem>>, vector<16xi32>,
    %get3A_37 = vector.shape_cast %get3A_36 : vector<16xi32> to vector<16xi32>
    %slice3A_38 = vector.extract_strided_slice %get3A_37 {offsets = [0], sizes = [1], strides = [1]} : vector<16xi32> to vector<1xi32>
    %squeeze3A_39 = vector.extract %slice3A_38[0] : i32 from vector<1xi32>
    %slice3A_40 = vector.extract_strided_slice %get3A_37 {offsets = [1], sizes = [1], strides = [1]} : vector<16xi32> to vector<1xi32>
    %squeeze3A_41 = vector.extract %slice3A_40[0] : i32 from vector<1xi32>
    %slice3A_42 = vector.extract_strided_slice %get3A_37 {offsets = [2], sizes = [1], strides = [1]} : vector<16xi32> to vector<1xi32>
    %squeeze3A_43 = vector.extract %slice3A_42[0] : i32 from vector<1xi32>
    %slice3A_44 = vector.extract_strided_slice %get3A_37 {offsets = [3], sizes = [1], strides = [1]} : vector<16xi32> to vector<1xi32>
    %squeeze3A_45 = vector.extract %slice3A_44[0] : i32 from vector<1xi32>
    %slice3A_46 = vector.extract_strided_slice %get3A_37 {offsets = [4], sizes = [1], strides = [1]} : vector<16xi32> to vector<1xi32>
    %squeeze3A_47 = vector.extract %slice3A_46[0] : i32 from vector<1xi32>
    %slice3A_48 = vector.extract_strided_slice %get3A_37 {offsets = [5], sizes = [1], strides = [1]} : vector<16xi32> to vector<1xi32>
    %squeeze3A_49 = vector.extract %slice3A_48[0] : i32 from vector<1xi32>
    %slice3A_50 = vector.extract_strided_slice %get3A_37 {offsets = [6], sizes = [1], strides = [1]} : vector<16xi32> to vector<1xi32>
    %squeeze3A_51 = vector.extract %slice3A_50[0] : i32 from vector<1xi32>
    %slice3A_52 = vector.extract_strided_slice %get3A_37 {offsets = [7], sizes = [1], strides = [1]} : vector<16xi32> to vector<1xi32>
    %squeeze3A_53 = vector.extract %slice3A_52[0] : i32 from vector<1xi32>
    %slice3A_54 = vector.extract_strided_slice %get3A_37 {offsets = [8], sizes = [1], strides = [1]} : vector<16xi32> to vector<1xi32>
    %squeeze3A_55 = vector.extract %slice3A_54[0] : i32 from vector<1xi32>
    %slice3A_56 = vector.extract_strided_slice %get3A_37 {offsets = [9], sizes = [1], strides = [1]} : vector<16xi32> to vector<1xi32>
    %squeeze3A_57 = vector.extract %slice3A_56[0] : i32 from vector<1xi32>
    %slice3A_58 = vector.extract_strided_slice %get3A_37 {offsets = [10], sizes = [1], strides = [1]} : vector<16xi32> to vector<1xi32>
    %squeeze3A_59 = vector.extract %slice3A_58[0] : i32 from vector<1xi32>
    %slice3A_60 = vector.extract_strided_slice %get3A_37 {offsets = [11], sizes = [1], strides = [1]} : vector<16xi32> to vector<1xi32>
    %squeeze3A_61 = vector.extract %slice3A_60[0] : i32 from vector<1xi32>
    %slice3A_62 = vector.extract_strided_slice %get3A_37 {offsets = [12], sizes = [1], strides = [1]} : vector<16xi32> to vector<1xi32>
    %squeeze3A_63 = vector.extract %slice3A_62[0] : i32 from vector<1xi32>
    %slice3A_64 = vector.extract_strided_slice %get3A_37 {offsets = [13], sizes = [1], strides = [1]} : vector<16xi32> to vector<1xi32>
    %squeeze3A_65 = vector.extract %slice3A_64[0] : i32 from vector<1xi32>
    %slice3A_66 = vector.extract_strided_slice %get3A_37 {offsets = [14], sizes = [1], strides = [1]} : vector<16xi32> to vector<1xi32>
    %squeeze3A_67 = vector.extract %slice3A_66[0] : i32 from vector<1xi32>
    %slice3A_68 = vector.extract_strided_slice %get3A_37 {offsets = [15], sizes = [1], strides = [1]} : vector<16xi32> to vector<1xi32>
    %squeeze3A_69 = vector.extract %slice3A_68[0] : i32 from vector<1xi32>
    %get3A_70 = arith.constant 32 : index
    %get3A_71 = tpu.vector_load %arg5[%get3A_70] {strides = array<i32>} : memref<64xi32, #tpu.memory_space<vmem>>, vector<16xi32>,
    %get3A_72 = vector.shape_cast %get3A_71 : vector<16xi32> to vector<16xi32>
    %slice3A_73 = vector.extract_strided_slice %get3A_72 {offsets = [0], sizes = [1], strides = [1]} : vector<16xi32> to vector<1xi32>
    %squeeze3A_74 = vector.extract %slice3A_73[0] : i32 from vector<1xi32>
    %slice3A_75 = vector.extract_strided_slice %get3A_72 {offsets = [1], sizes = [1], strides = [1]} : vector<16xi32> to vector<1xi32>
    %squeeze3A_76 = vector.extract %slice3A_75[0] : i32 from vector<1xi32>
    %slice3A_77 = vector.extract_strided_slice %get3A_72 {offsets = [2], sizes = [1], strides = [1]} : vector<16xi32> to vector<1xi32>
    %squeeze3A_78 = vector.extract %slice3A_77[0] : i32 from vector<1xi32>
    %slice3A_79 = vector.extract_strided_slice %get3A_72 {offsets = [3], sizes = [1], strides = [1]} : vector<16xi32> to vector<1xi32>
    %squeeze3A_80 = vector.extract %slice3A_79[0] : i32 from vector<1xi32>
    %slice3A_81 = vector.extract_strided_slice %get3A_72 {offsets = [4], sizes = [1], strides = [1]} : vector<16xi32> to vector<1xi32>
    %squeeze3A_82 = vector.extract %slice3A_81[0] : i32 from vector<1xi32>
    %slice3A_83 = vector.extract_strided_slice %get3A_72 {offsets = [5], sizes = [1], strides = [1]} : vector<16xi32> to vector<1xi32>
    %squeeze3A_84 = vector.extract %slice3A_83[0] : i32 from vector<1xi32>
    %slice3A_85 = vector.extract_strided_slice %get3A_72 {offsets = [6], sizes = [1], strides = [1]} : vector<16xi32> to vector<1xi32>
    %squeeze3A_86 = vector.extract %slice3A_85[0] : i32 from vector<1xi32>
    %slice3A_87 = vector.extract_strided_slice %get3A_72 {offsets = [7], sizes = [1], strides = [1]} : vector<16xi32> to vector<1xi32>
    %squeeze3A_88 = vector.extract %slice3A_87[0] : i32 from vector<1xi32>
    %slice3A_89 = vector.extract_strided_slice %get3A_72 {offsets = [8], sizes = [1], strides = [1]} : vector<16xi32> to vector<1xi32>
    %squeeze3A_90 = vector.extract %slice3A_89[0] : i32 from vector<1xi32>
    %slice3A_91 = vector.extract_strided_slice %get3A_72 {offsets = [9], sizes = [1], strides = [1]} : vector<16xi32> to vector<1xi32>
    %squeeze3A_92 = vector.extract %slice3A_91[0] : i32 from vector<1xi32>
    %slice3A_93 = vector.extract_strided_slice %get3A_72 {offsets = [10], sizes = [1], strides = [1]} : vector<16xi32> to vector<1xi32>
    %squeeze3A_94 = vector.extract %slice3A_93[0] : i32 from vector<1xi32>
    %slice3A_95 = vector.extract_strided_slice %get3A_72 {offsets = [11], sizes = [1], strides = [1]} : vector<16xi32> to vector<1xi32>
    %squeeze3A_96 = vector.extract %slice3A_95[0] : i32 from vector<1xi32>
    %slice3A_97 = vector.extract_strided_slice %get3A_72 {offsets = [12], sizes = [1], strides = [1]} : vector<16xi32> to vector<1xi32>
    %squeeze3A_98 = vector.extract %slice3A_97[0] : i32 from vector<1xi32>
    %slice3A_99 = vector.extract_strided_slice %get3A_72 {offsets = [13], sizes = [1], strides = [1]} : vector<16xi32> to vector<1xi32>
    %squeeze3A_100 = vector.extract %slice3A_99[0] : i32 from vector<1xi32>
    %slice3A_101 = vector.extract_strided_slice %get3A_72 {offsets = [14], sizes = [1], strides = [1]} : vector<16xi32> to vector<1xi32>
    %squeeze3A_102 = vector.extract %slice3A_101[0] : i32 from vector<1xi32>
    %slice3A_103 = vector.extract_strided_slice %get3A_72 {offsets = [15], sizes = [1], strides = [1]} : vector<16xi32> to vector<1xi32>
    %squeeze3A_104 = vector.extract %slice3A_103[0] : i32 from vector<1xi32>
    %get3A_105 = arith.constant 48 : index
    %get3A_106 = tpu.vector_load %arg5[%get3A_105] {strides = array<i32>} : memref<64xi32, #tpu.memory_space<vmem>>, vector<16xi32>,
    %get3A_107 = vector.shape_cast %get3A_106 : vector<16xi32> to vector<16xi32>
    %slice3A_108 = vector.extract_strided_slice %get3A_107 {offsets = [0], sizes = [1], strides = [1]} : vector<16xi32> to vector<1xi32>
    %squeeze3A_109 = vector.extract %slice3A_108[0] : i32 from vector<1xi32>
    %slice3A_110 = vector.extract_strided_slice %get3A_107 {offsets = [1], sizes = [1], strides = [1]} : vector<16xi32> to vector<1xi32>
    %squeeze3A_111 = vector.extract %slice3A_110[0] : i32 from vector<1xi32>
    %slice3A_112 = vector.extract_strided_slice %get3A_107 {offsets = [2], sizes = [1], strides = [1]} : vector<16xi32> to vector<1xi32>
    %squeeze3A_113 = vector.extract %slice3A_112[0] : i32 from vector<1xi32>
    %slice3A_114 = vector.extract_strided_slice %get3A_107 {offsets = [3], sizes = [1], strides = [1]} : vector<16xi32> to vector<1xi32>
    %squeeze3A_115 = vector.extract %slice3A_114[0] : i32 from vector<1xi32>
    %slice3A_116 = vector.extract_strided_slice %get3A_107 {offsets = [4], sizes = [1], strides = [1]} : vector<16xi32> to vector<1xi32>
    %squeeze3A_117 = vector.extract %slice3A_116[0] : i32 from vector<1xi32>
    %slice3A_118 = vector.extract_strided_slice %get3A_107 {offsets = [5], sizes = [1], strides = [1]} : vector<16xi32> to vector<1xi32>
    %squeeze3A_119 = vector.extract %slice3A_118[0] : i32 from vector<1xi32>
    %slice3A_120 = vector.extract_strided_slice %get3A_107 {offsets = [6], sizes = [1], strides = [1]} : vector<16xi32> to vector<1xi32>
    %squeeze3A_121 = vector.extract %slice3A_120[0] : i32 from vector<1xi32>
    %slice3A_122 = vector.extract_strided_slice %get3A_107 {offsets = [7], sizes = [1], strides = [1]} : vector<16xi32> to vector<1xi32>
    %squeeze3A_123 = vector.extract %slice3A_122[0] : i32 from vector<1xi32>
    %slice3A_124 = vector.extract_strided_slice %get3A_107 {offsets = [8], sizes = [1], strides = [1]} : vector<16xi32> to vector<1xi32>
    %squeeze3A_125 = vector.extract %slice3A_124[0] : i32 from vector<1xi32>
    %slice3A_126 = vector.extract_strided_slice %get3A_107 {offsets = [9], sizes = [1], strides = [1]} : vector<16xi32> to vector<1xi32>
    %squeeze3A_127 = vector.extract %slice3A_126[0] : i32 from vector<1xi32>
    %slice3A_128 = vector.extract_strided_slice %get3A_107 {offsets = [10], sizes = [1], strides = [1]} : vector<16xi32> to vector<1xi32>
    %squeeze3A_129 = vector.extract %slice3A_128[0] : i32 from vector<1xi32>
    %slice3A_130 = vector.extract_strided_slice %get3A_107 {offsets = [11], sizes = [1], strides = [1]} : vector<16xi32> to vector<1xi32>
    %squeeze3A_131 = vector.extract %slice3A_130[0] : i32 from vector<1xi32>
    %slice3A_132 = vector.extract_strided_slice %get3A_107 {offsets = [12], sizes = [1], strides = [1]} : vector<16xi32> to vector<1xi32>
    %squeeze3A_133 = vector.extract %slice3A_132[0] : i32 from vector<1xi32>
    %slice3A_134 = vector.extract_strided_slice %get3A_107 {offsets = [13], sizes = [1], strides = [1]} : vector<16xi32> to vector<1xi32>
    %squeeze3A_135 = vector.extract %slice3A_134[0] : i32 from vector<1xi32>
    %slice3A_136 = vector.extract_strided_slice %get3A_107 {offsets = [14], sizes = [1], strides = [1]} : vector<16xi32> to vector<1xi32>
    %squeeze3A_137 = vector.extract %slice3A_136[0] : i32 from vector<1xi32>
    %slice3A_138 = vector.extract_strided_slice %get3A_107 {offsets = [15], sizes = [1], strides = [1]} : vector<16xi32> to vector<1xi32>
    %squeeze3A_139 = vector.extract %slice3A_138[0] : i32 from vector<1xi32>
    %mul3A_140 = arith.constant 8 : i32
    %mul3A_141 = arith.muli %arg1, %mul3A_140 : i32
    %multiple_of3A = arith.constant 0 : i32
    %multiple_of3A_142 = tpu.assume_multiple %multiple_of3A, 4096 : i32
    %add3A = arith.addi %mul3A_2, %multiple_of3A_142 : i32
    %dma_start3A = arith.constant 0 : i32
    %dma_start3A_143 = tpu.memref_slice %arg6[%mul3A_141, %dma_start3A] : memref<128x4096xf32, #tpu.memory_space<vmem_shared>> -> memref<8x4096xf32, #tpu.memory_space<vmem_shared>>
    %dma_start3A_144 = tpu.memref_slice %arg2[%mul3A_141, %add3A] : memref<128x49152xf32, #tpu.memory_space<hbm>> -> memref<8x4096xf32, #tpu.memory_space<hbm>>
    tpu.enqueue_dma source(%dma_start3A_144 : memref<8x4096xf32, #tpu.memory_space<hbm>>) target(%dma_start3A_143 : memref<8x4096xf32, #tpu.memory_space<vmem_shared>>) target_semaphore(%arg8 : memref<!tpu.dma_semaphore, #tpu.memory_space<semaphore_mem>>)
    %scan3A = arith.constant 0 : i32
    %scan3A_145 = arith.constant 0 : i32
    %scan3A_146 = arith.constant 3 : i32
    %scan3A_147 = arith.addi %scan3A_145, %scan3A_146 : i32
    %scan3A_148 = arith.constant 1 : i32
    scf.for %scan3A_150 = %scan3A_145 to %scan3A_147 step %scan3A_148  : i32 {
      %mul3A_151 = arith.constant 2 : i32
      %mul3A_152 = arith.muli %scan3A_150, %mul3A_151 : i32
      %mul3A_153 = arith.constant 4096 : i32
      %mul3A_154 = arith.muli %mul3A_152, %mul3A_153 : i32
      %multiple_of3A_155 = tpu.assume_multiple %mul3A_154, 4096 : i32
      %add3A_156 = arith.addi %mul3A_2, %multiple_of3A_155 : i32
      %dma_wait3A = arith.constant 0 : i32
      %dma_wait3A_157 = tpu.memref_slice %arg6[%mul3A_141, %dma_wait3A] : memref<128x4096xf32, #tpu.memory_space<vmem_shared>> -> memref<8x4096xf32, #tpu.memory_space<vmem_shared>>
      %dma_wait3A_158 = tpu.memref_slice %arg2[%mul3A_141, %add3A_156] : memref<128x49152xf32, #tpu.memory_space<hbm>> -> memref<8x4096xf32, #tpu.memory_space<hbm>>
      tpu.wait_dma2 semaphore(%arg8 : memref<!tpu.dma_semaphore, #tpu.memory_space<semaphore_mem>>) src(%dma_wait3A_158 : memref<8x4096xf32, #tpu.memory_space<hbm>>) dst(%dma_wait3A_157 : memref<8x4096xf32, #tpu.memory_space<vmem_shared>>)
      %barrier3A = arith.constant 0 : index
      tpu.barrier barrier_id(%barrier3A)
      %add3A_159 = arith.constant 1 : i32
      %add3A_160 = arith.addi %mul3A_152, %add3A_159 : i32
      %lt3A = arith.constant 6 : i32
      %lt3A_161 = arith.cmpi slt, %add3A_160, %lt3A : i32
      %convert_element_type3A = arith.extui %lt3A_161 : i1 to i32
      %cond3A = arith.constant 0 : i32
      %cond3A_162 = arith.cmpi ne, %convert_element_type3A, %cond3A : i32
      scf.if %cond3A_162 {
        %add3A_1212 = arith.constant 1 : i32
        %add3A_1213 = arith.addi %mul3A_152, %add3A_1212 : i32
        %mul3A_1214 = arith.constant 4096 : i32
        %mul3A_1215 = arith.muli %add3A_1213, %mul3A_1214 : i32
        %multiple_of3A_1216 = tpu.assume_multiple %mul3A_1215, 4096 : i32
        %add3A_1217 = arith.addi %mul3A_2, %multiple_of3A_1216 : i32
        %dma_start3A_1218 = arith.constant 0 : i32
        %dma_start3A_1219 = tpu.memref_slice %arg7[%mul3A_141, %dma_start3A_1218] : memref<128x4096xf32, #tpu.memory_space<vmem_shared>> -> memref<8x4096xf32, #tpu.memory_space<vmem_shared>>
        %dma_start3A_1220 = tpu.memref_slice %arg2[%mul3A_141, %add3A_1217] : memref<128x49152xf32, #tpu.memory_space<hbm>> -> memref<8x4096xf32, #tpu.memory_space<hbm>>
        tpu.enqueue_dma source(%dma_start3A_1220 : memref<8x4096xf32, #tpu.memory_space<hbm>>) target(%dma_start3A_1219 : memref<8x4096xf32, #tpu.memory_space<vmem_shared>>) target_semaphore(%arg9 : memref<!tpu.dma_semaphore, #tpu.memory_space<semaphore_mem>>)
      } else {
      }
      %mul3A_163 = arith.constant 4096 : i32
      %mul3A_164 = arith.muli %mul3A_152, %mul3A_163 : i32
      %multiple_of3A_165 = tpu.assume_multiple %mul3A_164, 4096 : i32
      %add3A_166 = arith.addi %mul3A_2, %multiple_of3A_165 : i32
      %add3A_167 = arith.constant 0 : i32
      %add3A_168 = arith.addi %mul3A_0, %add3A_167 : i32
      %dma_start3A_169 = tpu.memref_slice %arg4[%add3A_168, %add3A_166] : memref<1024x49152xf32, #tpu.memory_space<hbm>> -> memref<1x4096xf32, #tpu.memory_space<hbm>>
      %dma_start3A_170 = arith.constant 0 : i32
      %dma_start3A_171 = tpu.memref_slice %arg6[%squeeze3A, %dma_start3A_170] : memref<128x4096xf32, #tpu.memory_space<vmem_shared>> -> memref<1x4096xf32, #tpu.memory_space<vmem_shared>>
      tpu.enqueue_dma source(%dma_start3A_171 : memref<1x4096xf32, #tpu.memory_space<vmem_shared>>) target(%dma_start3A_169 : memref<1x4096xf32, #tpu.memory_space<hbm>>) target_semaphore(%arg10 : memref<!tpu.dma_semaphore, #tpu.memory_space<semaphore_mem>>)
      %add3A_172 = arith.constant 1 : i32
      %add3A_173 = arith.addi %mul3A_0, %add3A_172 : i32
      %dma_start3A_174 = tpu.memref_slice %arg4[%add3A_173, %add3A_166] : memref<1024x49152xf32, #tpu.memory_space<hbm>> -> memref<1x4096xf32, #tpu.memory_space<hbm>>
      %dma_start3A_175 = arith.constant 0 : i32
      %dma_start3A_176 = tpu.memref_slice %arg6[%squeeze3A_6, %dma_start3A_175] : memref<128x4096xf32, #tpu.memory_space<vmem_shared>> -> memref<1x4096xf32, #tpu.memory_space<vmem_shared>>
      tpu.enqueue_dma source(%dma_start3A_176 : memref<1x4096xf32, #tpu.memory_space<vmem_shared>>) target(%dma_start3A_174 : memref<1x4096xf32, #tpu.memory_space<hbm>>) target_semaphore(%arg10 : memref<!tpu.dma_semaphore, #tpu.memory_space<semaphore_mem>>)
      %add3A_177 = arith.constant 2 : i32
      %add3A_178 = arith.addi %mul3A_0, %add3A_177 : i32
      %dma_start3A_179 = tpu.memref_slice %arg4[%add3A_178, %add3A_166] : memref<1024x49152xf32, #tpu.memory_space<hbm>> -> memref<1x4096xf32, #tpu.memory_space<hbm>>
      %dma_start3A_180 = arith.constant 0 : i32
      %dma_start3A_181 = tpu.memref_slice %arg6[%squeeze3A_8, %dma_start3A_180] : memref<128x4096xf32, #tpu.memory_space<vmem_shared>> -> memref<1x4096xf32, #tpu.memory_space<vmem_shared>>
      tpu.enqueue_dma source(%dma_start3A_181 : memref<1x4096xf32, #tpu.memory_space<vmem_shared>>) target(%dma_start3A_179 : memref<1x4096xf32, #tpu.memory_space<hbm>>) target_semaphore(%arg10 : memref<!tpu.dma_semaphore, #tpu.memory_space<semaphore_mem>>)
      %add3A_182 = arith.constant 3 : i32
      %add3A_183 = arith.addi %mul3A_0, %add3A_182 : i32
      %dma_start3A_184 = tpu.memref_slice %arg4[%add3A_183, %add3A_166] : memref<1024x49152xf32, #tpu.memory_space<hbm>> -> memref<1x4096xf32, #tpu.memory_space<hbm>>
      %dma_start3A_185 = arith.constant 0 : i32
      %dma_start3A_186 = tpu.memref_slice %arg6[%squeeze3A_10, %dma_start3A_185] : memref<128x4096xf32, #tpu.memory_space<vmem_shared>> -> memref<1x4096xf32, #tpu.memory_space<vmem_shared>>
      tpu.enqueue_dma source(%dma_start3A_186 : memref<1x4096xf32, #tpu.memory_space<vmem_shared>>) target(%dma_start3A_184 : memref<1x4096xf32, #tpu.memory_space<hbm>>) target_semaphore(%arg10 : memref<!tpu.dma_semaphore, #tpu.memory_space<semaphore_mem>>)
      %add3A_187 = arith.constant 4 : i32
      %add3A_188 = arith.addi %mul3A_0, %add3A_187 : i32
      %dma_start3A_189 = tpu.memref_slice %arg4[%add3A_188, %add3A_166] : memref<1024x49152xf32, #tpu.memory_space<hbm>> -> memref<1x4096xf32, #tpu.memory_space<hbm>>
      %dma_start3A_190 = arith.constant 0 : i32
      %dma_start3A_191 = tpu.memref_slice %arg6[%squeeze3A_12, %dma_start3A_190] : memref<128x4096xf32, #tpu.memory_space<vmem_shared>> -> memref<1x4096xf32, #tpu.memory_space<vmem_shared>>
      tpu.enqueue_dma source(%dma_start3A_191 : memref<1x4096xf32, #tpu.memory_space<vmem_shared>>) target(%dma_start3A_189 : memref<1x4096xf32, #tpu.memory_space<hbm>>) target_semaphore(%arg10 : memref<!tpu.dma_semaphore, #tpu.memory_space<semaphore_mem>>)
      %add3A_192 = arith.constant 5 : i32
      %add3A_193 = arith.addi %mul3A_0, %add3A_192 : i32
      %dma_start3A_194 = tpu.memref_slice %arg4[%add3A_193, %add3A_166] : memref<1024x49152xf32, #tpu.memory_space<hbm>> -> memref<1x4096xf32, #tpu.memory_space<hbm>>
      %dma_start3A_195 = arith.constant 0 : i32
      %dma_start3A_196 = tpu.memref_slice %arg6[%squeeze3A_14, %dma_start3A_195] : memref<128x4096xf32, #tpu.memory_space<vmem_shared>> -> memref<1x4096xf32, #tpu.memory_space<vmem_shared>>
      tpu.enqueue_dma source(%dma_start3A_196 : memref<1x4096xf32, #tpu.memory_space<vmem_shared>>) target(%dma_start3A_194 : memref<1x4096xf32, #tpu.memory_space<hbm>>) target_semaphore(%arg10 : memref<!tpu.dma_semaphore, #tpu.memory_space<semaphore_mem>>)
      %add3A_197 = arith.constant 6 : i32
      %add3A_198 = arith.addi %mul3A_0, %add3A_197 : i32
      %dma_start3A_199 = tpu.memref_slice %arg4[%add3A_198, %add3A_166] : memref<1024x49152xf32, #tpu.memory_space<hbm>> -> memref<1x4096xf32, #tpu.memory_space<hbm>>
      %dma_start3A_200 = arith.constant 0 : i32
      %dma_start3A_201 = tpu.memref_slice %arg6[%squeeze3A_16, %dma_start3A_200] : memref<128x4096xf32, #tpu.memory_space<vmem_shared>> -> memref<1x4096xf32, #tpu.memory_space<vmem_shared>>
      tpu.enqueue_dma source(%dma_start3A_201 : memref<1x4096xf32, #tpu.memory_space<vmem_shared>>) target(%dma_start3A_199 : memref<1x4096xf32, #tpu.memory_space<hbm>>) target_semaphore(%arg10 : memref<!tpu.dma_semaphore, #tpu.memory_space<semaphore_mem>>)
      %add3A_202 = arith.constant 7 : i32
      %add3A_203 = arith.addi %mul3A_0, %add3A_202 : i32
      %dma_start3A_204 = tpu.memref_slice %arg4[%add3A_203, %add3A_166] : memref<1024x49152xf32, #tpu.memory_space<hbm>> -> memref<1x4096xf32, #tpu.memory_space<hbm>>
      %dma_start3A_205 = arith.constant 0 : i32
      %dma_start3A_206 = tpu.memref_slice %arg6[%squeeze3A_18, %dma_start3A_205] : memref<128x4096xf32, #tpu.memory_space<vmem_shared>> -> memref<1x4096xf32, #tpu.memory_space<vmem_shared>>
      tpu.enqueue_dma source(%dma_start3A_206 : memref<1x4096xf32, #tpu.memory_space<vmem_shared>>) target(%dma_start3A_204 : memref<1x4096xf32, #tpu.memory_space<hbm>>) target_semaphore(%arg10 : memref<!tpu.dma_semaphore, #tpu.memory_space<semaphore_mem>>)
      %add3A_207 = arith.constant 8 : i32
      %add3A_208 = arith.addi %mul3A_0, %add3A_207 : i32
      %dma_start3A_209 = tpu.memref_slice %arg4[%add3A_208, %add3A_166] : memref<1024x49152xf32, #tpu.memory_space<hbm>> -> memref<1x4096xf32, #tpu.memory_space<hbm>>
      %dma_start3A_210 = arith.constant 0 : i32
      %dma_start3A_211 = tpu.memref_slice %arg6[%squeeze3A_20, %dma_start3A_210] : memref<128x4096xf32, #tpu.memory_space<vmem_shared>> -> memref<1x4096xf32, #tpu.memory_space<vmem_shared>>
      tpu.enqueue_dma source(%dma_start3A_211 : memref<1x4096xf32, #tpu.memory_space<vmem_shared>>) target(%dma_start3A_209 : memref<1x4096xf32, #tpu.memory_space<hbm>>) target_semaphore(%arg10 : memref<!tpu.dma_semaphore, #tpu.memory_space<semaphore_mem>>)
      %add3A_212 = arith.constant 9 : i32
      %add3A_213 = arith.addi %mul3A_0, %add3A_212 : i32
      %dma_start3A_214 = tpu.memref_slice %arg4[%add3A_213, %add3A_166] : memref<1024x49152xf32, #tpu.memory_space<hbm>> -> memref<1x4096xf32, #tpu.memory_space<hbm>>
      %dma_start3A_215 = arith.constant 0 : i32
      %dma_start3A_216 = tpu.memref_slice %arg6[%squeeze3A_22, %dma_start3A_215] : memref<128x4096xf32, #tpu.memory_space<vmem_shared>> -> memref<1x4096xf32, #tpu.memory_space<vmem_shared>>
      tpu.enqueue_dma source(%dma_start3A_216 : memref<1x4096xf32, #tpu.memory_space<vmem_shared>>) target(%dma_start3A_214 : memref<1x4096xf32, #tpu.memory_space<hbm>>) target_semaphore(%arg10 : memref<!tpu.dma_semaphore, #tpu.memory_space<semaphore_mem>>)
      %add3A_217 = arith.constant 10 : i32
      %add3A_218 = arith.addi %mul3A_0, %add3A_217 : i32
      %dma_start3A_219 = tpu.memref_slice %arg4[%add3A_218, %add3A_166] : memref<1024x49152xf32, #tpu.memory_space<hbm>> -> memref<1x4096xf32, #tpu.memory_space<hbm>>
      %dma_start3A_220 = arith.constant 0 : i32
      %dma_start3A_221 = tpu.memref_slice %arg6[%squeeze3A_24, %dma_start3A_220] : memref<128x4096xf32, #tpu.memory_space<vmem_shared>> -> memref<1x4096xf32, #tpu.memory_space<vmem_shared>>
      tpu.enqueue_dma source(%dma_start3A_221 : memref<1x4096xf32, #tpu.memory_space<vmem_shared>>) target(%dma_start3A_219 : memref<1x4096xf32, #tpu.memory_space<hbm>>) target_semaphore(%arg10 : memref<!tpu.dma_semaphore, #tpu.memory_space<semaphore_mem>>)
      %add3A_222 = arith.constant 11 : i32
      %add3A_223 = arith.addi %mul3A_0, %add3A_222 : i32
      %dma_start3A_224 = tpu.memref_slice %arg4[%add3A_223, %add3A_166] : memref<1024x49152xf32, #tpu.memory_space<hbm>> -> memref<1x4096xf32, #tpu.memory_space<hbm>>
      %dma_start3A_225 = arith.constant 0 : i32
      %dma_start3A_226 = tpu.memref_slice %arg6[%squeeze3A_26, %dma_start3A_225] : memref<128x4096xf32, #tpu.memory_space<vmem_shared>> -> memref<1x4096xf32, #tpu.memory_space<vmem_shared>>
      tpu.enqueue_dma source(%dma_start3A_226 : memref<1x4096xf32, #tpu.memory_space<vmem_shared>>) target(%dma_start3A_224 : memref<1x4096xf32, #tpu.memory_space<hbm>>) target_semaphore(%arg10 : memref<!tpu.dma_semaphore, #tpu.memory_space<semaphore_mem>>)
      %add3A_227 = arith.constant 12 : i32
      %add3A_228 = arith.addi %mul3A_0, %add3A_227 : i32
      %dma_start3A_229 = tpu.memref_slice %arg4[%add3A_228, %add3A_166] : memref<1024x49152xf32, #tpu.memory_space<hbm>> -> memref<1x4096xf32, #tpu.memory_space<hbm>>
      %dma_start3A_230 = arith.constant 0 : i32
      %dma_start3A_231 = tpu.memref_slice %arg6[%squeeze3A_28, %dma_start3A_230] : memref<128x4096xf32, #tpu.memory_space<vmem_shared>> -> memref<1x4096xf32, #tpu.memory_space<vmem_shared>>
      tpu.enqueue_dma source(%dma_start3A_231 : memref<1x4096xf32, #tpu.memory_space<vmem_shared>>) target(%dma_start3A_229 : memref<1x4096xf32, #tpu.memory_space<hbm>>) target_semaphore(%arg10 : memref<!tpu.dma_semaphore, #tpu.memory_space<semaphore_mem>>)
      %add3A_232 = arith.constant 13 : i32
      %add3A_233 = arith.addi %mul3A_0, %add3A_232 : i32
      %dma_start3A_234 = tpu.memref_slice %arg4[%add3A_233, %add3A_166] : memref<1024x49152xf32, #tpu.memory_space<hbm>> -> memref<1x4096xf32, #tpu.memory_space<hbm>>
      %dma_start3A_235 = arith.constant 0 : i32
      %dma_start3A_236 = tpu.memref_slice %arg6[%squeeze3A_30, %dma_start3A_235] : memref<128x4096xf32, #tpu.memory_space<vmem_shared>> -> memref<1x4096xf32, #tpu.memory_space<vmem_shared>>
      tpu.enqueue_dma source(%dma_start3A_236 : memref<1x4096xf32, #tpu.memory_space<vmem_shared>>) target(%dma_start3A_234 : memref<1x4096xf32, #tpu.memory_space<hbm>>) target_semaphore(%arg10 : memref<!tpu.dma_semaphore, #tpu.memory_space<semaphore_mem>>)
      %add3A_237 = arith.constant 14 : i32
      %add3A_238 = arith.addi %mul3A_0, %add3A_237 : i32
      %dma_start3A_239 = tpu.memref_slice %arg4[%add3A_238, %add3A_166] : memref<1024x49152xf32, #tpu.memory_space<hbm>> -> memref<1x4096xf32, #tpu.memory_space<hbm>>
      %dma_start3A_240 = arith.constant 0 : i32
      %dma_start3A_241 = tpu.memref_slice %arg6[%squeeze3A_32, %dma_start3A_240] : memref<128x4096xf32, #tpu.memory_space<vmem_shared>> -> memref<1x4096xf32, #tpu.memory_space<vmem_shared>>
      tpu.enqueue_dma source(%dma_start3A_241 : memref<1x4096xf32, #tpu.memory_space<vmem_shared>>) target(%dma_start3A_239 : memref<1x4096xf32, #tpu.memory_space<hbm>>) target_semaphore(%arg10 : memref<!tpu.dma_semaphore, #tpu.memory_space<semaphore_mem>>)
      %add3A_242 = arith.constant 15 : i32
      %add3A_243 = arith.addi %mul3A_0, %add3A_242 : i32
      %dma_start3A_244 = tpu.memref_slice %arg4[%add3A_243, %add3A_166] : memref<1024x49152xf32, #tpu.memory_space<hbm>> -> memref<1x4096xf32, #tpu.memory_space<hbm>>
      %dma_start3A_245 = arith.constant 0 : i32
      %dma_start3A_246 = tpu.memref_slice %arg6[%squeeze3A_34, %dma_start3A_245] : memref<128x4096xf32, #tpu.memory_space<vmem_shared>> -> memref<1x4096xf32, #tpu.memory_space<vmem_shared>>
      tpu.enqueue_dma source(%dma_start3A_246 : memref<1x4096xf32, #tpu.memory_space<vmem_shared>>) target(%dma_start3A_244 : memref<1x4096xf32, #tpu.memory_space<hbm>>) target_semaphore(%arg10 : memref<!tpu.dma_semaphore, #tpu.memory_space<semaphore_mem>>)
      %add3A_247 = arith.constant 16 : i32
      %add3A_248 = arith.addi %mul3A_0, %add3A_247 : i32
      %dma_start3A_249 = tpu.memref_slice %arg4[%add3A_248, %add3A_166] : memref<1024x49152xf32, #tpu.memory_space<hbm>> -> memref<1x4096xf32, #tpu.memory_space<hbm>>
      %dma_start3A_250 = arith.constant 0 : i32
      %dma_start3A_251 = tpu.memref_slice %arg6[%squeeze3A_39, %dma_start3A_250] : memref<128x4096xf32, #tpu.memory_space<vmem_shared>> -> memref<1x4096xf32, #tpu.memory_space<vmem_shared>>
      tpu.enqueue_dma source(%dma_start3A_251 : memref<1x4096xf32, #tpu.memory_space<vmem_shared>>) target(%dma_start3A_249 : memref<1x4096xf32, #tpu.memory_space<hbm>>) target_semaphore(%arg10 : memref<!tpu.dma_semaphore, #tpu.memory_space<semaphore_mem>>)
      %add3A_252 = arith.constant 17 : i32
      %add3A_253 = arith.addi %mul3A_0, %add3A_252 : i32
      %dma_start3A_254 = tpu.memref_slice %arg4[%add3A_253, %add3A_166] : memref<1024x49152xf32, #tpu.memory_space<hbm>> -> memref<1x4096xf32, #tpu.memory_space<hbm>>
      %dma_start3A_255 = arith.constant 0 : i32
      %dma_start3A_256 = tpu.memref_slice %arg6[%squeeze3A_41, %dma_start3A_255] : memref<128x4096xf32, #tpu.memory_space<vmem_shared>> -> memref<1x4096xf32, #tpu.memory_space<vmem_shared>>
      tpu.enqueue_dma source(%dma_start3A_256 : memref<1x4096xf32, #tpu.memory_space<vmem_shared>>) target(%dma_start3A_254 : memref<1x4096xf32, #tpu.memory_space<hbm>>) target_semaphore(%arg10 : memref<!tpu.dma_semaphore, #tpu.memory_space<semaphore_mem>>)
      %add3A_257 = arith.constant 18 : i32
      %add3A_258 = arith.addi %mul3A_0, %add3A_257 : i32
      %dma_start3A_259 = tpu.memref_slice %arg4[%add3A_258, %add3A_166] : memref<1024x49152xf32, #tpu.memory_space<hbm>> -> memref<1x4096xf32, #tpu.memory_space<hbm>>
      %dma_start3A_260 = arith.constant 0 : i32
      %dma_start3A_261 = tpu.memref_slice %arg6[%squeeze3A_43, %dma_start3A_260] : memref<128x4096xf32, #tpu.memory_space<vmem_shared>> -> memref<1x4096xf32, #tpu.memory_space<vmem_shared>>
      tpu.enqueue_dma source(%dma_start3A_261 : memref<1x4096xf32, #tpu.memory_space<vmem_shared>>) target(%dma_start3A_259 : memref<1x4096xf32, #tpu.memory_space<hbm>>) target_semaphore(%arg10 : memref<!tpu.dma_semaphore, #tpu.memory_space<semaphore_mem>>)
      %add3A_262 = arith.constant 19 : i32
      %add3A_263 = arith.addi %mul3A_0, %add3A_262 : i32
      %dma_start3A_264 = tpu.memref_slice %arg4[%add3A_263, %add3A_166] : memref<1024x49152xf32, #tpu.memory_space<hbm>> -> memref<1x4096xf32, #tpu.memory_space<hbm>>
      %dma_start3A_265 = arith.constant 0 : i32
      %dma_start3A_266 = tpu.memref_slice %arg6[%squeeze3A_45, %dma_start3A_265] : memref<128x4096xf32, #tpu.memory_space<vmem_shared>> -> memref<1x4096xf32, #tpu.memory_space<vmem_shared>>
      tpu.enqueue_dma source(%dma_start3A_266 : memref<1x4096xf32, #tpu.memory_space<vmem_shared>>) target(%dma_start3A_264 : memref<1x4096xf32, #tpu.memory_space<hbm>>) target_semaphore(%arg10 : memref<!tpu.dma_semaphore, #tpu.memory_space<semaphore_mem>>)
      %add3A_267 = arith.constant 20 : i32
      %add3A_268 = arith.addi %mul3A_0, %add3A_267 : i32
      %dma_start3A_269 = tpu.memref_slice %arg4[%add3A_268, %add3A_166] : memref<1024x49152xf32, #tpu.memory_space<hbm>> -> memref<1x4096xf32, #tpu.memory_space<hbm>>
      %dma_start3A_270 = arith.constant 0 : i32
      %dma_start3A_271 = tpu.memref_slice %arg6[%squeeze3A_47, %dma_start3A_270] : memref<128x4096xf32, #tpu.memory_space<vmem_shared>> -> memref<1x4096xf32, #tpu.memory_space<vmem_shared>>
      tpu.enqueue_dma source(%dma_start3A_271 : memref<1x4096xf32, #tpu.memory_space<vmem_shared>>) target(%dma_start3A_269 : memref<1x4096xf32, #tpu.memory_space<hbm>>) target_semaphore(%arg10 : memref<!tpu.dma_semaphore, #tpu.memory_space<semaphore_mem>>)
      %add3A_272 = arith.constant 21 : i32
      %add3A_273 = arith.addi %mul3A_0, %add3A_272 : i32
      %dma_start3A_274 = tpu.memref_slice %arg4[%add3A_273, %add3A_166] : memref<1024x49152xf32, #tpu.memory_space<hbm>> -> memref<1x4096xf32, #tpu.memory_space<hbm>>
      %dma_start3A_275 = arith.constant 0 : i32
      %dma_start3A_276 = tpu.memref_slice %arg6[%squeeze3A_49, %dma_start3A_275] : memref<128x4096xf32, #tpu.memory_space<vmem_shared>> -> memref<1x4096xf32, #tpu.memory_space<vmem_shared>>
      tpu.enqueue_dma source(%dma_start3A_276 : memref<1x4096xf32, #tpu.memory_space<vmem_shared>>) target(%dma_start3A_274 : memref<1x4096xf32, #tpu.memory_space<hbm>>) target_semaphore(%arg10 : memref<!tpu.dma_semaphore, #tpu.memory_space<semaphore_mem>>)
      %add3A_277 = arith.constant 22 : i32
      %add3A_278 = arith.addi %mul3A_0, %add3A_277 : i32
      %dma_start3A_279 = tpu.memref_slice %arg4[%add3A_278, %add3A_166] : memref<1024x49152xf32, #tpu.memory_space<hbm>> -> memref<1x4096xf32, #tpu.memory_space<hbm>>
      %dma_start3A_280 = arith.constant 0 : i32
      %dma_start3A_281 = tpu.memref_slice %arg6[%squeeze3A_51, %dma_start3A_280] : memref<128x4096xf32, #tpu.memory_space<vmem_shared>> -> memref<1x4096xf32, #tpu.memory_space<vmem_shared>>
      tpu.enqueue_dma source(%dma_start3A_281 : memref<1x4096xf32, #tpu.memory_space<vmem_shared>>) target(%dma_start3A_279 : memref<1x4096xf32, #tpu.memory_space<hbm>>) target_semaphore(%arg10 : memref<!tpu.dma_semaphore, #tpu.memory_space<semaphore_mem>>)
      %add3A_282 = arith.constant 23 : i32
      %add3A_283 = arith.addi %mul3A_0, %add3A_282 : i32
      %dma_start3A_284 = tpu.memref_slice %arg4[%add3A_283, %add3A_166] : memref<1024x49152xf32, #tpu.memory_space<hbm>> -> memref<1x4096xf32, #tpu.memory_space<hbm>>
      %dma_start3A_285 = arith.constant 0 : i32
      %dma_start3A_286 = tpu.memref_slice %arg6[%squeeze3A_53, %dma_start3A_285] : memref<128x4096xf32, #tpu.memory_space<vmem_shared>> -> memref<1x4096xf32, #tpu.memory_space<vmem_shared>>
      tpu.enqueue_dma source(%dma_start3A_286 : memref<1x4096xf32, #tpu.memory_space<vmem_shared>>) target(%dma_start3A_284 : memref<1x4096xf32, #tpu.memory_space<hbm>>) target_semaphore(%arg10 : memref<!tpu.dma_semaphore, #tpu.memory_space<semaphore_mem>>)
      %add3A_287 = arith.constant 24 : i32
      %add3A_288 = arith.addi %mul3A_0, %add3A_287 : i32
      %dma_start3A_289 = tpu.memref_slice %arg4[%add3A_288, %add3A_166] : memref<1024x49152xf32, #tpu.memory_space<hbm>> -> memref<1x4096xf32, #tpu.memory_space<hbm>>
      %dma_start3A_290 = arith.constant 0 : i32
      %dma_start3A_291 = tpu.memref_slice %arg6[%squeeze3A_55, %dma_start3A_290] : memref<128x4096xf32, #tpu.memory_space<vmem_shared>> -> memref<1x4096xf32, #tpu.memory_space<vmem_shared>>
      tpu.enqueue_dma source(%dma_start3A_291 : memref<1x4096xf32, #tpu.memory_space<vmem_shared>>) target(%dma_start3A_289 : memref<1x4096xf32, #tpu.memory_space<hbm>>) target_semaphore(%arg10 : memref<!tpu.dma_semaphore, #tpu.memory_space<semaphore_mem>>)
      %add3A_292 = arith.constant 25 : i32
      %add3A_293 = arith.addi %mul3A_0, %add3A_292 : i32
      %dma_start3A_294 = tpu.memref_slice %arg4[%add3A_293, %add3A_166] : memref<1024x49152xf32, #tpu.memory_space<hbm>> -> memref<1x4096xf32, #tpu.memory_space<hbm>>
      %dma_start3A_295 = arith.constant 0 : i32
      %dma_start3A_296 = tpu.memref_slice %arg6[%squeeze3A_57, %dma_start3A_295] : memref<128x4096xf32, #tpu.memory_space<vmem_shared>> -> memref<1x4096xf32, #tpu.memory_space<vmem_shared>>
      tpu.enqueue_dma source(%dma_start3A_296 : memref<1x4096xf32, #tpu.memory_space<vmem_shared>>) target(%dma_start3A_294 : memref<1x4096xf32, #tpu.memory_space<hbm>>) target_semaphore(%arg10 : memref<!tpu.dma_semaphore, #tpu.memory_space<semaphore_mem>>)
      %add3A_297 = arith.constant 26 : i32
      %add3A_298 = arith.addi %mul3A_0, %add3A_297 : i32
      %dma_start3A_299 = tpu.memref_slice %arg4[%add3A_298, %add3A_166] : memref<1024x49152xf32, #tpu.memory_space<hbm>> -> memref<1x4096xf32, #tpu.memory_space<hbm>>
      %dma_start3A_300 = arith.constant 0 : i32
      %dma_start3A_301 = tpu.memref_slice %arg6[%squeeze3A_59, %dma_start3A_300] : memref<128x4096xf32, #tpu.memory_space<vmem_shared>> -> memref<1x4096xf32, #tpu.memory_space<vmem_shared>>
      tpu.enqueue_dma source(%dma_start3A_301 : memref<1x4096xf32, #tpu.memory_space<vmem_shared>>) target(%dma_start3A_299 : memref<1x4096xf32, #tpu.memory_space<hbm>>) target_semaphore(%arg10 : memref<!tpu.dma_semaphore, #tpu.memory_space<semaphore_mem>>)
      %add3A_302 = arith.constant 27 : i32
      %add3A_303 = arith.addi %mul3A_0, %add3A_302 : i32
      %dma_start3A_304 = tpu.memref_slice %arg4[%add3A_303, %add3A_166] : memref<1024x49152xf32, #tpu.memory_space<hbm>> -> memref<1x4096xf32, #tpu.memory_space<hbm>>
      %dma_start3A_305 = arith.constant 0 : i32
      %dma_start3A_306 = tpu.memref_slice %arg6[%squeeze3A_61, %dma_start3A_305] : memref<128x4096xf32, #tpu.memory_space<vmem_shared>> -> memref<1x4096xf32, #tpu.memory_space<vmem_shared>>
      tpu.enqueue_dma source(%dma_start3A_306 : memref<1x4096xf32, #tpu.memory_space<vmem_shared>>) target(%dma_start3A_304 : memref<1x4096xf32, #tpu.memory_space<hbm>>) target_semaphore(%arg10 : memref<!tpu.dma_semaphore, #tpu.memory_space<semaphore_mem>>)
      %add3A_307 = arith.constant 28 : i32
      %add3A_308 = arith.addi %mul3A_0, %add3A_307 : i32
      %dma_start3A_309 = tpu.memref_slice %arg4[%add3A_308, %add3A_166] : memref<1024x49152xf32, #tpu.memory_space<hbm>> -> memref<1x4096xf32, #tpu.memory_space<hbm>>
      %dma_start3A_310 = arith.constant 0 : i32
      %dma_start3A_311 = tpu.memref_slice %arg6[%squeeze3A_63, %dma_start3A_310] : memref<128x4096xf32, #tpu.memory_space<vmem_shared>> -> memref<1x4096xf32, #tpu.memory_space<vmem_shared>>
      tpu.enqueue_dma source(%dma_start3A_311 : memref<1x4096xf32, #tpu.memory_space<vmem_shared>>) target(%dma_start3A_309 : memref<1x4096xf32, #tpu.memory_space<hbm>>) target_semaphore(%arg10 : memref<!tpu.dma_semaphore, #tpu.memory_space<semaphore_mem>>)
      %add3A_312 = arith.constant 29 : i32
      %add3A_313 = arith.addi %mul3A_0, %add3A_312 : i32
      %dma_start3A_314 = tpu.memref_slice %arg4[%add3A_313, %add3A_166] : memref<1024x49152xf32, #tpu.memory_space<hbm>> -> memref<1x4096xf32, #tpu.memory_space<hbm>>
      %dma_start3A_315 = arith.constant 0 : i32
      %dma_start3A_316 = tpu.memref_slice %arg6[%squeeze3A_65, %dma_start3A_315] : memref<128x4096xf32, #tpu.memory_space<vmem_shared>> -> memref<1x4096xf32, #tpu.memory_space<vmem_shared>>
      tpu.enqueue_dma source(%dma_start3A_316 : memref<1x4096xf32, #tpu.memory_space<vmem_shared>>) target(%dma_start3A_314 : memref<1x4096xf32, #tpu.memory_space<hbm>>) target_semaphore(%arg10 : memref<!tpu.dma_semaphore, #tpu.memory_space<semaphore_mem>>)
      %add3A_317 = arith.constant 30 : i32
      %add3A_318 = arith.addi %mul3A_0, %add3A_317 : i32
      %dma_start3A_319 = tpu.memref_slice %arg4[%add3A_318, %add3A_166] : memref<1024x49152xf32, #tpu.memory_space<hbm>> -> memref<1x4096xf32, #tpu.memory_space<hbm>>
      %dma_start3A_320 = arith.constant 0 : i32
      %dma_start3A_321 = tpu.memref_slice %arg6[%squeeze3A_67, %dma_start3A_320] : memref<128x4096xf32, #tpu.memory_space<vmem_shared>> -> memref<1x4096xf32, #tpu.memory_space<vmem_shared>>
      tpu.enqueue_dma source(%dma_start3A_321 : memref<1x4096xf32, #tpu.memory_space<vmem_shared>>) target(%dma_start3A_319 : memref<1x4096xf32, #tpu.memory_space<hbm>>) target_semaphore(%arg10 : memref<!tpu.dma_semaphore, #tpu.memory_space<semaphore_mem>>)
      %add3A_322 = arith.constant 31 : i32
      %add3A_323 = arith.addi %mul3A_0, %add3A_322 : i32
      %dma_start3A_324 = tpu.memref_slice %arg4[%add3A_323, %add3A_166] : memref<1024x49152xf32, #tpu.memory_space<hbm>> -> memref<1x4096xf32, #tpu.memory_space<hbm>>
      %dma_start3A_325 = arith.constant 0 : i32
      %dma_start3A_326 = tpu.memref_slice %arg6[%squeeze3A_69, %dma_start3A_325] : memref<128x4096xf32, #tpu.memory_space<vmem_shared>> -> memref<1x4096xf32, #tpu.memory_space<vmem_shared>>
      tpu.enqueue_dma source(%dma_start3A_326 : memref<1x4096xf32, #tpu.memory_space<vmem_shared>>) target(%dma_start3A_324 : memref<1x4096xf32, #tpu.memory_space<hbm>>) target_semaphore(%arg10 : memref<!tpu.dma_semaphore, #tpu.memory_space<semaphore_mem>>)
      %add3A_327 = arith.constant 32 : i32
      %add3A_328 = arith.addi %mul3A_0, %add3A_327 : i32
      %dma_start3A_329 = tpu.memref_slice %arg4[%add3A_328, %add3A_166] : memref<1024x49152xf32, #tpu.memory_space<hbm>> -> memref<1x4096xf32, #tpu.memory_space<hbm>>
      %dma_start3A_330 = arith.constant 0 : i32
      %dma_start3A_331 = tpu.memref_slice %arg6[%squeeze3A_74, %dma_start3A_330] : memref<128x4096xf32, #tpu.memory_space<vmem_shared>> -> memref<1x4096xf32, #tpu.memory_space<vmem_shared>>
      tpu.enqueue_dma source(%dma_start3A_331 : memref<1x4096xf32, #tpu.memory_space<vmem_shared>>) target(%dma_start3A_329 : memref<1x4096xf32, #tpu.memory_space<hbm>>) target_semaphore(%arg10 : memref<!tpu.dma_semaphore, #tpu.memory_space<semaphore_mem>>)
      %add3A_332 = arith.constant 33 : i32
      %add3A_333 = arith.addi %mul3A_0, %add3A_332 : i32
      %dma_start3A_334 = tpu.memref_slice %arg4[%add3A_333, %add3A_166] : memref<1024x49152xf32, #tpu.memory_space<hbm>> -> memref<1x4096xf32, #tpu.memory_space<hbm>>
      %dma_start3A_335 = arith.constant 0 : i32
      %dma_start3A_336 = tpu.memref_slice %arg6[%squeeze3A_76, %dma_start3A_335] : memref<128x4096xf32, #tpu.memory_space<vmem_shared>> -> memref<1x4096xf32, #tpu.memory_space<vmem_shared>>
      tpu.enqueue_dma source(%dma_start3A_336 : memref<1x4096xf32, #tpu.memory_space<vmem_shared>>) target(%dma_start3A_334 : memref<1x4096xf32, #tpu.memory_space<hbm>>) target_semaphore(%arg10 : memref<!tpu.dma_semaphore, #tpu.memory_space<semaphore_mem>>)
      %add3A_337 = arith.constant 34 : i32
      %add3A_338 = arith.addi %mul3A_0, %add3A_337 : i32
      %dma_start3A_339 = tpu.memref_slice %arg4[%add3A_338, %add3A_166] : memref<1024x49152xf32, #tpu.memory_space<hbm>> -> memref<1x4096xf32, #tpu.memory_space<hbm>>
      %dma_start3A_340 = arith.constant 0 : i32
      %dma_start3A_341 = tpu.memref_slice %arg6[%squeeze3A_78, %dma_start3A_340] : memref<128x4096xf32, #tpu.memory_space<vmem_shared>> -> memref<1x4096xf32, #tpu.memory_space<vmem_shared>>
      tpu.enqueue_dma source(%dma_start3A_341 : memref<1x4096xf32, #tpu.memory_space<vmem_shared>>) target(%dma_start3A_339 : memref<1x4096xf32, #tpu.memory_space<hbm>>) target_semaphore(%arg10 : memref<!tpu.dma_semaphore, #tpu.memory_space<semaphore_mem>>)
      %add3A_342 = arith.constant 35 : i32
      %add3A_343 = arith.addi %mul3A_0, %add3A_342 : i32
      %dma_start3A_344 = tpu.memref_slice %arg4[%add3A_343, %add3A_166] : memref<1024x49152xf32, #tpu.memory_space<hbm>> -> memref<1x4096xf32, #tpu.memory_space<hbm>>
      %dma_start3A_345 = arith.constant 0 : i32
      %dma_start3A_346 = tpu.memref_slice %arg6[%squeeze3A_80, %dma_start3A_345] : memref<128x4096xf32, #tpu.memory_space<vmem_shared>> -> memref<1x4096xf32, #tpu.memory_space<vmem_shared>>
      tpu.enqueue_dma source(%dma_start3A_346 : memref<1x4096xf32, #tpu.memory_space<vmem_shared>>) target(%dma_start3A_344 : memref<1x4096xf32, #tpu.memory_space<hbm>>) target_semaphore(%arg10 : memref<!tpu.dma_semaphore, #tpu.memory_space<semaphore_mem>>)
      %add3A_347 = arith.constant 36 : i32
      %add3A_348 = arith.addi %mul3A_0, %add3A_347 : i32
      %dma_start3A_349 = tpu.memref_slice %arg4[%add3A_348, %add3A_166] : memref<1024x49152xf32, #tpu.memory_space<hbm>> -> memref<1x4096xf32, #tpu.memory_space<hbm>>
      %dma_start3A_350 = arith.constant 0 : i32
      %dma_start3A_351 = tpu.memref_slice %arg6[%squeeze3A_82, %dma_start3A_350] : memref<128x4096xf32, #tpu.memory_space<vmem_shared>> -> memref<1x4096xf32, #tpu.memory_space<vmem_shared>>
      tpu.enqueue_dma source(%dma_start3A_351 : memref<1x4096xf32, #tpu.memory_space<vmem_shared>>) target(%dma_start3A_349 : memref<1x4096xf32, #tpu.memory_space<hbm>>) target_semaphore(%arg10 : memref<!tpu.dma_semaphore, #tpu.memory_space<semaphore_mem>>)
      %add3A_352 = arith.constant 37 : i32
      %add3A_353 = arith.addi %mul3A_0, %add3A_352 : i32
      %dma_start3A_354 = tpu.memref_slice %arg4[%add3A_353, %add3A_166] : memref<1024x49152xf32, #tpu.memory_space<hbm>> -> memref<1x4096xf32, #tpu.memory_space<hbm>>
      %dma_start3A_355 = arith.constant 0 : i32
      %dma_start3A_356 = tpu.memref_slice %arg6[%squeeze3A_84, %dma_start3A_355] : memref<128x4096xf32, #tpu.memory_space<vmem_shared>> -> memref<1x4096xf32, #tpu.memory_space<vmem_shared>>
      tpu.enqueue_dma source(%dma_start3A_356 : memref<1x4096xf32, #tpu.memory_space<vmem_shared>>) target(%dma_start3A_354 : memref<1x4096xf32, #tpu.memory_space<hbm>>) target_semaphore(%arg10 : memref<!tpu.dma_semaphore, #tpu.memory_space<semaphore_mem>>)
      %add3A_357 = arith.constant 38 : i32
      %add3A_358 = arith.addi %mul3A_0, %add3A_357 : i32
      %dma_start3A_359 = tpu.memref_slice %arg4[%add3A_358, %add3A_166] : memref<1024x49152xf32, #tpu.memory_space<hbm>> -> memref<1x4096xf32, #tpu.memory_space<hbm>>
      %dma_start3A_360 = arith.constant 0 : i32
      %dma_start3A_361 = tpu.memref_slice %arg6[%squeeze3A_86, %dma_start3A_360] : memref<128x4096xf32, #tpu.memory_space<vmem_shared>> -> memref<1x4096xf32, #tpu.memory_space<vmem_shared>>
      tpu.enqueue_dma source(%dma_start3A_361 : memref<1x4096xf32, #tpu.memory_space<vmem_shared>>) target(%dma_start3A_359 : memref<1x4096xf32, #tpu.memory_space<hbm>>) target_semaphore(%arg10 : memref<!tpu.dma_semaphore, #tpu.memory_space<semaphore_mem>>)
      %add3A_362 = arith.constant 39 : i32
      %add3A_363 = arith.addi %mul3A_0, %add3A_362 : i32
      %dma_start3A_364 = tpu.memref_slice %arg4[%add3A_363, %add3A_166] : memref<1024x49152xf32, #tpu.memory_space<hbm>> -> memref<1x4096xf32, #tpu.memory_space<hbm>>
      %dma_start3A_365 = arith.constant 0 : i32
      %dma_start3A_366 = tpu.memref_slice %arg6[%squeeze3A_88, %dma_start3A_365] : memref<128x4096xf32, #tpu.memory_space<vmem_shared>> -> memref<1x4096xf32, #tpu.memory_space<vmem_shared>>
      tpu.enqueue_dma source(%dma_start3A_366 : memref<1x4096xf32, #tpu.memory_space<vmem_shared>>) target(%dma_start3A_364 : memref<1x4096xf32, #tpu.memory_space<hbm>>) target_semaphore(%arg10 : memref<!tpu.dma_semaphore, #tpu.memory_space<semaphore_mem>>)
      %add3A_367 = arith.constant 40 : i32
      %add3A_368 = arith.addi %mul3A_0, %add3A_367 : i32
      %dma_start3A_369 = tpu.memref_slice %arg4[%add3A_368, %add3A_166] : memref<1024x49152xf32, #tpu.memory_space<hbm>> -> memref<1x4096xf32, #tpu.memory_space<hbm>>
      %dma_start3A_370 = arith.constant 0 : i32
      %dma_start3A_371 = tpu.memref_slice %arg6[%squeeze3A_90, %dma_start3A_370] : memref<128x4096xf32, #tpu.memory_space<vmem_shared>> -> memref<1x4096xf32, #tpu.memory_space<vmem_shared>>
      tpu.enqueue_dma source(%dma_start3A_371 : memref<1x4096xf32, #tpu.memory_space<vmem_shared>>) target(%dma_start3A_369 : memref<1x4096xf32, #tpu.memory_space<hbm>>) target_semaphore(%arg10 : memref<!tpu.dma_semaphore, #tpu.memory_space<semaphore_mem>>)
      %add3A_372 = arith.constant 41 : i32
      %add3A_373 = arith.addi %mul3A_0, %add3A_372 : i32
      %dma_start3A_374 = tpu.memref_slice %arg4[%add3A_373, %add3A_166] : memref<1024x49152xf32, #tpu.memory_space<hbm>> -> memref<1x4096xf32, #tpu.memory_space<hbm>>
      %dma_start3A_375 = arith.constant 0 : i32
      %dma_start3A_376 = tpu.memref_slice %arg6[%squeeze3A_92, %dma_start3A_375] : memref<128x4096xf32, #tpu.memory_space<vmem_shared>> -> memref<1x4096xf32, #tpu.memory_space<vmem_shared>>
      tpu.enqueue_dma source(%dma_start3A_376 : memref<1x4096xf32, #tpu.memory_space<vmem_shared>>) target(%dma_start3A_374 : memref<1x4096xf32, #tpu.memory_space<hbm>>) target_semaphore(%arg10 : memref<!tpu.dma_semaphore, #tpu.memory_space<semaphore_mem>>)
      %add3A_377 = arith.constant 42 : i32
      %add3A_378 = arith.addi %mul3A_0, %add3A_377 : i32
      %dma_start3A_379 = tpu.memref_slice %arg4[%add3A_378, %add3A_166] : memref<1024x49152xf32, #tpu.memory_space<hbm>> -> memref<1x4096xf32, #tpu.memory_space<hbm>>
      %dma_start3A_380 = arith.constant 0 : i32
      %dma_start3A_381 = tpu.memref_slice %arg6[%squeeze3A_94, %dma_start3A_380] : memref<128x4096xf32, #tpu.memory_space<vmem_shared>> -> memref<1x4096xf32, #tpu.memory_space<vmem_shared>>
      tpu.enqueue_dma source(%dma_start3A_381 : memref<1x4096xf32, #tpu.memory_space<vmem_shared>>) target(%dma_start3A_379 : memref<1x4096xf32, #tpu.memory_space<hbm>>) target_semaphore(%arg10 : memref<!tpu.dma_semaphore, #tpu.memory_space<semaphore_mem>>)
      %add3A_382 = arith.constant 43 : i32
      %add3A_383 = arith.addi %mul3A_0, %add3A_382 : i32
      %dma_start3A_384 = tpu.memref_slice %arg4[%add3A_383, %add3A_166] : memref<1024x49152xf32, #tpu.memory_space<hbm>> -> memref<1x4096xf32, #tpu.memory_space<hbm>>
      %dma_start3A_385 = arith.constant 0 : i32
      %dma_start3A_386 = tpu.memref_slice %arg6[%squeeze3A_96, %dma_start3A_385] : memref<128x4096xf32, #tpu.memory_space<vmem_shared>> -> memref<1x4096xf32, #tpu.memory_space<vmem_shared>>
      tpu.enqueue_dma source(%dma_start3A_386 : memref<1x4096xf32, #tpu.memory_space<vmem_shared>>) target(%dma_start3A_384 : memref<1x4096xf32, #tpu.memory_space<hbm>>) target_semaphore(%arg10 : memref<!tpu.dma_semaphore, #tpu.memory_space<semaphore_mem>>)
      %add3A_387 = arith.constant 44 : i32
      %add3A_388 = arith.addi %mul3A_0, %add3A_387 : i32
      %dma_start3A_389 = tpu.memref_slice %arg4[%add3A_388, %add3A_166] : memref<1024x49152xf32, #tpu.memory_space<hbm>> -> memref<1x4096xf32, #tpu.memory_space<hbm>>
      %dma_start3A_390 = arith.constant 0 : i32
      %dma_start3A_391 = tpu.memref_slice %arg6[%squeeze3A_98, %dma_start3A_390] : memref<128x4096xf32, #tpu.memory_space<vmem_shared>> -> memref<1x4096xf32, #tpu.memory_space<vmem_shared>>
      tpu.enqueue_dma source(%dma_start3A_391 : memref<1x4096xf32, #tpu.memory_space<vmem_shared>>) target(%dma_start3A_389 : memref<1x4096xf32, #tpu.memory_space<hbm>>) target_semaphore(%arg10 : memref<!tpu.dma_semaphore, #tpu.memory_space<semaphore_mem>>)
      %add3A_392 = arith.constant 45 : i32
      %add3A_393 = arith.addi %mul3A_0, %add3A_392 : i32
      %dma_start3A_394 = tpu.memref_slice %arg4[%add3A_393, %add3A_166] : memref<1024x49152xf32, #tpu.memory_space<hbm>> -> memref<1x4096xf32, #tpu.memory_space<hbm>>
      %dma_start3A_395 = arith.constant 0 : i32
      %dma_start3A_396 = tpu.memref_slice %arg6[%squeeze3A_100, %dma_start3A_395] : memref<128x4096xf32, #tpu.memory_space<vmem_shared>> -> memref<1x4096xf32, #tpu.memory_space<vmem_shared>>
      tpu.enqueue_dma source(%dma_start3A_396 : memref<1x4096xf32, #tpu.memory_space<vmem_shared>>) target(%dma_start3A_394 : memref<1x4096xf32, #tpu.memory_space<hbm>>) target_semaphore(%arg10 : memref<!tpu.dma_semaphore, #tpu.memory_space<semaphore_mem>>)
      %add3A_397 = arith.constant 46 : i32
      %add3A_398 = arith.addi %mul3A_0, %add3A_397 : i32
      %dma_start3A_399 = tpu.memref_slice %arg4[%add3A_398, %add3A_166] : memref<1024x49152xf32, #tpu.memory_space<hbm>> -> memref<1x4096xf32, #tpu.memory_space<hbm>>
      %dma_start3A_400 = arith.constant 0 : i32
      %dma_start3A_401 = tpu.memref_slice %arg6[%squeeze3A_102, %dma_start3A_400] : memref<128x4096xf32, #tpu.memory_space<vmem_shared>> -> memref<1x4096xf32, #tpu.memory_space<vmem_shared>>
      tpu.enqueue_dma source(%dma_start3A_401 : memref<1x4096xf32, #tpu.memory_space<vmem_shared>>) target(%dma_start3A_399 : memref<1x4096xf32, #tpu.memory_space<hbm>>) target_semaphore(%arg10 : memref<!tpu.dma_semaphore, #tpu.memory_space<semaphore_mem>>)
      %add3A_402 = arith.constant 47 : i32
      %add3A_403 = arith.addi %mul3A_0, %add3A_402 : i32
      %dma_start3A_404 = tpu.memref_slice %arg4[%add3A_403, %add3A_166] : memref<1024x49152xf32, #tpu.memory_space<hbm>> -> memref<1x4096xf32, #tpu.memory_space<hbm>>
      %dma_start3A_405 = arith.constant 0 : i32
      %dma_start3A_406 = tpu.memref_slice %arg6[%squeeze3A_104, %dma_start3A_405] : memref<128x4096xf32, #tpu.memory_space<vmem_shared>> -> memref<1x4096xf32, #tpu.memory_space<vmem_shared>>
      tpu.enqueue_dma source(%dma_start3A_406 : memref<1x4096xf32, #tpu.memory_space<vmem_shared>>) target(%dma_start3A_404 : memref<1x4096xf32, #tpu.memory_space<hbm>>) target_semaphore(%arg10 : memref<!tpu.dma_semaphore, #tpu.memory_space<semaphore_mem>>)
      %add3A_407 = arith.constant 48 : i32
      %add3A_408 = arith.addi %mul3A_0, %add3A_407 : i32
      %dma_start3A_409 = tpu.memref_slice %arg4[%add3A_408, %add3A_166] : memref<1024x49152xf32, #tpu.memory_space<hbm>> -> memref<1x4096xf32, #tpu.memory_space<hbm>>
      %dma_start3A_410 = arith.constant 0 : i32
      %dma_start3A_411 = tpu.memref_slice %arg6[%squeeze3A_109, %dma_start3A_410] : memref<128x4096xf32, #tpu.memory_space<vmem_shared>> -> memref<1x4096xf32, #tpu.memory_space<vmem_shared>>
      tpu.enqueue_dma source(%dma_start3A_411 : memref<1x4096xf32, #tpu.memory_space<vmem_shared>>) target(%dma_start3A_409 : memref<1x4096xf32, #tpu.memory_space<hbm>>) target_semaphore(%arg10 : memref<!tpu.dma_semaphore, #tpu.memory_space<semaphore_mem>>)
      %add3A_412 = arith.constant 49 : i32
      %add3A_413 = arith.addi %mul3A_0, %add3A_412 : i32
      %dma_start3A_414 = tpu.memref_slice %arg4[%add3A_413, %add3A_166] : memref<1024x49152xf32, #tpu.memory_space<hbm>> -> memref<1x4096xf32, #tpu.memory_space<hbm>>
      %dma_start3A_415 = arith.constant 0 : i32
      %dma_start3A_416 = tpu.memref_slice %arg6[%squeeze3A_111, %dma_start3A_415] : memref<128x4096xf32, #tpu.memory_space<vmem_shared>> -> memref<1x4096xf32, #tpu.memory_space<vmem_shared>>
      tpu.enqueue_dma source(%dma_start3A_416 : memref<1x4096xf32, #tpu.memory_space<vmem_shared>>) target(%dma_start3A_414 : memref<1x4096xf32, #tpu.memory_space<hbm>>) target_semaphore(%arg10 : memref<!tpu.dma_semaphore, #tpu.memory_space<semaphore_mem>>)
      %add3A_417 = arith.constant 50 : i32
      %add3A_418 = arith.addi %mul3A_0, %add3A_417 : i32
      %dma_start3A_419 = tpu.memref_slice %arg4[%add3A_418, %add3A_166] : memref<1024x49152xf32, #tpu.memory_space<hbm>> -> memref<1x4096xf32, #tpu.memory_space<hbm>>
      %dma_start3A_420 = arith.constant 0 : i32
      %dma_start3A_421 = tpu.memref_slice %arg6[%squeeze3A_113, %dma_start3A_420] : memref<128x4096xf32, #tpu.memory_space<vmem_shared>> -> memref<1x4096xf32, #tpu.memory_space<vmem_shared>>
      tpu.enqueue_dma source(%dma_start3A_421 : memref<1x4096xf32, #tpu.memory_space<vmem_shared>>) target(%dma_start3A_419 : memref<1x4096xf32, #tpu.memory_space<hbm>>) target_semaphore(%arg10 : memref<!tpu.dma_semaphore, #tpu.memory_space<semaphore_mem>>)
      %add3A_422 = arith.constant 51 : i32
      %add3A_423 = arith.addi %mul3A_0, %add3A_422 : i32
      %dma_start3A_424 = tpu.memref_slice %arg4[%add3A_423, %add3A_166] : memref<1024x49152xf32, #tpu.memory_space<hbm>> -> memref<1x4096xf32, #tpu.memory_space<hbm>>
      %dma_start3A_425 = arith.constant 0 : i32
      %dma_start3A_426 = tpu.memref_slice %arg6[%squeeze3A_115, %dma_start3A_425] : memref<128x4096xf32, #tpu.memory_space<vmem_shared>> -> memref<1x4096xf32, #tpu.memory_space<vmem_shared>>
      tpu.enqueue_dma source(%dma_start3A_426 : memref<1x4096xf32, #tpu.memory_space<vmem_shared>>) target(%dma_start3A_424 : memref<1x4096xf32, #tpu.memory_space<hbm>>) target_semaphore(%arg10 : memref<!tpu.dma_semaphore, #tpu.memory_space<semaphore_mem>>)
      %add3A_427 = arith.constant 52 : i32
      %add3A_428 = arith.addi %mul3A_0, %add3A_427 : i32
      %dma_start3A_429 = tpu.memref_slice %arg4[%add3A_428, %add3A_166] : memref<1024x49152xf32, #tpu.memory_space<hbm>> -> memref<1x4096xf32, #tpu.memory_space<hbm>>
      %dma_start3A_430 = arith.constant 0 : i32
      %dma_start3A_431 = tpu.memref_slice %arg6[%squeeze3A_117, %dma_start3A_430] : memref<128x4096xf32, #tpu.memory_space<vmem_shared>> -> memref<1x4096xf32, #tpu.memory_space<vmem_shared>>
      tpu.enqueue_dma source(%dma_start3A_431 : memref<1x4096xf32, #tpu.memory_space<vmem_shared>>) target(%dma_start3A_429 : memref<1x4096xf32, #tpu.memory_space<hbm>>) target_semaphore(%arg10 : memref<!tpu.dma_semaphore, #tpu.memory_space<semaphore_mem>>)
      %add3A_432 = arith.constant 53 : i32
      %add3A_433 = arith.addi %mul3A_0, %add3A_432 : i32
      %dma_start3A_434 = tpu.memref_slice %arg4[%add3A_433, %add3A_166] : memref<1024x49152xf32, #tpu.memory_space<hbm>> -> memref<1x4096xf32, #tpu.memory_space<hbm>>
      %dma_start3A_435 = arith.constant 0 : i32
      %dma_start3A_436 = tpu.memref_slice %arg6[%squeeze3A_119, %dma_start3A_435] : memref<128x4096xf32, #tpu.memory_space<vmem_shared>> -> memref<1x4096xf32, #tpu.memory_space<vmem_shared>>
      tpu.enqueue_dma source(%dma_start3A_436 : memref<1x4096xf32, #tpu.memory_space<vmem_shared>>) target(%dma_start3A_434 : memref<1x4096xf32, #tpu.memory_space<hbm>>) target_semaphore(%arg10 : memref<!tpu.dma_semaphore, #tpu.memory_space<semaphore_mem>>)
      %add3A_437 = arith.constant 54 : i32
      %add3A_438 = arith.addi %mul3A_0, %add3A_437 : i32
      %dma_start3A_439 = tpu.memref_slice %arg4[%add3A_438, %add3A_166] : memref<1024x49152xf32, #tpu.memory_space<hbm>> -> memref<1x4096xf32, #tpu.memory_space<hbm>>
      %dma_start3A_440 = arith.constant 0 : i32
      %dma_start3A_441 = tpu.memref_slice %arg6[%squeeze3A_121, %dma_start3A_440] : memref<128x4096xf32, #tpu.memory_space<vmem_shared>> -> memref<1x4096xf32, #tpu.memory_space<vmem_shared>>
      tpu.enqueue_dma source(%dma_start3A_441 : memref<1x4096xf32, #tpu.memory_space<vmem_shared>>) target(%dma_start3A_439 : memref<1x4096xf32, #tpu.memory_space<hbm>>) target_semaphore(%arg10 : memref<!tpu.dma_semaphore, #tpu.memory_space<semaphore_mem>>)
      %add3A_442 = arith.constant 55 : i32
      %add3A_443 = arith.addi %mul3A_0, %add3A_442 : i32
      %dma_start3A_444 = tpu.memref_slice %arg4[%add3A_443, %add3A_166] : memref<1024x49152xf32, #tpu.memory_space<hbm>> -> memref<1x4096xf32, #tpu.memory_space<hbm>>
      %dma_start3A_445 = arith.constant 0 : i32
      %dma_start3A_446 = tpu.memref_slice %arg6[%squeeze3A_123, %dma_start3A_445] : memref<128x4096xf32, #tpu.memory_space<vmem_shared>> -> memref<1x4096xf32, #tpu.memory_space<vmem_shared>>
      tpu.enqueue_dma source(%dma_start3A_446 : memref<1x4096xf32, #tpu.memory_space<vmem_shared>>) target(%dma_start3A_444 : memref<1x4096xf32, #tpu.memory_space<hbm>>) target_semaphore(%arg10 : memref<!tpu.dma_semaphore, #tpu.memory_space<semaphore_mem>>)
      %add3A_447 = arith.constant 56 : i32
      %add3A_448 = arith.addi %mul3A_0, %add3A_447 : i32
      %dma_start3A_449 = tpu.memref_slice %arg4[%add3A_448, %add3A_166] : memref<1024x49152xf32, #tpu.memory_space<hbm>> -> memref<1x4096xf32, #tpu.memory_space<hbm>>
      %dma_start3A_450 = arith.constant 0 : i32
      %dma_start3A_451 = tpu.memref_slice %arg6[%squeeze3A_125, %dma_start3A_450] : memref<128x4096xf32, #tpu.memory_space<vmem_shared>> -> memref<1x4096xf32, #tpu.memory_space<vmem_shared>>
      tpu.enqueue_dma source(%dma_start3A_451 : memref<1x4096xf32, #tpu.memory_space<vmem_shared>>) target(%dma_start3A_449 : memref<1x4096xf32, #tpu.memory_space<hbm>>) target_semaphore(%arg10 : memref<!tpu.dma_semaphore, #tpu.memory_space<semaphore_mem>>)
      %add3A_452 = arith.constant 57 : i32
      %add3A_453 = arith.addi %mul3A_0, %add3A_452 : i32
      %dma_start3A_454 = tpu.memref_slice %arg4[%add3A_453, %add3A_166] : memref<1024x49152xf32, #tpu.memory_space<hbm>> -> memref<1x4096xf32, #tpu.memory_space<hbm>>
      %dma_start3A_455 = arith.constant 0 : i32
      %dma_start3A_456 = tpu.memref_slice %arg6[%squeeze3A_127, %dma_start3A_455] : memref<128x4096xf32, #tpu.memory_space<vmem_shared>> -> memref<1x4096xf32, #tpu.memory_space<vmem_shared>>
      tpu.enqueue_dma source(%dma_start3A_456 : memref<1x4096xf32, #tpu.memory_space<vmem_shared>>) target(%dma_start3A_454 : memref<1x4096xf32, #tpu.memory_space<hbm>>) target_semaphore(%arg10 : memref<!tpu.dma_semaphore, #tpu.memory_space<semaphore_mem>>)
      %add3A_457 = arith.constant 58 : i32
      %add3A_458 = arith.addi %mul3A_0, %add3A_457 : i32
      %dma_start3A_459 = tpu.memref_slice %arg4[%add3A_458, %add3A_166] : memref<1024x49152xf32, #tpu.memory_space<hbm>> -> memref<1x4096xf32, #tpu.memory_space<hbm>>
      %dma_start3A_460 = arith.constant 0 : i32
      %dma_start3A_461 = tpu.memref_slice %arg6[%squeeze3A_129, %dma_start3A_460] : memref<128x4096xf32, #tpu.memory_space<vmem_shared>> -> memref<1x4096xf32, #tpu.memory_space<vmem_shared>>
      tpu.enqueue_dma source(%dma_start3A_461 : memref<1x4096xf32, #tpu.memory_space<vmem_shared>>) target(%dma_start3A_459 : memref<1x4096xf32, #tpu.memory_space<hbm>>) target_semaphore(%arg10 : memref<!tpu.dma_semaphore, #tpu.memory_space<semaphore_mem>>)
      %add3A_462 = arith.constant 59 : i32
      %add3A_463 = arith.addi %mul3A_0, %add3A_462 : i32
      %dma_start3A_464 = tpu.memref_slice %arg4[%add3A_463, %add3A_166] : memref<1024x49152xf32, #tpu.memory_space<hbm>> -> memref<1x4096xf32, #tpu.memory_space<hbm>>
      %dma_start3A_465 = arith.constant 0 : i32
      %dma_start3A_466 = tpu.memref_slice %arg6[%squeeze3A_131, %dma_start3A_465] : memref<128x4096xf32, #tpu.memory_space<vmem_shared>> -> memref<1x4096xf32, #tpu.memory_space<vmem_shared>>
      tpu.enqueue_dma source(%dma_start3A_466 : memref<1x4096xf32, #tpu.memory_space<vmem_shared>>) target(%dma_start3A_464 : memref<1x4096xf32, #tpu.memory_space<hbm>>) target_semaphore(%arg10 : memref<!tpu.dma_semaphore, #tpu.memory_space<semaphore_mem>>)
      %add3A_467 = arith.constant 60 : i32
      %add3A_468 = arith.addi %mul3A_0, %add3A_467 : i32
      %dma_start3A_469 = tpu.memref_slice %arg4[%add3A_468, %add3A_166] : memref<1024x49152xf32, #tpu.memory_space<hbm>> -> memref<1x4096xf32, #tpu.memory_space<hbm>>
      %dma_start3A_470 = arith.constant 0 : i32
      %dma_start3A_471 = tpu.memref_slice %arg6[%squeeze3A_133, %dma_start3A_470] : memref<128x4096xf32, #tpu.memory_space<vmem_shared>> -> memref<1x4096xf32, #tpu.memory_space<vmem_shared>>
      tpu.enqueue_dma source(%dma_start3A_471 : memref<1x4096xf32, #tpu.memory_space<vmem_shared>>) target(%dma_start3A_469 : memref<1x4096xf32, #tpu.memory_space<hbm>>) target_semaphore(%arg10 : memref<!tpu.dma_semaphore, #tpu.memory_space<semaphore_mem>>)
      %add3A_472 = arith.constant 61 : i32
      %add3A_473 = arith.addi %mul3A_0, %add3A_472 : i32
      %dma_start3A_474 = tpu.memref_slice %arg4[%add3A_473, %add3A_166] : memref<1024x49152xf32, #tpu.memory_space<hbm>> -> memref<1x4096xf32, #tpu.memory_space<hbm>>
      %dma_start3A_475 = arith.constant 0 : i32
      %dma_start3A_476 = tpu.memref_slice %arg6[%squeeze3A_135, %dma_start3A_475] : memref<128x4096xf32, #tpu.memory_space<vmem_shared>> -> memref<1x4096xf32, #tpu.memory_space<vmem_shared>>
      tpu.enqueue_dma source(%dma_start3A_476 : memref<1x4096xf32, #tpu.memory_space<vmem_shared>>) target(%dma_start3A_474 : memref<1x4096xf32, #tpu.memory_space<hbm>>) target_semaphore(%arg10 : memref<!tpu.dma_semaphore, #tpu.memory_space<semaphore_mem>>)
      %add3A_477 = arith.constant 62 : i32
      %add3A_478 = arith.addi %mul3A_0, %add3A_477 : i32
      %dma_start3A_479 = tpu.memref_slice %arg4[%add3A_478, %add3A_166] : memref<1024x49152xf32, #tpu.memory_space<hbm>> -> memref<1x4096xf32, #tpu.memory_space<hbm>>
      %dma_start3A_480 = arith.constant 0 : i32
      %dma_start3A_481 = tpu.memref_slice %arg6[%squeeze3A_137, %dma_start3A_480] : memref<128x4096xf32, #tpu.memory_space<vmem_shared>> -> memref<1x4096xf32, #tpu.memory_space<vmem_shared>>
      tpu.enqueue_dma source(%dma_start3A_481 : memref<1x4096xf32, #tpu.memory_space<vmem_shared>>) target(%dma_start3A_479 : memref<1x4096xf32, #tpu.memory_space<hbm>>) target_semaphore(%arg10 : memref<!tpu.dma_semaphore, #tpu.memory_space<semaphore_mem>>)
      %add3A_482 = arith.constant 63 : i32
      %add3A_483 = arith.addi %mul3A_0, %add3A_482 : i32
      %dma_start3A_484 = tpu.memref_slice %arg4[%add3A_483, %add3A_166] : memref<1024x49152xf32, #tpu.memory_space<hbm>> -> memref<1x4096xf32, #tpu.memory_space<hbm>>
      %dma_start3A_485 = arith.constant 0 : i32
      %dma_start3A_486 = tpu.memref_slice %arg6[%squeeze3A_139, %dma_start3A_485] : memref<128x4096xf32, #tpu.memory_space<vmem_shared>> -> memref<1x4096xf32, #tpu.memory_space<vmem_shared>>
      tpu.enqueue_dma source(%dma_start3A_486 : memref<1x4096xf32, #tpu.memory_space<vmem_shared>>) target(%dma_start3A_484 : memref<1x4096xf32, #tpu.memory_space<hbm>>) target_semaphore(%arg10 : memref<!tpu.dma_semaphore, #tpu.memory_space<semaphore_mem>>)
      %dma_wait3A_487 = tpu.memref_slice %arg4[%add3A_168, %add3A_166] : memref<1024x49152xf32, #tpu.memory_space<hbm>> -> memref<1x4096xf32, #tpu.memory_space<hbm>>
      %dma_wait3A_488 = arith.constant 0 : i32
      %dma_wait3A_489 = tpu.memref_slice %arg6[%squeeze3A, %dma_wait3A_488] : memref<128x4096xf32, #tpu.memory_space<vmem_shared>> -> memref<1x4096xf32, #tpu.memory_space<vmem_shared>>
      tpu.wait_dma2 semaphore(%arg10 : memref<!tpu.dma_semaphore, #tpu.memory_space<semaphore_mem>>) src(%dma_wait3A_489 : memref<1x4096xf32, #tpu.memory_space<vmem_shared>>) dst(%dma_wait3A_487 : memref<1x4096xf32, #tpu.memory_space<hbm>>)
      %dma_wait3A_490 = tpu.memref_slice %arg4[%add3A_173, %add3A_166] : memref<1024x49152xf32, #tpu.memory_space<hbm>> -> memref<1x4096xf32, #tpu.memory_space<hbm>>
      %dma_wait3A_491 = arith.constant 0 : i32
      %dma_wait3A_492 = tpu.memref_slice %arg6[%squeeze3A_6, %dma_wait3A_491] : memref<128x4096xf32, #tpu.memory_space<vmem_shared>> -> memref<1x4096xf32, #tpu.memory_space<vmem_shared>>
      tpu.wait_dma2 semaphore(%arg10 : memref<!tpu.dma_semaphore, #tpu.memory_space<semaphore_mem>>) src(%dma_wait3A_492 : memref<1x4096xf32, #tpu.memory_space<vmem_shared>>) dst(%dma_wait3A_490 : memref<1x4096xf32, #tpu.memory_space<hbm>>)
      %dma_wait3A_493 = tpu.memref_slice %arg4[%add3A_178, %add3A_166] : memref<1024x49152xf32, #tpu.memory_space<hbm>> -> memref<1x4096xf32, #tpu.memory_space<hbm>>
      %dma_wait3A_494 = arith.constant 0 : i32
      %dma_wait3A_495 = tpu.memref_slice %arg6[%squeeze3A_8, %dma_wait3A_494] : memref<128x4096xf32, #tpu.memory_space<vmem_shared>> -> memref<1x4096xf32, #tpu.memory_space<vmem_shared>>
      tpu.wait_dma2 semaphore(%arg10 : memref<!tpu.dma_semaphore, #tpu.memory_space<semaphore_mem>>) src(%dma_wait3A_495 : memref<1x4096xf32, #tpu.memory_space<vmem_shared>>) dst(%dma_wait3A_493 : memref<1x4096xf32, #tpu.memory_space<hbm>>)
      %dma_wait3A_496 = tpu.memref_slice %arg4[%add3A_183, %add3A_166] : memref<1024x49152xf32, #tpu.memory_space<hbm>> -> memref<1x4096xf32, #tpu.memory_space<hbm>>
      %dma_wait3A_497 = arith.constant 0 : i32
      %dma_wait3A_498 = tpu.memref_slice %arg6[%squeeze3A_10, %dma_wait3A_497] : memref<128x4096xf32, #tpu.memory_space<vmem_shared>> -> memref<1x4096xf32, #tpu.memory_space<vmem_shared>>
      tpu.wait_dma2 semaphore(%arg10 : memref<!tpu.dma_semaphore, #tpu.memory_space<semaphore_mem>>) src(%dma_wait3A_498 : memref<1x4096xf32, #tpu.memory_space<vmem_shared>>) dst(%dma_wait3A_496 : memref<1x4096xf32, #tpu.memory_space<hbm>>)
      %dma_wait3A_499 = tpu.memref_slice %arg4[%add3A_188, %add3A_166] : memref<1024x49152xf32, #tpu.memory_space<hbm>> -> memref<1x4096xf32, #tpu.memory_space<hbm>>
      %dma_wait3A_500 = arith.constant 0 : i32
      %dma_wait3A_501 = tpu.memref_slice %arg6[%squeeze3A_12, %dma_wait3A_500] : memref<128x4096xf32, #tpu.memory_space<vmem_shared>> -> memref<1x4096xf32, #tpu.memory_space<vmem_shared>>
      tpu.wait_dma2 semaphore(%arg10 : memref<!tpu.dma_semaphore, #tpu.memory_space<semaphore_mem>>) src(%dma_wait3A_501 : memref<1x4096xf32, #tpu.memory_space<vmem_shared>>) dst(%dma_wait3A_499 : memref<1x4096xf32, #tpu.memory_space<hbm>>)
      %dma_wait3A_502 = tpu.memref_slice %arg4[%add3A_193, %add3A_166] : memref<1024x49152xf32, #tpu.memory_space<hbm>> -> memref<1x4096xf32, #tpu.memory_space<hbm>>
      %dma_wait3A_503 = arith.constant 0 : i32
      %dma_wait3A_504 = tpu.memref_slice %arg6[%squeeze3A_14, %dma_wait3A_503] : memref<128x4096xf32, #tpu.memory_space<vmem_shared>> -> memref<1x4096xf32, #tpu.memory_space<vmem_shared>>
      tpu.wait_dma2 semaphore(%arg10 : memref<!tpu.dma_semaphore, #tpu.memory_space<semaphore_mem>>) src(%dma_wait3A_504 : memref<1x4096xf32, #tpu.memory_space<vmem_shared>>) dst(%dma_wait3A_502 : memref<1x4096xf32, #tpu.memory_space<hbm>>)
      %dma_wait3A_505 = tpu.memref_slice %arg4[%add3A_198, %add3A_166] : memref<1024x49152xf32, #tpu.memory_space<hbm>> -> memref<1x4096xf32, #tpu.memory_space<hbm>>
      %dma_wait3A_506 = arith.constant 0 : i32
      %dma_wait3A_507 = tpu.memref_slice %arg6[%squeeze3A_16, %dma_wait3A_506] : memref<128x4096xf32, #tpu.memory_space<vmem_shared>> -> memref<1x4096xf32, #tpu.memory_space<vmem_shared>>
      tpu.wait_dma2 semaphore(%arg10 : memref<!tpu.dma_semaphore, #tpu.memory_space<semaphore_mem>>) src(%dma_wait3A_507 : memref<1x4096xf32, #tpu.memory_space<vmem_shared>>) dst(%dma_wait3A_505 : memref<1x4096xf32, #tpu.memory_space<hbm>>)
      %dma_wait3A_508 = tpu.memref_slice %arg4[%add3A_203, %add3A_166] : memref<1024x49152xf32, #tpu.memory_space<hbm>> -> memref<1x4096xf32, #tpu.memory_space<hbm>>
      %dma_wait3A_509 = arith.constant 0 : i32
      %dma_wait3A_510 = tpu.memref_slice %arg6[%squeeze3A_18, %dma_wait3A_509] : memref<128x4096xf32, #tpu.memory_space<vmem_shared>> -> memref<1x4096xf32, #tpu.memory_space<vmem_shared>>
      tpu.wait_dma2 semaphore(%arg10 : memref<!tpu.dma_semaphore, #tpu.memory_space<semaphore_mem>>) src(%dma_wait3A_510 : memref<1x4096xf32, #tpu.memory_space<vmem_shared>>) dst(%dma_wait3A_508 : memref<1x4096xf32, #tpu.memory_space<hbm>>)
      %dma_wait3A_511 = tpu.memref_slice %arg4[%add3A_208, %add3A_166] : memref<1024x49152xf32, #tpu.memory_space<hbm>> -> memref<1x4096xf32, #tpu.memory_space<hbm>>
      %dma_wait3A_512 = arith.constant 0 : i32
      %dma_wait3A_513 = tpu.memref_slice %arg6[%squeeze3A_20, %dma_wait3A_512] : memref<128x4096xf32, #tpu.memory_space<vmem_shared>> -> memref<1x4096xf32, #tpu.memory_space<vmem_shared>>
      tpu.wait_dma2 semaphore(%arg10 : memref<!tpu.dma_semaphore, #tpu.memory_space<semaphore_mem>>) src(%dma_wait3A_513 : memref<1x4096xf32, #tpu.memory_space<vmem_shared>>) dst(%dma_wait3A_511 : memref<1x4096xf32, #tpu.memory_space<hbm>>)
      %dma_wait3A_514 = tpu.memref_slice %arg4[%add3A_213, %add3A_166] : memref<1024x49152xf32, #tpu.memory_space<hbm>> -> memref<1x4096xf32, #tpu.memory_space<hbm>>
      %dma_wait3A_515 = arith.constant 0 : i32
      %dma_wait3A_516 = tpu.memref_slice %arg6[%squeeze3A_22, %dma_wait3A_515] : memref<128x4096xf32, #tpu.memory_space<vmem_shared>> -> memref<1x4096xf32, #tpu.memory_space<vmem_shared>>
      tpu.wait_dma2 semaphore(%arg10 : memref<!tpu.dma_semaphore, #tpu.memory_space<semaphore_mem>>) src(%dma_wait3A_516 : memref<1x4096xf32, #tpu.memory_space<vmem_shared>>) dst(%dma_wait3A_514 : memref<1x4096xf32, #tpu.memory_space<hbm>>)
      %dma_wait3A_517 = tpu.memref_slice %arg4[%add3A_218, %add3A_166] : memref<1024x49152xf32, #tpu.memory_space<hbm>> -> memref<1x4096xf32, #tpu.memory_space<hbm>>
      %dma_wait3A_518 = arith.constant 0 : i32
      %dma_wait3A_519 = tpu.memref_slice %arg6[%squeeze3A_24, %dma_wait3A_518] : memref<128x4096xf32, #tpu.memory_space<vmem_shared>> -> memref<1x4096xf32, #tpu.memory_space<vmem_shared>>
      tpu.wait_dma2 semaphore(%arg10 : memref<!tpu.dma_semaphore, #tpu.memory_space<semaphore_mem>>) src(%dma_wait3A_519 : memref<1x4096xf32, #tpu.memory_space<vmem_shared>>) dst(%dma_wait3A_517 : memref<1x4096xf32, #tpu.memory_space<hbm>>)
      %dma_wait3A_520 = tpu.memref_slice %arg4[%add3A_223, %add3A_166] : memref<1024x49152xf32, #tpu.memory_space<hbm>> -> memref<1x4096xf32, #tpu.memory_space<hbm>>
      %dma_wait3A_521 = arith.constant 0 : i32
      %dma_wait3A_522 = tpu.memref_slice %arg6[%squeeze3A_26, %dma_wait3A_521] : memref<128x4096xf32, #tpu.memory_space<vmem_shared>> -> memref<1x4096xf32, #tpu.memory_space<vmem_shared>>
      tpu.wait_dma2 semaphore(%arg10 : memref<!tpu.dma_semaphore, #tpu.memory_space<semaphore_mem>>) src(%dma_wait3A_522 : memref<1x4096xf32, #tpu.memory_space<vmem_shared>>) dst(%dma_wait3A_520 : memref<1x4096xf32, #tpu.memory_space<hbm>>)
      %dma_wait3A_523 = tpu.memref_slice %arg4[%add3A_228, %add3A_166] : memref<1024x49152xf32, #tpu.memory_space<hbm>> -> memref<1x4096xf32, #tpu.memory_space<hbm>>
      %dma_wait3A_524 = arith.constant 0 : i32
      %dma_wait3A_525 = tpu.memref_slice %arg6[%squeeze3A_28, %dma_wait3A_524] : memref<128x4096xf32, #tpu.memory_space<vmem_shared>> -> memref<1x4096xf32, #tpu.memory_space<vmem_shared>>
      tpu.wait_dma2 semaphore(%arg10 : memref<!tpu.dma_semaphore, #tpu.memory_space<semaphore_mem>>) src(%dma_wait3A_525 : memref<1x4096xf32, #tpu.memory_space<vmem_shared>>) dst(%dma_wait3A_523 : memref<1x4096xf32, #tpu.memory_space<hbm>>)
      %dma_wait3A_526 = tpu.memref_slice %arg4[%add3A_233, %add3A_166] : memref<1024x49152xf32, #tpu.memory_space<hbm>> -> memref<1x4096xf32, #tpu.memory_space<hbm>>
      %dma_wait3A_527 = arith.constant 0 : i32
      %dma_wait3A_528 = tpu.memref_slice %arg6[%squeeze3A_30, %dma_wait3A_527] : memref<128x4096xf32, #tpu.memory_space<vmem_shared>> -> memref<1x4096xf32, #tpu.memory_space<vmem_shared>>
      tpu.wait_dma2 semaphore(%arg10 : memref<!tpu.dma_semaphore, #tpu.memory_space<semaphore_mem>>) src(%dma_wait3A_528 : memref<1x4096xf32, #tpu.memory_space<vmem_shared>>) dst(%dma_wait3A_526 : memref<1x4096xf32, #tpu.memory_space<hbm>>)
      %dma_wait3A_529 = tpu.memref_slice %arg4[%add3A_238, %add3A_166] : memref<1024x49152xf32, #tpu.memory_space<hbm>> -> memref<1x4096xf32, #tpu.memory_space<hbm>>
      %dma_wait3A_530 = arith.constant 0 : i32
      %dma_wait3A_531 = tpu.memref_slice %arg6[%squeeze3A_32, %dma_wait3A_530] : memref<128x4096xf32, #tpu.memory_space<vmem_shared>> -> memref<1x4096xf32, #tpu.memory_space<vmem_shared>>
      tpu.wait_dma2 semaphore(%arg10 : memref<!tpu.dma_semaphore, #tpu.memory_space<semaphore_mem>>) src(%dma_wait3A_531 : memref<1x4096xf32, #tpu.memory_space<vmem_shared>>) dst(%dma_wait3A_529 : memref<1x4096xf32, #tpu.memory_space<hbm>>)
      %dma_wait3A_532 = tpu.memref_slice %arg4[%add3A_243, %add3A_166] : memref<1024x49152xf32, #tpu.memory_space<hbm>> -> memref<1x4096xf32, #tpu.memory_space<hbm>>
      %dma_wait3A_533 = arith.constant 0 : i32
      %dma_wait3A_534 = tpu.memref_slice %arg6[%squeeze3A_34, %dma_wait3A_533] : memref<128x4096xf32, #tpu.memory_space<vmem_shared>> -> memref<1x4096xf32, #tpu.memory_space<vmem_shared>>
      tpu.wait_dma2 semaphore(%arg10 : memref<!tpu.dma_semaphore, #tpu.memory_space<semaphore_mem>>) src(%dma_wait3A_534 : memref<1x4096xf32, #tpu.memory_space<vmem_shared>>) dst(%dma_wait3A_532 : memref<1x4096xf32, #tpu.memory_space<hbm>>)
      %dma_wait3A_535 = tpu.memref_slice %arg4[%add3A_248, %add3A_166] : memref<1024x49152xf32, #tpu.memory_space<hbm>> -> memref<1x4096xf32, #tpu.memory_space<hbm>>
      %dma_wait3A_536 = arith.constant 0 : i32
      %dma_wait3A_537 = tpu.memref_slice %arg6[%squeeze3A_39, %dma_wait3A_536] : memref<128x4096xf32, #tpu.memory_space<vmem_shared>> -> memref<1x4096xf32, #tpu.memory_space<vmem_shared>>
      tpu.wait_dma2 semaphore(%arg10 : memref<!tpu.dma_semaphore, #tpu.memory_space<semaphore_mem>>) src(%dma_wait3A_537 : memref<1x4096xf32, #tpu.memory_space<vmem_shared>>) dst(%dma_wait3A_535 : memref<1x4096xf32, #tpu.memory_space<hbm>>)
      %dma_wait3A_538 = tpu.memref_slice %arg4[%add3A_253, %add3A_166] : memref<1024x49152xf32, #tpu.memory_space<hbm>> -> memref<1x4096xf32, #tpu.memory_space<hbm>>
      %dma_wait3A_539 = arith.constant 0 : i32
      %dma_wait3A_540 = tpu.memref_slice %arg6[%squeeze3A_41, %dma_wait3A_539] : memref<128x4096xf32, #tpu.memory_space<vmem_shared>> -> memref<1x4096xf32, #tpu.memory_space<vmem_shared>>
      tpu.wait_dma2 semaphore(%arg10 : memref<!tpu.dma_semaphore, #tpu.memory_space<semaphore_mem>>) src(%dma_wait3A_540 : memref<1x4096xf32, #tpu.memory_space<vmem_shared>>) dst(%dma_wait3A_538 : memref<1x4096xf32, #tpu.memory_space<hbm>>)
      %dma_wait3A_541 = tpu.memref_slice %arg4[%add3A_258, %add3A_166] : memref<1024x49152xf32, #tpu.memory_space<hbm>> -> memref<1x4096xf32, #tpu.memory_space<hbm>>
      %dma_wait3A_542 = arith.constant 0 : i32
      %dma_wait3A_543 = tpu.memref_slice %arg6[%squeeze3A_43, %dma_wait3A_542] : memref<128x4096xf32, #tpu.memory_space<vmem_shared>> -> memref<1x4096xf32, #tpu.memory_space<vmem_shared>>
      tpu.wait_dma2 semaphore(%arg10 : memref<!tpu.dma_semaphore, #tpu.memory_space<semaphore_mem>>) src(%dma_wait3A_543 : memref<1x4096xf32, #tpu.memory_space<vmem_shared>>) dst(%dma_wait3A_541 : memref<1x4096xf32, #tpu.memory_space<hbm>>)
      %dma_wait3A_544 = tpu.memref_slice %arg4[%add3A_263, %add3A_166] : memref<1024x49152xf32, #tpu.memory_space<hbm>> -> memref<1x4096xf32, #tpu.memory_space<hbm>>
      %dma_wait3A_545 = arith.constant 0 : i32
      %dma_wait3A_546 = tpu.memref_slice %arg6[%squeeze3A_45, %dma_wait3A_545] : memref<128x4096xf32, #tpu.memory_space<vmem_shared>> -> memref<1x4096xf32, #tpu.memory_space<vmem_shared>>
      tpu.wait_dma2 semaphore(%arg10 : memref<!tpu.dma_semaphore, #tpu.memory_space<semaphore_mem>>) src(%dma_wait3A_546 : memref<1x4096xf32, #tpu.memory_space<vmem_shared>>) dst(%dma_wait3A_544 : memref<1x4096xf32, #tpu.memory_space<hbm>>)
      %dma_wait3A_547 = tpu.memref_slice %arg4[%add3A_268, %add3A_166] : memref<1024x49152xf32, #tpu.memory_space<hbm>> -> memref<1x4096xf32, #tpu.memory_space<hbm>>
      %dma_wait3A_548 = arith.constant 0 : i32
      %dma_wait3A_549 = tpu.memref_slice %arg6[%squeeze3A_47, %dma_wait3A_548] : memref<128x4096xf32, #tpu.memory_space<vmem_shared>> -> memref<1x4096xf32, #tpu.memory_space<vmem_shared>>
      tpu.wait_dma2 semaphore(%arg10 : memref<!tpu.dma_semaphore, #tpu.memory_space<semaphore_mem>>) src(%dma_wait3A_549 : memref<1x4096xf32, #tpu.memory_space<vmem_shared>>) dst(%dma_wait3A_547 : memref<1x4096xf32, #tpu.memory_space<hbm>>)
      %dma_wait3A_550 = tpu.memref_slice %arg4[%add3A_273, %add3A_166] : memref<1024x49152xf32, #tpu.memory_space<hbm>> -> memref<1x4096xf32, #tpu.memory_space<hbm>>
      %dma_wait3A_551 = arith.constant 0 : i32
      %dma_wait3A_552 = tpu.memref_slice %arg6[%squeeze3A_49, %dma_wait3A_551] : memref<128x4096xf32, #tpu.memory_space<vmem_shared>> -> memref<1x4096xf32, #tpu.memory_space<vmem_shared>>
      tpu.wait_dma2 semaphore(%arg10 : memref<!tpu.dma_semaphore, #tpu.memory_space<semaphore_mem>>) src(%dma_wait3A_552 : memref<1x4096xf32, #tpu.memory_space<vmem_shared>>) dst(%dma_wait3A_550 : memref<1x4096xf32, #tpu.memory_space<hbm>>)
      %dma_wait3A_553 = tpu.memref_slice %arg4[%add3A_278, %add3A_166] : memref<1024x49152xf32, #tpu.memory_space<hbm>> -> memref<1x4096xf32, #tpu.memory_space<hbm>>
      %dma_wait3A_554 = arith.constant 0 : i32
      %dma_wait3A_555 = tpu.memref_slice %arg6[%squeeze3A_51, %dma_wait3A_554] : memref<128x4096xf32, #tpu.memory_space<vmem_shared>> -> memref<1x4096xf32, #tpu.memory_space<vmem_shared>>
      tpu.wait_dma2 semaphore(%arg10 : memref<!tpu.dma_semaphore, #tpu.memory_space<semaphore_mem>>) src(%dma_wait3A_555 : memref<1x4096xf32, #tpu.memory_space<vmem_shared>>) dst(%dma_wait3A_553 : memref<1x4096xf32, #tpu.memory_space<hbm>>)
      %dma_wait3A_556 = tpu.memref_slice %arg4[%add3A_283, %add3A_166] : memref<1024x49152xf32, #tpu.memory_space<hbm>> -> memref<1x4096xf32, #tpu.memory_space<hbm>>
      %dma_wait3A_557 = arith.constant 0 : i32
      %dma_wait3A_558 = tpu.memref_slice %arg6[%squeeze3A_53, %dma_wait3A_557] : memref<128x4096xf32, #tpu.memory_space<vmem_shared>> -> memref<1x4096xf32, #tpu.memory_space<vmem_shared>>
      tpu.wait_dma2 semaphore(%arg10 : memref<!tpu.dma_semaphore, #tpu.memory_space<semaphore_mem>>) src(%dma_wait3A_558 : memref<1x4096xf32, #tpu.memory_space<vmem_shared>>) dst(%dma_wait3A_556 : memref<1x4096xf32, #tpu.memory_space<hbm>>)
      %dma_wait3A_559 = tpu.memref_slice %arg4[%add3A_288, %add3A_166] : memref<1024x49152xf32, #tpu.memory_space<hbm>> -> memref<1x4096xf32, #tpu.memory_space<hbm>>
      %dma_wait3A_560 = arith.constant 0 : i32
      %dma_wait3A_561 = tpu.memref_slice %arg6[%squeeze3A_55, %dma_wait3A_560] : memref<128x4096xf32, #tpu.memory_space<vmem_shared>> -> memref<1x4096xf32, #tpu.memory_space<vmem_shared>>
      tpu.wait_dma2 semaphore(%arg10 : memref<!tpu.dma_semaphore, #tpu.memory_space<semaphore_mem>>) src(%dma_wait3A_561 : memref<1x4096xf32, #tpu.memory_space<vmem_shared>>) dst(%dma_wait3A_559 : memref<1x4096xf32, #tpu.memory_space<hbm>>)
      %dma_wait3A_562 = tpu.memref_slice %arg4[%add3A_293, %add3A_166] : memref<1024x49152xf32, #tpu.memory_space<hbm>> -> memref<1x4096xf32, #tpu.memory_space<hbm>>
      %dma_wait3A_563 = arith.constant 0 : i32
      %dma_wait3A_564 = tpu.memref_slice %arg6[%squeeze3A_57, %dma_wait3A_563] : memref<128x4096xf32, #tpu.memory_space<vmem_shared>> -> memref<1x4096xf32, #tpu.memory_space<vmem_shared>>
      tpu.wait_dma2 semaphore(%arg10 : memref<!tpu.dma_semaphore, #tpu.memory_space<semaphore_mem>>) src(%dma_wait3A_564 : memref<1x4096xf32, #tpu.memory_space<vmem_shared>>) dst(%dma_wait3A_562 : memref<1x4096xf32, #tpu.memory_space<hbm>>)
      %dma_wait3A_565 = tpu.memref_slice %arg4[%add3A_298, %add3A_166] : memref<1024x49152xf32, #tpu.memory_space<hbm>> -> memref<1x4096xf32, #tpu.memory_space<hbm>>
      %dma_wait3A_566 = arith.constant 0 : i32
      %dma_wait3A_567 = tpu.memref_slice %arg6[%squeeze3A_59, %dma_wait3A_566] : memref<128x4096xf32, #tpu.memory_space<vmem_shared>> -> memref<1x4096xf32, #tpu.memory_space<vmem_shared>>
      tpu.wait_dma2 semaphore(%arg10 : memref<!tpu.dma_semaphore, #tpu.memory_space<semaphore_mem>>) src(%dma_wait3A_567 : memref<1x4096xf32, #tpu.memory_space<vmem_shared>>) dst(%dma_wait3A_565 : memref<1x4096xf32, #tpu.memory_space<hbm>>)
      %dma_wait3A_568 = tpu.memref_slice %arg4[%add3A_303, %add3A_166] : memref<1024x49152xf32, #tpu.memory_space<hbm>> -> memref<1x4096xf32, #tpu.memory_space<hbm>>
      %dma_wait3A_569 = arith.constant 0 : i32
      %dma_wait3A_570 = tpu.memref_slice %arg6[%squeeze3A_61, %dma_wait3A_569] : memref<128x4096xf32, #tpu.memory_space<vmem_shared>> -> memref<1x4096xf32, #tpu.memory_space<vmem_shared>>
      tpu.wait_dma2 semaphore(%arg10 : memref<!tpu.dma_semaphore, #tpu.memory_space<semaphore_mem>>) src(%dma_wait3A_570 : memref<1x4096xf32, #tpu.memory_space<vmem_shared>>) dst(%dma_wait3A_568 : memref<1x4096xf32, #tpu.memory_space<hbm>>)
      %dma_wait3A_571 = tpu.memref_slice %arg4[%add3A_308, %add3A_166] : memref<1024x49152xf32, #tpu.memory_space<hbm>> -> memref<1x4096xf32, #tpu.memory_space<hbm>>
      %dma_wait3A_572 = arith.constant 0 : i32
      %dma_wait3A_573 = tpu.memref_slice %arg6[%squeeze3A_63, %dma_wait3A_572] : memref<128x4096xf32, #tpu.memory_space<vmem_shared>> -> memref<1x4096xf32, #tpu.memory_space<vmem_shared>>
      tpu.wait_dma2 semaphore(%arg10 : memref<!tpu.dma_semaphore, #tpu.memory_space<semaphore_mem>>) src(%dma_wait3A_573 : memref<1x4096xf32, #tpu.memory_space<vmem_shared>>) dst(%dma_wait3A_571 : memref<1x4096xf32, #tpu.memory_space<hbm>>)
      %dma_wait3A_574 = tpu.memref_slice %arg4[%add3A_313, %add3A_166] : memref<1024x49152xf32, #tpu.memory_space<hbm>> -> memref<1x4096xf32, #tpu.memory_space<hbm>>
      %dma_wait3A_575 = arith.constant 0 : i32
      %dma_wait3A_576 = tpu.memref_slice %arg6[%squeeze3A_65, %dma_wait3A_575] : memref<128x4096xf32, #tpu.memory_space<vmem_shared>> -> memref<1x4096xf32, #tpu.memory_space<vmem_shared>>
      tpu.wait_dma2 semaphore(%arg10 : memref<!tpu.dma_semaphore, #tpu.memory_space<semaphore_mem>>) src(%dma_wait3A_576 : memref<1x4096xf32, #tpu.memory_space<vmem_shared>>) dst(%dma_wait3A_574 : memref<1x4096xf32, #tpu.memory_space<hbm>>)
      %dma_wait3A_577 = tpu.memref_slice %arg4[%add3A_318, %add3A_166] : memref<1024x49152xf32, #tpu.memory_space<hbm>> -> memref<1x4096xf32, #tpu.memory_space<hbm>>
      %dma_wait3A_578 = arith.constant 0 : i32
      %dma_wait3A_579 = tpu.memref_slice %arg6[%squeeze3A_67, %dma_wait3A_578] : memref<128x4096xf32, #tpu.memory_space<vmem_shared>> -> memref<1x4096xf32, #tpu.memory_space<vmem_shared>>
      tpu.wait_dma2 semaphore(%arg10 : memref<!tpu.dma_semaphore, #tpu.memory_space<semaphore_mem>>) src(%dma_wait3A_579 : memref<1x4096xf32, #tpu.memory_space<vmem_shared>>) dst(%dma_wait3A_577 : memref<1x4096xf32, #tpu.memory_space<hbm>>)
      %dma_wait3A_580 = tpu.memref_slice %arg4[%add3A_323, %add3A_166] : memref<1024x49152xf32, #tpu.memory_space<hbm>> -> memref<1x4096xf32, #tpu.memory_space<hbm>>
      %dma_wait3A_581 = arith.constant 0 : i32
      %dma_wait3A_582 = tpu.memref_slice %arg6[%squeeze3A_69, %dma_wait3A_581] : memref<128x4096xf32, #tpu.memory_space<vmem_shared>> -> memref<1x4096xf32, #tpu.memory_space<vmem_shared>>
      tpu.wait_dma2 semaphore(%arg10 : memref<!tpu.dma_semaphore, #tpu.memory_space<semaphore_mem>>) src(%dma_wait3A_582 : memref<1x4096xf32, #tpu.memory_space<vmem_shared>>) dst(%dma_wait3A_580 : memref<1x4096xf32, #tpu.memory_space<hbm>>)
      %dma_wait3A_583 = tpu.memref_slice %arg4[%add3A_328, %add3A_166] : memref<1024x49152xf32, #tpu.memory_space<hbm>> -> memref<1x4096xf32, #tpu.memory_space<hbm>>
      %dma_wait3A_584 = arith.constant 0 : i32
      %dma_wait3A_585 = tpu.memref_slice %arg6[%squeeze3A_74, %dma_wait3A_584] : memref<128x4096xf32, #tpu.memory_space<vmem_shared>> -> memref<1x4096xf32, #tpu.memory_space<vmem_shared>>
      tpu.wait_dma2 semaphore(%arg10 : memref<!tpu.dma_semaphore, #tpu.memory_space<semaphore_mem>>) src(%dma_wait3A_585 : memref<1x4096xf32, #tpu.memory_space<vmem_shared>>) dst(%dma_wait3A_583 : memref<1x4096xf32, #tpu.memory_space<hbm>>)
      %dma_wait3A_586 = tpu.memref_slice %arg4[%add3A_333, %add3A_166] : memref<1024x49152xf32, #tpu.memory_space<hbm>> -> memref<1x4096xf32, #tpu.memory_space<hbm>>
      %dma_wait3A_587 = arith.constant 0 : i32
      %dma_wait3A_588 = tpu.memref_slice %arg6[%squeeze3A_76, %dma_wait3A_587] : memref<128x4096xf32, #tpu.memory_space<vmem_shared>> -> memref<1x4096xf32, #tpu.memory_space<vmem_shared>>
      tpu.wait_dma2 semaphore(%arg10 : memref<!tpu.dma_semaphore, #tpu.memory_space<semaphore_mem>>) src(%dma_wait3A_588 : memref<1x4096xf32, #tpu.memory_space<vmem_shared>>) dst(%dma_wait3A_586 : memref<1x4096xf32, #tpu.memory_space<hbm>>)
      %dma_wait3A_589 = tpu.memref_slice %arg4[%add3A_338, %add3A_166] : memref<1024x49152xf32, #tpu.memory_space<hbm>> -> memref<1x4096xf32, #tpu.memory_space<hbm>>
      %dma_wait3A_590 = arith.constant 0 : i32
      %dma_wait3A_591 = tpu.memref_slice %arg6[%squeeze3A_78, %dma_wait3A_590] : memref<128x4096xf32, #tpu.memory_space<vmem_shared>> -> memref<1x4096xf32, #tpu.memory_space<vmem_shared>>
      tpu.wait_dma2 semaphore(%arg10 : memref<!tpu.dma_semaphore, #tpu.memory_space<semaphore_mem>>) src(%dma_wait3A_591 : memref<1x4096xf32, #tpu.memory_space<vmem_shared>>) dst(%dma_wait3A_589 : memref<1x4096xf32, #tpu.memory_space<hbm>>)
      %dma_wait3A_592 = tpu.memref_slice %arg4[%add3A_343, %add3A_166] : memref<1024x49152xf32, #tpu.memory_space<hbm>> -> memref<1x4096xf32, #tpu.memory_space<hbm>>
      %dma_wait3A_593 = arith.constant 0 : i32
      %dma_wait3A_594 = tpu.memref_slice %arg6[%squeeze3A_80, %dma_wait3A_593] : memref<128x4096xf32, #tpu.memory_space<vmem_shared>> -> memref<1x4096xf32, #tpu.memory_space<vmem_shared>>
      tpu.wait_dma2 semaphore(%arg10 : memref<!tpu.dma_semaphore, #tpu.memory_space<semaphore_mem>>) src(%dma_wait3A_594 : memref<1x4096xf32, #tpu.memory_space<vmem_shared>>) dst(%dma_wait3A_592 : memref<1x4096xf32, #tpu.memory_space<hbm>>)
      %dma_wait3A_595 = tpu.memref_slice %arg4[%add3A_348, %add3A_166] : memref<1024x49152xf32, #tpu.memory_space<hbm>> -> memref<1x4096xf32, #tpu.memory_space<hbm>>
      %dma_wait3A_596 = arith.constant 0 : i32
      %dma_wait3A_597 = tpu.memref_slice %arg6[%squeeze3A_82, %dma_wait3A_596] : memref<128x4096xf32, #tpu.memory_space<vmem_shared>> -> memref<1x4096xf32, #tpu.memory_space<vmem_shared>>
      tpu.wait_dma2 semaphore(%arg10 : memref<!tpu.dma_semaphore, #tpu.memory_space<semaphore_mem>>) src(%dma_wait3A_597 : memref<1x4096xf32, #tpu.memory_space<vmem_shared>>) dst(%dma_wait3A_595 : memref<1x4096xf32, #tpu.memory_space<hbm>>)
      %dma_wait3A_598 = tpu.memref_slice %arg4[%add3A_353, %add3A_166] : memref<1024x49152xf32, #tpu.memory_space<hbm>> -> memref<1x4096xf32, #tpu.memory_space<hbm>>
      %dma_wait3A_599 = arith.constant 0 : i32
      %dma_wait3A_600 = tpu.memref_slice %arg6[%squeeze3A_84, %dma_wait3A_599] : memref<128x4096xf32, #tpu.memory_space<vmem_shared>> -> memref<1x4096xf32, #tpu.memory_space<vmem_shared>>
      tpu.wait_dma2 semaphore(%arg10 : memref<!tpu.dma_semaphore, #tpu.memory_space<semaphore_mem>>) src(%dma_wait3A_600 : memref<1x4096xf32, #tpu.memory_space<vmem_shared>>) dst(%dma_wait3A_598 : memref<1x4096xf32, #tpu.memory_space<hbm>>)
      %dma_wait3A_601 = tpu.memref_slice %arg4[%add3A_358, %add3A_166] : memref<1024x49152xf32, #tpu.memory_space<hbm>> -> memref<1x4096xf32, #tpu.memory_space<hbm>>
      %dma_wait3A_602 = arith.constant 0 : i32
      %dma_wait3A_603 = tpu.memref_slice %arg6[%squeeze3A_86, %dma_wait3A_602] : memref<128x4096xf32, #tpu.memory_space<vmem_shared>> -> memref<1x4096xf32, #tpu.memory_space<vmem_shared>>
      tpu.wait_dma2 semaphore(%arg10 : memref<!tpu.dma_semaphore, #tpu.memory_space<semaphore_mem>>) src(%dma_wait3A_603 : memref<1x4096xf32, #tpu.memory_space<vmem_shared>>) dst(%dma_wait3A_601 : memref<1x4096xf32, #tpu.memory_space<hbm>>)
      %dma_wait3A_604 = tpu.memref_slice %arg4[%add3A_363, %add3A_166] : memref<1024x49152xf32, #tpu.memory_space<hbm>> -> memref<1x4096xf32, #tpu.memory_space<hbm>>
      %dma_wait3A_605 = arith.constant 0 : i32
      %dma_wait3A_606 = tpu.memref_slice %arg6[%squeeze3A_88, %dma_wait3A_605] : memref<128x4096xf32, #tpu.memory_space<vmem_shared>> -> memref<1x4096xf32, #tpu.memory_space<vmem_shared>>
      tpu.wait_dma2 semaphore(%arg10 : memref<!tpu.dma_semaphore, #tpu.memory_space<semaphore_mem>>) src(%dma_wait3A_606 : memref<1x4096xf32, #tpu.memory_space<vmem_shared>>) dst(%dma_wait3A_604 : memref<1x4096xf32, #tpu.memory_space<hbm>>)
      %dma_wait3A_607 = tpu.memref_slice %arg4[%add3A_368, %add3A_166] : memref<1024x49152xf32, #tpu.memory_space<hbm>> -> memref<1x4096xf32, #tpu.memory_space<hbm>>
      %dma_wait3A_608 = arith.constant 0 : i32
      %dma_wait3A_609 = tpu.memref_slice %arg6[%squeeze3A_90, %dma_wait3A_608] : memref<128x4096xf32, #tpu.memory_space<vmem_shared>> -> memref<1x4096xf32, #tpu.memory_space<vmem_shared>>
      tpu.wait_dma2 semaphore(%arg10 : memref<!tpu.dma_semaphore, #tpu.memory_space<semaphore_mem>>) src(%dma_wait3A_609 : memref<1x4096xf32, #tpu.memory_space<vmem_shared>>) dst(%dma_wait3A_607 : memref<1x4096xf32, #tpu.memory_space<hbm>>)
      %dma_wait3A_610 = tpu.memref_slice %arg4[%add3A_373, %add3A_166] : memref<1024x49152xf32, #tpu.memory_space<hbm>> -> memref<1x4096xf32, #tpu.memory_space<hbm>>
      %dma_wait3A_611 = arith.constant 0 : i32
      %dma_wait3A_612 = tpu.memref_slice %arg6[%squeeze3A_92, %dma_wait3A_611] : memref<128x4096xf32, #tpu.memory_space<vmem_shared>> -> memref<1x4096xf32, #tpu.memory_space<vmem_shared>>
      tpu.wait_dma2 semaphore(%arg10 : memref<!tpu.dma_semaphore, #tpu.memory_space<semaphore_mem>>) src(%dma_wait3A_612 : memref<1x4096xf32, #tpu.memory_space<vmem_shared>>) dst(%dma_wait3A_610 : memref<1x4096xf32, #tpu.memory_space<hbm>>)
      %dma_wait3A_613 = tpu.memref_slice %arg4[%add3A_378, %add3A_166] : memref<1024x49152xf32, #tpu.memory_space<hbm>> -> memref<1x4096xf32, #tpu.memory_space<hbm>>
      %dma_wait3A_614 = arith.constant 0 : i32
      %dma_wait3A_615 = tpu.memref_slice %arg6[%squeeze3A_94, %dma_wait3A_614] : memref<128x4096xf32, #tpu.memory_space<vmem_shared>> -> memref<1x4096xf32, #tpu.memory_space<vmem_shared>>
      tpu.wait_dma2 semaphore(%arg10 : memref<!tpu.dma_semaphore, #tpu.memory_space<semaphore_mem>>) src(%dma_wait3A_615 : memref<1x4096xf32, #tpu.memory_space<vmem_shared>>) dst(%dma_wait3A_613 : memref<1x4096xf32, #tpu.memory_space<hbm>>)
      %dma_wait3A_616 = tpu.memref_slice %arg4[%add3A_383, %add3A_166] : memref<1024x49152xf32, #tpu.memory_space<hbm>> -> memref<1x4096xf32, #tpu.memory_space<hbm>>
      %dma_wait3A_617 = arith.constant 0 : i32
      %dma_wait3A_618 = tpu.memref_slice %arg6[%squeeze3A_96, %dma_wait3A_617] : memref<128x4096xf32, #tpu.memory_space<vmem_shared>> -> memref<1x4096xf32, #tpu.memory_space<vmem_shared>>
      tpu.wait_dma2 semaphore(%arg10 : memref<!tpu.dma_semaphore, #tpu.memory_space<semaphore_mem>>) src(%dma_wait3A_618 : memref<1x4096xf32, #tpu.memory_space<vmem_shared>>) dst(%dma_wait3A_616 : memref<1x4096xf32, #tpu.memory_space<hbm>>)
      %dma_wait3A_619 = tpu.memref_slice %arg4[%add3A_388, %add3A_166] : memref<1024x49152xf32, #tpu.memory_space<hbm>> -> memref<1x4096xf32, #tpu.memory_space<hbm>>
      %dma_wait3A_620 = arith.constant 0 : i32
      %dma_wait3A_621 = tpu.memref_slice %arg6[%squeeze3A_98, %dma_wait3A_620] : memref<128x4096xf32, #tpu.memory_space<vmem_shared>> -> memref<1x4096xf32, #tpu.memory_space<vmem_shared>>
      tpu.wait_dma2 semaphore(%arg10 : memref<!tpu.dma_semaphore, #tpu.memory_space<semaphore_mem>>) src(%dma_wait3A_621 : memref<1x4096xf32, #tpu.memory_space<vmem_shared>>) dst(%dma_wait3A_619 : memref<1x4096xf32, #tpu.memory_space<hbm>>)
      %dma_wait3A_622 = tpu.memref_slice %arg4[%add3A_393, %add3A_166] : memref<1024x49152xf32, #tpu.memory_space<hbm>> -> memref<1x4096xf32, #tpu.memory_space<hbm>>
      %dma_wait3A_623 = arith.constant 0 : i32
      %dma_wait3A_624 = tpu.memref_slice %arg6[%squeeze3A_100, %dma_wait3A_623] : memref<128x4096xf32, #tpu.memory_space<vmem_shared>> -> memref<1x4096xf32, #tpu.memory_space<vmem_shared>>
      tpu.wait_dma2 semaphore(%arg10 : memref<!tpu.dma_semaphore, #tpu.memory_space<semaphore_mem>>) src(%dma_wait3A_624 : memref<1x4096xf32, #tpu.memory_space<vmem_shared>>) dst(%dma_wait3A_622 : memref<1x4096xf32, #tpu.memory_space<hbm>>)
      %dma_wait3A_625 = tpu.memref_slice %arg4[%add3A_398, %add3A_166] : memref<1024x49152xf32, #tpu.memory_space<hbm>> -> memref<1x4096xf32, #tpu.memory_space<hbm>>
      %dma_wait3A_626 = arith.constant 0 : i32
      %dma_wait3A_627 = tpu.memref_slice %arg6[%squeeze3A_102, %dma_wait3A_626] : memref<128x4096xf32, #tpu.memory_space<vmem_shared>> -> memref<1x4096xf32, #tpu.memory_space<vmem_shared>>
      tpu.wait_dma2 semaphore(%arg10 : memref<!tpu.dma_semaphore, #tpu.memory_space<semaphore_mem>>) src(%dma_wait3A_627 : memref<1x4096xf32, #tpu.memory_space<vmem_shared>>) dst(%dma_wait3A_625 : memref<1x4096xf32, #tpu.memory_space<hbm>>)
      %dma_wait3A_628 = tpu.memref_slice %arg4[%add3A_403, %add3A_166] : memref<1024x49152xf32, #tpu.memory_space<hbm>> -> memref<1x4096xf32, #tpu.memory_space<hbm>>
      %dma_wait3A_629 = arith.constant 0 : i32
      %dma_wait3A_630 = tpu.memref_slice %arg6[%squeeze3A_104, %dma_wait3A_629] : memref<128x4096xf32, #tpu.memory_space<vmem_shared>> -> memref<1x4096xf32, #tpu.memory_space<vmem_shared>>
      tpu.wait_dma2 semaphore(%arg10 : memref<!tpu.dma_semaphore, #tpu.memory_space<semaphore_mem>>) src(%dma_wait3A_630 : memref<1x4096xf32, #tpu.memory_space<vmem_shared>>) dst(%dma_wait3A_628 : memref<1x4096xf32, #tpu.memory_space<hbm>>)
      %dma_wait3A_631 = tpu.memref_slice %arg4[%add3A_408, %add3A_166] : memref<1024x49152xf32, #tpu.memory_space<hbm>> -> memref<1x4096xf32, #tpu.memory_space<hbm>>
      %dma_wait3A_632 = arith.constant 0 : i32
      %dma_wait3A_633 = tpu.memref_slice %arg6[%squeeze3A_109, %dma_wait3A_632] : memref<128x4096xf32, #tpu.memory_space<vmem_shared>> -> memref<1x4096xf32, #tpu.memory_space<vmem_shared>>
      tpu.wait_dma2 semaphore(%arg10 : memref<!tpu.dma_semaphore, #tpu.memory_space<semaphore_mem>>) src(%dma_wait3A_633 : memref<1x4096xf32, #tpu.memory_space<vmem_shared>>) dst(%dma_wait3A_631 : memref<1x4096xf32, #tpu.memory_space<hbm>>)
      %dma_wait3A_634 = tpu.memref_slice %arg4[%add3A_413, %add3A_166] : memref<1024x49152xf32, #tpu.memory_space<hbm>> -> memref<1x4096xf32, #tpu.memory_space<hbm>>
      %dma_wait3A_635 = arith.constant 0 : i32
      %dma_wait3A_636 = tpu.memref_slice %arg6[%squeeze3A_111, %dma_wait3A_635] : memref<128x4096xf32, #tpu.memory_space<vmem_shared>> -> memref<1x4096xf32, #tpu.memory_space<vmem_shared>>
      tpu.wait_dma2 semaphore(%arg10 : memref<!tpu.dma_semaphore, #tpu.memory_space<semaphore_mem>>) src(%dma_wait3A_636 : memref<1x4096xf32, #tpu.memory_space<vmem_shared>>) dst(%dma_wait3A_634 : memref<1x4096xf32, #tpu.memory_space<hbm>>)
      %dma_wait3A_637 = tpu.memref_slice %arg4[%add3A_418, %add3A_166] : memref<1024x49152xf32, #tpu.memory_space<hbm>> -> memref<1x4096xf32, #tpu.memory_space<hbm>>
      %dma_wait3A_638 = arith.constant 0 : i32
      %dma_wait3A_639 = tpu.memref_slice %arg6[%squeeze3A_113, %dma_wait3A_638] : memref<128x4096xf32, #tpu.memory_space<vmem_shared>> -> memref<1x4096xf32, #tpu.memory_space<vmem_shared>>
      tpu.wait_dma2 semaphore(%arg10 : memref<!tpu.dma_semaphore, #tpu.memory_space<semaphore_mem>>) src(%dma_wait3A_639 : memref<1x4096xf32, #tpu.memory_space<vmem_shared>>) dst(%dma_wait3A_637 : memref<1x4096xf32, #tpu.memory_space<hbm>>)
      %dma_wait3A_640 = tpu.memref_slice %arg4[%add3A_423, %add3A_166] : memref<1024x49152xf32, #tpu.memory_space<hbm>> -> memref<1x4096xf32, #tpu.memory_space<hbm>>
      %dma_wait3A_641 = arith.constant 0 : i32
      %dma_wait3A_642 = tpu.memref_slice %arg6[%squeeze3A_115, %dma_wait3A_641] : memref<128x4096xf32, #tpu.memory_space<vmem_shared>> -> memref<1x4096xf32, #tpu.memory_space<vmem_shared>>
      tpu.wait_dma2 semaphore(%arg10 : memref<!tpu.dma_semaphore, #tpu.memory_space<semaphore_mem>>) src(%dma_wait3A_642 : memref<1x4096xf32, #tpu.memory_space<vmem_shared>>) dst(%dma_wait3A_640 : memref<1x4096xf32, #tpu.memory_space<hbm>>)
      %dma_wait3A_643 = tpu.memref_slice %arg4[%add3A_428, %add3A_166] : memref<1024x49152xf32, #tpu.memory_space<hbm>> -> memref<1x4096xf32, #tpu.memory_space<hbm>>
      %dma_wait3A_644 = arith.constant 0 : i32
      %dma_wait3A_645 = tpu.memref_slice %arg6[%squeeze3A_117, %dma_wait3A_644] : memref<128x4096xf32, #tpu.memory_space<vmem_shared>> -> memref<1x4096xf32, #tpu.memory_space<vmem_shared>>
      tpu.wait_dma2 semaphore(%arg10 : memref<!tpu.dma_semaphore, #tpu.memory_space<semaphore_mem>>) src(%dma_wait3A_645 : memref<1x4096xf32, #tpu.memory_space<vmem_shared>>) dst(%dma_wait3A_643 : memref<1x4096xf32, #tpu.memory_space<hbm>>)
      %dma_wait3A_646 = tpu.memref_slice %arg4[%add3A_433, %add3A_166] : memref<1024x49152xf32, #tpu.memory_space<hbm>> -> memref<1x4096xf32, #tpu.memory_space<hbm>>
      %dma_wait3A_647 = arith.constant 0 : i32
      %dma_wait3A_648 = tpu.memref_slice %arg6[%squeeze3A_119, %dma_wait3A_647] : memref<128x4096xf32, #tpu.memory_space<vmem_shared>> -> memref<1x4096xf32, #tpu.memory_space<vmem_shared>>
      tpu.wait_dma2 semaphore(%arg10 : memref<!tpu.dma_semaphore, #tpu.memory_space<semaphore_mem>>) src(%dma_wait3A_648 : memref<1x4096xf32, #tpu.memory_space<vmem_shared>>) dst(%dma_wait3A_646 : memref<1x4096xf32, #tpu.memory_space<hbm>>)
      %dma_wait3A_649 = tpu.memref_slice %arg4[%add3A_438, %add3A_166] : memref<1024x49152xf32, #tpu.memory_space<hbm>> -> memref<1x4096xf32, #tpu.memory_space<hbm>>
      %dma_wait3A_650 = arith.constant 0 : i32
      %dma_wait3A_651 = tpu.memref_slice %arg6[%squeeze3A_121, %dma_wait3A_650] : memref<128x4096xf32, #tpu.memory_space<vmem_shared>> -> memref<1x4096xf32, #tpu.memory_space<vmem_shared>>
      tpu.wait_dma2 semaphore(%arg10 : memref<!tpu.dma_semaphore, #tpu.memory_space<semaphore_mem>>) src(%dma_wait3A_651 : memref<1x4096xf32, #tpu.memory_space<vmem_shared>>) dst(%dma_wait3A_649 : memref<1x4096xf32, #tpu.memory_space<hbm>>)
      %dma_wait3A_652 = tpu.memref_slice %arg4[%add3A_443, %add3A_166] : memref<1024x49152xf32, #tpu.memory_space<hbm>> -> memref<1x4096xf32, #tpu.memory_space<hbm>>
      %dma_wait3A_653 = arith.constant 0 : i32
      %dma_wait3A_654 = tpu.memref_slice %arg6[%squeeze3A_123, %dma_wait3A_653] : memref<128x4096xf32, #tpu.memory_space<vmem_shared>> -> memref<1x4096xf32, #tpu.memory_space<vmem_shared>>
      tpu.wait_dma2 semaphore(%arg10 : memref<!tpu.dma_semaphore, #tpu.memory_space<semaphore_mem>>) src(%dma_wait3A_654 : memref<1x4096xf32, #tpu.memory_space<vmem_shared>>) dst(%dma_wait3A_652 : memref<1x4096xf32, #tpu.memory_space<hbm>>)
      %dma_wait3A_655 = tpu.memref_slice %arg4[%add3A_448, %add3A_166] : memref<1024x49152xf32, #tpu.memory_space<hbm>> -> memref<1x4096xf32, #tpu.memory_space<hbm>>
      %dma_wait3A_656 = arith.constant 0 : i32
      %dma_wait3A_657 = tpu.memref_slice %arg6[%squeeze3A_125, %dma_wait3A_656] : memref<128x4096xf32, #tpu.memory_space<vmem_shared>> -> memref<1x4096xf32, #tpu.memory_space<vmem_shared>>
      tpu.wait_dma2 semaphore(%arg10 : memref<!tpu.dma_semaphore, #tpu.memory_space<semaphore_mem>>) src(%dma_wait3A_657 : memref<1x4096xf32, #tpu.memory_space<vmem_shared>>) dst(%dma_wait3A_655 : memref<1x4096xf32, #tpu.memory_space<hbm>>)
      %dma_wait3A_658 = tpu.memref_slice %arg4[%add3A_453, %add3A_166] : memref<1024x49152xf32, #tpu.memory_space<hbm>> -> memref<1x4096xf32, #tpu.memory_space<hbm>>
      %dma_wait3A_659 = arith.constant 0 : i32
      %dma_wait3A_660 = tpu.memref_slice %arg6[%squeeze3A_127, %dma_wait3A_659] : memref<128x4096xf32, #tpu.memory_space<vmem_shared>> -> memref<1x4096xf32, #tpu.memory_space<vmem_shared>>
      tpu.wait_dma2 semaphore(%arg10 : memref<!tpu.dma_semaphore, #tpu.memory_space<semaphore_mem>>) src(%dma_wait3A_660 : memref<1x4096xf32, #tpu.memory_space<vmem_shared>>) dst(%dma_wait3A_658 : memref<1x4096xf32, #tpu.memory_space<hbm>>)
      %dma_wait3A_661 = tpu.memref_slice %arg4[%add3A_458, %add3A_166] : memref<1024x49152xf32, #tpu.memory_space<hbm>> -> memref<1x4096xf32, #tpu.memory_space<hbm>>
      %dma_wait3A_662 = arith.constant 0 : i32
      %dma_wait3A_663 = tpu.memref_slice %arg6[%squeeze3A_129, %dma_wait3A_662] : memref<128x4096xf32, #tpu.memory_space<vmem_shared>> -> memref<1x4096xf32, #tpu.memory_space<vmem_shared>>
      tpu.wait_dma2 semaphore(%arg10 : memref<!tpu.dma_semaphore, #tpu.memory_space<semaphore_mem>>) src(%dma_wait3A_663 : memref<1x4096xf32, #tpu.memory_space<vmem_shared>>) dst(%dma_wait3A_661 : memref<1x4096xf32, #tpu.memory_space<hbm>>)
      %dma_wait3A_664 = tpu.memref_slice %arg4[%add3A_463, %add3A_166] : memref<1024x49152xf32, #tpu.memory_space<hbm>> -> memref<1x4096xf32, #tpu.memory_space<hbm>>
      %dma_wait3A_665 = arith.constant 0 : i32
      %dma_wait3A_666 = tpu.memref_slice %arg6[%squeeze3A_131, %dma_wait3A_665] : memref<128x4096xf32, #tpu.memory_space<vmem_shared>> -> memref<1x4096xf32, #tpu.memory_space<vmem_shared>>
      tpu.wait_dma2 semaphore(%arg10 : memref<!tpu.dma_semaphore, #tpu.memory_space<semaphore_mem>>) src(%dma_wait3A_666 : memref<1x4096xf32, #tpu.memory_space<vmem_shared>>) dst(%dma_wait3A_664 : memref<1x4096xf32, #tpu.memory_space<hbm>>)
      %dma_wait3A_667 = tpu.memref_slice %arg4[%add3A_468, %add3A_166] : memref<1024x49152xf32, #tpu.memory_space<hbm>> -> memref<1x4096xf32, #tpu.memory_space<hbm>>
      %dma_wait3A_668 = arith.constant 0 : i32
      %dma_wait3A_669 = tpu.memref_slice %arg6[%squeeze3A_133, %dma_wait3A_668] : memref<128x4096xf32, #tpu.memory_space<vmem_shared>> -> memref<1x4096xf32, #tpu.memory_space<vmem_shared>>
      tpu.wait_dma2 semaphore(%arg10 : memref<!tpu.dma_semaphore, #tpu.memory_space<semaphore_mem>>) src(%dma_wait3A_669 : memref<1x4096xf32, #tpu.memory_space<vmem_shared>>) dst(%dma_wait3A_667 : memref<1x4096xf32, #tpu.memory_space<hbm>>)
      %dma_wait3A_670 = tpu.memref_slice %arg4[%add3A_473, %add3A_166] : memref<1024x49152xf32, #tpu.memory_space<hbm>> -> memref<1x4096xf32, #tpu.memory_space<hbm>>
      %dma_wait3A_671 = arith.constant 0 : i32
      %dma_wait3A_672 = tpu.memref_slice %arg6[%squeeze3A_135, %dma_wait3A_671] : memref<128x4096xf32, #tpu.memory_space<vmem_shared>> -> memref<1x4096xf32, #tpu.memory_space<vmem_shared>>
      tpu.wait_dma2 semaphore(%arg10 : memref<!tpu.dma_semaphore, #tpu.memory_space<semaphore_mem>>) src(%dma_wait3A_672 : memref<1x4096xf32, #tpu.memory_space<vmem_shared>>) dst(%dma_wait3A_670 : memref<1x4096xf32, #tpu.memory_space<hbm>>)
      %dma_wait3A_673 = tpu.memref_slice %arg4[%add3A_478, %add3A_166] : memref<1024x49152xf32, #tpu.memory_space<hbm>> -> memref<1x4096xf32, #tpu.memory_space<hbm>>
      %dma_wait3A_674 = arith.constant 0 : i32
      %dma_wait3A_675 = tpu.memref_slice %arg6[%squeeze3A_137, %dma_wait3A_674] : memref<128x4096xf32, #tpu.memory_space<vmem_shared>> -> memref<1x4096xf32, #tpu.memory_space<vmem_shared>>
      tpu.wait_dma2 semaphore(%arg10 : memref<!tpu.dma_semaphore, #tpu.memory_space<semaphore_mem>>) src(%dma_wait3A_675 : memref<1x4096xf32, #tpu.memory_space<vmem_shared>>) dst(%dma_wait3A_673 : memref<1x4096xf32, #tpu.memory_space<hbm>>)
      %dma_wait3A_676 = tpu.memref_slice %arg4[%add3A_483, %add3A_166] : memref<1024x49152xf32, #tpu.memory_space<hbm>> -> memref<1x4096xf32, #tpu.memory_space<hbm>>
      %dma_wait3A_677 = arith.constant 0 : i32
      %dma_wait3A_678 = tpu.memref_slice %arg6[%squeeze3A_139, %dma_wait3A_677] : memref<128x4096xf32, #tpu.memory_space<vmem_shared>> -> memref<1x4096xf32, #tpu.memory_space<vmem_shared>>
      tpu.wait_dma2 semaphore(%arg10 : memref<!tpu.dma_semaphore, #tpu.memory_space<semaphore_mem>>) src(%dma_wait3A_678 : memref<1x4096xf32, #tpu.memory_space<vmem_shared>>) dst(%dma_wait3A_676 : memref<1x4096xf32, #tpu.memory_space<hbm>>)
      %add3A_679 = arith.constant 1 : i32
      %add3A_680 = arith.addi %mul3A_152, %add3A_679 : i32
      %mul3A_681 = arith.constant 4096 : i32
      %mul3A_682 = arith.muli %add3A_680, %mul3A_681 : i32
      %multiple_of3A_683 = tpu.assume_multiple %mul3A_682, 4096 : i32
      %add3A_684 = arith.addi %mul3A_2, %multiple_of3A_683 : i32
      %dma_wait3A_685 = arith.constant 0 : i32
      %dma_wait3A_686 = tpu.memref_slice %arg7[%mul3A_141, %dma_wait3A_685] : memref<128x4096xf32, #tpu.memory_space<vmem_shared>> -> memref<8x4096xf32, #tpu.memory_space<vmem_shared>>
      %dma_wait3A_687 = tpu.memref_slice %arg2[%mul3A_141, %add3A_684] : memref<128x49152xf32, #tpu.memory_space<hbm>> -> memref<8x4096xf32, #tpu.memory_space<hbm>>
      tpu.wait_dma2 semaphore(%arg9 : memref<!tpu.dma_semaphore, #tpu.memory_space<semaphore_mem>>) src(%dma_wait3A_687 : memref<8x4096xf32, #tpu.memory_space<hbm>>) dst(%dma_wait3A_686 : memref<8x4096xf32, #tpu.memory_space<vmem_shared>>)
      %barrier3A_688 = arith.constant 0 : index
      tpu.barrier barrier_id(%barrier3A_688)
      %add3A_689 = arith.constant 1 : i32
      %add3A_690 = arith.addi %add3A_680, %add3A_689 : i32
      %lt3A_691 = arith.constant 6 : i32
      %lt3A_692 = arith.cmpi slt, %add3A_690, %lt3A_691 : i32
      %convert_element_type3A_693 = arith.extui %lt3A_692 : i1 to i32
      %cond3A_694 = arith.constant 0 : i32
      %cond3A_695 = arith.cmpi ne, %convert_element_type3A_693, %cond3A_694 : i32
      scf.if %cond3A_695 {
        %add3A_1212 = arith.constant 1 : i32
        %add3A_1213 = arith.addi %add3A_680, %add3A_1212 : i32
        %mul3A_1214 = arith.constant 4096 : i32
        %mul3A_1215 = arith.muli %add3A_1213, %mul3A_1214 : i32
        %multiple_of3A_1216 = tpu.assume_multiple %mul3A_1215, 4096 : i32
        %add3A_1217 = arith.addi %mul3A_2, %multiple_of3A_1216 : i32
        %dma_start3A_1218 = arith.constant 0 : i32
        %dma_start3A_1219 = tpu.memref_slice %arg6[%mul3A_141, %dma_start3A_1218] : memref<128x4096xf32, #tpu.memory_space<vmem_shared>> -> memref<8x4096xf32, #tpu.memory_space<vmem_shared>>
        %dma_start3A_1220 = tpu.memref_slice %arg2[%mul3A_141, %add3A_1217] : memref<128x49152xf32, #tpu.memory_space<hbm>> -> memref<8x4096xf32, #tpu.memory_space<hbm>>
        tpu.enqueue_dma source(%dma_start3A_1220 : memref<8x4096xf32, #tpu.memory_space<hbm>>) target(%dma_start3A_1219 : memref<8x4096xf32, #tpu.memory_space<vmem_shared>>) target_semaphore(%arg8 : memref<!tpu.dma_semaphore, #tpu.memory_space<semaphore_mem>>)
      } else {
      }
      %mul3A_696 = arith.constant 4096 : i32
      %mul3A_697 = arith.muli %add3A_680, %mul3A_696 : i32
      %multiple_of3A_698 = tpu.assume_multiple %mul3A_697, 4096 : i32
      %add3A_699 = arith.addi %mul3A_2, %multiple_of3A_698 : i32
      %add3A_700 = arith.constant 0 : i32
      %add3A_701 = arith.addi %mul3A_0, %add3A_700 : i32
      %dma_start3A_702 = tpu.memref_slice %arg4[%add3A_701, %add3A_699] : memref<1024x49152xf32, #tpu.memory_space<hbm>> -> memref<1x4096xf32, #tpu.memory_space<hbm>>
      %dma_start3A_703 = arith.constant 0 : i32
      %dma_start3A_704 = tpu.memref_slice %arg7[%squeeze3A, %dma_start3A_703] : memref<128x4096xf32, #tpu.memory_space<vmem_shared>> -> memref<1x4096xf32, #tpu.memory_space<vmem_shared>>
      tpu.enqueue_dma source(%dma_start3A_704 : memref<1x4096xf32, #tpu.memory_space<vmem_shared>>) target(%dma_start3A_702 : memref<1x4096xf32, #tpu.memory_space<hbm>>) target_semaphore(%arg10 : memref<!tpu.dma_semaphore, #tpu.memory_space<semaphore_mem>>)
      %add3A_705 = arith.constant 1 : i32
      %add3A_706 = arith.addi %mul3A_0, %add3A_705 : i32
      %dma_start3A_707 = tpu.memref_slice %arg4[%add3A_706, %add3A_699] : memref<1024x49152xf32, #tpu.memory_space<hbm>> -> memref<1x4096xf32, #tpu.memory_space<hbm>>
      %dma_start3A_708 = arith.constant 0 : i32
      %dma_start3A_709 = tpu.memref_slice %arg7[%squeeze3A_6, %dma_start3A_708] : memref<128x4096xf32, #tpu.memory_space<vmem_shared>> -> memref<1x4096xf32, #tpu.memory_space<vmem_shared>>
      tpu.enqueue_dma source(%dma_start3A_709 : memref<1x4096xf32, #tpu.memory_space<vmem_shared>>) target(%dma_start3A_707 : memref<1x4096xf32, #tpu.memory_space<hbm>>) target_semaphore(%arg10 : memref<!tpu.dma_semaphore, #tpu.memory_space<semaphore_mem>>)
      %add3A_710 = arith.constant 2 : i32
      %add3A_711 = arith.addi %mul3A_0, %add3A_710 : i32
      %dma_start3A_712 = tpu.memref_slice %arg4[%add3A_711, %add3A_699] : memref<1024x49152xf32, #tpu.memory_space<hbm>> -> memref<1x4096xf32, #tpu.memory_space<hbm>>
      %dma_start3A_713 = arith.constant 0 : i32
      %dma_start3A_714 = tpu.memref_slice %arg7[%squeeze3A_8, %dma_start3A_713] : memref<128x4096xf32, #tpu.memory_space<vmem_shared>> -> memref<1x4096xf32, #tpu.memory_space<vmem_shared>>
      tpu.enqueue_dma source(%dma_start3A_714 : memref<1x4096xf32, #tpu.memory_space<vmem_shared>>) target(%dma_start3A_712 : memref<1x4096xf32, #tpu.memory_space<hbm>>) target_semaphore(%arg10 : memref<!tpu.dma_semaphore, #tpu.memory_space<semaphore_mem>>)
      %add3A_715 = arith.constant 3 : i32
      %add3A_716 = arith.addi %mul3A_0, %add3A_715 : i32
      %dma_start3A_717 = tpu.memref_slice %arg4[%add3A_716, %add3A_699] : memref<1024x49152xf32, #tpu.memory_space<hbm>> -> memref<1x4096xf32, #tpu.memory_space<hbm>>
      %dma_start3A_718 = arith.constant 0 : i32
      %dma_start3A_719 = tpu.memref_slice %arg7[%squeeze3A_10, %dma_start3A_718] : memref<128x4096xf32, #tpu.memory_space<vmem_shared>> -> memref<1x4096xf32, #tpu.memory_space<vmem_shared>>
      tpu.enqueue_dma source(%dma_start3A_719 : memref<1x4096xf32, #tpu.memory_space<vmem_shared>>) target(%dma_start3A_717 : memref<1x4096xf32, #tpu.memory_space<hbm>>) target_semaphore(%arg10 : memref<!tpu.dma_semaphore, #tpu.memory_space<semaphore_mem>>)
      %add3A_720 = arith.constant 4 : i32
      %add3A_721 = arith.addi %mul3A_0, %add3A_720 : i32
      %dma_start3A_722 = tpu.memref_slice %arg4[%add3A_721, %add3A_699] : memref<1024x49152xf32, #tpu.memory_space<hbm>> -> memref<1x4096xf32, #tpu.memory_space<hbm>>
      %dma_start3A_723 = arith.constant 0 : i32
      %dma_start3A_724 = tpu.memref_slice %arg7[%squeeze3A_12, %dma_start3A_723] : memref<128x4096xf32, #tpu.memory_space<vmem_shared>> -> memref<1x4096xf32, #tpu.memory_space<vmem_shared>>
      tpu.enqueue_dma source(%dma_start3A_724 : memref<1x4096xf32, #tpu.memory_space<vmem_shared>>) target(%dma_start3A_722 : memref<1x4096xf32, #tpu.memory_space<hbm>>) target_semaphore(%arg10 : memref<!tpu.dma_semaphore, #tpu.memory_space<semaphore_mem>>)
      %add3A_725 = arith.constant 5 : i32
      %add3A_726 = arith.addi %mul3A_0, %add3A_725 : i32
      %dma_start3A_727 = tpu.memref_slice %arg4[%add3A_726, %add3A_699] : memref<1024x49152xf32, #tpu.memory_space<hbm>> -> memref<1x4096xf32, #tpu.memory_space<hbm>>
      %dma_start3A_728 = arith.constant 0 : i32
      %dma_start3A_729 = tpu.memref_slice %arg7[%squeeze3A_14, %dma_start3A_728] : memref<128x4096xf32, #tpu.memory_space<vmem_shared>> -> memref<1x4096xf32, #tpu.memory_space<vmem_shared>>
      tpu.enqueue_dma source(%dma_start3A_729 : memref<1x4096xf32, #tpu.memory_space<vmem_shared>>) target(%dma_start3A_727 : memref<1x4096xf32, #tpu.memory_space<hbm>>) target_semaphore(%arg10 : memref<!tpu.dma_semaphore, #tpu.memory_space<semaphore_mem>>)
      %add3A_730 = arith.constant 6 : i32
      %add3A_731 = arith.addi %mul3A_0, %add3A_730 : i32
      %dma_start3A_732 = tpu.memref_slice %arg4[%add3A_731, %add3A_699] : memref<1024x49152xf32, #tpu.memory_space<hbm>> -> memref<1x4096xf32, #tpu.memory_space<hbm>>
      %dma_start3A_733 = arith.constant 0 : i32
      %dma_start3A_734 = tpu.memref_slice %arg7[%squeeze3A_16, %dma_start3A_733] : memref<128x4096xf32, #tpu.memory_space<vmem_shared>> -> memref<1x4096xf32, #tpu.memory_space<vmem_shared>>
      tpu.enqueue_dma source(%dma_start3A_734 : memref<1x4096xf32, #tpu.memory_space<vmem_shared>>) target(%dma_start3A_732 : memref<1x4096xf32, #tpu.memory_space<hbm>>) target_semaphore(%arg10 : memref<!tpu.dma_semaphore, #tpu.memory_space<semaphore_mem>>)
      %add3A_735 = arith.constant 7 : i32
      %add3A_736 = arith.addi %mul3A_0, %add3A_735 : i32
      %dma_start3A_737 = tpu.memref_slice %arg4[%add3A_736, %add3A_699] : memref<1024x49152xf32, #tpu.memory_space<hbm>> -> memref<1x4096xf32, #tpu.memory_space<hbm>>
      %dma_start3A_738 = arith.constant 0 : i32
      %dma_start3A_739 = tpu.memref_slice %arg7[%squeeze3A_18, %dma_start3A_738] : memref<128x4096xf32, #tpu.memory_space<vmem_shared>> -> memref<1x4096xf32, #tpu.memory_space<vmem_shared>>
      tpu.enqueue_dma source(%dma_start3A_739 : memref<1x4096xf32, #tpu.memory_space<vmem_shared>>) target(%dma_start3A_737 : memref<1x4096xf32, #tpu.memory_space<hbm>>) target_semaphore(%arg10 : memref<!tpu.dma_semaphore, #tpu.memory_space<semaphore_mem>>)
      %add3A_740 = arith.constant 8 : i32
      %add3A_741 = arith.addi %mul3A_0, %add3A_740 : i32
      %dma_start3A_742 = tpu.memref_slice %arg4[%add3A_741, %add3A_699] : memref<1024x49152xf32, #tpu.memory_space<hbm>> -> memref<1x4096xf32, #tpu.memory_space<hbm>>
      %dma_start3A_743 = arith.constant 0 : i32
      %dma_start3A_744 = tpu.memref_slice %arg7[%squeeze3A_20, %dma_start3A_743] : memref<128x4096xf32, #tpu.memory_space<vmem_shared>> -> memref<1x4096xf32, #tpu.memory_space<vmem_shared>>
      tpu.enqueue_dma source(%dma_start3A_744 : memref<1x4096xf32, #tpu.memory_space<vmem_shared>>) target(%dma_start3A_742 : memref<1x4096xf32, #tpu.memory_space<hbm>>) target_semaphore(%arg10 : memref<!tpu.dma_semaphore, #tpu.memory_space<semaphore_mem>>)
      %add3A_745 = arith.constant 9 : i32
      %add3A_746 = arith.addi %mul3A_0, %add3A_745 : i32
      %dma_start3A_747 = tpu.memref_slice %arg4[%add3A_746, %add3A_699] : memref<1024x49152xf32, #tpu.memory_space<hbm>> -> memref<1x4096xf32, #tpu.memory_space<hbm>>
      %dma_start3A_748 = arith.constant 0 : i32
      %dma_start3A_749 = tpu.memref_slice %arg7[%squeeze3A_22, %dma_start3A_748] : memref<128x4096xf32, #tpu.memory_space<vmem_shared>> -> memref<1x4096xf32, #tpu.memory_space<vmem_shared>>
      tpu.enqueue_dma source(%dma_start3A_749 : memref<1x4096xf32, #tpu.memory_space<vmem_shared>>) target(%dma_start3A_747 : memref<1x4096xf32, #tpu.memory_space<hbm>>) target_semaphore(%arg10 : memref<!tpu.dma_semaphore, #tpu.memory_space<semaphore_mem>>)
      %add3A_750 = arith.constant 10 : i32
      %add3A_751 = arith.addi %mul3A_0, %add3A_750 : i32
      %dma_start3A_752 = tpu.memref_slice %arg4[%add3A_751, %add3A_699] : memref<1024x49152xf32, #tpu.memory_space<hbm>> -> memref<1x4096xf32, #tpu.memory_space<hbm>>
      %dma_start3A_753 = arith.constant 0 : i32
      %dma_start3A_754 = tpu.memref_slice %arg7[%squeeze3A_24, %dma_start3A_753] : memref<128x4096xf32, #tpu.memory_space<vmem_shared>> -> memref<1x4096xf32, #tpu.memory_space<vmem_shared>>
      tpu.enqueue_dma source(%dma_start3A_754 : memref<1x4096xf32, #tpu.memory_space<vmem_shared>>) target(%dma_start3A_752 : memref<1x4096xf32, #tpu.memory_space<hbm>>) target_semaphore(%arg10 : memref<!tpu.dma_semaphore, #tpu.memory_space<semaphore_mem>>)
      %add3A_755 = arith.constant 11 : i32
      %add3A_756 = arith.addi %mul3A_0, %add3A_755 : i32
      %dma_start3A_757 = tpu.memref_slice %arg4[%add3A_756, %add3A_699] : memref<1024x49152xf32, #tpu.memory_space<hbm>> -> memref<1x4096xf32, #tpu.memory_space<hbm>>
      %dma_start3A_758 = arith.constant 0 : i32
      %dma_start3A_759 = tpu.memref_slice %arg7[%squeeze3A_26, %dma_start3A_758] : memref<128x4096xf32, #tpu.memory_space<vmem_shared>> -> memref<1x4096xf32, #tpu.memory_space<vmem_shared>>
      tpu.enqueue_dma source(%dma_start3A_759 : memref<1x4096xf32, #tpu.memory_space<vmem_shared>>) target(%dma_start3A_757 : memref<1x4096xf32, #tpu.memory_space<hbm>>) target_semaphore(%arg10 : memref<!tpu.dma_semaphore, #tpu.memory_space<semaphore_mem>>)
      %add3A_760 = arith.constant 12 : i32
      %add3A_761 = arith.addi %mul3A_0, %add3A_760 : i32
      %dma_start3A_762 = tpu.memref_slice %arg4[%add3A_761, %add3A_699] : memref<1024x49152xf32, #tpu.memory_space<hbm>> -> memref<1x4096xf32, #tpu.memory_space<hbm>>
      %dma_start3A_763 = arith.constant 0 : i32
      %dma_start3A_764 = tpu.memref_slice %arg7[%squeeze3A_28, %dma_start3A_763] : memref<128x4096xf32, #tpu.memory_space<vmem_shared>> -> memref<1x4096xf32, #tpu.memory_space<vmem_shared>>
      tpu.enqueue_dma source(%dma_start3A_764 : memref<1x4096xf32, #tpu.memory_space<vmem_shared>>) target(%dma_start3A_762 : memref<1x4096xf32, #tpu.memory_space<hbm>>) target_semaphore(%arg10 : memref<!tpu.dma_semaphore, #tpu.memory_space<semaphore_mem>>)
      %add3A_765 = arith.constant 13 : i32
      %add3A_766 = arith.addi %mul3A_0, %add3A_765 : i32
      %dma_start3A_767 = tpu.memref_slice %arg4[%add3A_766, %add3A_699] : memref<1024x49152xf32, #tpu.memory_space<hbm>> -> memref<1x4096xf32, #tpu.memory_space<hbm>>
      %dma_start3A_768 = arith.constant 0 : i32
      %dma_start3A_769 = tpu.memref_slice %arg7[%squeeze3A_30, %dma_start3A_768] : memref<128x4096xf32, #tpu.memory_space<vmem_shared>> -> memref<1x4096xf32, #tpu.memory_space<vmem_shared>>
      tpu.enqueue_dma source(%dma_start3A_769 : memref<1x4096xf32, #tpu.memory_space<vmem_shared>>) target(%dma_start3A_767 : memref<1x4096xf32, #tpu.memory_space<hbm>>) target_semaphore(%arg10 : memref<!tpu.dma_semaphore, #tpu.memory_space<semaphore_mem>>)
      %add3A_770 = arith.constant 14 : i32
      %add3A_771 = arith.addi %mul3A_0, %add3A_770 : i32
      %dma_start3A_772 = tpu.memref_slice %arg4[%add3A_771, %add3A_699] : memref<1024x49152xf32, #tpu.memory_space<hbm>> -> memref<1x4096xf32, #tpu.memory_space<hbm>>
      %dma_start3A_773 = arith.constant 0 : i32
      %dma_start3A_774 = tpu.memref_slice %arg7[%squeeze3A_32, %dma_start3A_773] : memref<128x4096xf32, #tpu.memory_space<vmem_shared>> -> memref<1x4096xf32, #tpu.memory_space<vmem_shared>>
      tpu.enqueue_dma source(%dma_start3A_774 : memref<1x4096xf32, #tpu.memory_space<vmem_shared>>) target(%dma_start3A_772 : memref<1x4096xf32, #tpu.memory_space<hbm>>) target_semaphore(%arg10 : memref<!tpu.dma_semaphore, #tpu.memory_space<semaphore_mem>>)
      %add3A_775 = arith.constant 15 : i32
      %add3A_776 = arith.addi %mul3A_0, %add3A_775 : i32
      %dma_start3A_777 = tpu.memref_slice %arg4[%add3A_776, %add3A_699] : memref<1024x49152xf32, #tpu.memory_space<hbm>> -> memref<1x4096xf32, #tpu.memory_space<hbm>>
      %dma_start3A_778 = arith.constant 0 : i32
      %dma_start3A_779 = tpu.memref_slice %arg7[%squeeze3A_34, %dma_start3A_778] : memref<128x4096xf32, #tpu.memory_space<vmem_shared>> -> memref<1x4096xf32, #tpu.memory_space<vmem_shared>>
      tpu.enqueue_dma source(%dma_start3A_779 : memref<1x4096xf32, #tpu.memory_space<vmem_shared>>) target(%dma_start3A_777 : memref<1x4096xf32, #tpu.memory_space<hbm>>) target_semaphore(%arg10 : memref<!tpu.dma_semaphore, #tpu.memory_space<semaphore_mem>>)
      %add3A_780 = arith.constant 16 : i32
      %add3A_781 = arith.addi %mul3A_0, %add3A_780 : i32
      %dma_start3A_782 = tpu.memref_slice %arg4[%add3A_781, %add3A_699] : memref<1024x49152xf32, #tpu.memory_space<hbm>> -> memref<1x4096xf32, #tpu.memory_space<hbm>>
      %dma_start3A_783 = arith.constant 0 : i32
      %dma_start3A_784 = tpu.memref_slice %arg7[%squeeze3A_39, %dma_start3A_783] : memref<128x4096xf32, #tpu.memory_space<vmem_shared>> -> memref<1x4096xf32, #tpu.memory_space<vmem_shared>>
      tpu.enqueue_dma source(%dma_start3A_784 : memref<1x4096xf32, #tpu.memory_space<vmem_shared>>) target(%dma_start3A_782 : memref<1x4096xf32, #tpu.memory_space<hbm>>) target_semaphore(%arg10 : memref<!tpu.dma_semaphore, #tpu.memory_space<semaphore_mem>>)
      %add3A_785 = arith.constant 17 : i32
      %add3A_786 = arith.addi %mul3A_0, %add3A_785 : i32
      %dma_start3A_787 = tpu.memref_slice %arg4[%add3A_786, %add3A_699] : memref<1024x49152xf32, #tpu.memory_space<hbm>> -> memref<1x4096xf32, #tpu.memory_space<hbm>>
      %dma_start3A_788 = arith.constant 0 : i32
      %dma_start3A_789 = tpu.memref_slice %arg7[%squeeze3A_41, %dma_start3A_788] : memref<128x4096xf32, #tpu.memory_space<vmem_shared>> -> memref<1x4096xf32, #tpu.memory_space<vmem_shared>>
      tpu.enqueue_dma source(%dma_start3A_789 : memref<1x4096xf32, #tpu.memory_space<vmem_shared>>) target(%dma_start3A_787 : memref<1x4096xf32, #tpu.memory_space<hbm>>) target_semaphore(%arg10 : memref<!tpu.dma_semaphore, #tpu.memory_space<semaphore_mem>>)
      %add3A_790 = arith.constant 18 : i32
      %add3A_791 = arith.addi %mul3A_0, %add3A_790 : i32
      %dma_start3A_792 = tpu.memref_slice %arg4[%add3A_791, %add3A_699] : memref<1024x49152xf32, #tpu.memory_space<hbm>> -> memref<1x4096xf32, #tpu.memory_space<hbm>>
      %dma_start3A_793 = arith.constant 0 : i32
      %dma_start3A_794 = tpu.memref_slice %arg7[%squeeze3A_43, %dma_start3A_793] : memref<128x4096xf32, #tpu.memory_space<vmem_shared>> -> memref<1x4096xf32, #tpu.memory_space<vmem_shared>>
      tpu.enqueue_dma source(%dma_start3A_794 : memref<1x4096xf32, #tpu.memory_space<vmem_shared>>) target(%dma_start3A_792 : memref<1x4096xf32, #tpu.memory_space<hbm>>) target_semaphore(%arg10 : memref<!tpu.dma_semaphore, #tpu.memory_space<semaphore_mem>>)
      %add3A_795 = arith.constant 19 : i32
      %add3A_796 = arith.addi %mul3A_0, %add3A_795 : i32
      %dma_start3A_797 = tpu.memref_slice %arg4[%add3A_796, %add3A_699] : memref<1024x49152xf32, #tpu.memory_space<hbm>> -> memref<1x4096xf32, #tpu.memory_space<hbm>>
      %dma_start3A_798 = arith.constant 0 : i32
      %dma_start3A_799 = tpu.memref_slice %arg7[%squeeze3A_45, %dma_start3A_798] : memref<128x4096xf32, #tpu.memory_space<vmem_shared>> -> memref<1x4096xf32, #tpu.memory_space<vmem_shared>>
      tpu.enqueue_dma source(%dma_start3A_799 : memref<1x4096xf32, #tpu.memory_space<vmem_shared>>) target(%dma_start3A_797 : memref<1x4096xf32, #tpu.memory_space<hbm>>) target_semaphore(%arg10 : memref<!tpu.dma_semaphore, #tpu.memory_space<semaphore_mem>>)
      %add3A_800 = arith.constant 20 : i32
      %add3A_801 = arith.addi %mul3A_0, %add3A_800 : i32
      %dma_start3A_802 = tpu.memref_slice %arg4[%add3A_801, %add3A_699] : memref<1024x49152xf32, #tpu.memory_space<hbm>> -> memref<1x4096xf32, #tpu.memory_space<hbm>>
      %dma_start3A_803 = arith.constant 0 : i32
      %dma_start3A_804 = tpu.memref_slice %arg7[%squeeze3A_47, %dma_start3A_803] : memref<128x4096xf32, #tpu.memory_space<vmem_shared>> -> memref<1x4096xf32, #tpu.memory_space<vmem_shared>>
      tpu.enqueue_dma source(%dma_start3A_804 : memref<1x4096xf32, #tpu.memory_space<vmem_shared>>) target(%dma_start3A_802 : memref<1x4096xf32, #tpu.memory_space<hbm>>) target_semaphore(%arg10 : memref<!tpu.dma_semaphore, #tpu.memory_space<semaphore_mem>>)
      %add3A_805 = arith.constant 21 : i32
      %add3A_806 = arith.addi %mul3A_0, %add3A_805 : i32
      %dma_start3A_807 = tpu.memref_slice %arg4[%add3A_806, %add3A_699] : memref<1024x49152xf32, #tpu.memory_space<hbm>> -> memref<1x4096xf32, #tpu.memory_space<hbm>>
      %dma_start3A_808 = arith.constant 0 : i32
      %dma_start3A_809 = tpu.memref_slice %arg7[%squeeze3A_49, %dma_start3A_808] : memref<128x4096xf32, #tpu.memory_space<vmem_shared>> -> memref<1x4096xf32, #tpu.memory_space<vmem_shared>>
      tpu.enqueue_dma source(%dma_start3A_809 : memref<1x4096xf32, #tpu.memory_space<vmem_shared>>) target(%dma_start3A_807 : memref<1x4096xf32, #tpu.memory_space<hbm>>) target_semaphore(%arg10 : memref<!tpu.dma_semaphore, #tpu.memory_space<semaphore_mem>>)
      %add3A_810 = arith.constant 22 : i32
      %add3A_811 = arith.addi %mul3A_0, %add3A_810 : i32
      %dma_start3A_812 = tpu.memref_slice %arg4[%add3A_811, %add3A_699] : memref<1024x49152xf32, #tpu.memory_space<hbm>> -> memref<1x4096xf32, #tpu.memory_space<hbm>>
      %dma_start3A_813 = arith.constant 0 : i32
      %dma_start3A_814 = tpu.memref_slice %arg7[%squeeze3A_51, %dma_start3A_813] : memref<128x4096xf32, #tpu.memory_space<vmem_shared>> -> memref<1x4096xf32, #tpu.memory_space<vmem_shared>>
      tpu.enqueue_dma source(%dma_start3A_814 : memref<1x4096xf32, #tpu.memory_space<vmem_shared>>) target(%dma_start3A_812 : memref<1x4096xf32, #tpu.memory_space<hbm>>) target_semaphore(%arg10 : memref<!tpu.dma_semaphore, #tpu.memory_space<semaphore_mem>>)
      %add3A_815 = arith.constant 23 : i32
      %add3A_816 = arith.addi %mul3A_0, %add3A_815 : i32
      %dma_start3A_817 = tpu.memref_slice %arg4[%add3A_816, %add3A_699] : memref<1024x49152xf32, #tpu.memory_space<hbm>> -> memref<1x4096xf32, #tpu.memory_space<hbm>>
      %dma_start3A_818 = arith.constant 0 : i32
      %dma_start3A_819 = tpu.memref_slice %arg7[%squeeze3A_53, %dma_start3A_818] : memref<128x4096xf32, #tpu.memory_space<vmem_shared>> -> memref<1x4096xf32, #tpu.memory_space<vmem_shared>>
      tpu.enqueue_dma source(%dma_start3A_819 : memref<1x4096xf32, #tpu.memory_space<vmem_shared>>) target(%dma_start3A_817 : memref<1x4096xf32, #tpu.memory_space<hbm>>) target_semaphore(%arg10 : memref<!tpu.dma_semaphore, #tpu.memory_space<semaphore_mem>>)
      %add3A_820 = arith.constant 24 : i32
      %add3A_821 = arith.addi %mul3A_0, %add3A_820 : i32
      %dma_start3A_822 = tpu.memref_slice %arg4[%add3A_821, %add3A_699] : memref<1024x49152xf32, #tpu.memory_space<hbm>> -> memref<1x4096xf32, #tpu.memory_space<hbm>>
      %dma_start3A_823 = arith.constant 0 : i32
      %dma_start3A_824 = tpu.memref_slice %arg7[%squeeze3A_55, %dma_start3A_823] : memref<128x4096xf32, #tpu.memory_space<vmem_shared>> -> memref<1x4096xf32, #tpu.memory_space<vmem_shared>>
      tpu.enqueue_dma source(%dma_start3A_824 : memref<1x4096xf32, #tpu.memory_space<vmem_shared>>) target(%dma_start3A_822 : memref<1x4096xf32, #tpu.memory_space<hbm>>) target_semaphore(%arg10 : memref<!tpu.dma_semaphore, #tpu.memory_space<semaphore_mem>>)
      %add3A_825 = arith.constant 25 : i32
      %add3A_826 = arith.addi %mul3A_0, %add3A_825 : i32
      %dma_start3A_827 = tpu.memref_slice %arg4[%add3A_826, %add3A_699] : memref<1024x49152xf32, #tpu.memory_space<hbm>> -> memref<1x4096xf32, #tpu.memory_space<hbm>>
      %dma_start3A_828 = arith.constant 0 : i32
      %dma_start3A_829 = tpu.memref_slice %arg7[%squeeze3A_57, %dma_start3A_828] : memref<128x4096xf32, #tpu.memory_space<vmem_shared>> -> memref<1x4096xf32, #tpu.memory_space<vmem_shared>>
      tpu.enqueue_dma source(%dma_start3A_829 : memref<1x4096xf32, #tpu.memory_space<vmem_shared>>) target(%dma_start3A_827 : memref<1x4096xf32, #tpu.memory_space<hbm>>) target_semaphore(%arg10 : memref<!tpu.dma_semaphore, #tpu.memory_space<semaphore_mem>>)
      %add3A_830 = arith.constant 26 : i32
      %add3A_831 = arith.addi %mul3A_0, %add3A_830 : i32
      %dma_start3A_832 = tpu.memref_slice %arg4[%add3A_831, %add3A_699] : memref<1024x49152xf32, #tpu.memory_space<hbm>> -> memref<1x4096xf32, #tpu.memory_space<hbm>>
      %dma_start3A_833 = arith.constant 0 : i32
      %dma_start3A_834 = tpu.memref_slice %arg7[%squeeze3A_59, %dma_start3A_833] : memref<128x4096xf32, #tpu.memory_space<vmem_shared>> -> memref<1x4096xf32, #tpu.memory_space<vmem_shared>>
      tpu.enqueue_dma source(%dma_start3A_834 : memref<1x4096xf32, #tpu.memory_space<vmem_shared>>) target(%dma_start3A_832 : memref<1x4096xf32, #tpu.memory_space<hbm>>) target_semaphore(%arg10 : memref<!tpu.dma_semaphore, #tpu.memory_space<semaphore_mem>>)
      %add3A_835 = arith.constant 27 : i32
      %add3A_836 = arith.addi %mul3A_0, %add3A_835 : i32
      %dma_start3A_837 = tpu.memref_slice %arg4[%add3A_836, %add3A_699] : memref<1024x49152xf32, #tpu.memory_space<hbm>> -> memref<1x4096xf32, #tpu.memory_space<hbm>>
      %dma_start3A_838 = arith.constant 0 : i32
      %dma_start3A_839 = tpu.memref_slice %arg7[%squeeze3A_61, %dma_start3A_838] : memref<128x4096xf32, #tpu.memory_space<vmem_shared>> -> memref<1x4096xf32, #tpu.memory_space<vmem_shared>>
      tpu.enqueue_dma source(%dma_start3A_839 : memref<1x4096xf32, #tpu.memory_space<vmem_shared>>) target(%dma_start3A_837 : memref<1x4096xf32, #tpu.memory_space<hbm>>) target_semaphore(%arg10 : memref<!tpu.dma_semaphore, #tpu.memory_space<semaphore_mem>>)
      %add3A_840 = arith.constant 28 : i32
      %add3A_841 = arith.addi %mul3A_0, %add3A_840 : i32
      %dma_start3A_842 = tpu.memref_slice %arg4[%add3A_841, %add3A_699] : memref<1024x49152xf32, #tpu.memory_space<hbm>> -> memref<1x4096xf32, #tpu.memory_space<hbm>>
      %dma_start3A_843 = arith.constant 0 : i32
      %dma_start3A_844 = tpu.memref_slice %arg7[%squeeze3A_63, %dma_start3A_843] : memref<128x4096xf32, #tpu.memory_space<vmem_shared>> -> memref<1x4096xf32, #tpu.memory_space<vmem_shared>>
      tpu.enqueue_dma source(%dma_start3A_844 : memref<1x4096xf32, #tpu.memory_space<vmem_shared>>) target(%dma_start3A_842 : memref<1x4096xf32, #tpu.memory_space<hbm>>) target_semaphore(%arg10 : memref<!tpu.dma_semaphore, #tpu.memory_space<semaphore_mem>>)
      %add3A_845 = arith.constant 29 : i32
      %add3A_846 = arith.addi %mul3A_0, %add3A_845 : i32
      %dma_start3A_847 = tpu.memref_slice %arg4[%add3A_846, %add3A_699] : memref<1024x49152xf32, #tpu.memory_space<hbm>> -> memref<1x4096xf32, #tpu.memory_space<hbm>>
      %dma_start3A_848 = arith.constant 0 : i32
      %dma_start3A_849 = tpu.memref_slice %arg7[%squeeze3A_65, %dma_start3A_848] : memref<128x4096xf32, #tpu.memory_space<vmem_shared>> -> memref<1x4096xf32, #tpu.memory_space<vmem_shared>>
      tpu.enqueue_dma source(%dma_start3A_849 : memref<1x4096xf32, #tpu.memory_space<vmem_shared>>) target(%dma_start3A_847 : memref<1x4096xf32, #tpu.memory_space<hbm>>) target_semaphore(%arg10 : memref<!tpu.dma_semaphore, #tpu.memory_space<semaphore_mem>>)
      %add3A_850 = arith.constant 30 : i32
      %add3A_851 = arith.addi %mul3A_0, %add3A_850 : i32
      %dma_start3A_852 = tpu.memref_slice %arg4[%add3A_851, %add3A_699] : memref<1024x49152xf32, #tpu.memory_space<hbm>> -> memref<1x4096xf32, #tpu.memory_space<hbm>>
      %dma_start3A_853 = arith.constant 0 : i32
      %dma_start3A_854 = tpu.memref_slice %arg7[%squeeze3A_67, %dma_start3A_853] : memref<128x4096xf32, #tpu.memory_space<vmem_shared>> -> memref<1x4096xf32, #tpu.memory_space<vmem_shared>>
      tpu.enqueue_dma source(%dma_start3A_854 : memref<1x4096xf32, #tpu.memory_space<vmem_shared>>) target(%dma_start3A_852 : memref<1x4096xf32, #tpu.memory_space<hbm>>) target_semaphore(%arg10 : memref<!tpu.dma_semaphore, #tpu.memory_space<semaphore_mem>>)
      %add3A_855 = arith.constant 31 : i32
      %add3A_856 = arith.addi %mul3A_0, %add3A_855 : i32
      %dma_start3A_857 = tpu.memref_slice %arg4[%add3A_856, %add3A_699] : memref<1024x49152xf32, #tpu.memory_space<hbm>> -> memref<1x4096xf32, #tpu.memory_space<hbm>>
      %dma_start3A_858 = arith.constant 0 : i32
      %dma_start3A_859 = tpu.memref_slice %arg7[%squeeze3A_69, %dma_start3A_858] : memref<128x4096xf32, #tpu.memory_space<vmem_shared>> -> memref<1x4096xf32, #tpu.memory_space<vmem_shared>>
      tpu.enqueue_dma source(%dma_start3A_859 : memref<1x4096xf32, #tpu.memory_space<vmem_shared>>) target(%dma_start3A_857 : memref<1x4096xf32, #tpu.memory_space<hbm>>) target_semaphore(%arg10 : memref<!tpu.dma_semaphore, #tpu.memory_space<semaphore_mem>>)
      %add3A_860 = arith.constant 32 : i32
      %add3A_861 = arith.addi %mul3A_0, %add3A_860 : i32
      %dma_start3A_862 = tpu.memref_slice %arg4[%add3A_861, %add3A_699] : memref<1024x49152xf32, #tpu.memory_space<hbm>> -> memref<1x4096xf32, #tpu.memory_space<hbm>>
      %dma_start3A_863 = arith.constant 0 : i32
      %dma_start3A_864 = tpu.memref_slice %arg7[%squeeze3A_74, %dma_start3A_863] : memref<128x4096xf32, #tpu.memory_space<vmem_shared>> -> memref<1x4096xf32, #tpu.memory_space<vmem_shared>>
      tpu.enqueue_dma source(%dma_start3A_864 : memref<1x4096xf32, #tpu.memory_space<vmem_shared>>) target(%dma_start3A_862 : memref<1x4096xf32, #tpu.memory_space<hbm>>) target_semaphore(%arg10 : memref<!tpu.dma_semaphore, #tpu.memory_space<semaphore_mem>>)
      %add3A_865 = arith.constant 33 : i32
      %add3A_866 = arith.addi %mul3A_0, %add3A_865 : i32
      %dma_start3A_867 = tpu.memref_slice %arg4[%add3A_866, %add3A_699] : memref<1024x49152xf32, #tpu.memory_space<hbm>> -> memref<1x4096xf32, #tpu.memory_space<hbm>>
      %dma_start3A_868 = arith.constant 0 : i32
      %dma_start3A_869 = tpu.memref_slice %arg7[%squeeze3A_76, %dma_start3A_868] : memref<128x4096xf32, #tpu.memory_space<vmem_shared>> -> memref<1x4096xf32, #tpu.memory_space<vmem_shared>>
      tpu.enqueue_dma source(%dma_start3A_869 : memref<1x4096xf32, #tpu.memory_space<vmem_shared>>) target(%dma_start3A_867 : memref<1x4096xf32, #tpu.memory_space<hbm>>) target_semaphore(%arg10 : memref<!tpu.dma_semaphore, #tpu.memory_space<semaphore_mem>>)
      %add3A_870 = arith.constant 34 : i32
      %add3A_871 = arith.addi %mul3A_0, %add3A_870 : i32
      %dma_start3A_872 = tpu.memref_slice %arg4[%add3A_871, %add3A_699] : memref<1024x49152xf32, #tpu.memory_space<hbm>> -> memref<1x4096xf32, #tpu.memory_space<hbm>>
      %dma_start3A_873 = arith.constant 0 : i32
      %dma_start3A_874 = tpu.memref_slice %arg7[%squeeze3A_78, %dma_start3A_873] : memref<128x4096xf32, #tpu.memory_space<vmem_shared>> -> memref<1x4096xf32, #tpu.memory_space<vmem_shared>>
      tpu.enqueue_dma source(%dma_start3A_874 : memref<1x4096xf32, #tpu.memory_space<vmem_shared>>) target(%dma_start3A_872 : memref<1x4096xf32, #tpu.memory_space<hbm>>) target_semaphore(%arg10 : memref<!tpu.dma_semaphore, #tpu.memory_space<semaphore_mem>>)
      %add3A_875 = arith.constant 35 : i32
      %add3A_876 = arith.addi %mul3A_0, %add3A_875 : i32
      %dma_start3A_877 = tpu.memref_slice %arg4[%add3A_876, %add3A_699] : memref<1024x49152xf32, #tpu.memory_space<hbm>> -> memref<1x4096xf32, #tpu.memory_space<hbm>>
      %dma_start3A_878 = arith.constant 0 : i32
      %dma_start3A_879 = tpu.memref_slice %arg7[%squeeze3A_80, %dma_start3A_878] : memref<128x4096xf32, #tpu.memory_space<vmem_shared>> -> memref<1x4096xf32, #tpu.memory_space<vmem_shared>>
      tpu.enqueue_dma source(%dma_start3A_879 : memref<1x4096xf32, #tpu.memory_space<vmem_shared>>) target(%dma_start3A_877 : memref<1x4096xf32, #tpu.memory_space<hbm>>) target_semaphore(%arg10 : memref<!tpu.dma_semaphore, #tpu.memory_space<semaphore_mem>>)
      %add3A_880 = arith.constant 36 : i32
      %add3A_881 = arith.addi %mul3A_0, %add3A_880 : i32
      %dma_start3A_882 = tpu.memref_slice %arg4[%add3A_881, %add3A_699] : memref<1024x49152xf32, #tpu.memory_space<hbm>> -> memref<1x4096xf32, #tpu.memory_space<hbm>>
      %dma_start3A_883 = arith.constant 0 : i32
      %dma_start3A_884 = tpu.memref_slice %arg7[%squeeze3A_82, %dma_start3A_883] : memref<128x4096xf32, #tpu.memory_space<vmem_shared>> -> memref<1x4096xf32, #tpu.memory_space<vmem_shared>>
      tpu.enqueue_dma source(%dma_start3A_884 : memref<1x4096xf32, #tpu.memory_space<vmem_shared>>) target(%dma_start3A_882 : memref<1x4096xf32, #tpu.memory_space<hbm>>) target_semaphore(%arg10 : memref<!tpu.dma_semaphore, #tpu.memory_space<semaphore_mem>>)
      %add3A_885 = arith.constant 37 : i32
      %add3A_886 = arith.addi %mul3A_0, %add3A_885 : i32
      %dma_start3A_887 = tpu.memref_slice %arg4[%add3A_886, %add3A_699] : memref<1024x49152xf32, #tpu.memory_space<hbm>> -> memref<1x4096xf32, #tpu.memory_space<hbm>>
      %dma_start3A_888 = arith.constant 0 : i32
      %dma_start3A_889 = tpu.memref_slice %arg7[%squeeze3A_84, %dma_start3A_888] : memref<128x4096xf32, #tpu.memory_space<vmem_shared>> -> memref<1x4096xf32, #tpu.memory_space<vmem_shared>>
      tpu.enqueue_dma source(%dma_start3A_889 : memref<1x4096xf32, #tpu.memory_space<vmem_shared>>) target(%dma_start3A_887 : memref<1x4096xf32, #tpu.memory_space<hbm>>) target_semaphore(%arg10 : memref<!tpu.dma_semaphore, #tpu.memory_space<semaphore_mem>>)
      %add3A_890 = arith.constant 38 : i32
      %add3A_891 = arith.addi %mul3A_0, %add3A_890 : i32
      %dma_start3A_892 = tpu.memref_slice %arg4[%add3A_891, %add3A_699] : memref<1024x49152xf32, #tpu.memory_space<hbm>> -> memref<1x4096xf32, #tpu.memory_space<hbm>>
      %dma_start3A_893 = arith.constant 0 : i32
      %dma_start3A_894 = tpu.memref_slice %arg7[%squeeze3A_86, %dma_start3A_893] : memref<128x4096xf32, #tpu.memory_space<vmem_shared>> -> memref<1x4096xf32, #tpu.memory_space<vmem_shared>>
      tpu.enqueue_dma source(%dma_start3A_894 : memref<1x4096xf32, #tpu.memory_space<vmem_shared>>) target(%dma_start3A_892 : memref<1x4096xf32, #tpu.memory_space<hbm>>) target_semaphore(%arg10 : memref<!tpu.dma_semaphore, #tpu.memory_space<semaphore_mem>>)
      %add3A_895 = arith.constant 39 : i32
      %add3A_896 = arith.addi %mul3A_0, %add3A_895 : i32
      %dma_start3A_897 = tpu.memref_slice %arg4[%add3A_896, %add3A_699] : memref<1024x49152xf32, #tpu.memory_space<hbm>> -> memref<1x4096xf32, #tpu.memory_space<hbm>>
      %dma_start3A_898 = arith.constant 0 : i32
      %dma_start3A_899 = tpu.memref_slice %arg7[%squeeze3A_88, %dma_start3A_898] : memref<128x4096xf32, #tpu.memory_space<vmem_shared>> -> memref<1x4096xf32, #tpu.memory_space<vmem_shared>>
      tpu.enqueue_dma source(%dma_start3A_899 : memref<1x4096xf32, #tpu.memory_space<vmem_shared>>) target(%dma_start3A_897 : memref<1x4096xf32, #tpu.memory_space<hbm>>) target_semaphore(%arg10 : memref<!tpu.dma_semaphore, #tpu.memory_space<semaphore_mem>>)
      %add3A_900 = arith.constant 40 : i32
      %add3A_901 = arith.addi %mul3A_0, %add3A_900 : i32
      %dma_start3A_902 = tpu.memref_slice %arg4[%add3A_901, %add3A_699] : memref<1024x49152xf32, #tpu.memory_space<hbm>> -> memref<1x4096xf32, #tpu.memory_space<hbm>>
      %dma_start3A_903 = arith.constant 0 : i32
      %dma_start3A_904 = tpu.memref_slice %arg7[%squeeze3A_90, %dma_start3A_903] : memref<128x4096xf32, #tpu.memory_space<vmem_shared>> -> memref<1x4096xf32, #tpu.memory_space<vmem_shared>>
      tpu.enqueue_dma source(%dma_start3A_904 : memref<1x4096xf32, #tpu.memory_space<vmem_shared>>) target(%dma_start3A_902 : memref<1x4096xf32, #tpu.memory_space<hbm>>) target_semaphore(%arg10 : memref<!tpu.dma_semaphore, #tpu.memory_space<semaphore_mem>>)
      %add3A_905 = arith.constant 41 : i32
      %add3A_906 = arith.addi %mul3A_0, %add3A_905 : i32
      %dma_start3A_907 = tpu.memref_slice %arg4[%add3A_906, %add3A_699] : memref<1024x49152xf32, #tpu.memory_space<hbm>> -> memref<1x4096xf32, #tpu.memory_space<hbm>>
      %dma_start3A_908 = arith.constant 0 : i32
      %dma_start3A_909 = tpu.memref_slice %arg7[%squeeze3A_92, %dma_start3A_908] : memref<128x4096xf32, #tpu.memory_space<vmem_shared>> -> memref<1x4096xf32, #tpu.memory_space<vmem_shared>>
      tpu.enqueue_dma source(%dma_start3A_909 : memref<1x4096xf32, #tpu.memory_space<vmem_shared>>) target(%dma_start3A_907 : memref<1x4096xf32, #tpu.memory_space<hbm>>) target_semaphore(%arg10 : memref<!tpu.dma_semaphore, #tpu.memory_space<semaphore_mem>>)
      %add3A_910 = arith.constant 42 : i32
      %add3A_911 = arith.addi %mul3A_0, %add3A_910 : i32
      %dma_start3A_912 = tpu.memref_slice %arg4[%add3A_911, %add3A_699] : memref<1024x49152xf32, #tpu.memory_space<hbm>> -> memref<1x4096xf32, #tpu.memory_space<hbm>>
      %dma_start3A_913 = arith.constant 0 : i32
      %dma_start3A_914 = tpu.memref_slice %arg7[%squeeze3A_94, %dma_start3A_913] : memref<128x4096xf32, #tpu.memory_space<vmem_shared>> -> memref<1x4096xf32, #tpu.memory_space<vmem_shared>>
      tpu.enqueue_dma source(%dma_start3A_914 : memref<1x4096xf32, #tpu.memory_space<vmem_shared>>) target(%dma_start3A_912 : memref<1x4096xf32, #tpu.memory_space<hbm>>) target_semaphore(%arg10 : memref<!tpu.dma_semaphore, #tpu.memory_space<semaphore_mem>>)
      %add3A_915 = arith.constant 43 : i32
      %add3A_916 = arith.addi %mul3A_0, %add3A_915 : i32
      %dma_start3A_917 = tpu.memref_slice %arg4[%add3A_916, %add3A_699] : memref<1024x49152xf32, #tpu.memory_space<hbm>> -> memref<1x4096xf32, #tpu.memory_space<hbm>>
      %dma_start3A_918 = arith.constant 0 : i32
      %dma_start3A_919 = tpu.memref_slice %arg7[%squeeze3A_96, %dma_start3A_918] : memref<128x4096xf32, #tpu.memory_space<vmem_shared>> -> memref<1x4096xf32, #tpu.memory_space<vmem_shared>>
      tpu.enqueue_dma source(%dma_start3A_919 : memref<1x4096xf32, #tpu.memory_space<vmem_shared>>) target(%dma_start3A_917 : memref<1x4096xf32, #tpu.memory_space<hbm>>) target_semaphore(%arg10 : memref<!tpu.dma_semaphore, #tpu.memory_space<semaphore_mem>>)
      %add3A_920 = arith.constant 44 : i32
      %add3A_921 = arith.addi %mul3A_0, %add3A_920 : i32
      %dma_start3A_922 = tpu.memref_slice %arg4[%add3A_921, %add3A_699] : memref<1024x49152xf32, #tpu.memory_space<hbm>> -> memref<1x4096xf32, #tpu.memory_space<hbm>>
      %dma_start3A_923 = arith.constant 0 : i32
      %dma_start3A_924 = tpu.memref_slice %arg7[%squeeze3A_98, %dma_start3A_923] : memref<128x4096xf32, #tpu.memory_space<vmem_shared>> -> memref<1x4096xf32, #tpu.memory_space<vmem_shared>>
      tpu.enqueue_dma source(%dma_start3A_924 : memref<1x4096xf32, #tpu.memory_space<vmem_shared>>) target(%dma_start3A_922 : memref<1x4096xf32, #tpu.memory_space<hbm>>) target_semaphore(%arg10 : memref<!tpu.dma_semaphore, #tpu.memory_space<semaphore_mem>>)
      %add3A_925 = arith.constant 45 : i32
      %add3A_926 = arith.addi %mul3A_0, %add3A_925 : i32
      %dma_start3A_927 = tpu.memref_slice %arg4[%add3A_926, %add3A_699] : memref<1024x49152xf32, #tpu.memory_space<hbm>> -> memref<1x4096xf32, #tpu.memory_space<hbm>>
      %dma_start3A_928 = arith.constant 0 : i32
      %dma_start3A_929 = tpu.memref_slice %arg7[%squeeze3A_100, %dma_start3A_928] : memref<128x4096xf32, #tpu.memory_space<vmem_shared>> -> memref<1x4096xf32, #tpu.memory_space<vmem_shared>>
      tpu.enqueue_dma source(%dma_start3A_929 : memref<1x4096xf32, #tpu.memory_space<vmem_shared>>) target(%dma_start3A_927 : memref<1x4096xf32, #tpu.memory_space<hbm>>) target_semaphore(%arg10 : memref<!tpu.dma_semaphore, #tpu.memory_space<semaphore_mem>>)
      %add3A_930 = arith.constant 46 : i32
      %add3A_931 = arith.addi %mul3A_0, %add3A_930 : i32
      %dma_start3A_932 = tpu.memref_slice %arg4[%add3A_931, %add3A_699] : memref<1024x49152xf32, #tpu.memory_space<hbm>> -> memref<1x4096xf32, #tpu.memory_space<hbm>>
      %dma_start3A_933 = arith.constant 0 : i32
      %dma_start3A_934 = tpu.memref_slice %arg7[%squeeze3A_102, %dma_start3A_933] : memref<128x4096xf32, #tpu.memory_space<vmem_shared>> -> memref<1x4096xf32, #tpu.memory_space<vmem_shared>>
      tpu.enqueue_dma source(%dma_start3A_934 : memref<1x4096xf32, #tpu.memory_space<vmem_shared>>) target(%dma_start3A_932 : memref<1x4096xf32, #tpu.memory_space<hbm>>) target_semaphore(%arg10 : memref<!tpu.dma_semaphore, #tpu.memory_space<semaphore_mem>>)
      %add3A_935 = arith.constant 47 : i32
      %add3A_936 = arith.addi %mul3A_0, %add3A_935 : i32
      %dma_start3A_937 = tpu.memref_slice %arg4[%add3A_936, %add3A_699] : memref<1024x49152xf32, #tpu.memory_space<hbm>> -> memref<1x4096xf32, #tpu.memory_space<hbm>>
      %dma_start3A_938 = arith.constant 0 : i32
      %dma_start3A_939 = tpu.memref_slice %arg7[%squeeze3A_104, %dma_start3A_938] : memref<128x4096xf32, #tpu.memory_space<vmem_shared>> -> memref<1x4096xf32, #tpu.memory_space<vmem_shared>>
      tpu.enqueue_dma source(%dma_start3A_939 : memref<1x4096xf32, #tpu.memory_space<vmem_shared>>) target(%dma_start3A_937 : memref<1x4096xf32, #tpu.memory_space<hbm>>) target_semaphore(%arg10 : memref<!tpu.dma_semaphore, #tpu.memory_space<semaphore_mem>>)
      %add3A_940 = arith.constant 48 : i32
      %add3A_941 = arith.addi %mul3A_0, %add3A_940 : i32
      %dma_start3A_942 = tpu.memref_slice %arg4[%add3A_941, %add3A_699] : memref<1024x49152xf32, #tpu.memory_space<hbm>> -> memref<1x4096xf32, #tpu.memory_space<hbm>>
      %dma_start3A_943 = arith.constant 0 : i32
      %dma_start3A_944 = tpu.memref_slice %arg7[%squeeze3A_109, %dma_start3A_943] : memref<128x4096xf32, #tpu.memory_space<vmem_shared>> -> memref<1x4096xf32, #tpu.memory_space<vmem_shared>>
      tpu.enqueue_dma source(%dma_start3A_944 : memref<1x4096xf32, #tpu.memory_space<vmem_shared>>) target(%dma_start3A_942 : memref<1x4096xf32, #tpu.memory_space<hbm>>) target_semaphore(%arg10 : memref<!tpu.dma_semaphore, #tpu.memory_space<semaphore_mem>>)
      %add3A_945 = arith.constant 49 : i32
      %add3A_946 = arith.addi %mul3A_0, %add3A_945 : i32
      %dma_start3A_947 = tpu.memref_slice %arg4[%add3A_946, %add3A_699] : memref<1024x49152xf32, #tpu.memory_space<hbm>> -> memref<1x4096xf32, #tpu.memory_space<hbm>>
      %dma_start3A_948 = arith.constant 0 : i32
      %dma_start3A_949 = tpu.memref_slice %arg7[%squeeze3A_111, %dma_start3A_948] : memref<128x4096xf32, #tpu.memory_space<vmem_shared>> -> memref<1x4096xf32, #tpu.memory_space<vmem_shared>>
      tpu.enqueue_dma source(%dma_start3A_949 : memref<1x4096xf32, #tpu.memory_space<vmem_shared>>) target(%dma_start3A_947 : memref<1x4096xf32, #tpu.memory_space<hbm>>) target_semaphore(%arg10 : memref<!tpu.dma_semaphore, #tpu.memory_space<semaphore_mem>>)
      %add3A_950 = arith.constant 50 : i32
      %add3A_951 = arith.addi %mul3A_0, %add3A_950 : i32
      %dma_start3A_952 = tpu.memref_slice %arg4[%add3A_951, %add3A_699] : memref<1024x49152xf32, #tpu.memory_space<hbm>> -> memref<1x4096xf32, #tpu.memory_space<hbm>>
      %dma_start3A_953 = arith.constant 0 : i32
      %dma_start3A_954 = tpu.memref_slice %arg7[%squeeze3A_113, %dma_start3A_953] : memref<128x4096xf32, #tpu.memory_space<vmem_shared>> -> memref<1x4096xf32, #tpu.memory_space<vmem_shared>>
      tpu.enqueue_dma source(%dma_start3A_954 : memref<1x4096xf32, #tpu.memory_space<vmem_shared>>) target(%dma_start3A_952 : memref<1x4096xf32, #tpu.memory_space<hbm>>) target_semaphore(%arg10 : memref<!tpu.dma_semaphore, #tpu.memory_space<semaphore_mem>>)
      %add3A_955 = arith.constant 51 : i32
      %add3A_956 = arith.addi %mul3A_0, %add3A_955 : i32
      %dma_start3A_957 = tpu.memref_slice %arg4[%add3A_956, %add3A_699] : memref<1024x49152xf32, #tpu.memory_space<hbm>> -> memref<1x4096xf32, #tpu.memory_space<hbm>>
      %dma_start3A_958 = arith.constant 0 : i32
      %dma_start3A_959 = tpu.memref_slice %arg7[%squeeze3A_115, %dma_start3A_958] : memref<128x4096xf32, #tpu.memory_space<vmem_shared>> -> memref<1x4096xf32, #tpu.memory_space<vmem_shared>>
      tpu.enqueue_dma source(%dma_start3A_959 : memref<1x4096xf32, #tpu.memory_space<vmem_shared>>) target(%dma_start3A_957 : memref<1x4096xf32, #tpu.memory_space<hbm>>) target_semaphore(%arg10 : memref<!tpu.dma_semaphore, #tpu.memory_space<semaphore_mem>>)
      %add3A_960 = arith.constant 52 : i32
      %add3A_961 = arith.addi %mul3A_0, %add3A_960 : i32
      %dma_start3A_962 = tpu.memref_slice %arg4[%add3A_961, %add3A_699] : memref<1024x49152xf32, #tpu.memory_space<hbm>> -> memref<1x4096xf32, #tpu.memory_space<hbm>>
      %dma_start3A_963 = arith.constant 0 : i32
      %dma_start3A_964 = tpu.memref_slice %arg7[%squeeze3A_117, %dma_start3A_963] : memref<128x4096xf32, #tpu.memory_space<vmem_shared>> -> memref<1x4096xf32, #tpu.memory_space<vmem_shared>>
      tpu.enqueue_dma source(%dma_start3A_964 : memref<1x4096xf32, #tpu.memory_space<vmem_shared>>) target(%dma_start3A_962 : memref<1x4096xf32, #tpu.memory_space<hbm>>) target_semaphore(%arg10 : memref<!tpu.dma_semaphore, #tpu.memory_space<semaphore_mem>>)
      %add3A_965 = arith.constant 53 : i32
      %add3A_966 = arith.addi %mul3A_0, %add3A_965 : i32
      %dma_start3A_967 = tpu.memref_slice %arg4[%add3A_966, %add3A_699] : memref<1024x49152xf32, #tpu.memory_space<hbm>> -> memref<1x4096xf32, #tpu.memory_space<hbm>>
      %dma_start3A_968 = arith.constant 0 : i32
      %dma_start3A_969 = tpu.memref_slice %arg7[%squeeze3A_119, %dma_start3A_968] : memref<128x4096xf32, #tpu.memory_space<vmem_shared>> -> memref<1x4096xf32, #tpu.memory_space<vmem_shared>>
      tpu.enqueue_dma source(%dma_start3A_969 : memref<1x4096xf32, #tpu.memory_space<vmem_shared>>) target(%dma_start3A_967 : memref<1x4096xf32, #tpu.memory_space<hbm>>) target_semaphore(%arg10 : memref<!tpu.dma_semaphore, #tpu.memory_space<semaphore_mem>>)
      %add3A_970 = arith.constant 54 : i32
      %add3A_971 = arith.addi %mul3A_0, %add3A_970 : i32
      %dma_start3A_972 = tpu.memref_slice %arg4[%add3A_971, %add3A_699] : memref<1024x49152xf32, #tpu.memory_space<hbm>> -> memref<1x4096xf32, #tpu.memory_space<hbm>>
      %dma_start3A_973 = arith.constant 0 : i32
      %dma_start3A_974 = tpu.memref_slice %arg7[%squeeze3A_121, %dma_start3A_973] : memref<128x4096xf32, #tpu.memory_space<vmem_shared>> -> memref<1x4096xf32, #tpu.memory_space<vmem_shared>>
      tpu.enqueue_dma source(%dma_start3A_974 : memref<1x4096xf32, #tpu.memory_space<vmem_shared>>) target(%dma_start3A_972 : memref<1x4096xf32, #tpu.memory_space<hbm>>) target_semaphore(%arg10 : memref<!tpu.dma_semaphore, #tpu.memory_space<semaphore_mem>>)
      %add3A_975 = arith.constant 55 : i32
      %add3A_976 = arith.addi %mul3A_0, %add3A_975 : i32
      %dma_start3A_977 = tpu.memref_slice %arg4[%add3A_976, %add3A_699] : memref<1024x49152xf32, #tpu.memory_space<hbm>> -> memref<1x4096xf32, #tpu.memory_space<hbm>>
      %dma_start3A_978 = arith.constant 0 : i32
      %dma_start3A_979 = tpu.memref_slice %arg7[%squeeze3A_123, %dma_start3A_978] : memref<128x4096xf32, #tpu.memory_space<vmem_shared>> -> memref<1x4096xf32, #tpu.memory_space<vmem_shared>>
      tpu.enqueue_dma source(%dma_start3A_979 : memref<1x4096xf32, #tpu.memory_space<vmem_shared>>) target(%dma_start3A_977 : memref<1x4096xf32, #tpu.memory_space<hbm>>) target_semaphore(%arg10 : memref<!tpu.dma_semaphore, #tpu.memory_space<semaphore_mem>>)
      %add3A_980 = arith.constant 56 : i32
      %add3A_981 = arith.addi %mul3A_0, %add3A_980 : i32
      %dma_start3A_982 = tpu.memref_slice %arg4[%add3A_981, %add3A_699] : memref<1024x49152xf32, #tpu.memory_space<hbm>> -> memref<1x4096xf32, #tpu.memory_space<hbm>>
      %dma_start3A_983 = arith.constant 0 : i32
      %dma_start3A_984 = tpu.memref_slice %arg7[%squeeze3A_125, %dma_start3A_983] : memref<128x4096xf32, #tpu.memory_space<vmem_shared>> -> memref<1x4096xf32, #tpu.memory_space<vmem_shared>>
      tpu.enqueue_dma source(%dma_start3A_984 : memref<1x4096xf32, #tpu.memory_space<vmem_shared>>) target(%dma_start3A_982 : memref<1x4096xf32, #tpu.memory_space<hbm>>) target_semaphore(%arg10 : memref<!tpu.dma_semaphore, #tpu.memory_space<semaphore_mem>>)
      %add3A_985 = arith.constant 57 : i32
      %add3A_986 = arith.addi %mul3A_0, %add3A_985 : i32
      %dma_start3A_987 = tpu.memref_slice %arg4[%add3A_986, %add3A_699] : memref<1024x49152xf32, #tpu.memory_space<hbm>> -> memref<1x4096xf32, #tpu.memory_space<hbm>>
      %dma_start3A_988 = arith.constant 0 : i32
      %dma_start3A_989 = tpu.memref_slice %arg7[%squeeze3A_127, %dma_start3A_988] : memref<128x4096xf32, #tpu.memory_space<vmem_shared>> -> memref<1x4096xf32, #tpu.memory_space<vmem_shared>>
      tpu.enqueue_dma source(%dma_start3A_989 : memref<1x4096xf32, #tpu.memory_space<vmem_shared>>) target(%dma_start3A_987 : memref<1x4096xf32, #tpu.memory_space<hbm>>) target_semaphore(%arg10 : memref<!tpu.dma_semaphore, #tpu.memory_space<semaphore_mem>>)
      %add3A_990 = arith.constant 58 : i32
      %add3A_991 = arith.addi %mul3A_0, %add3A_990 : i32
      %dma_start3A_992 = tpu.memref_slice %arg4[%add3A_991, %add3A_699] : memref<1024x49152xf32, #tpu.memory_space<hbm>> -> memref<1x4096xf32, #tpu.memory_space<hbm>>
      %dma_start3A_993 = arith.constant 0 : i32
      %dma_start3A_994 = tpu.memref_slice %arg7[%squeeze3A_129, %dma_start3A_993] : memref<128x4096xf32, #tpu.memory_space<vmem_shared>> -> memref<1x4096xf32, #tpu.memory_space<vmem_shared>>
      tpu.enqueue_dma source(%dma_start3A_994 : memref<1x4096xf32, #tpu.memory_space<vmem_shared>>) target(%dma_start3A_992 : memref<1x4096xf32, #tpu.memory_space<hbm>>) target_semaphore(%arg10 : memref<!tpu.dma_semaphore, #tpu.memory_space<semaphore_mem>>)
      %add3A_995 = arith.constant 59 : i32
      %add3A_996 = arith.addi %mul3A_0, %add3A_995 : i32
      %dma_start3A_997 = tpu.memref_slice %arg4[%add3A_996, %add3A_699] : memref<1024x49152xf32, #tpu.memory_space<hbm>> -> memref<1x4096xf32, #tpu.memory_space<hbm>>
      %dma_start3A_998 = arith.constant 0 : i32
      %dma_start3A_999 = tpu.memref_slice %arg7[%squeeze3A_131, %dma_start3A_998] : memref<128x4096xf32, #tpu.memory_space<vmem_shared>> -> memref<1x4096xf32, #tpu.memory_space<vmem_shared>>
      tpu.enqueue_dma source(%dma_start3A_999 : memref<1x4096xf32, #tpu.memory_space<vmem_shared>>) target(%dma_start3A_997 : memref<1x4096xf32, #tpu.memory_space<hbm>>) target_semaphore(%arg10 : memref<!tpu.dma_semaphore, #tpu.memory_space<semaphore_mem>>)
      %add3A_1000 = arith.constant 60 : i32
      %add3A_1001 = arith.addi %mul3A_0, %add3A_1000 : i32
      %dma_start3A_1002 = tpu.memref_slice %arg4[%add3A_1001, %add3A_699] : memref<1024x49152xf32, #tpu.memory_space<hbm>> -> memref<1x4096xf32, #tpu.memory_space<hbm>>
      %dma_start3A_1003 = arith.constant 0 : i32
      %dma_start3A_1004 = tpu.memref_slice %arg7[%squeeze3A_133, %dma_start3A_1003] : memref<128x4096xf32, #tpu.memory_space<vmem_shared>> -> memref<1x4096xf32, #tpu.memory_space<vmem_shared>>
      tpu.enqueue_dma source(%dma_start3A_1004 : memref<1x4096xf32, #tpu.memory_space<vmem_shared>>) target(%dma_start3A_1002 : memref<1x4096xf32, #tpu.memory_space<hbm>>) target_semaphore(%arg10 : memref<!tpu.dma_semaphore, #tpu.memory_space<semaphore_mem>>)
      %add3A_1005 = arith.constant 61 : i32
      %add3A_1006 = arith.addi %mul3A_0, %add3A_1005 : i32
      %dma_start3A_1007 = tpu.memref_slice %arg4[%add3A_1006, %add3A_699] : memref<1024x49152xf32, #tpu.memory_space<hbm>> -> memref<1x4096xf32, #tpu.memory_space<hbm>>
      %dma_start3A_1008 = arith.constant 0 : i32
      %dma_start3A_1009 = tpu.memref_slice %arg7[%squeeze3A_135, %dma_start3A_1008] : memref<128x4096xf32, #tpu.memory_space<vmem_shared>> -> memref<1x4096xf32, #tpu.memory_space<vmem_shared>>
      tpu.enqueue_dma source(%dma_start3A_1009 : memref<1x4096xf32, #tpu.memory_space<vmem_shared>>) target(%dma_start3A_1007 : memref<1x4096xf32, #tpu.memory_space<hbm>>) target_semaphore(%arg10 : memref<!tpu.dma_semaphore, #tpu.memory_space<semaphore_mem>>)
      %add3A_1010 = arith.constant 62 : i32
      %add3A_1011 = arith.addi %mul3A_0, %add3A_1010 : i32
      %dma_start3A_1012 = tpu.memref_slice %arg4[%add3A_1011, %add3A_699] : memref<1024x49152xf32, #tpu.memory_space<hbm>> -> memref<1x4096xf32, #tpu.memory_space<hbm>>
      %dma_start3A_1013 = arith.constant 0 : i32
      %dma_start3A_1014 = tpu.memref_slice %arg7[%squeeze3A_137, %dma_start3A_1013] : memref<128x4096xf32, #tpu.memory_space<vmem_shared>> -> memref<1x4096xf32, #tpu.memory_space<vmem_shared>>
      tpu.enqueue_dma source(%dma_start3A_1014 : memref<1x4096xf32, #tpu.memory_space<vmem_shared>>) target(%dma_start3A_1012 : memref<1x4096xf32, #tpu.memory_space<hbm>>) target_semaphore(%arg10 : memref<!tpu.dma_semaphore, #tpu.memory_space<semaphore_mem>>)
      %add3A_1015 = arith.constant 63 : i32
      %add3A_1016 = arith.addi %mul3A_0, %add3A_1015 : i32
      %dma_start3A_1017 = tpu.memref_slice %arg4[%add3A_1016, %add3A_699] : memref<1024x49152xf32, #tpu.memory_space<hbm>> -> memref<1x4096xf32, #tpu.memory_space<hbm>>
      %dma_start3A_1018 = arith.constant 0 : i32
      %dma_start3A_1019 = tpu.memref_slice %arg7[%squeeze3A_139, %dma_start3A_1018] : memref<128x4096xf32, #tpu.memory_space<vmem_shared>> -> memref<1x4096xf32, #tpu.memory_space<vmem_shared>>
      tpu.enqueue_dma source(%dma_start3A_1019 : memref<1x4096xf32, #tpu.memory_space<vmem_shared>>) target(%dma_start3A_1017 : memref<1x4096xf32, #tpu.memory_space<hbm>>) target_semaphore(%arg10 : memref<!tpu.dma_semaphore, #tpu.memory_space<semaphore_mem>>)
      %dma_wait3A_1020 = tpu.memref_slice %arg4[%add3A_701, %add3A_699] : memref<1024x49152xf32, #tpu.memory_space<hbm>> -> memref<1x4096xf32, #tpu.memory_space<hbm>>
      %dma_wait3A_1021 = arith.constant 0 : i32
      %dma_wait3A_1022 = tpu.memref_slice %arg7[%squeeze3A, %dma_wait3A_1021] : memref<128x4096xf32, #tpu.memory_space<vmem_shared>> -> memref<1x4096xf32, #tpu.memory_space<vmem_shared>>
      tpu.wait_dma2 semaphore(%arg10 : memref<!tpu.dma_semaphore, #tpu.memory_space<semaphore_mem>>) src(%dma_wait3A_1022 : memref<1x4096xf32, #tpu.memory_space<vmem_shared>>) dst(%dma_wait3A_1020 : memref<1x4096xf32, #tpu.memory_space<hbm>>)
      %dma_wait3A_1023 = tpu.memref_slice %arg4[%add3A_706, %add3A_699] : memref<1024x49152xf32, #tpu.memory_space<hbm>> -> memref<1x4096xf32, #tpu.memory_space<hbm>>
      %dma_wait3A_1024 = arith.constant 0 : i32
      %dma_wait3A_1025 = tpu.memref_slice %arg7[%squeeze3A_6, %dma_wait3A_1024] : memref<128x4096xf32, #tpu.memory_space<vmem_shared>> -> memref<1x4096xf32, #tpu.memory_space<vmem_shared>>
      tpu.wait_dma2 semaphore(%arg10 : memref<!tpu.dma_semaphore, #tpu.memory_space<semaphore_mem>>) src(%dma_wait3A_1025 : memref<1x4096xf32, #tpu.memory_space<vmem_shared>>) dst(%dma_wait3A_1023 : memref<1x4096xf32, #tpu.memory_space<hbm>>)
      %dma_wait3A_1026 = tpu.memref_slice %arg4[%add3A_711, %add3A_699] : memref<1024x49152xf32, #tpu.memory_space<hbm>> -> memref<1x4096xf32, #tpu.memory_space<hbm>>
      %dma_wait3A_1027 = arith.constant 0 : i32
      %dma_wait3A_1028 = tpu.memref_slice %arg7[%squeeze3A_8, %dma_wait3A_1027] : memref<128x4096xf32, #tpu.memory_space<vmem_shared>> -> memref<1x4096xf32, #tpu.memory_space<vmem_shared>>
      tpu.wait_dma2 semaphore(%arg10 : memref<!tpu.dma_semaphore, #tpu.memory_space<semaphore_mem>>) src(%dma_wait3A_1028 : memref<1x4096xf32, #tpu.memory_space<vmem_shared>>) dst(%dma_wait3A_1026 : memref<1x4096xf32, #tpu.memory_space<hbm>>)
      %dma_wait3A_1029 = tpu.memref_slice %arg4[%add3A_716, %add3A_699] : memref<1024x49152xf32, #tpu.memory_space<hbm>> -> memref<1x4096xf32, #tpu.memory_space<hbm>>
      %dma_wait3A_1030 = arith.constant 0 : i32
      %dma_wait3A_1031 = tpu.memref_slice %arg7[%squeeze3A_10, %dma_wait3A_1030] : memref<128x4096xf32, #tpu.memory_space<vmem_shared>> -> memref<1x4096xf32, #tpu.memory_space<vmem_shared>>
      tpu.wait_dma2 semaphore(%arg10 : memref<!tpu.dma_semaphore, #tpu.memory_space<semaphore_mem>>) src(%dma_wait3A_1031 : memref<1x4096xf32, #tpu.memory_space<vmem_shared>>) dst(%dma_wait3A_1029 : memref<1x4096xf32, #tpu.memory_space<hbm>>)
      %dma_wait3A_1032 = tpu.memref_slice %arg4[%add3A_721, %add3A_699] : memref<1024x49152xf32, #tpu.memory_space<hbm>> -> memref<1x4096xf32, #tpu.memory_space<hbm>>
      %dma_wait3A_1033 = arith.constant 0 : i32
      %dma_wait3A_1034 = tpu.memref_slice %arg7[%squeeze3A_12, %dma_wait3A_1033] : memref<128x4096xf32, #tpu.memory_space<vmem_shared>> -> memref<1x4096xf32, #tpu.memory_space<vmem_shared>>
      tpu.wait_dma2 semaphore(%arg10 : memref<!tpu.dma_semaphore, #tpu.memory_space<semaphore_mem>>) src(%dma_wait3A_1034 : memref<1x4096xf32, #tpu.memory_space<vmem_shared>>) dst(%dma_wait3A_1032 : memref<1x4096xf32, #tpu.memory_space<hbm>>)
      %dma_wait3A_1035 = tpu.memref_slice %arg4[%add3A_726, %add3A_699] : memref<1024x49152xf32, #tpu.memory_space<hbm>> -> memref<1x4096xf32, #tpu.memory_space<hbm>>
      %dma_wait3A_1036 = arith.constant 0 : i32
      %dma_wait3A_1037 = tpu.memref_slice %arg7[%squeeze3A_14, %dma_wait3A_1036] : memref<128x4096xf32, #tpu.memory_space<vmem_shared>> -> memref<1x4096xf32, #tpu.memory_space<vmem_shared>>
      tpu.wait_dma2 semaphore(%arg10 : memref<!tpu.dma_semaphore, #tpu.memory_space<semaphore_mem>>) src(%dma_wait3A_1037 : memref<1x4096xf32, #tpu.memory_space<vmem_shared>>) dst(%dma_wait3A_1035 : memref<1x4096xf32, #tpu.memory_space<hbm>>)
      %dma_wait3A_1038 = tpu.memref_slice %arg4[%add3A_731, %add3A_699] : memref<1024x49152xf32, #tpu.memory_space<hbm>> -> memref<1x4096xf32, #tpu.memory_space<hbm>>
      %dma_wait3A_1039 = arith.constant 0 : i32
      %dma_wait3A_1040 = tpu.memref_slice %arg7[%squeeze3A_16, %dma_wait3A_1039] : memref<128x4096xf32, #tpu.memory_space<vmem_shared>> -> memref<1x4096xf32, #tpu.memory_space<vmem_shared>>
      tpu.wait_dma2 semaphore(%arg10 : memref<!tpu.dma_semaphore, #tpu.memory_space<semaphore_mem>>) src(%dma_wait3A_1040 : memref<1x4096xf32, #tpu.memory_space<vmem_shared>>) dst(%dma_wait3A_1038 : memref<1x4096xf32, #tpu.memory_space<hbm>>)
      %dma_wait3A_1041 = tpu.memref_slice %arg4[%add3A_736, %add3A_699] : memref<1024x49152xf32, #tpu.memory_space<hbm>> -> memref<1x4096xf32, #tpu.memory_space<hbm>>
      %dma_wait3A_1042 = arith.constant 0 : i32
      %dma_wait3A_1043 = tpu.memref_slice %arg7[%squeeze3A_18, %dma_wait3A_1042] : memref<128x4096xf32, #tpu.memory_space<vmem_shared>> -> memref<1x4096xf32, #tpu.memory_space<vmem_shared>>
      tpu.wait_dma2 semaphore(%arg10 : memref<!tpu.dma_semaphore, #tpu.memory_space<semaphore_mem>>) src(%dma_wait3A_1043 : memref<1x4096xf32, #tpu.memory_space<vmem_shared>>) dst(%dma_wait3A_1041 : memref<1x4096xf32, #tpu.memory_space<hbm>>)
      %dma_wait3A_1044 = tpu.memref_slice %arg4[%add3A_741, %add3A_699] : memref<1024x49152xf32, #tpu.memory_space<hbm>> -> memref<1x4096xf32, #tpu.memory_space<hbm>>
      %dma_wait3A_1045 = arith.constant 0 : i32
      %dma_wait3A_1046 = tpu.memref_slice %arg7[%squeeze3A_20, %dma_wait3A_1045] : memref<128x4096xf32, #tpu.memory_space<vmem_shared>> -> memref<1x4096xf32, #tpu.memory_space<vmem_shared>>
      tpu.wait_dma2 semaphore(%arg10 : memref<!tpu.dma_semaphore, #tpu.memory_space<semaphore_mem>>) src(%dma_wait3A_1046 : memref<1x4096xf32, #tpu.memory_space<vmem_shared>>) dst(%dma_wait3A_1044 : memref<1x4096xf32, #tpu.memory_space<hbm>>)
      %dma_wait3A_1047 = tpu.memref_slice %arg4[%add3A_746, %add3A_699] : memref<1024x49152xf32, #tpu.memory_space<hbm>> -> memref<1x4096xf32, #tpu.memory_space<hbm>>
      %dma_wait3A_1048 = arith.constant 0 : i32
      %dma_wait3A_1049 = tpu.memref_slice %arg7[%squeeze3A_22, %dma_wait3A_1048] : memref<128x4096xf32, #tpu.memory_space<vmem_shared>> -> memref<1x4096xf32, #tpu.memory_space<vmem_shared>>
      tpu.wait_dma2 semaphore(%arg10 : memref<!tpu.dma_semaphore, #tpu.memory_space<semaphore_mem>>) src(%dma_wait3A_1049 : memref<1x4096xf32, #tpu.memory_space<vmem_shared>>) dst(%dma_wait3A_1047 : memref<1x4096xf32, #tpu.memory_space<hbm>>)
      %dma_wait3A_1050 = tpu.memref_slice %arg4[%add3A_751, %add3A_699] : memref<1024x49152xf32, #tpu.memory_space<hbm>> -> memref<1x4096xf32, #tpu.memory_space<hbm>>
      %dma_wait3A_1051 = arith.constant 0 : i32
      %dma_wait3A_1052 = tpu.memref_slice %arg7[%squeeze3A_24, %dma_wait3A_1051] : memref<128x4096xf32, #tpu.memory_space<vmem_shared>> -> memref<1x4096xf32, #tpu.memory_space<vmem_shared>>
      tpu.wait_dma2 semaphore(%arg10 : memref<!tpu.dma_semaphore, #tpu.memory_space<semaphore_mem>>) src(%dma_wait3A_1052 : memref<1x4096xf32, #tpu.memory_space<vmem_shared>>) dst(%dma_wait3A_1050 : memref<1x4096xf32, #tpu.memory_space<hbm>>)
      %dma_wait3A_1053 = tpu.memref_slice %arg4[%add3A_756, %add3A_699] : memref<1024x49152xf32, #tpu.memory_space<hbm>> -> memref<1x4096xf32, #tpu.memory_space<hbm>>
      %dma_wait3A_1054 = arith.constant 0 : i32
      %dma_wait3A_1055 = tpu.memref_slice %arg7[%squeeze3A_26, %dma_wait3A_1054] : memref<128x4096xf32, #tpu.memory_space<vmem_shared>> -> memref<1x4096xf32, #tpu.memory_space<vmem_shared>>
      tpu.wait_dma2 semaphore(%arg10 : memref<!tpu.dma_semaphore, #tpu.memory_space<semaphore_mem>>) src(%dma_wait3A_1055 : memref<1x4096xf32, #tpu.memory_space<vmem_shared>>) dst(%dma_wait3A_1053 : memref<1x4096xf32, #tpu.memory_space<hbm>>)
      %dma_wait3A_1056 = tpu.memref_slice %arg4[%add3A_761, %add3A_699] : memref<1024x49152xf32, #tpu.memory_space<hbm>> -> memref<1x4096xf32, #tpu.memory_space<hbm>>
      %dma_wait3A_1057 = arith.constant 0 : i32
      %dma_wait3A_1058 = tpu.memref_slice %arg7[%squeeze3A_28, %dma_wait3A_1057] : memref<128x4096xf32, #tpu.memory_space<vmem_shared>> -> memref<1x4096xf32, #tpu.memory_space<vmem_shared>>
      tpu.wait_dma2 semaphore(%arg10 : memref<!tpu.dma_semaphore, #tpu.memory_space<semaphore_mem>>) src(%dma_wait3A_1058 : memref<1x4096xf32, #tpu.memory_space<vmem_shared>>) dst(%dma_wait3A_1056 : memref<1x4096xf32, #tpu.memory_space<hbm>>)
      %dma_wait3A_1059 = tpu.memref_slice %arg4[%add3A_766, %add3A_699] : memref<1024x49152xf32, #tpu.memory_space<hbm>> -> memref<1x4096xf32, #tpu.memory_space<hbm>>
      %dma_wait3A_1060 = arith.constant 0 : i32
      %dma_wait3A_1061 = tpu.memref_slice %arg7[%squeeze3A_30, %dma_wait3A_1060] : memref<128x4096xf32, #tpu.memory_space<vmem_shared>> -> memref<1x4096xf32, #tpu.memory_space<vmem_shared>>
      tpu.wait_dma2 semaphore(%arg10 : memref<!tpu.dma_semaphore, #tpu.memory_space<semaphore_mem>>) src(%dma_wait3A_1061 : memref<1x4096xf32, #tpu.memory_space<vmem_shared>>) dst(%dma_wait3A_1059 : memref<1x4096xf32, #tpu.memory_space<hbm>>)
      %dma_wait3A_1062 = tpu.memref_slice %arg4[%add3A_771, %add3A_699] : memref<1024x49152xf32, #tpu.memory_space<hbm>> -> memref<1x4096xf32, #tpu.memory_space<hbm>>
      %dma_wait3A_1063 = arith.constant 0 : i32
      %dma_wait3A_1064 = tpu.memref_slice %arg7[%squeeze3A_32, %dma_wait3A_1063] : memref<128x4096xf32, #tpu.memory_space<vmem_shared>> -> memref<1x4096xf32, #tpu.memory_space<vmem_shared>>
      tpu.wait_dma2 semaphore(%arg10 : memref<!tpu.dma_semaphore, #tpu.memory_space<semaphore_mem>>) src(%dma_wait3A_1064 : memref<1x4096xf32, #tpu.memory_space<vmem_shared>>) dst(%dma_wait3A_1062 : memref<1x4096xf32, #tpu.memory_space<hbm>>)
      %dma_wait3A_1065 = tpu.memref_slice %arg4[%add3A_776, %add3A_699] : memref<1024x49152xf32, #tpu.memory_space<hbm>> -> memref<1x4096xf32, #tpu.memory_space<hbm>>
      %dma_wait3A_1066 = arith.constant 0 : i32
      %dma_wait3A_1067 = tpu.memref_slice %arg7[%squeeze3A_34, %dma_wait3A_1066] : memref<128x4096xf32, #tpu.memory_space<vmem_shared>> -> memref<1x4096xf32, #tpu.memory_space<vmem_shared>>
      tpu.wait_dma2 semaphore(%arg10 : memref<!tpu.dma_semaphore, #tpu.memory_space<semaphore_mem>>) src(%dma_wait3A_1067 : memref<1x4096xf32, #tpu.memory_space<vmem_shared>>) dst(%dma_wait3A_1065 : memref<1x4096xf32, #tpu.memory_space<hbm>>)
      %dma_wait3A_1068 = tpu.memref_slice %arg4[%add3A_781, %add3A_699] : memref<1024x49152xf32, #tpu.memory_space<hbm>> -> memref<1x4096xf32, #tpu.memory_space<hbm>>
      %dma_wait3A_1069 = arith.constant 0 : i32
      %dma_wait3A_1070 = tpu.memref_slice %arg7[%squeeze3A_39, %dma_wait3A_1069] : memref<128x4096xf32, #tpu.memory_space<vmem_shared>> -> memref<1x4096xf32, #tpu.memory_space<vmem_shared>>
      tpu.wait_dma2 semaphore(%arg10 : memref<!tpu.dma_semaphore, #tpu.memory_space<semaphore_mem>>) src(%dma_wait3A_1070 : memref<1x4096xf32, #tpu.memory_space<vmem_shared>>) dst(%dma_wait3A_1068 : memref<1x4096xf32, #tpu.memory_space<hbm>>)
      %dma_wait3A_1071 = tpu.memref_slice %arg4[%add3A_786, %add3A_699] : memref<1024x49152xf32, #tpu.memory_space<hbm>> -> memref<1x4096xf32, #tpu.memory_space<hbm>>
      %dma_wait3A_1072 = arith.constant 0 : i32
      %dma_wait3A_1073 = tpu.memref_slice %arg7[%squeeze3A_41, %dma_wait3A_1072] : memref<128x4096xf32, #tpu.memory_space<vmem_shared>> -> memref<1x4096xf32, #tpu.memory_space<vmem_shared>>
      tpu.wait_dma2 semaphore(%arg10 : memref<!tpu.dma_semaphore, #tpu.memory_space<semaphore_mem>>) src(%dma_wait3A_1073 : memref<1x4096xf32, #tpu.memory_space<vmem_shared>>) dst(%dma_wait3A_1071 : memref<1x4096xf32, #tpu.memory_space<hbm>>)
      %dma_wait3A_1074 = tpu.memref_slice %arg4[%add3A_791, %add3A_699] : memref<1024x49152xf32, #tpu.memory_space<hbm>> -> memref<1x4096xf32, #tpu.memory_space<hbm>>
      %dma_wait3A_1075 = arith.constant 0 : i32
      %dma_wait3A_1076 = tpu.memref_slice %arg7[%squeeze3A_43, %dma_wait3A_1075] : memref<128x4096xf32, #tpu.memory_space<vmem_shared>> -> memref<1x4096xf32, #tpu.memory_space<vmem_shared>>
      tpu.wait_dma2 semaphore(%arg10 : memref<!tpu.dma_semaphore, #tpu.memory_space<semaphore_mem>>) src(%dma_wait3A_1076 : memref<1x4096xf32, #tpu.memory_space<vmem_shared>>) dst(%dma_wait3A_1074 : memref<1x4096xf32, #tpu.memory_space<hbm>>)
      %dma_wait3A_1077 = tpu.memref_slice %arg4[%add3A_796, %add3A_699] : memref<1024x49152xf32, #tpu.memory_space<hbm>> -> memref<1x4096xf32, #tpu.memory_space<hbm>>
      %dma_wait3A_1078 = arith.constant 0 : i32
      %dma_wait3A_1079 = tpu.memref_slice %arg7[%squeeze3A_45, %dma_wait3A_1078] : memref<128x4096xf32, #tpu.memory_space<vmem_shared>> -> memref<1x4096xf32, #tpu.memory_space<vmem_shared>>
      tpu.wait_dma2 semaphore(%arg10 : memref<!tpu.dma_semaphore, #tpu.memory_space<semaphore_mem>>) src(%dma_wait3A_1079 : memref<1x4096xf32, #tpu.memory_space<vmem_shared>>) dst(%dma_wait3A_1077 : memref<1x4096xf32, #tpu.memory_space<hbm>>)
      %dma_wait3A_1080 = tpu.memref_slice %arg4[%add3A_801, %add3A_699] : memref<1024x49152xf32, #tpu.memory_space<hbm>> -> memref<1x4096xf32, #tpu.memory_space<hbm>>
      %dma_wait3A_1081 = arith.constant 0 : i32
      %dma_wait3A_1082 = tpu.memref_slice %arg7[%squeeze3A_47, %dma_wait3A_1081] : memref<128x4096xf32, #tpu.memory_space<vmem_shared>> -> memref<1x4096xf32, #tpu.memory_space<vmem_shared>>
      tpu.wait_dma2 semaphore(%arg10 : memref<!tpu.dma_semaphore, #tpu.memory_space<semaphore_mem>>) src(%dma_wait3A_1082 : memref<1x4096xf32, #tpu.memory_space<vmem_shared>>) dst(%dma_wait3A_1080 : memref<1x4096xf32, #tpu.memory_space<hbm>>)
      %dma_wait3A_1083 = tpu.memref_slice %arg4[%add3A_806, %add3A_699] : memref<1024x49152xf32, #tpu.memory_space<hbm>> -> memref<1x4096xf32, #tpu.memory_space<hbm>>
      %dma_wait3A_1084 = arith.constant 0 : i32
      %dma_wait3A_1085 = tpu.memref_slice %arg7[%squeeze3A_49, %dma_wait3A_1084] : memref<128x4096xf32, #tpu.memory_space<vmem_shared>> -> memref<1x4096xf32, #tpu.memory_space<vmem_shared>>
      tpu.wait_dma2 semaphore(%arg10 : memref<!tpu.dma_semaphore, #tpu.memory_space<semaphore_mem>>) src(%dma_wait3A_1085 : memref<1x4096xf32, #tpu.memory_space<vmem_shared>>) dst(%dma_wait3A_1083 : memref<1x4096xf32, #tpu.memory_space<hbm>>)
      %dma_wait3A_1086 = tpu.memref_slice %arg4[%add3A_811, %add3A_699] : memref<1024x49152xf32, #tpu.memory_space<hbm>> -> memref<1x4096xf32, #tpu.memory_space<hbm>>
      %dma_wait3A_1087 = arith.constant 0 : i32
      %dma_wait3A_1088 = tpu.memref_slice %arg7[%squeeze3A_51, %dma_wait3A_1087] : memref<128x4096xf32, #tpu.memory_space<vmem_shared>> -> memref<1x4096xf32, #tpu.memory_space<vmem_shared>>
      tpu.wait_dma2 semaphore(%arg10 : memref<!tpu.dma_semaphore, #tpu.memory_space<semaphore_mem>>) src(%dma_wait3A_1088 : memref<1x4096xf32, #tpu.memory_space<vmem_shared>>) dst(%dma_wait3A_1086 : memref<1x4096xf32, #tpu.memory_space<hbm>>)
      %dma_wait3A_1089 = tpu.memref_slice %arg4[%add3A_816, %add3A_699] : memref<1024x49152xf32, #tpu.memory_space<hbm>> -> memref<1x4096xf32, #tpu.memory_space<hbm>>
      %dma_wait3A_1090 = arith.constant 0 : i32
      %dma_wait3A_1091 = tpu.memref_slice %arg7[%squeeze3A_53, %dma_wait3A_1090] : memref<128x4096xf32, #tpu.memory_space<vmem_shared>> -> memref<1x4096xf32, #tpu.memory_space<vmem_shared>>
      tpu.wait_dma2 semaphore(%arg10 : memref<!tpu.dma_semaphore, #tpu.memory_space<semaphore_mem>>) src(%dma_wait3A_1091 : memref<1x4096xf32, #tpu.memory_space<vmem_shared>>) dst(%dma_wait3A_1089 : memref<1x4096xf32, #tpu.memory_space<hbm>>)
      %dma_wait3A_1092 = tpu.memref_slice %arg4[%add3A_821, %add3A_699] : memref<1024x49152xf32, #tpu.memory_space<hbm>> -> memref<1x4096xf32, #tpu.memory_space<hbm>>
      %dma_wait3A_1093 = arith.constant 0 : i32
      %dma_wait3A_1094 = tpu.memref_slice %arg7[%squeeze3A_55, %dma_wait3A_1093] : memref<128x4096xf32, #tpu.memory_space<vmem_shared>> -> memref<1x4096xf32, #tpu.memory_space<vmem_shared>>
      tpu.wait_dma2 semaphore(%arg10 : memref<!tpu.dma_semaphore, #tpu.memory_space<semaphore_mem>>) src(%dma_wait3A_1094 : memref<1x4096xf32, #tpu.memory_space<vmem_shared>>) dst(%dma_wait3A_1092 : memref<1x4096xf32, #tpu.memory_space<hbm>>)
      %dma_wait3A_1095 = tpu.memref_slice %arg4[%add3A_826, %add3A_699] : memref<1024x49152xf32, #tpu.memory_space<hbm>> -> memref<1x4096xf32, #tpu.memory_space<hbm>>
      %dma_wait3A_1096 = arith.constant 0 : i32
      %dma_wait3A_1097 = tpu.memref_slice %arg7[%squeeze3A_57, %dma_wait3A_1096] : memref<128x4096xf32, #tpu.memory_space<vmem_shared>> -> memref<1x4096xf32, #tpu.memory_space<vmem_shared>>
      tpu.wait_dma2 semaphore(%arg10 : memref<!tpu.dma_semaphore, #tpu.memory_space<semaphore_mem>>) src(%dma_wait3A_1097 : memref<1x4096xf32, #tpu.memory_space<vmem_shared>>) dst(%dma_wait3A_1095 : memref<1x4096xf32, #tpu.memory_space<hbm>>)
      %dma_wait3A_1098 = tpu.memref_slice %arg4[%add3A_831, %add3A_699] : memref<1024x49152xf32, #tpu.memory_space<hbm>> -> memref<1x4096xf32, #tpu.memory_space<hbm>>
      %dma_wait3A_1099 = arith.constant 0 : i32
      %dma_wait3A_1100 = tpu.memref_slice %arg7[%squeeze3A_59, %dma_wait3A_1099] : memref<128x4096xf32, #tpu.memory_space<vmem_shared>> -> memref<1x4096xf32, #tpu.memory_space<vmem_shared>>
      tpu.wait_dma2 semaphore(%arg10 : memref<!tpu.dma_semaphore, #tpu.memory_space<semaphore_mem>>) src(%dma_wait3A_1100 : memref<1x4096xf32, #tpu.memory_space<vmem_shared>>) dst(%dma_wait3A_1098 : memref<1x4096xf32, #tpu.memory_space<hbm>>)
      %dma_wait3A_1101 = tpu.memref_slice %arg4[%add3A_836, %add3A_699] : memref<1024x49152xf32, #tpu.memory_space<hbm>> -> memref<1x4096xf32, #tpu.memory_space<hbm>>
      %dma_wait3A_1102 = arith.constant 0 : i32
      %dma_wait3A_1103 = tpu.memref_slice %arg7[%squeeze3A_61, %dma_wait3A_1102] : memref<128x4096xf32, #tpu.memory_space<vmem_shared>> -> memref<1x4096xf32, #tpu.memory_space<vmem_shared>>
      tpu.wait_dma2 semaphore(%arg10 : memref<!tpu.dma_semaphore, #tpu.memory_space<semaphore_mem>>) src(%dma_wait3A_1103 : memref<1x4096xf32, #tpu.memory_space<vmem_shared>>) dst(%dma_wait3A_1101 : memref<1x4096xf32, #tpu.memory_space<hbm>>)
      %dma_wait3A_1104 = tpu.memref_slice %arg4[%add3A_841, %add3A_699] : memref<1024x49152xf32, #tpu.memory_space<hbm>> -> memref<1x4096xf32, #tpu.memory_space<hbm>>
      %dma_wait3A_1105 = arith.constant 0 : i32
      %dma_wait3A_1106 = tpu.memref_slice %arg7[%squeeze3A_63, %dma_wait3A_1105] : memref<128x4096xf32, #tpu.memory_space<vmem_shared>> -> memref<1x4096xf32, #tpu.memory_space<vmem_shared>>
      tpu.wait_dma2 semaphore(%arg10 : memref<!tpu.dma_semaphore, #tpu.memory_space<semaphore_mem>>) src(%dma_wait3A_1106 : memref<1x4096xf32, #tpu.memory_space<vmem_shared>>) dst(%dma_wait3A_1104 : memref<1x4096xf32, #tpu.memory_space<hbm>>)
      %dma_wait3A_1107 = tpu.memref_slice %arg4[%add3A_846, %add3A_699] : memref<1024x49152xf32, #tpu.memory_space<hbm>> -> memref<1x4096xf32, #tpu.memory_space<hbm>>
      %dma_wait3A_1108 = arith.constant 0 : i32
      %dma_wait3A_1109 = tpu.memref_slice %arg7[%squeeze3A_65, %dma_wait3A_1108] : memref<128x4096xf32, #tpu.memory_space<vmem_shared>> -> memref<1x4096xf32, #tpu.memory_space<vmem_shared>>
      tpu.wait_dma2 semaphore(%arg10 : memref<!tpu.dma_semaphore, #tpu.memory_space<semaphore_mem>>) src(%dma_wait3A_1109 : memref<1x4096xf32, #tpu.memory_space<vmem_shared>>) dst(%dma_wait3A_1107 : memref<1x4096xf32, #tpu.memory_space<hbm>>)
      %dma_wait3A_1110 = tpu.memref_slice %arg4[%add3A_851, %add3A_699] : memref<1024x49152xf32, #tpu.memory_space<hbm>> -> memref<1x4096xf32, #tpu.memory_space<hbm>>
      %dma_wait3A_1111 = arith.constant 0 : i32
      %dma_wait3A_1112 = tpu.memref_slice %arg7[%squeeze3A_67, %dma_wait3A_1111] : memref<128x4096xf32, #tpu.memory_space<vmem_shared>> -> memref<1x4096xf32, #tpu.memory_space<vmem_shared>>
      tpu.wait_dma2 semaphore(%arg10 : memref<!tpu.dma_semaphore, #tpu.memory_space<semaphore_mem>>) src(%dma_wait3A_1112 : memref<1x4096xf32, #tpu.memory_space<vmem_shared>>) dst(%dma_wait3A_1110 : memref<1x4096xf32, #tpu.memory_space<hbm>>)
      %dma_wait3A_1113 = tpu.memref_slice %arg4[%add3A_856, %add3A_699] : memref<1024x49152xf32, #tpu.memory_space<hbm>> -> memref<1x4096xf32, #tpu.memory_space<hbm>>
      %dma_wait3A_1114 = arith.constant 0 : i32
      %dma_wait3A_1115 = tpu.memref_slice %arg7[%squeeze3A_69, %dma_wait3A_1114] : memref<128x4096xf32, #tpu.memory_space<vmem_shared>> -> memref<1x4096xf32, #tpu.memory_space<vmem_shared>>
      tpu.wait_dma2 semaphore(%arg10 : memref<!tpu.dma_semaphore, #tpu.memory_space<semaphore_mem>>) src(%dma_wait3A_1115 : memref<1x4096xf32, #tpu.memory_space<vmem_shared>>) dst(%dma_wait3A_1113 : memref<1x4096xf32, #tpu.memory_space<hbm>>)
      %dma_wait3A_1116 = tpu.memref_slice %arg4[%add3A_861, %add3A_699] : memref<1024x49152xf32, #tpu.memory_space<hbm>> -> memref<1x4096xf32, #tpu.memory_space<hbm>>
      %dma_wait3A_1117 = arith.constant 0 : i32
      %dma_wait3A_1118 = tpu.memref_slice %arg7[%squeeze3A_74, %dma_wait3A_1117] : memref<128x4096xf32, #tpu.memory_space<vmem_shared>> -> memref<1x4096xf32, #tpu.memory_space<vmem_shared>>
      tpu.wait_dma2 semaphore(%arg10 : memref<!tpu.dma_semaphore, #tpu.memory_space<semaphore_mem>>) src(%dma_wait3A_1118 : memref<1x4096xf32, #tpu.memory_space<vmem_shared>>) dst(%dma_wait3A_1116 : memref<1x4096xf32, #tpu.memory_space<hbm>>)
      %dma_wait3A_1119 = tpu.memref_slice %arg4[%add3A_866, %add3A_699] : memref<1024x49152xf32, #tpu.memory_space<hbm>> -> memref<1x4096xf32, #tpu.memory_space<hbm>>
      %dma_wait3A_1120 = arith.constant 0 : i32
      %dma_wait3A_1121 = tpu.memref_slice %arg7[%squeeze3A_76, %dma_wait3A_1120] : memref<128x4096xf32, #tpu.memory_space<vmem_shared>> -> memref<1x4096xf32, #tpu.memory_space<vmem_shared>>
      tpu.wait_dma2 semaphore(%arg10 : memref<!tpu.dma_semaphore, #tpu.memory_space<semaphore_mem>>) src(%dma_wait3A_1121 : memref<1x4096xf32, #tpu.memory_space<vmem_shared>>) dst(%dma_wait3A_1119 : memref<1x4096xf32, #tpu.memory_space<hbm>>)
      %dma_wait3A_1122 = tpu.memref_slice %arg4[%add3A_871, %add3A_699] : memref<1024x49152xf32, #tpu.memory_space<hbm>> -> memref<1x4096xf32, #tpu.memory_space<hbm>>
      %dma_wait3A_1123 = arith.constant 0 : i32
      %dma_wait3A_1124 = tpu.memref_slice %arg7[%squeeze3A_78, %dma_wait3A_1123] : memref<128x4096xf32, #tpu.memory_space<vmem_shared>> -> memref<1x4096xf32, #tpu.memory_space<vmem_shared>>
      tpu.wait_dma2 semaphore(%arg10 : memref<!tpu.dma_semaphore, #tpu.memory_space<semaphore_mem>>) src(%dma_wait3A_1124 : memref<1x4096xf32, #tpu.memory_space<vmem_shared>>) dst(%dma_wait3A_1122 : memref<1x4096xf32, #tpu.memory_space<hbm>>)
      %dma_wait3A_1125 = tpu.memref_slice %arg4[%add3A_876, %add3A_699] : memref<1024x49152xf32, #tpu.memory_space<hbm>> -> memref<1x4096xf32, #tpu.memory_space<hbm>>
      %dma_wait3A_1126 = arith.constant 0 : i32
      %dma_wait3A_1127 = tpu.memref_slice %arg7[%squeeze3A_80, %dma_wait3A_1126] : memref<128x4096xf32, #tpu.memory_space<vmem_shared>> -> memref<1x4096xf32, #tpu.memory_space<vmem_shared>>
      tpu.wait_dma2 semaphore(%arg10 : memref<!tpu.dma_semaphore, #tpu.memory_space<semaphore_mem>>) src(%dma_wait3A_1127 : memref<1x4096xf32, #tpu.memory_space<vmem_shared>>) dst(%dma_wait3A_1125 : memref<1x4096xf32, #tpu.memory_space<hbm>>)
      %dma_wait3A_1128 = tpu.memref_slice %arg4[%add3A_881, %add3A_699] : memref<1024x49152xf32, #tpu.memory_space<hbm>> -> memref<1x4096xf32, #tpu.memory_space<hbm>>
      %dma_wait3A_1129 = arith.constant 0 : i32
      %dma_wait3A_1130 = tpu.memref_slice %arg7[%squeeze3A_82, %dma_wait3A_1129] : memref<128x4096xf32, #tpu.memory_space<vmem_shared>> -> memref<1x4096xf32, #tpu.memory_space<vmem_shared>>
      tpu.wait_dma2 semaphore(%arg10 : memref<!tpu.dma_semaphore, #tpu.memory_space<semaphore_mem>>) src(%dma_wait3A_1130 : memref<1x4096xf32, #tpu.memory_space<vmem_shared>>) dst(%dma_wait3A_1128 : memref<1x4096xf32, #tpu.memory_space<hbm>>)
      %dma_wait3A_1131 = tpu.memref_slice %arg4[%add3A_886, %add3A_699] : memref<1024x49152xf32, #tpu.memory_space<hbm>> -> memref<1x4096xf32, #tpu.memory_space<hbm>>
      %dma_wait3A_1132 = arith.constant 0 : i32
      %dma_wait3A_1133 = tpu.memref_slice %arg7[%squeeze3A_84, %dma_wait3A_1132] : memref<128x4096xf32, #tpu.memory_space<vmem_shared>> -> memref<1x4096xf32, #tpu.memory_space<vmem_shared>>
      tpu.wait_dma2 semaphore(%arg10 : memref<!tpu.dma_semaphore, #tpu.memory_space<semaphore_mem>>) src(%dma_wait3A_1133 : memref<1x4096xf32, #tpu.memory_space<vmem_shared>>) dst(%dma_wait3A_1131 : memref<1x4096xf32, #tpu.memory_space<hbm>>)
      %dma_wait3A_1134 = tpu.memref_slice %arg4[%add3A_891, %add3A_699] : memref<1024x49152xf32, #tpu.memory_space<hbm>> -> memref<1x4096xf32, #tpu.memory_space<hbm>>
      %dma_wait3A_1135 = arith.constant 0 : i32
      %dma_wait3A_1136 = tpu.memref_slice %arg7[%squeeze3A_86, %dma_wait3A_1135] : memref<128x4096xf32, #tpu.memory_space<vmem_shared>> -> memref<1x4096xf32, #tpu.memory_space<vmem_shared>>
      tpu.wait_dma2 semaphore(%arg10 : memref<!tpu.dma_semaphore, #tpu.memory_space<semaphore_mem>>) src(%dma_wait3A_1136 : memref<1x4096xf32, #tpu.memory_space<vmem_shared>>) dst(%dma_wait3A_1134 : memref<1x4096xf32, #tpu.memory_space<hbm>>)
      %dma_wait3A_1137 = tpu.memref_slice %arg4[%add3A_896, %add3A_699] : memref<1024x49152xf32, #tpu.memory_space<hbm>> -> memref<1x4096xf32, #tpu.memory_space<hbm>>
      %dma_wait3A_1138 = arith.constant 0 : i32
      %dma_wait3A_1139 = tpu.memref_slice %arg7[%squeeze3A_88, %dma_wait3A_1138] : memref<128x4096xf32, #tpu.memory_space<vmem_shared>> -> memref<1x4096xf32, #tpu.memory_space<vmem_shared>>
      tpu.wait_dma2 semaphore(%arg10 : memref<!tpu.dma_semaphore, #tpu.memory_space<semaphore_mem>>) src(%dma_wait3A_1139 : memref<1x4096xf32, #tpu.memory_space<vmem_shared>>) dst(%dma_wait3A_1137 : memref<1x4096xf32, #tpu.memory_space<hbm>>)
      %dma_wait3A_1140 = tpu.memref_slice %arg4[%add3A_901, %add3A_699] : memref<1024x49152xf32, #tpu.memory_space<hbm>> -> memref<1x4096xf32, #tpu.memory_space<hbm>>
      %dma_wait3A_1141 = arith.constant 0 : i32
      %dma_wait3A_1142 = tpu.memref_slice %arg7[%squeeze3A_90, %dma_wait3A_1141] : memref<128x4096xf32, #tpu.memory_space<vmem_shared>> -> memref<1x4096xf32, #tpu.memory_space<vmem_shared>>
      tpu.wait_dma2 semaphore(%arg10 : memref<!tpu.dma_semaphore, #tpu.memory_space<semaphore_mem>>) src(%dma_wait3A_1142 : memref<1x4096xf32, #tpu.memory_space<vmem_shared>>) dst(%dma_wait3A_1140 : memref<1x4096xf32, #tpu.memory_space<hbm>>)
      %dma_wait3A_1143 = tpu.memref_slice %arg4[%add3A_906, %add3A_699] : memref<1024x49152xf32, #tpu.memory_space<hbm>> -> memref<1x4096xf32, #tpu.memory_space<hbm>>
      %dma_wait3A_1144 = arith.constant 0 : i32
      %dma_wait3A_1145 = tpu.memref_slice %arg7[%squeeze3A_92, %dma_wait3A_1144] : memref<128x4096xf32, #tpu.memory_space<vmem_shared>> -> memref<1x4096xf32, #tpu.memory_space<vmem_shared>>
      tpu.wait_dma2 semaphore(%arg10 : memref<!tpu.dma_semaphore, #tpu.memory_space<semaphore_mem>>) src(%dma_wait3A_1145 : memref<1x4096xf32, #tpu.memory_space<vmem_shared>>) dst(%dma_wait3A_1143 : memref<1x4096xf32, #tpu.memory_space<hbm>>)
      %dma_wait3A_1146 = tpu.memref_slice %arg4[%add3A_911, %add3A_699] : memref<1024x49152xf32, #tpu.memory_space<hbm>> -> memref<1x4096xf32, #tpu.memory_space<hbm>>
      %dma_wait3A_1147 = arith.constant 0 : i32
      %dma_wait3A_1148 = tpu.memref_slice %arg7[%squeeze3A_94, %dma_wait3A_1147] : memref<128x4096xf32, #tpu.memory_space<vmem_shared>> -> memref<1x4096xf32, #tpu.memory_space<vmem_shared>>
      tpu.wait_dma2 semaphore(%arg10 : memref<!tpu.dma_semaphore, #tpu.memory_space<semaphore_mem>>) src(%dma_wait3A_1148 : memref<1x4096xf32, #tpu.memory_space<vmem_shared>>) dst(%dma_wait3A_1146 : memref<1x4096xf32, #tpu.memory_space<hbm>>)
      %dma_wait3A_1149 = tpu.memref_slice %arg4[%add3A_916, %add3A_699] : memref<1024x49152xf32, #tpu.memory_space<hbm>> -> memref<1x4096xf32, #tpu.memory_space<hbm>>
      %dma_wait3A_1150 = arith.constant 0 : i32
      %dma_wait3A_1151 = tpu.memref_slice %arg7[%squeeze3A_96, %dma_wait3A_1150] : memref<128x4096xf32, #tpu.memory_space<vmem_shared>> -> memref<1x4096xf32, #tpu.memory_space<vmem_shared>>
      tpu.wait_dma2 semaphore(%arg10 : memref<!tpu.dma_semaphore, #tpu.memory_space<semaphore_mem>>) src(%dma_wait3A_1151 : memref<1x4096xf32, #tpu.memory_space<vmem_shared>>) dst(%dma_wait3A_1149 : memref<1x4096xf32, #tpu.memory_space<hbm>>)
      %dma_wait3A_1152 = tpu.memref_slice %arg4[%add3A_921, %add3A_699] : memref<1024x49152xf32, #tpu.memory_space<hbm>> -> memref<1x4096xf32, #tpu.memory_space<hbm>>
      %dma_wait3A_1153 = arith.constant 0 : i32
      %dma_wait3A_1154 = tpu.memref_slice %arg7[%squeeze3A_98, %dma_wait3A_1153] : memref<128x4096xf32, #tpu.memory_space<vmem_shared>> -> memref<1x4096xf32, #tpu.memory_space<vmem_shared>>
      tpu.wait_dma2 semaphore(%arg10 : memref<!tpu.dma_semaphore, #tpu.memory_space<semaphore_mem>>) src(%dma_wait3A_1154 : memref<1x4096xf32, #tpu.memory_space<vmem_shared>>) dst(%dma_wait3A_1152 : memref<1x4096xf32, #tpu.memory_space<hbm>>)
      %dma_wait3A_1155 = tpu.memref_slice %arg4[%add3A_926, %add3A_699] : memref<1024x49152xf32, #tpu.memory_space<hbm>> -> memref<1x4096xf32, #tpu.memory_space<hbm>>
      %dma_wait3A_1156 = arith.constant 0 : i32
      %dma_wait3A_1157 = tpu.memref_slice %arg7[%squeeze3A_100, %dma_wait3A_1156] : memref<128x4096xf32, #tpu.memory_space<vmem_shared>> -> memref<1x4096xf32, #tpu.memory_space<vmem_shared>>
      tpu.wait_dma2 semaphore(%arg10 : memref<!tpu.dma_semaphore, #tpu.memory_space<semaphore_mem>>) src(%dma_wait3A_1157 : memref<1x4096xf32, #tpu.memory_space<vmem_shared>>) dst(%dma_wait3A_1155 : memref<1x4096xf32, #tpu.memory_space<hbm>>)
      %dma_wait3A_1158 = tpu.memref_slice %arg4[%add3A_931, %add3A_699] : memref<1024x49152xf32, #tpu.memory_space<hbm>> -> memref<1x4096xf32, #tpu.memory_space<hbm>>
      %dma_wait3A_1159 = arith.constant 0 : i32
      %dma_wait3A_1160 = tpu.memref_slice %arg7[%squeeze3A_102, %dma_wait3A_1159] : memref<128x4096xf32, #tpu.memory_space<vmem_shared>> -> memref<1x4096xf32, #tpu.memory_space<vmem_shared>>
      tpu.wait_dma2 semaphore(%arg10 : memref<!tpu.dma_semaphore, #tpu.memory_space<semaphore_mem>>) src(%dma_wait3A_1160 : memref<1x4096xf32, #tpu.memory_space<vmem_shared>>) dst(%dma_wait3A_1158 : memref<1x4096xf32, #tpu.memory_space<hbm>>)
      %dma_wait3A_1161 = tpu.memref_slice %arg4[%add3A_936, %add3A_699] : memref<1024x49152xf32, #tpu.memory_space<hbm>> -> memref<1x4096xf32, #tpu.memory_space<hbm>>
      %dma_wait3A_1162 = arith.constant 0 : i32
      %dma_wait3A_1163 = tpu.memref_slice %arg7[%squeeze3A_104, %dma_wait3A_1162] : memref<128x4096xf32, #tpu.memory_space<vmem_shared>> -> memref<1x4096xf32, #tpu.memory_space<vmem_shared>>
      tpu.wait_dma2 semaphore(%arg10 : memref<!tpu.dma_semaphore, #tpu.memory_space<semaphore_mem>>) src(%dma_wait3A_1163 : memref<1x4096xf32, #tpu.memory_space<vmem_shared>>) dst(%dma_wait3A_1161 : memref<1x4096xf32, #tpu.memory_space<hbm>>)
      %dma_wait3A_1164 = tpu.memref_slice %arg4[%add3A_941, %add3A_699] : memref<1024x49152xf32, #tpu.memory_space<hbm>> -> memref<1x4096xf32, #tpu.memory_space<hbm>>
      %dma_wait3A_1165 = arith.constant 0 : i32
      %dma_wait3A_1166 = tpu.memref_slice %arg7[%squeeze3A_109, %dma_wait3A_1165] : memref<128x4096xf32, #tpu.memory_space<vmem_shared>> -> memref<1x4096xf32, #tpu.memory_space<vmem_shared>>
      tpu.wait_dma2 semaphore(%arg10 : memref<!tpu.dma_semaphore, #tpu.memory_space<semaphore_mem>>) src(%dma_wait3A_1166 : memref<1x4096xf32, #tpu.memory_space<vmem_shared>>) dst(%dma_wait3A_1164 : memref<1x4096xf32, #tpu.memory_space<hbm>>)
      %dma_wait3A_1167 = tpu.memref_slice %arg4[%add3A_946, %add3A_699] : memref<1024x49152xf32, #tpu.memory_space<hbm>> -> memref<1x4096xf32, #tpu.memory_space<hbm>>
      %dma_wait3A_1168 = arith.constant 0 : i32
      %dma_wait3A_1169 = tpu.memref_slice %arg7[%squeeze3A_111, %dma_wait3A_1168] : memref<128x4096xf32, #tpu.memory_space<vmem_shared>> -> memref<1x4096xf32, #tpu.memory_space<vmem_shared>>
      tpu.wait_dma2 semaphore(%arg10 : memref<!tpu.dma_semaphore, #tpu.memory_space<semaphore_mem>>) src(%dma_wait3A_1169 : memref<1x4096xf32, #tpu.memory_space<vmem_shared>>) dst(%dma_wait3A_1167 : memref<1x4096xf32, #tpu.memory_space<hbm>>)
      %dma_wait3A_1170 = tpu.memref_slice %arg4[%add3A_951, %add3A_699] : memref<1024x49152xf32, #tpu.memory_space<hbm>> -> memref<1x4096xf32, #tpu.memory_space<hbm>>
      %dma_wait3A_1171 = arith.constant 0 : i32
      %dma_wait3A_1172 = tpu.memref_slice %arg7[%squeeze3A_113, %dma_wait3A_1171] : memref<128x4096xf32, #tpu.memory_space<vmem_shared>> -> memref<1x4096xf32, #tpu.memory_space<vmem_shared>>
      tpu.wait_dma2 semaphore(%arg10 : memref<!tpu.dma_semaphore, #tpu.memory_space<semaphore_mem>>) src(%dma_wait3A_1172 : memref<1x4096xf32, #tpu.memory_space<vmem_shared>>) dst(%dma_wait3A_1170 : memref<1x4096xf32, #tpu.memory_space<hbm>>)
      %dma_wait3A_1173 = tpu.memref_slice %arg4[%add3A_956, %add3A_699] : memref<1024x49152xf32, #tpu.memory_space<hbm>> -> memref<1x4096xf32, #tpu.memory_space<hbm>>
      %dma_wait3A_1174 = arith.constant 0 : i32
      %dma_wait3A_1175 = tpu.memref_slice %arg7[%squeeze3A_115, %dma_wait3A_1174] : memref<128x4096xf32, #tpu.memory_space<vmem_shared>> -> memref<1x4096xf32, #tpu.memory_space<vmem_shared>>
      tpu.wait_dma2 semaphore(%arg10 : memref<!tpu.dma_semaphore, #tpu.memory_space<semaphore_mem>>) src(%dma_wait3A_1175 : memref<1x4096xf32, #tpu.memory_space<vmem_shared>>) dst(%dma_wait3A_1173 : memref<1x4096xf32, #tpu.memory_space<hbm>>)
      %dma_wait3A_1176 = tpu.memref_slice %arg4[%add3A_961, %add3A_699] : memref<1024x49152xf32, #tpu.memory_space<hbm>> -> memref<1x4096xf32, #tpu.memory_space<hbm>>
      %dma_wait3A_1177 = arith.constant 0 : i32
      %dma_wait3A_1178 = tpu.memref_slice %arg7[%squeeze3A_117, %dma_wait3A_1177] : memref<128x4096xf32, #tpu.memory_space<vmem_shared>> -> memref<1x4096xf32, #tpu.memory_space<vmem_shared>>
      tpu.wait_dma2 semaphore(%arg10 : memref<!tpu.dma_semaphore, #tpu.memory_space<semaphore_mem>>) src(%dma_wait3A_1178 : memref<1x4096xf32, #tpu.memory_space<vmem_shared>>) dst(%dma_wait3A_1176 : memref<1x4096xf32, #tpu.memory_space<hbm>>)
      %dma_wait3A_1179 = tpu.memref_slice %arg4[%add3A_966, %add3A_699] : memref<1024x49152xf32, #tpu.memory_space<hbm>> -> memref<1x4096xf32, #tpu.memory_space<hbm>>
      %dma_wait3A_1180 = arith.constant 0 : i32
      %dma_wait3A_1181 = tpu.memref_slice %arg7[%squeeze3A_119, %dma_wait3A_1180] : memref<128x4096xf32, #tpu.memory_space<vmem_shared>> -> memref<1x4096xf32, #tpu.memory_space<vmem_shared>>
      tpu.wait_dma2 semaphore(%arg10 : memref<!tpu.dma_semaphore, #tpu.memory_space<semaphore_mem>>) src(%dma_wait3A_1181 : memref<1x4096xf32, #tpu.memory_space<vmem_shared>>) dst(%dma_wait3A_1179 : memref<1x4096xf32, #tpu.memory_space<hbm>>)
      %dma_wait3A_1182 = tpu.memref_slice %arg4[%add3A_971, %add3A_699] : memref<1024x49152xf32, #tpu.memory_space<hbm>> -> memref<1x4096xf32, #tpu.memory_space<hbm>>
      %dma_wait3A_1183 = arith.constant 0 : i32
      %dma_wait3A_1184 = tpu.memref_slice %arg7[%squeeze3A_121, %dma_wait3A_1183] : memref<128x4096xf32, #tpu.memory_space<vmem_shared>> -> memref<1x4096xf32, #tpu.memory_space<vmem_shared>>
      tpu.wait_dma2 semaphore(%arg10 : memref<!tpu.dma_semaphore, #tpu.memory_space<semaphore_mem>>) src(%dma_wait3A_1184 : memref<1x4096xf32, #tpu.memory_space<vmem_shared>>) dst(%dma_wait3A_1182 : memref<1x4096xf32, #tpu.memory_space<hbm>>)
      %dma_wait3A_1185 = tpu.memref_slice %arg4[%add3A_976, %add3A_699] : memref<1024x49152xf32, #tpu.memory_space<hbm>> -> memref<1x4096xf32, #tpu.memory_space<hbm>>
      %dma_wait3A_1186 = arith.constant 0 : i32
      %dma_wait3A_1187 = tpu.memref_slice %arg7[%squeeze3A_123, %dma_wait3A_1186] : memref<128x4096xf32, #tpu.memory_space<vmem_shared>> -> memref<1x4096xf32, #tpu.memory_space<vmem_shared>>
      tpu.wait_dma2 semaphore(%arg10 : memref<!tpu.dma_semaphore, #tpu.memory_space<semaphore_mem>>) src(%dma_wait3A_1187 : memref<1x4096xf32, #tpu.memory_space<vmem_shared>>) dst(%dma_wait3A_1185 : memref<1x4096xf32, #tpu.memory_space<hbm>>)
      %dma_wait3A_1188 = tpu.memref_slice %arg4[%add3A_981, %add3A_699] : memref<1024x49152xf32, #tpu.memory_space<hbm>> -> memref<1x4096xf32, #tpu.memory_space<hbm>>
      %dma_wait3A_1189 = arith.constant 0 : i32
      %dma_wait3A_1190 = tpu.memref_slice %arg7[%squeeze3A_125, %dma_wait3A_1189] : memref<128x4096xf32, #tpu.memory_space<vmem_shared>> -> memref<1x4096xf32, #tpu.memory_space<vmem_shared>>
      tpu.wait_dma2 semaphore(%arg10 : memref<!tpu.dma_semaphore, #tpu.memory_space<semaphore_mem>>) src(%dma_wait3A_1190 : memref<1x4096xf32, #tpu.memory_space<vmem_shared>>) dst(%dma_wait3A_1188 : memref<1x4096xf32, #tpu.memory_space<hbm>>)
      %dma_wait3A_1191 = tpu.memref_slice %arg4[%add3A_986, %add3A_699] : memref<1024x49152xf32, #tpu.memory_space<hbm>> -> memref<1x4096xf32, #tpu.memory_space<hbm>>
      %dma_wait3A_1192 = arith.constant 0 : i32
      %dma_wait3A_1193 = tpu.memref_slice %arg7[%squeeze3A_127, %dma_wait3A_1192] : memref<128x4096xf32, #tpu.memory_space<vmem_shared>> -> memref<1x4096xf32, #tpu.memory_space<vmem_shared>>
      tpu.wait_dma2 semaphore(%arg10 : memref<!tpu.dma_semaphore, #tpu.memory_space<semaphore_mem>>) src(%dma_wait3A_1193 : memref<1x4096xf32, #tpu.memory_space<vmem_shared>>) dst(%dma_wait3A_1191 : memref<1x4096xf32, #tpu.memory_space<hbm>>)
      %dma_wait3A_1194 = tpu.memref_slice %arg4[%add3A_991, %add3A_699] : memref<1024x49152xf32, #tpu.memory_space<hbm>> -> memref<1x4096xf32, #tpu.memory_space<hbm>>
      %dma_wait3A_1195 = arith.constant 0 : i32
      %dma_wait3A_1196 = tpu.memref_slice %arg7[%squeeze3A_129, %dma_wait3A_1195] : memref<128x4096xf32, #tpu.memory_space<vmem_shared>> -> memref<1x4096xf32, #tpu.memory_space<vmem_shared>>
      tpu.wait_dma2 semaphore(%arg10 : memref<!tpu.dma_semaphore, #tpu.memory_space<semaphore_mem>>) src(%dma_wait3A_1196 : memref<1x4096xf32, #tpu.memory_space<vmem_shared>>) dst(%dma_wait3A_1194 : memref<1x4096xf32, #tpu.memory_space<hbm>>)
      %dma_wait3A_1197 = tpu.memref_slice %arg4[%add3A_996, %add3A_699] : memref<1024x49152xf32, #tpu.memory_space<hbm>> -> memref<1x4096xf32, #tpu.memory_space<hbm>>
      %dma_wait3A_1198 = arith.constant 0 : i32
      %dma_wait3A_1199 = tpu.memref_slice %arg7[%squeeze3A_131, %dma_wait3A_1198] : memref<128x4096xf32, #tpu.memory_space<vmem_shared>> -> memref<1x4096xf32, #tpu.memory_space<vmem_shared>>
      tpu.wait_dma2 semaphore(%arg10 : memref<!tpu.dma_semaphore, #tpu.memory_space<semaphore_mem>>) src(%dma_wait3A_1199 : memref<1x4096xf32, #tpu.memory_space<vmem_shared>>) dst(%dma_wait3A_1197 : memref<1x4096xf32, #tpu.memory_space<hbm>>)
      %dma_wait3A_1200 = tpu.memref_slice %arg4[%add3A_1001, %add3A_699] : memref<1024x49152xf32, #tpu.memory_space<hbm>> -> memref<1x4096xf32, #tpu.memory_space<hbm>>
      %dma_wait3A_1201 = arith.constant 0 : i32
      %dma_wait3A_1202 = tpu.memref_slice %arg7[%squeeze3A_133, %dma_wait3A_1201] : memref<128x4096xf32, #tpu.memory_space<vmem_shared>> -> memref<1x4096xf32, #tpu.memory_space<vmem_shared>>
      tpu.wait_dma2 semaphore(%arg10 : memref<!tpu.dma_semaphore, #tpu.memory_space<semaphore_mem>>) src(%dma_wait3A_1202 : memref<1x4096xf32, #tpu.memory_space<vmem_shared>>) dst(%dma_wait3A_1200 : memref<1x4096xf32, #tpu.memory_space<hbm>>)
      %dma_wait3A_1203 = tpu.memref_slice %arg4[%add3A_1006, %add3A_699] : memref<1024x49152xf32, #tpu.memory_space<hbm>> -> memref<1x4096xf32, #tpu.memory_space<hbm>>
      %dma_wait3A_1204 = arith.constant 0 : i32
      %dma_wait3A_1205 = tpu.memref_slice %arg7[%squeeze3A_135, %dma_wait3A_1204] : memref<128x4096xf32, #tpu.memory_space<vmem_shared>> -> memref<1x4096xf32, #tpu.memory_space<vmem_shared>>
      tpu.wait_dma2 semaphore(%arg10 : memref<!tpu.dma_semaphore, #tpu.memory_space<semaphore_mem>>) src(%dma_wait3A_1205 : memref<1x4096xf32, #tpu.memory_space<vmem_shared>>) dst(%dma_wait3A_1203 : memref<1x4096xf32, #tpu.memory_space<hbm>>)
      %dma_wait3A_1206 = tpu.memref_slice %arg4[%add3A_1011, %add3A_699] : memref<1024x49152xf32, #tpu.memory_space<hbm>> -> memref<1x4096xf32, #tpu.memory_space<hbm>>
      %dma_wait3A_1207 = arith.constant 0 : i32
      %dma_wait3A_1208 = tpu.memref_slice %arg7[%squeeze3A_137, %dma_wait3A_1207] : memref<128x4096xf32, #tpu.memory_space<vmem_shared>> -> memref<1x4096xf32, #tpu.memory_space<vmem_shared>>
      tpu.wait_dma2 semaphore(%arg10 : memref<!tpu.dma_semaphore, #tpu.memory_space<semaphore_mem>>) src(%dma_wait3A_1208 : memref<1x4096xf32, #tpu.memory_space<vmem_shared>>) dst(%dma_wait3A_1206 : memref<1x4096xf32, #tpu.memory_space<hbm>>)
      %dma_wait3A_1209 = tpu.memref_slice %arg4[%add3A_1016, %add3A_699] : memref<1024x49152xf32, #tpu.memory_space<hbm>> -> memref<1x4096xf32, #tpu.memory_space<hbm>>
      %dma_wait3A_1210 = arith.constant 0 : i32
      %dma_wait3A_1211 = tpu.memref_slice %arg7[%squeeze3A_139, %dma_wait3A_1210] : memref<128x4096xf32, #tpu.memory_space<vmem_shared>> -> memref<1x4096xf32, #tpu.memory_space<vmem_shared>>
      tpu.wait_dma2 semaphore(%arg10 : memref<!tpu.dma_semaphore, #tpu.memory_space<semaphore_mem>>) src(%dma_wait3A_1211 : memref<1x4096xf32, #tpu.memory_space<vmem_shared>>) dst(%dma_wait3A_1209 : memref<1x4096xf32, #tpu.memory_space<hbm>>)
    }
    %scan3A_149 = arith.constant 3 : i32
    return
  }
}

</mosaic_0001>

<sc_bundles>
// kernel: _gather.3.cloned.1.call-start
scs
__scs_entry_jumppad:
0x0: {  	(pc) =	sbr.rel $0x88, $3  }
0x1: {  	(tag) =	ssettag $0x0;
	lr =	simm.s32 $0x1  }
0x2: {  	[smem:$0x3F9F] =	sst lr;
	_ =	strace $0xD0000000  }
0x3: {  	_ = 	snop  }
0x4: {  	_ = 	snop  }
0x5: {  	_ = 	snop  }
0x6: {  	_ = 	snop  }
0x7: {  	_ = 	snop  }
__scs_overlays_trampoline_lowered:
0x8: {  	[smem:$0x3FAE] =	sst s0  }
0x9: {  	[smem:$0x3FAF] =	sst s1  }
0xa: {  	[smem:$0x3FB0] =	sst s2  }
0xb: {  	[smem:$0x3FB1] =	sst s3  }
0xc: {  	[smem:$0x3FB2] =	sst s4  }
0xd: {  	[smem:$0x3FB3] =	sst s5  }
0xe: {  	[smem:$0x3FB4] =	sst s6  }
0xf: {  	[smem:$0x3FB5] =	sst s7  }
0x10: {  	[smem:$0x3FB6] =	sst s8  }
0x11: {  	[smem:$0x3FB7] =	sst s9;
	s0 =	simm.s32 @!p0 $0x0  }
0x12: {  	s1 =	sld [smem:$0x3F9D];
	s0 =	simm.s32 @p0 $0x1  }
0x13: {  	[smem:$0x3FB8] =	sst s0;
	s0 =	simm.s32 @!p1 $0x0  }
0x14: {  	s2 =	sld [smem:$0x3F9C];
	s0 =	simm.s32 @p1 $0x1  }
0x15: {  	[smem:$0x3FB9] =	sst s0;
	s0 =	simm.s32 @!p2 $0x0  }
0x16: {  	s3 =	sld [smem:$0x3FDB];
	s0 =	simm.s32 @p2 $0x1  }
0x17: {  	s4 =	simm.s32 $0x1BF5;
	[smem:$0x3FBB] =	sst s0  }
0x18: {  	s0 =	sld [smem:$0x3F9E];
	_ =	swait.ge [sflag:s4], $0x0  }
0x19: {  	s7 =	sld [smem:$0x3F9F]  }
0x1a: {  	s8 =	sadd.s32 $0xFFFFE003, lr  }
0x1b: {  	s9 =	sadd.s32 $0xFFFFFEF7, lr;
	s5 =	simm.s32 $0xFFFFFFFF;
	p2 =	slt.u32 s8, $0xFFFFF086  }
0x1c: {  	p1 =	slt.u32 s9, $0xF7A;
	s5 =	simm.s32 @!p2 $0x0  }
0x1d: {  	s5 =	simm.s32 @p1 $0x1;
	p0 =	seq.s32 s7, s2  }
0x1e: {  	s7 =	smul.u32 @!p0 $0xF7A, s2;
	p2 =	seq.s32 @!p0 s5, $0x0  }
0x1f: {  	s9 =	smul.u32 $0xF7A, s1;
	s8 =	simm.s32 @!p0 $0x1BF5;
	p2 =	por !p2, p0  }
0x20: {  	[sflag:s8] =	ssyncset.s32 @!p0 $0xFFFFF086;
	s6 =	sadd.s32 @!p0 s3, s7;
	s7 =	simm.s32 @!p0 $0x108  }
0x21: {  	s3 =	sadd.s32 s3, s9;
	s6 =	sadd.s32 @!p0 $0x88, s6;
	s7 =	simm.s32 @p2 $0x1082  }
0x22: {  	[simem:s7], [sflag:s8] =	dma.local @!p0 [hbm:s6], $0xF7A  }
0x23: {  	s9 =	sor.u32 $0xD0000000, s2;
	s6 =	simm.s32 $0x108;
	_ =	swait.ge @!p0 [sflag:s8], $0x0  }
0x24: {  	s3 =	sadd.s32 $0x88, s3;
	s6 =	simm.s32 @!p1 $0x1082;
	[sflag:s4] =	ssyncset.s32 $0xFFFFF086  }
0x25: {  	[simem:s6], [sflag:s4] =	dma.local [hbm:s3], $0xF7A  }
0x26: {  	[smem:$0x3F9F] =	sst s1;
	(tag) =	ssettag s2;
	_ =	strace s9  }
0x27: {  	s1 =	sld [smem:$0x3FAF]  }
0x28: {  	s2 =	sld [smem:$0x3FB0]  }
0x29: {  	s4 =	sld [smem:$0x3FB2]  }
0x2a: {  	p0 =	seq.s32 s5, $0x0;
	s5 =	sld [smem:$0x3FB3]  }
0x2b: {  	s6 =	sld [smem:$0x3FB4]  }
0x2c: {  	s7 =	sld [smem:$0x3FB5]  }
0x2d: {  	s3 =	simm.s32 $0x108;
	s8 =	sld [smem:$0x3FB6]  }
0x2e: {  	s3 =	simm.s32 @!p0 $0x1082;
	s9 =	sld [smem:$0x3FB7]  }
0x2f: {  	lr =	sadd.s32 s0, s3;
	s0 =	sld [smem:$0x3FAE]  }
0x30: {  	s3 =	sld [smem:$0x3FB1]  }
0x31: {  	[smem:$0x3FBA] =	sst s10  }
0x32: {  	s10 =	sld [smem:$0x3FB8];
	_ =	sdelay $0x3  }
0x33: {  	p0 =	seq.s32 s10, $0x1;
	s10 =	sld [smem:$0x3FBA];
	_ =	sdelay $0x3  }
0x34: {  	[smem:$0x3FBA] =	sst s10  }
0x35: {  	s10 =	sld [smem:$0x3FB9];
	_ =	sdelay $0x3  }
0x36: {  	p1 =	seq.s32 s10, $0x1;
	s10 =	sld [smem:$0x3FBA];
	_ =	sdelay $0x3  }
0x37: {  	[smem:$0x3FBA] =	sst s10  }
0x38: {  	s10 =	sld [smem:$0x3FBB]  }
0x39: {  	_ = 	snop;
	(pc) =	sbr.ind lr, $3  }
0x3a: {  	_ = 	snop  }
0x3b: {  	_ = 	snop  }
0x3c: {  	p2 =	seq.s32 s10, $0x1;
	s10 =	sld [smem:$0x3FBA]  }
0x3d: {  	_ =	shalt  }
0x3e: {  	_ =	shalt  }
0x3f: {  	_ =	shalt  }
0x40: {  	_ =	shalt  }
0x41: {  	_ =	shalt  }
0x42: {  	_ =	shalt  }
0x43: {  	_ =	shalt  }
0x44: {  	_ =	shalt  }
0x45: {  	_ =	shalt  }
0x46: {  	_ =	shalt  }
0x47: {  	_ =	shalt  }
0x48: {  	_ =	shalt  }
0x49: {  	_ =	shalt  }
0x4a: {  	_ =	shalt  }
0x4b: {  	_ =	shalt  }
0x4c: {  	_ =	shalt  }
0x4d: {  	_ =	shalt  }
0x4e: {  	_ =	shalt  }
0x4f: {  	_ =	shalt  }
0x50: {  	_ =	shalt  }
0x51: {  	_ =	shalt  }
0x52: {  	_ =	shalt  }
0x53: {  	_ =	shalt  }
0x54: {  	_ =	shalt  }
0x55: {  	_ =	shalt  }
0x56: {  	_ =	shalt  }
0x57: {  	_ =	shalt  }
0x58: {  	_ =	shalt  }
0x59: {  	_ =	shalt  }
0x5a: {  	_ =	shalt  }
0x5b: {  	_ =	shalt  }
0x5c: {  	_ =	shalt  }
0x5d: {  	_ =	shalt  }
0x5e: {  	_ =	shalt  }
0x5f: {  	_ =	shalt  }
0x60: {  	_ =	shalt  }
0x61: {  	_ =	shalt  }
0x62: {  	_ =	shalt  }
0x63: {  	_ =	shalt  }
0x64: {  	_ =	shalt  }
0x65: {  	_ =	shalt  }
0x66: {  	_ =	shalt  }
0x67: {  	_ =	shalt  }
0x68: {  	_ =	shalt  }
0x69: {  	_ =	shalt  }
0x6a: {  	_ =	shalt  }
0x6b: {  	_ =	shalt  }
0x6c: {  	_ =	shalt  }
0x6d: {  	_ =	shalt  }
0x6e: {  	_ =	shalt  }
0x6f: {  	_ =	shalt  }
0x70: {  	_ =	shalt  }
0x71: {  	_ =	shalt  }
0x72: {  	_ =	shalt  }
0x73: {  	_ =	shalt  }
0x74: {  	_ =	shalt  }
0x75: {  	_ =	shalt  }
0x76: {  	_ =	shalt  }
0x77: {  	_ =	shalt  }
0x78: {  	_ =	shalt  }
0x79: {  	_ =	shalt  }
0x7a: {  	_ =	shalt  }
0x7b: {  	_ =	shalt  }
0x7c: {  	_ =	shalt  }
0x7d: {  	_ =	shalt  }
0x7e: {  	_ =	shalt  }
0x7f: {  	_ =	shalt  }
0x80: {  	_ =	shalt  }
0x81: {  	_ =	shalt  }
0x82: {  	_ =	shalt  }
0x83: {  	_ =	shalt  }
0x84: {  	_ =	shalt  }
0x85: {  	_ =	shalt  }
0x86: {  	_ =	shalt  }
0x87: {  	_ =	shalt  }
.Lfunc_end0:
.L_simem_size_0:
called_computation_lowered:
.L_overlay_start_0:
0x88: {  	s2 =	sld [smem:$0x3FD9]  }
0x89: {  	s3 =	sld [smem:$0x3FFE];
	_ =	sdelay $0x1  }
0x8a: {  	s1 =	srdreg.scid  }
0x8b: {  	s0 =	sand.u32 $0x1, s1  }
0x8c: {  	s18 =	sshll.u32 s0, $0xA;
	s2 =	sadd.s32 s3, s2  }
0x8d: {  	s2 =	sadd.s32 s2, s18  }
0x8e: {  	[smem:$0x3FC6] =	sst s2  }
0x8f: {  	_ = 	snop  }
0x90: {  	s2 =	sld [smem:$0x3FC9]  }
0x91: {  	s19 =	sld [smem:$0x3FC8]  }
0x92: {  	s4 =	sld [smem:$0x3FD0];
	(tm) =	ssettm $0x1  }
0x93: {  	s5 =	sld [smem:$0x3FFB];
	_ =	sdelay $0x3  }
0x94: {  	_ =	strace s5  }
0x95: {  	s5 =	sld [smem:$0x3FFC];
	_ =	sdelay $0x3  }
0x96: {  	_ =	strace s5  }
0x97: {  	s5 =	sld [smem:$0x3FFD];
	_ =	sdelay $0x3  }
0x98: {  	_ =	strace s5  }
0x99: {  	_ =	strace $0x8FFFFFFF  }
0x9a: {  	s20 =	sld [smem:$0x3FDB];
	_ =	sdelay $0x1  }
0x9b: {  	s6 =	simm.s32 $_scs_section_size  }
0x9c: {  	s7 =	simm.s32 $_size__tile_overlayer_lowered;
	s8 =	simm.s32 $_tile_overlayer_lowered  }
0x9d: {  	s23 =	simm.s32 $0x1BFF;
	s22 =	sshll.u32 s8, $0x1;
	s5 =	sadd.s32 s6, s20  }
0x9e: {  	s9 =	simm.s32 $0x0;
	s21 =	sshll.u32 s7, $0x1;
	s7 =	sadd.s32 s22, s5  }
0x9f: {  	[timem:s9], [sflag:s23] =	dma.local [hbm:s7], s21  }
0xa0: {  	_ =	swait.ge [sflag:s23], s21  }
0xa1: {  	s6 =	ssub.s32 $0x0, s21;
	[sflag:s23] =	ssyncset.done $0x0  }
0xa2: {  	[sflag:s23] =	ssyncadd.s32 s6;
	_ =	sdelay $0x1  }
0xa3: {  	s24 =	simm.s32 $0x1B8B  }
0xa4: {  	_ =	swait.ge [sflag:s24], $0x1  }
0xa5: {  	[sflag:s24] =	ssyncset.done $0x0  }
0xa6: {  	s25 =	simm.s32 $0x1B8E;
	[sflag:s24] =	ssyncadd.s32 $0xFFFFFFFF  }
0xa7: {  	s26 =	simm.s32 $execute0_lowered;
	[smem:$0x3FD2] =	sst s25  }
0xa8: {  	s6 =	sshll.u32 s26, $0x1;
	_ =	strace $0x80000046;
	[dreg:$0x1] =	wrdreg $0xFFFFFFFF  }
0xa9: {  	s28 =	simm.s32 $_size_execute0_lowered;
	s5 =	sadd.s32 s5, s6;
	[dreg:$0x0] =	wrdreg $0x0  }
0xaa: {  	s6 =	sshll.u32 s28, $0x1;
	[dreg:$0x2] =	wrdreg s5  }
0xab: {  	[dreg:$0x3] =	wrdreg s6  }
0xac: {  	[dreg:$0x4] =	wrdreg $0xC0  }
0xad: {  	_ =	task [dreg:s9], $0x5FFFF  }
0xae: {  	[dreg:$0x1] =	wrdreg $0xFFFFFFFF  }
0xaf: {  	[dreg:$0x0] =	wrdreg $0x60  }
0xb0: {  	[dreg:$0x2] =	wrdreg s2  }
0xb1: {  	[dreg:$0x3] =	wrdreg s19  }
0xb2: {  	[dreg:$0x4] =	wrdreg s4  }
0xb3: {  	[dreg:$0x5] =	wrdreg $0x800  }
0xb4: {  	[dreg:$0x6] =	wrdreg $0x80800  }
0xb5: {  	[dreg:$0x7] =	wrdreg $0x9  }
0xb6: {  	_ =	task.clear_ibuf [dreg:s9], $0x8FFFF;
	_ =	strace $0x90000046  }
0xb7: {  	s29 =	simm.s32 $0x9;
	_ =	strace $0x80000048  }
0xb8: {  	_ =	swait.ge [sflag:s29], $0x1  }
0xb9: {  	[sflag:s29] =	ssyncadd.s32 $0xFFFFFFFF  }
0xba: {  	_ =	strace $0x90000048  }
0xbb: {  	_ =	sfence  }
0xbc: {  	s30 =	sld [smem:$0x0];
	_ =	sdelay $0x2  }
0xbd: {  	s31 =	sshll.u32 s1, $0xD;
	s1 =	sshrl.u32 s1, $0x2  }
0xbe: {  	s3 =	sand.u32 $0x4000, s31;
	s1 =	sadd.s32 s1, s30  }
0xbf: {  	s0 =	sor.u32 s3, s0;
	s1 =	sshll.u32 s1, $0x11  }
0xc0: {  	s0 =	sor.u32 s1, s0  }
0xc1: {  	s0 =	sadd.s32 $0x8F2B, s0  }
0xc2: {  	[sflag:s0] =	ssyncadd.remote.s32 $0x1  }
0xc3: {  	_ =	sfence.sel $0xFFFF  }
0xc4: {  	[dreg:$0x0] =	wrdreg $0xFFFFFFFF;
	(pc) =	sbr.abs _section_cstart, $3  }
0xc5: {  	[dreg:$0x1] =	wrdreg $0xFFFFFFFF  }
0xc6: {  	_ =	task.clear_ibuf [dreg:s9], $0x2FFFF;
	_ =	strace $0x9FFFFFFF  }
0xc7: {  	(tm) =	ssettm $0x7FFFFFFF  }
tec
execute0_lowered:
.L_overlay_start_1:
0x0: {  	(tag) =	ssettag $0x1  }
0x1: {  	s9 =	rddreg [dreg:$0x0]  }
0x2: {  	s2 =	rddreg [dreg:$0x1]  }
0x3: {  	s0 =	rddreg [dreg:$0x2]  }
0x4: {  	s16 =	rddreg [dreg:$0x3]  }
0x5: {  	s4 =	rddreg [dreg:$0x4]  }
0x6: {  	s1 =	srdreg.scid;
	s10 =	stileid.u32  }
0x7: {  	s5 =	simm.s32 $0x0;
	s1 =	sand.u32 $0x1, s1;
	s3 =	smul.u32 $0x60000, s10  }
0x8: {  	[smem:$0x7FF] =	sst s5;
	s7 =	smul.u32 $0x300000, s10;
	s31 =	ssub.s32 $0x2, s1  }
0x9: {  	s12 =	sshll.u32 s10, $0xF;
	s6 =	smul.u32 $0x30000, s1;
	s8 =	sshrl.u32 s31, $0x1  }
0xa: {  	_ =	strace $0x80000047;
	s5 =	ssub.s32 s31, s8;
	s8 =	sshll.u32 s10, $0x3  }
0xb: {  	s1 =	sadd.s32 s6, s3;
	s3 =	sor.u32 s6, s7;
	s2 =	sadd.s32 s2, s8  }
0xc: {  	s11 =	sshrl.u32 s1, $0x3;
	s7 =	sadd.s32 $0x180000, s3;
	s8 =	sadd.s32 s12, s16  }
0xd: {  	s5 =	smax.u32 s5, $0x1;
	s15 =	sshrl.u32 s3, $0x3;
	s18 =	sadd.s32 $0x60000, s3  }
0xe: {  	s20 =	sor.u32 $0xC0000, s3;
	s21 =	sadd.s32 $0x120000, s3;
	s25 =	sadd.s32 $0x1E0000, s3  }
0xf: {  	s28 =	sadd.s32 $0x240000, s3;
	s29 =	sadd.s32 $0x2A0000, s3;
	s10 =	sadd.s32 $0x2A8000, s3  }
0x10: {  	[smem:$0x7FA] =	sst s2;
	s2 =	sadd.s32 s9, s11;
	s13 =	sshrl.u32 s7, $0x3  }
0x11: {  	[smem:$0x7FC] =	sst s5;
	s17 =	sadd.s32 s15, s0;
	s19 =	sshrl.u32 s18, $0x3  }
0x12: {  	s6 =	sshrl.u32 s20, $0x3;
	s23 =	sshrl.u32 s21, $0x3;
	s26 =	sshrl.u32 s25, $0x3  }
0x13: {  	s31 =	sshrl.u32 s29, $0x3;
	s11 =	sshrl.u32 s10, $0x3;
	s18 =	sadd.s32 $0x128000, s3  }
0x14: {  	s20 =	sor.u32 $0xC8000, s3;
	s21 =	sadd.s32 $0x68000, s3;
	[smem:$0x7FB] =	sst s2  }
0x15: {  	s25 =	sor.u32 $0x8000, s3;
	s14 =	sadd.s32 s13, s0;
	[dreg:$0x7] =	wrdreg s17  }
0x16: {  	s2 =	sadd.s32 s12, s4;
	s5 =	sadd.s32 s19, s0;
	[dreg:$0x6] =	wrdreg s14  }
0x17: {  	s22 =	sadd.s32 s6, s0;
	s24 =	sadd.s32 s23, s0;
	[dreg:$0x8] =	wrdreg s5  }
0x18: {  	s6 =	sshrl.u32 s28, $0x3;
	s7 =	sadd.s32 s31, s0;
	[dreg:$0x9] =	wrdreg s22  }
0x19: {  	s12 =	sadd.s32 $0x248000, s3;
	s13 =	sadd.s32 $0x1E8000, s3;
	[dreg:$0xa] =	wrdreg s24  }
0x1a: {  	s28 =	sor.u32 $0x8000, s1;
	s1 =	sadd.s32 $0x10000, s1;
	[dreg:$0xd] =	wrdreg s7  }
0x1b: {  	s19 =	sshrl.u32 s18, $0x3;
	s5 =	sadd.s32 s26, s0;
	[smem:$0x7FD] =	sst s1  }
0x1c: {  	s23 =	sshrl.u32 s21, $0x3;
	s30 =	sadd.s32 s6, s0;
	[dreg:$0xb] =	wrdreg s5  }
0x1d: {  	s3 =	sadd.s32 $0x188000, s3;
	s24 =	sadd.s32 s23, s0;
	[dreg:$0xc] =	wrdreg s30  }
0x1e: {  	s6 =	sshrl.u32 s12, $0x3;
	s31 =	sshrl.u32 s2, $0x3;
	[dreg:$0x13] =	wrdreg s24  }
0x1f: {  	s15 =	sshrl.u32 s13, $0x3;
	s5 =	sadd.s32 s11, s0;
	[dreg:$0x17] =	wrdreg s31  }
0x20: {  	s26 =	sshrl.u32 s25, $0x3;
	s14 =	sadd.s32 s6, s0;
	[dreg:$0xe] =	wrdreg s5  }
0x21: {  	s29 =	sshrl.u32 s28, $0x3;
	s17 =	sadd.s32 s15, s0;
	[dreg:$0xf] =	wrdreg s14  }
0x22: {  	s3 =	sshrl.u32 s3, $0x3;
	s30 =	sadd.s32 s29, s9;
	[dreg:$0x10] =	wrdreg s17  }
0x23: {  	s6 =	sshrl.u32 s20, $0x3;
	s5 =	sadd.s32 s19, s0;
	[dreg:$0x16] =	wrdreg s30  }
0x24: {  	s12 =	simm.s32 $0x1;
	s22 =	sadd.s32 s6, s0;
	[dreg:$0x11] =	wrdreg s5  }
0x25: {  	s13 =	simm.s32 $0x80;
	[dreg:$0x12] =	wrdreg s22;
	s5 =	sadd.s32 s26, s0  }
0x26: {  	s1 =	simm.s32 $0x0;
	s0 =	sadd.s32 s3, s0;
	[dreg:$0x14] =	wrdreg s5  }
0x27: {  	s15 =	simm.s32 $0x2;
	s14 =	simm.s32 $0x3;
	[dreg:$0x15] =	wrdreg s0  }
.LBB2_1:
0x28: {  	s21 =	sld [smem:$0x7FA];
	_ =	sdelay $0x1  }
0x29: {  	[smem:$0x715] =	sst s1;
	s0 =	simm.s32 $0x0;
	s22 =	simm.s32 $0x4  }
0x2a: {  	[tilespmem:s0], [sflag:$0x4] =	stream.linear.gather [hbm4b:s21+s0], $0x40, $0x38;
	[tilespmem:$0x10080] =	vst v63  }
0x2b: {  	_ =	swait.ge [sflag:s22], $0x40  }
0x2c: {  	[sflag:s22] =	ssyncset.done $0x0  }
0x2d: {  	[sflag:s22] =	ssyncadd.s32 $0xFFFFFFC0  }
0x2e: {  	v0 =	vld [tilespmem:$0x0];
	_ =	sdelay $0x4  }
0x2f: {  	(v2sf) =	vpush v0, $0x0  }
0x30: {  	(v2sf) =	vpush v0, $0x1  }
0x31: {  	(v2sf) =	vpush v0, $0x2  }
0x32: {  	(v2sf) =	vpush v0, $0x3  }
0x33: {  	(v2sf) =	vpush v0, $0x4  }
0x34: {  	(v2sf) =	vpush v0, $0x5  }
0x35: {  	(v2sf) =	vpush v0, $0x6  }
0x36: {  	(v2sf) =	vpush v0, $0x7  }
0x37: {  	(v2sf) =	vpush v0, $0x8  }
0x38: {  	(v2sf) =	vpush v0, $0x9  }
0x39: {  	(v2sf) =	vpush v0, $0xA  }
0x3a: {  	v1 =	vld [tilespmem:$0x10];
	(v2sf) =	vpush v0, $0xB  }
0x3b: {  	(v2sf) =	vpush v0, $0xC  }
0x3c: {  	(v2sf) =	vpush v0, $0xD  }
0x3d: {  	(v2sf) =	vpush v0, $0xE  }
0x3e: {  	s25 =	spop (v2sf);
	(v2sf) =	vpush v0, $0xF  }
0x3f: {  	s26 =	spop (v2sf);
	(v2sf) =	vpush v1, $0x0  }
0x40: {  	s29 =	spop (v2sf);
	(v2sf) =	vpush v1, $0x1  }
0x41: {  	s28 =	spop (v2sf);
	(v2sf) =	vpush v1, $0x2  }
0x42: {  	s30 =	spop (v2sf);
	(v2sf) =	vpush v1, $0x3  }
0x43: {  	s31 =	spop (v2sf);
	(v2sf) =	vpush v1, $0x4  }
0x44: {  	s3 =	spop (v2sf);
	(v2sf) =	vpush v1, $0x5  }
0x45: {  	s0 =	spop (v2sf);
	(v2sf) =	vpush v1, $0x6  }
0x46: {  	s1 =	spop (v2sf);
	(v2sf) =	vpush v1, $0x7  }
0x47: {  	s2 =	spop (v2sf);
	(v2sf) =	vpush v1, $0x8  }
0x48: {  	s5 =	spop (v2sf);
	(v2sf) =	vpush v1, $0x9  }
0x49: {  	s6 =	spop (v2sf);
	(v2sf) =	vpush v1, $0xA  }
0x4a: {  	v62 =	vld [tilespmem:$0x20];
	s7 =	spop (v2sf);
	(v2sf) =	vpush v1, $0xB  }
0x4b: {  	s9 =	spop (v2sf);
	(v2sf) =	vpush v1, $0xC  }
0x4c: {  	s10 =	spop (v2sf);
	(v2sf) =	vpush v1, $0xD  }
0x4d: {  	s11 =	spop (v2sf);
	(v2sf) =	vpush v1, $0xE  }
0x4e: {  	s22 =	spop (v2sf);
	(v2sf) =	vpush v1, $0xF  }
0x4f: {  	s19 =	spop (v2sf);
	(v2sf) =	vpush v62, $0x0  }
0x50: {  	s20 =	spop (v2sf);
	(v2sf) =	vpush v62, $0x1  }
0x51: {  	s21 =	spop (v2sf);
	(v2sf) =	vpush v62, $0x2  }
0x52: {  	s17 =	spop (v2sf);
	(v2sf) =	vpush v62, $0x3  }
0x53: {  	[smem:$0x716] =	sst s17;
	s23 =	spop (v2sf);
	(v2sf) =	vpush v62, $0x4  }
0x54: {  	[smem:$0x717] =	sst s23;
	s24 =	spop (v2sf);
	(v2sf) =	vpush v62, $0x5  }
0x55: {  	[smem:$0x718] =	sst s24;
	s18 =	spop (v2sf);
	(v2sf) =	vpush v62, $0x6  }
0x56: {  	[smem:$0x719] =	sst s18;
	s23 =	spop (v2sf);
	(v2sf) =	vpush v62, $0x7  }
0x57: {  	[smem:$0x71A] =	sst s23;
	s24 =	spop (v2sf);
	(v2sf) =	vpush v62, $0x8  }
0x58: {  	[smem:$0x71B] =	sst s24;
	(v2sf) =	vpush v62, $0x9;
	s18 =	spop (v2sf)  }
0x59: {  	[smem:$0x71C] =	sst s18;
	(v2sf) =	vpush v62, $0xA;
	s23 =	spop (v2sf)  }
0x5a: {  	v63 =	vld [tilespmem:$0x30];
	[smem:$0x71D] =	sst s23;
	(v2sf) =	vpush v62, $0xB;
	s24 =	spop (v2sf)  }
0x5b: {  	[smem:$0x71E] =	sst s24;
	(v2sf) =	vpush v62, $0xC;
	s18 =	spop (v2sf)  }
0x5c: {  	[smem:$0x71F] =	sst s18;
	(v2sf) =	vpush v62, $0xD;
	s23 =	spop (v2sf)  }
0x5d: {  	[smem:$0x720] =	sst s23;
	(v2sf) =	vpush v62, $0xE;
	s24 =	spop (v2sf)  }
0x5e: {  	[smem:$0x721] =	sst s24;
	(v2sf) =	vpush v62, $0xF;
	s18 =	spop (v2sf)  }
0x5f: {  	[smem:$0x722] =	sst s18;
	(v2sf) =	vpush v63, $0x0;
	s23 =	spop (v2sf)  }
0x60: {  	[smem:$0x723] =	sst s23;
	(v2sf) =	vpush v63, $0x1;
	s24 =	spop (v2sf)  }
0x61: {  	[smem:$0x724] =	sst s24;
	(v2sf) =	vpush v63, $0x2;
	s18 =	spop (v2sf)  }
0x62: {  	[smem:$0x725] =	sst s18;
	(v2sf) =	vpush v63, $0x3;
	s23 =	spop (v2sf)  }
0x63: {  	[smem:$0x726] =	sst s23;
	(v2sf) =	vpush v63, $0x4;
	s24 =	spop (v2sf)  }
0x64: {  	[smem:$0x727] =	sst s24;
	(v2sf) =	vpush v63, $0x5;
	s18 =	spop (v2sf)  }
0x65: {  	[smem:$0x728] =	sst s18;
	(v2sf) =	vpush v63, $0x6;
	s23 =	spop (v2sf)  }
0x66: {  	[smem:$0x729] =	sst s23;
	(v2sf) =	vpush v63, $0x7;
	s24 =	spop (v2sf)  }
0x67: {  	[smem:$0x72A] =	sst s24;
	(v2sf) =	vpush v63, $0x8;
	s18 =	spop (v2sf)  }
0x68: {  	[smem:$0x72B] =	sst s18;
	(v2sf) =	vpush v63, $0x9;
	s23 =	spop (v2sf)  }
0x69: {  	[smem:$0x72C] =	sst s23;
	(v2sf) =	vpush v63, $0xA;
	s24 =	spop (v2sf)  }
0x6a: {  	[smem:$0x72D] =	sst s24;
	(v2sf) =	vpush v63, $0xB;
	s18 =	spop (v2sf)  }
0x6b: {  	[smem:$0x72E] =	sst s18;
	(v2sf) =	vpush v63, $0xC;
	s23 =	spop (v2sf)  }
0x6c: {  	[smem:$0x72F] =	sst s23;
	(v2sf) =	vpush v63, $0xD;
	s24 =	spop (v2sf)  }
0x6d: {  	[smem:$0x730] =	sst s24;
	s18 =	spop (v2sf)  }
0x6e: {  	(v2sf) =	vpush v63, $0xE;
	[smem:$0x731] =	sst s18;
	s23 =	spop (v2sf)  }
0x6f: {  	(v2sf) =	vpush v63, $0xF;
	[smem:$0x732] =	sst s23;
	s24 =	spop (v2sf)  }
0x70: {  	[smem:$0x733] =	sst s24;
	s18 =	spop (v2sf)  }
0x71: {  	[smem:$0x734] =	sst s18;
	s23 =	spop (v2sf)  }
0x72: {  	[smem:$0x735] =	sst s23;
	s24 =	spop (v2sf)  }
0x73: {  	[smem:$0x736] =	sst s24;
	s18 =	spop (v2sf)  }
0x74: {  	[smem:$0x737] =	sst s18;
	s23 =	spop (v2sf)  }
0x75: {  	[smem:$0x738] =	sst s23;
	s24 =	spop (v2sf)  }
0x76: {  	[smem:$0x739] =	sst s24;
	s18 =	spop (v2sf)  }
0x77: {  	[smem:$0x73A] =	sst s18;
	s23 =	spop (v2sf)  }
0x78: {  	[smem:$0x73B] =	sst s23;
	s24 =	spop (v2sf)  }
0x79: {  	[smem:$0x73C] =	sst s24;
	s18 =	spop (v2sf)  }
0x7a: {  	[smem:$0x73D] =	sst s18;
	s23 =	spop (v2sf)  }
0x7b: {  	[smem:$0x73E] =	sst s23;
	s24 =	spop (v2sf)  }
0x7c: {  	s23 =	stileid.u32;
	[smem:$0x73F] =	sst s24  }
0x7d: {  	s18 =	spop (v2sf);
	s24 =	sld [smem:$0x7FB]  }
0x7e: {  	s17 =	sshll.u32 s23, $0x6;
	[smem:$0x740] =	sst s18;
	s18 =	spop (v2sf)  }
0x7f: {  	s23 =	sshrl.u32 s8, $0x3;
	[smem:$0x741] =	sst s18;
	s18 =	sor.u32 $0x1C01, s17  }
0x80: {  	[spmem:s23], [sflag:s18] =	dma.local [hbm:s24], $0x1000  }
0x81: {  	s24 =	sshll.u32 s25, $0xC;
	s25 =	sshll.u32 s25, $0x7  }
0x82: {  	s23 =	sand.u32 $0xFFFF8000, s24;
	s25 =	sand.u32 $0x380, s25  }
0x83: {  	s24 =	sshll.u32 s26, $0xC;
	s23 =	sor.u32 s25, s23  }
0x84: {  	s25 =	sshll.u32 s26, $0x7;
	s26 =	sshll.u32 s29, $0xC;
	s29 =	sshll.u32 s29, $0x7  }
0x85: {  	[smem:$0x742] =	sst s23;
	s23 =	sand.u32 $0xFFFF8000, s24;
	s24 =	sand.u32 $0x380, s25  }
0x86: {  	s25 =	sand.u32 $0xFFFF8000, s26;
	s29 =	sand.u32 $0x380, s29;
	s23 =	sor.u32 s24, s23  }
0x87: {  	s26 =	sshll.u32 s30, $0xC;
	s24 =	sshll.u32 s28, $0xC;
	[smem:$0x743] =	sst s23  }
0x88: {  	s23 =	sor.u32 s29, s25;
	s25 =	sshll.u32 s28, $0x7;
	s28 =	sand.u32 $0xFFFF8000, s26  }
0x89: {  	s29 =	sshll.u32 s30, $0x7;
	s30 =	sshll.u32 s31, $0xC;
	s31 =	sshll.u32 s31, $0x7  }
0x8a: {  	s26 =	sshll.u32 s1, $0xC;
	s1 =	sshll.u32 s1, $0x7;
	[smem:$0x744] =	sst s23  }
0x8b: {  	s23 =	sand.u32 $0xFFFF8000, s24;
	s24 =	sand.u32 $0x380, s25;
	s1 =	sand.u32 $0x380, s1  }
0x8c: {  	s23 =	sor.u32 s24, s23;
	s24 =	sand.u32 $0x380, s29;
	s29 =	sand.u32 $0x380, s31  }
0x8d: {  	s31 =	sshll.u32 s0, $0xC;
	s0 =	sshll.u32 s0, $0x7;
	[smem:$0x745] =	sst s23  }
0x8e: {  	s23 =	sor.u32 s24, s28;
	s28 =	sand.u32 $0xFFFF8000, s30;
	s30 =	sshll.u32 s3, $0xC  }
0x8f: {  	s3 =	sshll.u32 s3, $0x7;
	s25 =	sand.u32 $0xFFFF8000, s31;
	s0 =	sand.u32 $0x380, s0  }
0x90: {  	s31 =	sshll.u32 s5, $0xC;
	s24 =	sshll.u32 s6, $0xC;
	[smem:$0x746] =	sst s23  }
0x91: {  	s23 =	sor.u32 s29, s28;
	s3 =	sand.u32 $0x380, s3;
	s0 =	sor.u32 s0, s25  }
0x92: {  	s28 =	sand.u32 $0xFFFF8000, s26;
	s29 =	sshll.u32 s2, $0xC;
	s25 =	sshll.u32 s6, $0x7  }
0x93: {  	s26 =	sand.u32 $0xFFFF8000, s24;
	s6 =	sshll.u32 s10, $0xC;
	[smem:$0x747] =	sst s23  }
0x94: {  	s24 =	sshll.u32 s11, $0xC;
	s23 =	sand.u32 $0xFFFF8000, s30;
	[smem:$0x749] =	sst s0  }
0x95: {  	s0 =	sor.u32 s1, s28;
	s30 =	sshll.u32 s2, $0x7;
	s28 =	sand.u32 $0x380, s25  }
0x96: {  	s25 =	sshll.u32 s11, $0x7;
	s11 =	sshll.u32 s21, $0x7;
	s3 =	sor.u32 s3, s23  }
0x97: {  	[smem:$0x74A] =	sst s0;
	s0 =	sand.u32 $0xFFFF8000, s29;
	s1 =	sand.u32 $0x380, s30  }
0x98: {  	s23 =	sshll.u32 s5, $0x7;
	s29 =	sshll.u32 s7, $0xC;
	s30 =	sshll.u32 s7, $0x7  }
0x99: {  	s5 =	sshll.u32 s9, $0x7;
	s7 =	sshll.u32 s10, $0x7;
	[smem:$0x748] =	sst s3  }
0x9a: {  	s0 =	sor.u32 s1, s0;
	s3 =	sand.u32 $0xFFFF8000, s31;
	s1 =	sand.u32 $0x380, s23  }
0x9b: {  	s31 =	sshll.u32 s9, $0xC;
	s9 =	sand.u32 $0xFFFF8000, s6;
	[smem:$0x74B] =	sst s0  }
0x9c: {  	s0 =	sor.u32 s1, s3;
	s1 =	sand.u32 $0x380, s30;
	s3 =	sand.u32 $0xFFFF8000, s31  }
0x9d: {  	s30 =	sshll.u32 s19, $0xC;
	s31 =	sshll.u32 s19, $0x7;
	s19 =	sld [smem:$0x716]  }
0x9e: {  	s10 =	sand.u32 $0x380, s7;
	s6 =	sshll.u32 s20, $0xC;
	[smem:$0x74D] =	sst s0  }
0x9f: {  	s0 =	sor.u32 s28, s26;
	s2 =	sand.u32 $0xFFFF8000, s30;
	s30 =	sld [smem:$0x718]  }
0xa0: {  	s7 =	sshll.u32 s20, $0x7;
	s26 =	sshll.u32 s22, $0xC;
	[smem:$0x74F] =	sst s0  }
0xa1: {  	s0 =	sand.u32 $0xFFFF8000, s29;
	s28 =	sand.u32 $0xFFFF8000, s26;
	s29 =	sshll.u32 s22, $0x7  }
0xa2: {  	s0 =	sor.u32 s1, s0;
	s1 =	sand.u32 $0x380, s5;
	s5 =	sand.u32 $0x380, s31  }
0xa3: {  	s20 =	sshll.u32 s19, $0xC;
	[smem:$0x751] =	sst s0;
	s23 =	sor.u32 s1, s3  }
0xa4: {  	s0 =	sor.u32 s10, s9;
	s1 =	sand.u32 $0x380, s25;
	s25 =	sor.u32 s5, s2  }
0xa5: {  	s9 =	sshll.u32 s21, $0xC;
	s3 =	sshll.u32 s19, $0x7;
	s5 =	sld [smem:$0x719]  }
0xa6: {  	s21 =	sand.u32 $0xFFFF8000, s20;
	s31 =	sshll.u32 s30, $0xC;
	s19 =	sld [smem:$0x71B]  }
0xa7: {  	[smem:$0x754] =	sst s0;
	s0 =	sand.u32 $0xFFFF8000, s24;
	s10 =	sand.u32 $0xFFFF8000, s9  }
0xa8: {  	s22 =	sand.u32 $0x380, s3;
	s2 =	sand.u32 $0xFFFF8000, s31;
	s3 =	sshll.u32 s30, $0x7  }
0xa9: {  	s30 =	sld [smem:$0x71C];
	s24 =	sor.u32 s1, s0;
	s1 =	sand.u32 $0x380, s29  }
0xaa: {  	s0 =	sor.u32 s1, s28;
	s1 =	sand.u32 $0x380, s7;
	s28 =	sld [smem:$0x717]  }
0xab: {  	s20 =	sshll.u32 s19, $0xC;
	[smem:$0x757] =	sst s0;
	s0 =	sand.u32 $0xFFFF8000, s6  }
0xac: {  	s6 =	sshll.u32 s5, $0xC;
	s31 =	sshll.u32 s30, $0xC;
	s0 =	sor.u32 s1, s0  }
0xad: {  	s1 =	sand.u32 $0x380, s11;
	s7 =	sand.u32 $0xFFFF8000, s6;
	s6 =	sld [smem:$0x71D]  }
0xae: {  	[smem:$0x75A] =	sst s0;
	s26 =	sor.u32 s1, s10;
	s0 =	sor.u32 s22, s21  }
0xaf: {  	s29 =	sshll.u32 s28, $0xC;
	s1 =	sshll.u32 s28, $0x7;
	s10 =	sld [smem:$0x71A]  }
0xb0: {  	s21 =	sand.u32 $0xFFFF8000, s20;
	s22 =	sshll.u32 s19, $0x7;
	s20 =	sld [smem:$0x71F]  }
0xb1: {  	[smem:$0x75D] =	sst s0;
	s0 =	sand.u32 $0xFFFF8000, s29;
	s1 =	sand.u32 $0x380, s1  }
0xb2: {  	s28 =	sor.u32 s1, s0;
	s1 =	sand.u32 $0x380, s3;
	s3 =	sshll.u32 s5, $0x7  }
0xb3: {  	s0 =	sor.u32 s1, s2;
	s9 =	sand.u32 $0x380, s3;
	s11 =	sshll.u32 s10, $0xC  }
0xb4: {  	s1 =	sshll.u32 s10, $0x7;
	s3 =	sshll.u32 s30, $0x7;
	s2 =	sand.u32 $0xFFFF8000, s31  }
0xb5: {  	[smem:$0x760] =	sst s0;
	s0 =	sand.u32 $0xFFFF8000, s11;
	s1 =	sand.u32 $0x380, s1  }
0xb6: {  	s29 =	sor.u32 s9, s7;
	s9 =	sld [smem:$0x71E];
	s0 =	sor.u32 s1, s0  }
0xb7: {  	s5 =	sand.u32 $0x380, s3;
	s7 =	sshll.u32 s6, $0xC;
	[smem:$0x763] =	sst s0  }
0xb8: {  	s1 =	sand.u32 $0x380, s22;
	s0 =	sor.u32 s5, s2;
	s2 =	sld [smem:$0x720]  }
0xb9: {  	s3 =	sshll.u32 s20, $0x7;
	s30 =	sor.u32 s1, s21;
	s5 =	sld [smem:$0x721]  }
0xba: {  	s1 =	sshll.u32 s6, $0x7;
	s21 =	sshll.u32 s20, $0xC;
	[smem:$0x766] =	sst s0  }
0xbb: {  	s0 =	sand.u32 $0xFFFF8000, s7;
	s1 =	sand.u32 $0x380, s1;
	s10 =	sshll.u32 s9, $0xC  }
0xbc: {  	s19 =	sshll.u32 s9, $0x7;
	s22 =	sand.u32 $0xFFFF8000, s21;
	s21 =	sld [smem:$0x723]  }
0xbd: {  	s0 =	sor.u32 s1, s0;
	s11 =	sand.u32 $0xFFFF8000, s10;
	s10 =	sld [smem:$0x722]  }
0xbe: {  	s31 =	sand.u32 $0x380, s3;
	s1 =	sand.u32 $0x380, s19;
	[smem:$0x7AF] =	sst s0  }
0xbf: {  	s0 =	sor.u32 s1, s11;
	s3 =	sshll.u32 s2, $0xC;
	s1 =	sshll.u32 s2, $0x7  }
0xc0: {  	s6 =	sshll.u32 s5, $0xC;
	s9 =	sshll.u32 s5, $0x7;
	[smem:$0x7B1] =	sst s0  }
0xc1: {  	s0 =	sor.u32 s31, s22;
	s1 =	sand.u32 $0x380, s1;
	s31 =	sld [smem:$0x724]  }
0xc2: {  	s7 =	sand.u32 $0xFFFF8000, s6;
	s22 =	sshll.u32 s21, $0xC;
	[smem:$0x7B3] =	sst s0  }
0xc3: {  	s0 =	sand.u32 $0xFFFF8000, s3;
	s11 =	sshll.u32 s10, $0xC;
	s3 =	sshll.u32 s10, $0x7  }
0xc4: {  	s0 =	sor.u32 s1, s0;
	s1 =	sand.u32 $0x380, s9;
	s9 =	sld [smem:$0x725]  }
0xc5: {  	s19 =	sand.u32 $0xFFFF8000, s11;
	s20 =	sand.u32 $0x380, s3;
	[smem:$0x7B5] =	sst s0  }
0xc6: {  	s0 =	sor.u32 s1, s7;
	s1 =	sshll.u32 s21, $0x7;
	s5 =	sshll.u32 s31, $0xC  }
0xc7: {  	s7 =	sshll.u32 s31, $0x7;
	[smem:$0x7B7] =	sst s0;
	s0 =	sor.u32 s20, s19  }
0xc8: {  	s1 =	sand.u32 $0x380, s1;
	s6 =	sand.u32 $0xFFFF8000, s5;
	s20 =	sld [smem:$0x726]  }
0xc9: {  	[smem:$0x7B9] =	sst s0;
	s0 =	sand.u32 $0xFFFF8000, s22;
	s10 =	sshll.u32 s9, $0xC  }
0xca: {  	s3 =	sshll.u32 s9, $0x7;
	s22 =	sld [smem:$0x727];
	s0 =	sor.u32 s1, s0  }
0xcb: {  	s1 =	sand.u32 $0x380, s7;
	s11 =	sand.u32 $0xFFFF8000, s10;
	[smem:$0x7BB] =	sst s0  }
0xcc: {  	s19 =	sand.u32 $0x380, s3;
	s0 =	sor.u32 s1, s6;
	s6 =	sld [smem:$0x728]  }
0xcd: {  	s21 =	sshll.u32 s20, $0xC;
	s1 =	sshll.u32 s20, $0x7;
	s20 =	sld [smem:$0x72A]  }
0xce: {  	[smem:$0x7BD] =	sst s0;
	s0 =	sor.u32 s19, s11;
	s1 =	sand.u32 $0x380, s1  }
0xcf: {  	s31 =	sshll.u32 s22, $0xC;
	s5 =	sshll.u32 s22, $0x7;
	s11 =	sld [smem:$0x729]  }
0xd0: {  	[smem:$0x7BF] =	sst s0;
	s0 =	sand.u32 $0xFFFF8000, s21;
	s2 =	sand.u32 $0xFFFF8000, s31  }
0xd1: {  	s0 =	sor.u32 s1, s0;
	s1 =	sand.u32 $0x380, s5;
	s7 =	sshll.u32 s6, $0xC  }
0xd2: {  	s3 =	sshll.u32 s6, $0x7;
	s21 =	sshll.u32 s20, $0xC;
	[smem:$0x7C1] =	sst s0  }
0xd3: {  	s31 =	sshll.u32 s20, $0x7;
	s0 =	sor.u32 s1, s2;
	s2 =	sld [smem:$0x72B]  }
0xd4: {  	s19 =	sshll.u32 s11, $0xC;
	s1 =	sshll.u32 s11, $0x7;
	s11 =	sld [smem:$0x72D]  }
0xd5: {  	s9 =	sand.u32 $0xFFFF8000, s7;
	s10 =	sand.u32 $0x380, s3;
	[smem:$0x7C3] =	sst s0  }
0xd6: {  	s22 =	sand.u32 $0xFFFF8000, s21;
	s0 =	sor.u32 s10, s9;
	s9 =	sld [smem:$0x72C]  }
0xd7: {  	s1 =	sand.u32 $0x380, s1;
	[smem:$0x7C5] =	sst s0;
	s0 =	sand.u32 $0xFFFF8000, s19  }
0xd8: {  	s0 =	sor.u32 s1, s0;
	s1 =	sand.u32 $0x380, s31;
	s5 =	sshll.u32 s2, $0xC  }
0xd9: {  	s19 =	sshll.u32 s11, $0xC;
	s21 =	sshll.u32 s11, $0x7;
	s11 =	sld [smem:$0x730]  }
0xda: {  	s3 =	sshll.u32 s2, $0x7;
	[smem:$0x7C7] =	sst s0;
	s0 =	sor.u32 s1, s22  }
0xdb: {  	s6 =	sand.u32 $0xFFFF8000, s5;
	s7 =	sand.u32 $0x380, s3;
	s22 =	sld [smem:$0x72E]  }
0xdc: {  	s10 =	sshll.u32 s9, $0xC;
	s1 =	sshll.u32 s9, $0x7;
	s9 =	sld [smem:$0x72F]  }
0xdd: {  	s20 =	sand.u32 $0xFFFF8000, s19;
	[smem:$0x7C9] =	sst s0;
	s0 =	sor.u32 s7, s6  }
0xde: {  	s1 =	sand.u32 $0x380, s1;
	[smem:$0x7CB] =	sst s0;
	s0 =	sand.u32 $0xFFFF8000, s10  }
0xdf: {  	s19 =	sshll.u32 s11, $0xC;
	s0 =	sor.u32 s1, s0;
	s1 =	sand.u32 $0x380, s21  }
0xe0: {  	s31 =	sshll.u32 s22, $0xC;
	s3 =	sshll.u32 s22, $0x7;
	s22 =	sld [smem:$0x731]  }
0xe1: {  	s10 =	sshll.u32 s9, $0xC;
	s21 =	sshll.u32 s11, $0x7;
	s11 =	sld [smem:$0x733]  }
0xe2: {  	[smem:$0x7CD] =	sst s0;
	s0 =	sor.u32 s1, s20;
	s6 =	sand.u32 $0xFFFF8000, s31  }
0xe3: {  	s7 =	sand.u32 $0x380, s3;
	s1 =	sshll.u32 s9, $0x7;
	s9 =	sld [smem:$0x732]  }
0xe4: {  	s20 =	sand.u32 $0xFFFF8000, s19;
	[smem:$0x7CF] =	sst s0;
	s0 =	sor.u32 s7, s6  }
0xe5: {  	s1 =	sand.u32 $0x380, s1;
	[smem:$0x7D1] =	sst s0;
	s0 =	sand.u32 $0xFFFF8000, s10  }
0xe6: {  	s31 =	sshll.u32 s22, $0xC;
	s3 =	sshll.u32 s22, $0x7;
	s19 =	sshll.u32 s11, $0xC  }
0xe7: {  	s22 =	sld [smem:$0x734];
	s0 =	sor.u32 s1, s0;
	s1 =	sand.u32 $0x380, s21  }
0xe8: {  	s5 =	sand.u32 $0xFFFF8000, s31;
	s21 =	sshll.u32 s11, $0x7;
	s11 =	sld [smem:$0x736]  }
0xe9: {  	s7 =	sand.u32 $0x380, s3;
	s10 =	sshll.u32 s9, $0xC;
	[smem:$0x7D3] =	sst s0  }
0xea: {  	s0 =	sor.u32 s1, s20;
	s1 =	sshll.u32 s9, $0x7;
	s9 =	sld [smem:$0x735]  }
0xeb: {  	s20 =	sand.u32 $0xFFFF8000, s19;
	[smem:$0x7D5] =	sst s0;
	s0 =	sor.u32 s7, s5  }
0xec: {  	s31 =	sshll.u32 s22, $0xC;
	s3 =	sshll.u32 s22, $0x7;
	s22 =	sld [smem:$0x737]  }
0xed: {  	s1 =	sand.u32 $0x380, s1;
	[smem:$0x7D7] =	sst s0;
	s0 =	sand.u32 $0xFFFF8000, s10  }
0xee: {  	s5 =	sand.u32 $0xFFFF8000, s31;
	s19 =	sshll.u32 s11, $0xC;
	s0 =	sor.u32 s1, s0  }
0xef: {  	s1 =	sand.u32 $0x380, s21;
	s21 =	sshll.u32 s11, $0x7;
	s11 =	sld [smem:$0x739]  }
0xf0: {  	s7 =	sand.u32 $0x380, s3;
	s10 =	sshll.u32 s9, $0xC;
	[smem:$0x7D9] =	sst s0  }
0xf1: {  	s0 =	sor.u32 s1, s20;
	s1 =	sshll.u32 s9, $0x7;
	s9 =	sld [smem:$0x738]  }
0xf2: {  	s31 =	sshll.u32 s22, $0xC;
	s3 =	sshll.u32 s22, $0x7;
	s22 =	sld [smem:$0x73A]  }
0xf3: {  	s20 =	sand.u32 $0xFFFF8000, s19;
	[smem:$0x7DB] =	sst s0  }
0xf4: {  	s0 =	sor.u32 s7, s5;
	s1 =	sand.u32 $0x380, s1;
	s5 =	sand.u32 $0xFFFF8000, s31  }
0xf5: {  	s7 =	sand.u32 $0x380, s3;
	[smem:$0x7DD] =	sst s0;
	s0 =	sand.u32 $0xFFFF8000, s10  }
0xf6: {  	s19 =	sshll.u32 s11, $0xC;
	s0 =	sor.u32 s1, s0;
	s1 =	sand.u32 $0x380, s21  }
0xf7: {  	s10 =	sshll.u32 s9, $0xC;
	s3 =	sshll.u32 s22, $0x7;
	[smem:$0x7DF] =	sst s0  }
0xf8: {  	s0 =	sor.u32 s1, s20;
	s6 =	sand.u32 $0x380, s3;
	s3 =	sld [smem:$0x73E]  }
0xf9: {  	s21 =	sshll.u32 s11, $0x7;
	s31 =	sshll.u32 s22, $0xC;
	[smem:$0x7E1] =	sst s0  }
0xfa: {  	s1 =	sshll.u32 s9, $0x7;
	s0 =	sor.u32 s7, s5;
	s7 =	sld [smem:$0x73B]  }
0xfb: {  	s20 =	sand.u32 $0xFFFF8000, s19;
	s1 =	sand.u32 $0x380, s1;
	[smem:$0x7E3] =	sst s0  }
0xfc: {  	s5 =	sand.u32 $0xFFFF8000, s31;
	s0 =	sand.u32 $0xFFFF8000, s10;
	s10 =	sld [smem:$0x73C]  }
0xfd: {  	s0 =	sor.u32 s1, s0;
	s1 =	sand.u32 $0x380, s21;
	s21 =	sld [smem:$0x73D]  }
0xfe: {  	[smem:$0x7E5] =	sst s0;
	s0 =	sor.u32 s1, s20;
	s9 =	sshll.u32 s7, $0xC  }
0xff: {  	s1 =	sshll.u32 s7, $0x7;
	[smem:$0x7E7] =	sst s0;
	s0 =	sor.u32 s6, s5  }
0x100: {  	s1 =	sand.u32 $0x380, s1;
	s11 =	sshll.u32 s10, $0xC;
	s6 =	sld [smem:$0x73F]  }
0x101: {  	s20 =	sshll.u32 s10, $0x7;
	s5 =	sshll.u32 s3, $0xC;
	[smem:$0x7E9] =	sst s0  }
0x102: {  	s0 =	sand.u32 $0xFFFF8000, s9;
	s19 =	sand.u32 $0xFFFF8000, s11;
	s22 =	sshll.u32 s21, $0xC  }
0x103: {  	s31 =	sshll.u32 s21, $0x7;
	s11 =	sld [smem:$0x740];
	s0 =	sor.u32 s1, s0  }
0x104: {  	s1 =	sand.u32 $0x380, s20;
	s2 =	sand.u32 $0x380, s31;
	[smem:$0x7EB] =	sst s0  }
0x105: {  	s0 =	sor.u32 s1, s19;
	s1 =	sand.u32 $0xFFFF8000, s22;
	s7 =	sshll.u32 s6, $0xC  }
0x106: {  	s10 =	sshll.u32 s6, $0x7;
	[smem:$0x7ED] =	sst s0;
	s0 =	sor.u32 s2, s1  }
0x107: {  	s1 =	sshll.u32 s3, $0x7;
	s9 =	sand.u32 $0xFFFF8000, s7;
	s19 =	sshll.u32 s11, $0xC  }
0x108: {  	[smem:$0x7EF] =	sst s0;
	s0 =	sand.u32 $0xFFFF8000, s5;
	s1 =	sand.u32 $0x380, s1  }
0x109: {  	s20 =	sshll.u32 s11, $0x7;
	s2 =	sld [smem:$0x741];
	s0 =	sor.u32 s1, s0  }
0x10a: {  	s21 =	sand.u32 $0xFFFF8000, s19;
	s1 =	sand.u32 $0x380, s10;
	[smem:$0x7F1] =	sst s0  }
0x10b: {  	s31 =	sand.u32 $0x380, s20;
	s0 =	sor.u32 s1, s9;
	s1 =	sld [smem:$0x742]  }
0x10c: {  	s3 =	sshll.u32 s2, $0xC;
	s5 =	sshll.u32 s2, $0x7;
	s2 =	sld [smem:$0x744]  }
0x10d: {  	[smem:$0x7F3] =	sst s0;
	s0 =	sor.u32 s31, s21  }
0x10e: {  	s22 =	sand.u32 $0x380, s5;
	[smem:$0x7F5] =	sst s0;
	s0 =	sand.u32 $0xFFFF8000, s3  }
0x10f: {  	s5 =	sld [smem:$0x746];
	s0 =	sor.u32 s22, s0  }
0x110: {  	s6 =	sadd.s32 s1, s16;
	[smem:$0x7F7] =	sst s0  }
0x111: {  	s7 =	sshrl.u32 s6, $0x3;
	s0 =	sld [smem:$0x743]  }
0x112: {  	s6 =	sadd.s32 s5, s16;
	[dreg:$0x18] =	wrdreg s7  }
0x113: {  	s7 =	sshrl.u32 s6, $0x3;
	s6 =	sld [smem:$0x747]  }
0x114: {  	s3 =	sld [smem:$0x745]  }
0x115: {  	[dreg:$0x1c] =	wrdreg s7;
	s9 =	sadd.s32 s0, s16  }
0x116: {  	s7 =	sld [smem:$0x748];
	s10 =	sshrl.u32 s9, $0x3;
	s9 =	sadd.s32 s6, s16  }
0x117: {  	[dreg:$0x19] =	wrdreg s10;
	s10 =	sshrl.u32 s9, $0x3  }
0x118: {  	s11 =	sadd.s32 s2, s16;
	[dreg:$0x1d] =	wrdreg s10  }
0x119: {  	s19 =	sshrl.u32 s11, $0x3;
	s10 =	sld [smem:$0x74A]  }
0x11a: {  	[dreg:$0x1a] =	wrdreg s19;
	s11 =	sadd.s32 s7, s16  }
0x11b: {  	s9 =	sld [smem:$0x749];
	s19 =	sshrl.u32 s11, $0x3  }
0x11c: {  	[dreg:$0x1e] =	wrdreg s19;
	s11 =	sadd.s32 s10, s16  }
0x11d: {  	s19 =	sshrl.u32 s11, $0x3;
	s11 =	sld [smem:$0x74B]  }
0x11e: {  	[smem:$0x74C] =	sst s19  }
0x11f: {  	s20 =	sadd.s32 s3, s16;
	s19 =	sld [smem:$0x74D]  }
0x120: {  	s21 =	sshrl.u32 s20, $0x3;
	s20 =	sadd.s32 s9, s16  }
0x121: {  	[dreg:$0x1b] =	wrdreg s21;
	s21 =	sshrl.u32 s20, $0x3;
	s20 =	sadd.s32 s11, s16  }
0x122: {  	[dreg:$0x1f] =	wrdreg s21;
	s21 =	sshrl.u32 s20, $0x3;
	s20 =	sadd.s32 s19, s16  }
0x123: {  	s22 =	sshrl.u32 s20, $0x3;
	s20 =	sld [smem:$0x74F];
	_ =	sdelay $0x1  }
0x124: {  	[smem:$0x74E] =	sst s21  }
0x125: {  	[smem:$0x750] =	sst s22;
	s21 =	sadd.s32 s20, s16  }
0x126: {  	s22 =	sshrl.u32 s21, $0x3;
	s21 =	sld [smem:$0x751];
	_ =	sdelay $0x2  }
0x127: {  	[smem:$0x79A] =	sst s23;
	s31 =	sadd.s32 s21, s16  }
0x128: {  	[smem:$0x752] =	sst s22;
	s22 =	sshrl.u32 s31, $0x3  }
0x129: {  	s23 =	sadd.s32 s23, s16;
	[smem:$0x753] =	sst s22  }
0x12a: {  	s22 =	sshrl.u32 s23, $0x3;
	s23 =	sld [smem:$0x754];
	_ =	sdelay $0x2  }
0x12b: {  	[smem:$0x79D] =	sst s24;
	s31 =	sadd.s32 s23, s16  }
0x12c: {  	[smem:$0x755] =	sst s22;
	s22 =	sshrl.u32 s31, $0x3  }
0x12d: {  	s24 =	sadd.s32 s24, s16;
	[smem:$0x756] =	sst s22  }
0x12e: {  	s22 =	sshrl.u32 s24, $0x3;
	s24 =	sld [smem:$0x757];
	_ =	sdelay $0x2  }
0x12f: {  	[smem:$0x7A0] =	sst s25;
	s31 =	sadd.s32 s24, s16  }
0x130: {  	[smem:$0x758] =	sst s22;
	s22 =	sshrl.u32 s31, $0x3  }
0x131: {  	s25 =	sadd.s32 s25, s16;
	[smem:$0x759] =	sst s22  }
0x132: {  	s22 =	sshrl.u32 s25, $0x3;
	s25 =	sld [smem:$0x75A];
	_ =	sdelay $0x2  }
0x133: {  	[smem:$0x7A3] =	sst s26;
	s31 =	sadd.s32 s25, s16  }
0x134: {  	[smem:$0x75B] =	sst s22;
	s22 =	sshrl.u32 s31, $0x3  }
0x135: {  	s26 =	sadd.s32 s26, s16;
	[smem:$0x75C] =	sst s22  }
0x136: {  	s22 =	sshrl.u32 s26, $0x3;
	s26 =	sld [smem:$0x75D];
	_ =	sdelay $0x2  }
0x137: {  	[smem:$0x7A6] =	sst s28;
	s31 =	sadd.s32 s26, s16  }
0x138: {  	[smem:$0x75E] =	sst s22;
	s22 =	sshrl.u32 s31, $0x3  }
0x139: {  	s28 =	sadd.s32 s28, s16;
	[smem:$0x75F] =	sst s22  }
0x13a: {  	s22 =	sshrl.u32 s28, $0x3;
	s28 =	sld [smem:$0x760];
	_ =	sdelay $0x2  }
0x13b: {  	[smem:$0x7A9] =	sst s29;
	s31 =	sadd.s32 s28, s16  }
0x13c: {  	[smem:$0x761] =	sst s22;
	s22 =	sshrl.u32 s31, $0x3  }
0x13d: {  	s29 =	sadd.s32 s29, s16;
	[smem:$0x762] =	sst s22  }
0x13e: {  	s22 =	sshrl.u32 s29, $0x3;
	s29 =	sld [smem:$0x763];
	_ =	sdelay $0x2  }
0x13f: {  	[smem:$0x7AC] =	sst s30;
	s31 =	sadd.s32 s29, s16  }
0x140: {  	[smem:$0x764] =	sst s22;
	s22 =	sshrl.u32 s31, $0x3  }
0x141: {  	s30 =	sadd.s32 s30, s16;
	[smem:$0x765] =	sst s22  }
0x142: {  	s22 =	sshrl.u32 s30, $0x3;
	s30 =	sld [smem:$0x766];
	_ =	sdelay $0x2  }
0x143: {  	[smem:$0x767] =	sst s22;
	s31 =	sadd.s32 s30, s16  }
0x144: {  	s22 =	sshrl.u32 s31, $0x3;
	s31 =	sld [smem:$0x7AF];
	_ =	sdelay $0x2  }
0x145: {  	[smem:$0x768] =	sst s22;
	s31 =	sadd.s32 s31, s16  }
0x146: {  	s22 =	sshrl.u32 s31, $0x3;
	s31 =	sld [smem:$0x7B1];
	_ =	sdelay $0x2  }
0x147: {  	[smem:$0x769] =	sst s22;
	s31 =	sadd.s32 s31, s16  }
0x148: {  	s22 =	sshrl.u32 s31, $0x3;
	s31 =	sld [smem:$0x7B3];
	_ =	sdelay $0x2  }
0x149: {  	[smem:$0x76A] =	sst s22;
	s31 =	sadd.s32 s31, s16  }
0x14a: {  	s22 =	sshrl.u32 s31, $0x3;
	s31 =	sld [smem:$0x7B5];
	_ =	sdelay $0x2  }
0x14b: {  	[smem:$0x76B] =	sst s22;
	s31 =	sadd.s32 s31, s16  }
0x14c: {  	s22 =	sshrl.u32 s31, $0x3;
	s31 =	sld [smem:$0x7B7];
	_ =	sdelay $0x2  }
0x14d: {  	[smem:$0x76C] =	sst s22;
	s31 =	sadd.s32 s31, s16  }
0x14e: {  	s22 =	sshrl.u32 s31, $0x3;
	s31 =	sld [smem:$0x7B9];
	_ =	sdelay $0x2  }
0x14f: {  	[smem:$0x76D] =	sst s22;
	s31 =	sadd.s32 s31, s16  }
0x150: {  	s22 =	sshrl.u32 s31, $0x3;
	s31 =	sld [smem:$0x7BB];
	_ =	sdelay $0x2  }
0x151: {  	[smem:$0x76E] =	sst s22;
	s31 =	sadd.s32 s31, s16  }
0x152: {  	s22 =	sshrl.u32 s31, $0x3;
	s31 =	sld [smem:$0x7BD];
	_ =	sdelay $0x2  }
0x153: {  	[smem:$0x76F] =	sst s22;
	s31 =	sadd.s32 s31, s16  }
0x154: {  	s22 =	sshrl.u32 s31, $0x3;
	s31 =	sld [smem:$0x7BF];
	_ =	sdelay $0x2  }
0x155: {  	[smem:$0x770] =	sst s22;
	s31 =	sadd.s32 s31, s16  }
0x156: {  	s22 =	sshrl.u32 s31, $0x3;
	s31 =	sld [smem:$0x7C1];
	_ =	sdelay $0x2  }
0x157: {  	[smem:$0x771] =	sst s22;
	s31 =	sadd.s32 s31, s16  }
0x158: {  	s22 =	sshrl.u32 s31, $0x3;
	s31 =	sld [smem:$0x7C3];
	_ =	sdelay $0x2  }
0x159: {  	[smem:$0x772] =	sst s22;
	s31 =	sadd.s32 s31, s16  }
0x15a: {  	s22 =	sshrl.u32 s31, $0x3;
	s31 =	sld [smem:$0x7C5];
	_ =	sdelay $0x2  }
0x15b: {  	[smem:$0x773] =	sst s22;
	s31 =	sadd.s32 s31, s16  }
0x15c: {  	s22 =	sshrl.u32 s31, $0x3;
	s31 =	sld [smem:$0x7C7];
	_ =	sdelay $0x2  }
0x15d: {  	[smem:$0x774] =	sst s22;
	s31 =	sadd.s32 s31, s16  }
0x15e: {  	s22 =	sshrl.u32 s31, $0x3;
	s31 =	sld [smem:$0x7C9];
	_ =	sdelay $0x2  }
0x15f: {  	[smem:$0x775] =	sst s22;
	s31 =	sadd.s32 s31, s16  }
0x160: {  	s22 =	sshrl.u32 s31, $0x3;
	s31 =	sld [smem:$0x7CB];
	_ =	sdelay $0x2  }
0x161: {  	[smem:$0x776] =	sst s22;
	s31 =	sadd.s32 s31, s16  }
0x162: {  	s22 =	sshrl.u32 s31, $0x3;
	s31 =	sld [smem:$0x7CD];
	_ =	sdelay $0x2  }
0x163: {  	[smem:$0x777] =	sst s22;
	s31 =	sadd.s32 s31, s16  }
0x164: {  	s22 =	sshrl.u32 s31, $0x3;
	s31 =	sld [smem:$0x7CF];
	_ =	sdelay $0x2  }
0x165: {  	[smem:$0x778] =	sst s22;
	s31 =	sadd.s32 s31, s16  }
0x166: {  	s22 =	sshrl.u32 s31, $0x3;
	s31 =	sld [smem:$0x7D1];
	_ =	sdelay $0x2  }
0x167: {  	[smem:$0x779] =	sst s22;
	s31 =	sadd.s32 s31, s16  }
0x168: {  	s22 =	sshrl.u32 s31, $0x3;
	s31 =	sld [smem:$0x7D3];
	_ =	sdelay $0x2  }
0x169: {  	[smem:$0x77A] =	sst s22;
	s31 =	sadd.s32 s31, s16  }
0x16a: {  	s22 =	sshrl.u32 s31, $0x3;
	s31 =	sld [smem:$0x7D5];
	_ =	sdelay $0x2  }
0x16b: {  	[smem:$0x77B] =	sst s22;
	s31 =	sadd.s32 s31, s16  }
0x16c: {  	s22 =	sshrl.u32 s31, $0x3;
	s31 =	sld [smem:$0x7D7];
	_ =	sdelay $0x2  }
0x16d: {  	[smem:$0x77C] =	sst s22;
	s31 =	sadd.s32 s31, s16  }
0x16e: {  	s22 =	sshrl.u32 s31, $0x3;
	s31 =	sld [smem:$0x7D9];
	_ =	sdelay $0x2  }
0x16f: {  	[smem:$0x77D] =	sst s22;
	s31 =	sadd.s32 s31, s16  }
0x170: {  	s22 =	sshrl.u32 s31, $0x3;
	s31 =	sld [smem:$0x7DB];
	_ =	sdelay $0x2  }
0x171: {  	[smem:$0x77E] =	sst s22;
	s31 =	sadd.s32 s31, s16  }
0x172: {  	s22 =	sshrl.u32 s31, $0x3;
	s31 =	sld [smem:$0x7DD];
	_ =	sdelay $0x2  }
0x173: {  	[smem:$0x77F] =	sst s22;
	s31 =	sadd.s32 s31, s16  }
0x174: {  	s22 =	sshrl.u32 s31, $0x3;
	s31 =	sld [smem:$0x7DF];
	_ =	sdelay $0x2  }
0x175: {  	[smem:$0x780] =	sst s22;
	s31 =	sadd.s32 s31, s16  }
0x176: {  	s22 =	sshrl.u32 s31, $0x3;
	s31 =	sld [smem:$0x7E1];
	_ =	sdelay $0x2  }
0x177: {  	[smem:$0x781] =	sst s22;
	s31 =	sadd.s32 s31, s16  }
0x178: {  	s22 =	sshrl.u32 s31, $0x3;
	s31 =	sld [smem:$0x7E3];
	_ =	sdelay $0x2  }
0x179: {  	[smem:$0x782] =	sst s22;
	s31 =	sadd.s32 s31, s16  }
0x17a: {  	s22 =	sshrl.u32 s31, $0x3;
	s31 =	sld [smem:$0x7E5];
	_ =	sdelay $0x2  }
0x17b: {  	[smem:$0x783] =	sst s22;
	s31 =	sadd.s32 s31, s16  }
0x17c: {  	s22 =	sshrl.u32 s31, $0x3;
	s31 =	sld [smem:$0x7E7];
	_ =	sdelay $0x2  }
0x17d: {  	[smem:$0x784] =	sst s22;
	s31 =	sadd.s32 s31, s16  }
0x17e: {  	s22 =	sshrl.u32 s31, $0x3;
	s31 =	sld [smem:$0x7E9];
	_ =	sdelay $0x2  }
0x17f: {  	[smem:$0x785] =	sst s22;
	s31 =	sadd.s32 s31, s16  }
0x180: {  	s22 =	sshrl.u32 s31, $0x3;
	s31 =	sld [smem:$0x7EB];
	_ =	sdelay $0x2  }
0x181: {  	[smem:$0x786] =	sst s22;
	s31 =	sadd.s32 s31, s16  }
0x182: {  	s22 =	sshrl.u32 s31, $0x3;
	s31 =	sld [smem:$0x7ED];
	_ =	sdelay $0x2  }
0x183: {  	[smem:$0x787] =	sst s22;
	s31 =	sadd.s32 s31, s16  }
0x184: {  	s22 =	sshrl.u32 s31, $0x3;
	s31 =	sld [smem:$0x7EF];
	_ =	sdelay $0x2  }
0x185: {  	[smem:$0x788] =	sst s22;
	s31 =	sadd.s32 s31, s16  }
0x186: {  	s22 =	sshrl.u32 s31, $0x3;
	s31 =	sld [smem:$0x7F1];
	_ =	sdelay $0x2  }
0x187: {  	[smem:$0x789] =	sst s22;
	s31 =	sadd.s32 s31, s16  }
0x188: {  	s22 =	sshrl.u32 s31, $0x3;
	s31 =	sld [smem:$0x7F3];
	_ =	sdelay $0x2  }
0x189: {  	[smem:$0x78A] =	sst s22;
	s31 =	sadd.s32 s31, s16  }
0x18a: {  	s22 =	sshrl.u32 s31, $0x3;
	s31 =	sld [smem:$0x7F5];
	_ =	sdelay $0x2  }
0x18b: {  	[smem:$0x78B] =	sst s22;
	s31 =	sadd.s32 s31, s16  }
0x18c: {  	s22 =	sshrl.u32 s31, $0x3;
	s31 =	sld [smem:$0x7F7]  }
0x18d: {  	[smem:$0x78C] =	sst s22;
	s22 =	sadd.s32 s1, s4  }
0x18e: {  	s2 =	sadd.s32 s2, s4;
	s22 =	sshrl.u32 s22, $0x3  }
0x18f: {  	[smem:$0x78E] =	sst s22;
	s22 =	sshrl.u32 s2, $0x3  }
0x190: {  	s5 =	sadd.s32 s5, s4;
	s31 =	sadd.s32 s31, s16;
	[smem:$0x790] =	sst s22  }
0x191: {  	s31 =	sshrl.u32 s31, $0x3;
	s22 =	sshrl.u32 s5, $0x3;
	s5 =	sld [smem:$0x79D]  }
0x192: {  	[smem:$0x78D] =	sst s31  }
0x193: {  	s1 =	sadd.s32 s0, s4;
	[smem:$0x792] =	sst s22  }
0x194: {  	s7 =	sadd.s32 s7, s4;
	s31 =	sshrl.u32 s1, $0x3;
	s1 =	sld [smem:$0x79A]  }
0x195: {  	s22 =	sshrl.u32 s7, $0x3;
	[smem:$0x78F] =	sst s31  }
0x196: {  	s3 =	sadd.s32 s3, s4;
	s10 =	sadd.s32 s10, s4;
	[smem:$0x794] =	sst s22  }
0x197: {  	s31 =	sshrl.u32 s3, $0x3;
	s3 =	sadd.s32 s23, s4;
	s23 =	sld [smem:$0x7A6]  }
0x198: {  	s22 =	sshrl.u32 s10, $0x3;
	[smem:$0x791] =	sst s31  }
0x199: {  	s6 =	sadd.s32 s6, s4;
	s19 =	sadd.s32 s19, s4;
	[smem:$0x796] =	sst s22  }
0x19a: {  	s31 =	sshrl.u32 s6, $0x3;
	s22 =	sshrl.u32 s19, $0x3;
	s19 =	sld [smem:$0x7A3]  }
0x19b: {  	[smem:$0x793] =	sst s31  }
0x19c: {  	s9 =	sadd.s32 s9, s4;
	[smem:$0x798] =	sst s22  }
0x19d: {  	s21 =	sadd.s32 s21, s4;
	s31 =	sshrl.u32 s9, $0x3;
	s9 =	sld [smem:$0x7A0]  }
0x19e: {  	s22 =	sshrl.u32 s21, $0x3;
	s21 =	sadd.s32 s26, s4;
	s26 =	sld [smem:$0x7A9]  }
0x19f: {  	[smem:$0x795] =	sst s31  }
0x1a0: {  	s11 =	sadd.s32 s11, s4;
	[smem:$0x79B] =	sst s22  }
0x1a1: {  	s31 =	sshrl.u32 s11, $0x3;
	s22 =	sshrl.u32 s3, $0x3;
	s3 =	sld [smem:$0x7AF]  }
0x1a2: {  	s20 =	sadd.s32 s20, s4;
	[smem:$0x797] =	sst s31  }
0x1a3: {  	s7 =	sadd.s32 s24, s4;
	s31 =	sshrl.u32 s20, $0x3;
	[smem:$0x79E] =	sst s22  }
0x1a4: {  	s22 =	sshrl.u32 s7, $0x3;
	[smem:$0x799] =	sst s31  }
0x1a5: {  	s2 =	sadd.s32 s1, s4;
	[smem:$0x7A1] =	sst s22  }
0x1a6: {  	s11 =	sadd.s32 s25, s4;
	s10 =	sadd.s32 s9, s4;
	s9 =	sld [smem:$0x7B3]  }
0x1a7: {  	s25 =	sadd.s32 s28, s4;
	s22 =	sshrl.u32 s11, $0x3;
	s11 =	sld [smem:$0x7B5]  }
0x1a8: {  	s31 =	sshrl.u32 s2, $0x3;
	s28 =	sadd.s32 s26, s4;
	s26 =	sld [smem:$0x7BD]  }
0x1a9: {  	[smem:$0x79C] =	sst s31  }
0x1aa: {  	s6 =	sadd.s32 s5, s4;
	[smem:$0x7A4] =	sst s22  }
0x1ab: {  	s31 =	sshrl.u32 s6, $0x3;
	s6 =	sld [smem:$0x7B1]  }
0x1ac: {  	s5 =	sadd.s32 s3, s4;
	s3 =	sld [smem:$0x7C3]  }
0x1ad: {  	s22 =	sshrl.u32 s21, $0x3;
	[smem:$0x79F] =	sst s31  }
0x1ae: {  	s31 =	sshrl.u32 s10, $0x3;
	[smem:$0x7A7] =	sst s22  }
0x1af: {  	s22 =	sshrl.u32 s25, $0x3;
	[smem:$0x7A2] =	sst s31  }
0x1b0: {  	s20 =	sadd.s32 s19, s4;
	[smem:$0x7AA] =	sst s22  }
0x1b1: {  	s29 =	sadd.s32 s29, s4;
	s31 =	sshrl.u32 s20, $0x3;
	s20 =	sld [smem:$0x7B7]  }
0x1b2: {  	s22 =	sshrl.u32 s29, $0x3;
	s29 =	sld [smem:$0x7BF]  }
0x1b3: {  	s10 =	sadd.s32 s9, s4;
	s9 =	sld [smem:$0x7C7]  }
0x1b4: {  	s19 =	sadd.s32 s11, s4;
	s11 =	sld [smem:$0x7C9]  }
0x1b5: {  	[smem:$0x7A5] =	sst s31  }
0x1b6: {  	s24 =	sadd.s32 s23, s4;
	[smem:$0x7AD] =	sst s22  }
0x1b7: {  	s31 =	sshrl.u32 s24, $0x3;
	s24 =	sld [smem:$0x7BB]  }
0x1b8: {  	s2 =	sadd.s32 s30, s4;
	s7 =	sadd.s32 s6, s4;
	s6 =	sld [smem:$0x7C5]  }
0x1b9: {  	s22 =	sshrl.u32 s2, $0x3;
	[smem:$0x7A8] =	sst s31  }
0x1ba: {  	s31 =	sshrl.u32 s28, $0x3;
	[smem:$0x7B0] =	sst s22  }
0x1bb: {  	[smem:$0x7AB] =	sst s31  }
0x1bc: {  	s22 =	sshrl.u32 s7, $0x3;
	s31 =	sld [smem:$0x7AC]  }
0x1bd: {  	[smem:$0x7B4] =	sst s22  }
0x1be: {  	s21 =	sadd.s32 s20, s4;
	s20 =	sld [smem:$0x7CB]  }
0x1bf: {  	s22 =	sshrl.u32 s19, $0x3;
	s19 =	sadd.s32 s11, s4;
	s11 =	sld [smem:$0x7DB]  }
0x1c0: {  	[smem:$0x7B8] =	sst s22  }
0x1c1: {  	s22 =	sld [smem:$0x7B9]  }
0x1c2: {  	s7 =	sadd.s32 s6, s4;
	s6 =	sld [smem:$0x7D7];
	s1 =	sadd.s32 s31, s4  }
0x1c3: {  	s31 =	sshrl.u32 s1, $0x3;
	s1 =	sld [smem:$0x7C1]  }
0x1c4: {  	s23 =	sadd.s32 s22, s4;
	[smem:$0x7AE] =	sst s31  }
0x1c5: {  	s31 =	sshrl.u32 s5, $0x3;
	s22 =	sshrl.u32 s23, $0x3;
	s23 =	sld [smem:$0x7CD]  }
0x1c6: {  	[smem:$0x7B2] =	sst s31  }
0x1c7: {  	s28 =	sadd.s32 s26, s4;
	[smem:$0x7BC] =	sst s22  }
0x1c8: {  	s22 =	sshrl.u32 s28, $0x3;
	s28 =	sld [smem:$0x7D1]  }
0x1c9: {  	s31 =	sshrl.u32 s10, $0x3;
	s10 =	sadd.s32 s9, s4;
	s9 =	sld [smem:$0x7D9]  }
0x1ca: {  	[smem:$0x7B6] =	sst s31  }
0x1cb: {  	[smem:$0x7C0] =	sst s22  }
0x1cc: {  	s31 =	sshrl.u32 s21, $0x3;
	s21 =	sadd.s32 s20, s4;
	s20 =	sld [smem:$0x7DD]  }
0x1cd: {  	s25 =	sadd.s32 s24, s4;
	[smem:$0x7BA] =	sst s31  }
0x1ce: {  	s2 =	sadd.s32 s1, s4;
	s31 =	sshrl.u32 s25, $0x3;
	s25 =	sld [smem:$0x7CF]  }
0x1cf: {  	s22 =	sshrl.u32 s2, $0x3;
	s2 =	sld [smem:$0x7D5]  }
0x1d0: {  	s24 =	sadd.s32 s23, s4;
	s23 =	sld [smem:$0x7DF]  }
0x1d1: {  	s30 =	sadd.s32 s29, s4;
	[smem:$0x7BE] =	sst s31  }
0x1d2: {  	s31 =	sshrl.u32 s30, $0x3;
	[smem:$0x7C4] =	sst s22  }
0x1d3: {  	s22 =	sshrl.u32 s7, $0x3;
	[smem:$0x7C2] =	sst s31  }
0x1d4: {  	s5 =	sadd.s32 s3, s4;
	s29 =	sadd.s32 s28, s4;
	[smem:$0x7C8] =	sst s22  }
0x1d5: {  	s31 =	sshrl.u32 s5, $0x3;
	s5 =	sshrl.u32 s29, $0x3;
	s29 =	sld [smem:$0x7E3]  }
0x1d6: {  	s22 =	sshrl.u32 s19, $0x3;
	[smem:$0x7C6] =	sst s31  }
0x1d7: {  	[smem:$0x7CC] =	sst s22  }
0x1d8: {  	[smem:$0x7D4] =	sst s5  }
0x1d9: {  	s31 =	sshrl.u32 s10, $0x3;
	s26 =	sadd.s32 s25, s4;
	s25 =	sld [smem:$0x7E1]  }
0x1da: {  	s22 =	sshrl.u32 s24, $0x3;
	s24 =	sadd.s32 s23, s4;
	s23 =	sld [smem:$0x7F1]  }
0x1db: {  	[smem:$0x7CA] =	sst s31  }
0x1dc: {  	s3 =	sadd.s32 s2, s4;
	[smem:$0x7D0] =	sst s22  }
0x1dd: {  	s31 =	sshrl.u32 s21, $0x3;
	s5 =	sshrl.u32 s3, $0x3;
	s3 =	sld [smem:$0x7E7]  }
0x1de: {  	s30 =	sshrl.u32 s26, $0x3;
	[smem:$0x7CE] =	sst s31  }
0x1df: {  	[smem:$0x7D2] =	sst s30  }
0x1e0: {  	s31 =	sld [smem:$0x7D3]  }
0x1e1: {  	s28 =	sshrl.u32 s24, $0x3;
	[smem:$0x7D8] =	sst s5  }
0x1e2: {  	s10 =	sadd.s32 s9, s4;
	[smem:$0x7E2] =	sst s28  }
0x1e3: {  	s5 =	sshrl.u32 s10, $0x3;
	s10 =	sld [smem:$0x7EB]  }
0x1e4: {  	s30 =	sadd.s32 s29, s4;
	s29 =	sld [smem:$0x7F5]  }
0x1e5: {  	s21 =	sadd.s32 s20, s4;
	[smem:$0x7DC] =	sst s5  }
0x1e6: {  	s5 =	sshrl.u32 s21, $0x3;
	s21 =	sld [smem:$0x7EF]  }
0x1e7: {  	s26 =	sadd.s32 s25, s4;
	s25 =	sld [smem:$0x7F3]  }
0x1e8: {  	s2 =	sshrl.u32 s30, $0x3;
	[smem:$0x7E0] =	sst s5  }
0x1e9: {  	s7 =	sadd.s32 s6, s4;
	s5 =	sshrl.u32 s26, $0x3;
	[smem:$0x7E6] =	sst s2  }
0x1ea: {  	s24 =	sadd.s32 s23, s4;
	s6 =	sadd.s32 s3, s4;
	[smem:$0x7E4] =	sst s5  }
0x1eb: {  	s28 =	sshrl.u32 s24, $0x3;
	s1 =	sadd.s32 s31, s4;
	s31 =	sld [smem:$0x7E5]  }
0x1ec: {  	s3 =	sshrl.u32 s6, $0x3;
	[smem:$0x7F4] =	sst s28  }
0x1ed: {  	s22 =	sshrl.u32 s1, $0x3;
	[smem:$0x7EA] =	sst s3  }
0x1ee: {  	s19 =	sadd.s32 s11, s4;
	s11 =	sadd.s32 s10, s4;
	[smem:$0x7D6] =	sst s22  }
0x1ef: {  	s3 =	sshrl.u32 s11, $0x3;
	s22 =	sshrl.u32 s7, $0x3;
	s7 =	sld [smem:$0x7E9]  }
0x1f0: {  	[smem:$0x7EE] =	sst s3  }
0x1f1: {  	s26 =	sadd.s32 s25, s4;
	[smem:$0x7DA] =	sst s22  }
0x1f2: {  	s2 =	sshrl.u32 s26, $0x3;
	s22 =	sshrl.u32 s19, $0x3;
	s19 =	sld [smem:$0x7ED]  }
0x1f3: {  	[smem:$0x7F6] =	sst s2  }
0x1f4: {  	s1 =	sadd.s32 s31, s4;
	s31 =	sld [smem:$0x7F7]  }
0x1f5: {  	[smem:$0x7DE] =	sst s22;
	s5 =	sshrl.u32 s1, $0x3  }
0x1f6: {  	s30 =	sadd.s32 s29, s4;
	s22 =	sadd.s32 s21, s4;
	[smem:$0x7E8] =	sst s5  }
0x1f7: {  	s1 =	sshrl.u32 s30, $0x3;
	s9 =	sadd.s32 s7, s4;
	s7 =	rddreg [dreg:$0x0]  }
0x1f8: {  	s3 =	sshrl.u32 s22, $0x3;
	[smem:$0x7F8] =	sst s1  }
0x1f9: {  	[smem:$0x7F2] =	sst s3  }
0x1fa: {  	s5 =	sshrl.u32 s9, $0x3;
	s20 =	sadd.s32 s19, s4;
	s19 =	sld [smem:$0x7FD]  }
0x1fb: {  	s0 =	sadd.s32 s31, s4;
	[smem:$0x7EC] =	sst s5;
	s5 =	sshrl.u32 s20, $0x3  }
0x1fc: {  	s0 =	sshrl.u32 s0, $0x3;
	[smem:$0x7F0] =	sst s5  }
0x1fd: {  	s20 =	simm.s32 $0x0;
	[smem:$0x7F9] =	sst s0  }
.LBB2_2:
0x1fe: {  	_ =	swait.ge [sflag:s12], $0x1000  }
0x1ff: {  	[sflag:s12] =	ssyncset.done $0x0  }
0x200: {  	[sflag:s12] =	ssyncadd.s32 $0xFFFFF000  }
0x201: {  	[bflag:$0x0] =	sbarrier.arrive $0xFFFF  }
0x202: {  	s0 =	rddreg [dreg:$0x16]  }
0x203: {  	s2 =	sor.u32 $0x1C02, s17;
	s1 =	rddreg [dreg:$0x17];
	s0 =	sadd.s32 s20, s0  }
0x204: {  	[spmem:s1], [sflag:s2] =	dma.local [hbm:s0], $0x1000  }
0x205: {  	s0 =	rddreg [dreg:$0x7]  }
0x206: {  	s21 =	sor.u32 $0x1C03, s17;
	s1 =	rddreg [dreg:$0x18];
	s0 =	sadd.s32 s20, s0  }
0x207: {  	[hbm:s0@s13], [sflag:s21] =	dma.strided [spmem:s1@s13], $0x200, s12, $0x10   }
0x208: {  	s25 =	sadd.s32 $0x10, s0;
	s1 =	rddreg [dreg:$0x19]  }
0x209: {  	[hbm:s25@s13], [sflag:s21] =	dma.strided [spmem:s1@s13], $0x200, s12, $0x10   }
0x20a: {  	s26 =	sadd.s32 $0x20, s0;
	s1 =	rddreg [dreg:$0x1a]  }
0x20b: {  	[hbm:s26@s13], [sflag:s21] =	dma.strided [spmem:s1@s13], $0x200, s12, $0x10   }
0x20c: {  	s28 =	sadd.s32 $0x30, s0;
	s1 =	rddreg [dreg:$0x1b]  }
0x20d: {  	[hbm:s28@s13], [sflag:s21] =	dma.strided [spmem:s1@s13], $0x200, s12, $0x10   }
0x20e: {  	s29 =	sadd.s32 $0x40, s0;
	s1 =	rddreg [dreg:$0x1c]  }
0x20f: {  	[hbm:s29@s13], [sflag:s21] =	dma.strided [spmem:s1@s13], $0x200, s12, $0x10   }
0x210: {  	s30 =	sadd.s32 $0x50, s0;
	s1 =	rddreg [dreg:$0x1d]  }
0x211: {  	[hbm:s30@s13], [sflag:s21] =	dma.strided [spmem:s1@s13], $0x200, s12, $0x10   }
0x212: {  	s31 =	sadd.s32 $0x60, s0;
	s1 =	rddreg [dreg:$0x1e]  }
0x213: {  	[hbm:s31@s13], [sflag:s21] =	dma.strided [spmem:s1@s13], $0x200, s12, $0x10   }
0x214: {  	s0 =	sadd.s32 $0x70, s0;
	s1 =	rddreg [dreg:$0x1f]  }
0x215: {  	[hbm:s0@s13], [sflag:s21] =	dma.strided [spmem:s1@s13], $0x200, s12, $0x10   }
0x216: {  	s1 =	sld [smem:$0x74C]  }
0x217: {  	s0 =	rddreg [dreg:$0x8]  }
0x218: {  	s0 =	sadd.s32 s20, s0  }
0x219: {  	[hbm:s0@s13], [sflag:s21] =	dma.strided [spmem:s1@s13], $0x200, s12, $0x10   }
0x21a: {  	s1 =	sld [smem:$0x74E];
	_ =	sdelay $0x1  }
0x21b: {  	s3 =	sadd.s32 $0x10, s0  }
0x21c: {  	[hbm:s3@s13], [sflag:s21] =	dma.strided [spmem:s1@s13], $0x200, s12, $0x10   }
0x21d: {  	s1 =	sld [smem:$0x750];
	_ =	sdelay $0x1  }
0x21e: {  	s5 =	sadd.s32 $0x20, s0  }
0x21f: {  	[hbm:s5@s13], [sflag:s21] =	dma.strided [spmem:s1@s13], $0x200, s12, $0x10   }
0x220: {  	s1 =	sld [smem:$0x752];
	_ =	sdelay $0x1  }
0x221: {  	s6 =	sadd.s32 $0x30, s0  }
0x222: {  	[hbm:s6@s13], [sflag:s21] =	dma.strided [spmem:s1@s13], $0x200, s12, $0x10   }
0x223: {  	s1 =	sld [smem:$0x753];
	_ =	sdelay $0x1  }
0x224: {  	s9 =	sadd.s32 $0x40, s0  }
0x225: {  	[hbm:s9@s13], [sflag:s21] =	dma.strided [spmem:s1@s13], $0x200, s12, $0x10   }
0x226: {  	s1 =	sld [smem:$0x755];
	_ =	sdelay $0x1  }
0x227: {  	s10 =	sadd.s32 $0x50, s0  }
0x228: {  	[hbm:s10@s13], [sflag:s21] =	dma.strided [spmem:s1@s13], $0x200, s12, $0x10   }
0x229: {  	s1 =	sld [smem:$0x756];
	_ =	sdelay $0x1  }
0x22a: {  	s11 =	sadd.s32 $0x60, s0  }
0x22b: {  	[hbm:s11@s13], [sflag:s21] =	dma.strided [spmem:s1@s13], $0x200, s12, $0x10   }
0x22c: {  	s1 =	sld [smem:$0x758];
	_ =	sdelay $0x1  }
0x22d: {  	s0 =	sadd.s32 $0x70, s0  }
0x22e: {  	[hbm:s0@s13], [sflag:s21] =	dma.strided [spmem:s1@s13], $0x200, s12, $0x10   }
0x22f: {  	s1 =	sld [smem:$0x759]  }
0x230: {  	s0 =	rddreg [dreg:$0x9]  }
0x231: {  	s0 =	sadd.s32 s20, s0  }
0x232: {  	[hbm:s0@s13], [sflag:s21] =	dma.strided [spmem:s1@s13], $0x200, s12, $0x10   }
0x233: {  	s1 =	sld [smem:$0x75B];
	_ =	sdelay $0x1  }
0x234: {  	s22 =	sadd.s32 $0x10, s0  }
0x235: {  	[hbm:s22@s13], [sflag:s21] =	dma.strided [spmem:s1@s13], $0x200, s12, $0x10   }
0x236: {  	s1 =	sld [smem:$0x75C];
	_ =	sdelay $0x1  }
0x237: {  	s23 =	sadd.s32 $0x20, s0  }
0x238: {  	[hbm:s23@s13], [sflag:s21] =	dma.strided [spmem:s1@s13], $0x200, s12, $0x10   }
0x239: {  	s1 =	sld [smem:$0x75E];
	_ =	sdelay $0x1  }
0x23a: {  	s24 =	sadd.s32 $0x30, s0  }
0x23b: {  	[hbm:s24@s13], [sflag:s21] =	dma.strided [spmem:s1@s13], $0x200, s12, $0x10   }
0x23c: {  	s1 =	sld [smem:$0x75F];
	_ =	sdelay $0x1  }
0x23d: {  	s25 =	sadd.s32 $0x40, s0  }
0x23e: {  	[hbm:s25@s13], [sflag:s21] =	dma.strided [spmem:s1@s13], $0x200, s12, $0x10   }
0x23f: {  	s1 =	sld [smem:$0x761];
	_ =	sdelay $0x1  }
0x240: {  	s26 =	sadd.s32 $0x50, s0  }
0x241: {  	[hbm:s26@s13], [sflag:s21] =	dma.strided [spmem:s1@s13], $0x200, s12, $0x10   }
0x242: {  	s1 =	sld [smem:$0x762];
	_ =	sdelay $0x1  }
0x243: {  	s28 =	sadd.s32 $0x60, s0  }
0x244: {  	[hbm:s28@s13], [sflag:s21] =	dma.strided [spmem:s1@s13], $0x200, s12, $0x10   }
0x245: {  	s1 =	sld [smem:$0x764];
	_ =	sdelay $0x1  }
0x246: {  	s0 =	sadd.s32 $0x70, s0  }
0x247: {  	[hbm:s0@s13], [sflag:s21] =	dma.strided [spmem:s1@s13], $0x200, s12, $0x10   }
0x248: {  	s1 =	sld [smem:$0x765]  }
0x249: {  	s0 =	rddreg [dreg:$0xa]  }
0x24a: {  	s0 =	sadd.s32 s20, s0  }
0x24b: {  	[hbm:s0@s13], [sflag:s21] =	dma.strided [spmem:s1@s13], $0x200, s12, $0x10   }
0x24c: {  	s1 =	sld [smem:$0x767];
	_ =	sdelay $0x1  }
0x24d: {  	s29 =	sadd.s32 $0x10, s0  }
0x24e: {  	[hbm:s29@s13], [sflag:s21] =	dma.strided [spmem:s1@s13], $0x200, s12, $0x10   }
0x24f: {  	s1 =	sld [smem:$0x768];
	_ =	sdelay $0x1  }
0x250: {  	s30 =	sadd.s32 $0x20, s0  }
0x251: {  	[hbm:s30@s13], [sflag:s21] =	dma.strided [spmem:s1@s13], $0x200, s12, $0x10   }
0x252: {  	s1 =	sld [smem:$0x769];
	_ =	sdelay $0x1  }
0x253: {  	s31 =	sadd.s32 $0x30, s0  }
0x254: {  	[hbm:s31@s13], [sflag:s21] =	dma.strided [spmem:s1@s13], $0x200, s12, $0x10   }
0x255: {  	s1 =	sld [smem:$0x76A];
	_ =	sdelay $0x1  }
0x256: {  	s3 =	sadd.s32 $0x40, s0  }
0x257: {  	[hbm:s3@s13], [sflag:s21] =	dma.strided [spmem:s1@s13], $0x200, s12, $0x10   }
0x258: {  	s1 =	sld [smem:$0x76B];
	_ =	sdelay $0x1  }
0x259: {  	s5 =	sadd.s32 $0x50, s0  }
0x25a: {  	[hbm:s5@s13], [sflag:s21] =	dma.strided [spmem:s1@s13], $0x200, s12, $0x10   }
0x25b: {  	s1 =	sld [smem:$0x76C];
	_ =	sdelay $0x1  }
0x25c: {  	s6 =	sadd.s32 $0x60, s0  }
0x25d: {  	[hbm:s6@s13], [sflag:s21] =	dma.strided [spmem:s1@s13], $0x200, s12, $0x10   }
0x25e: {  	s1 =	sld [smem:$0x76D];
	_ =	sdelay $0x1  }
0x25f: {  	s0 =	sadd.s32 $0x70, s0  }
0x260: {  	[hbm:s0@s13], [sflag:s21] =	dma.strided [spmem:s1@s13], $0x200, s12, $0x10   }
0x261: {  	s1 =	sld [smem:$0x76E]  }
0x262: {  	s0 =	rddreg [dreg:$0x6]  }
0x263: {  	s0 =	sadd.s32 s20, s0  }
0x264: {  	[hbm:s0@s13], [sflag:s21] =	dma.strided [spmem:s1@s13], $0x200, s12, $0x10   }
0x265: {  	s1 =	sld [smem:$0x76F];
	_ =	sdelay $0x1  }
0x266: {  	s9 =	sadd.s32 $0x10, s0  }
0x267: {  	[hbm:s9@s13], [sflag:s21] =	dma.strided [spmem:s1@s13], $0x200, s12, $0x10   }
0x268: {  	s1 =	sld [smem:$0x770];
	_ =	sdelay $0x1  }
0x269: {  	s10 =	sadd.s32 $0x20, s0  }
0x26a: {  	[hbm:s10@s13], [sflag:s21] =	dma.strided [spmem:s1@s13], $0x200, s12, $0x10   }
0x26b: {  	s1 =	sld [smem:$0x771];
	_ =	sdelay $0x1  }
0x26c: {  	s11 =	sadd.s32 $0x30, s0  }
0x26d: {  	[hbm:s11@s13], [sflag:s21] =	dma.strided [spmem:s1@s13], $0x200, s12, $0x10   }
0x26e: {  	s1 =	sld [smem:$0x772];
	_ =	sdelay $0x1  }
0x26f: {  	s22 =	sadd.s32 $0x40, s0  }
0x270: {  	[hbm:s22@s13], [sflag:s21] =	dma.strided [spmem:s1@s13], $0x200, s12, $0x10   }
0x271: {  	s1 =	sld [smem:$0x773];
	_ =	sdelay $0x1  }
0x272: {  	s23 =	sadd.s32 $0x50, s0  }
0x273: {  	[hbm:s23@s13], [sflag:s21] =	dma.strided [spmem:s1@s13], $0x200, s12, $0x10   }
0x274: {  	s1 =	sld [smem:$0x774];
	_ =	sdelay $0x1  }
0x275: {  	s24 =	sadd.s32 $0x60, s0  }
0x276: {  	[hbm:s24@s13], [sflag:s21] =	dma.strided [spmem:s1@s13], $0x200, s12, $0x10   }
0x277: {  	s1 =	sld [smem:$0x775];
	_ =	sdelay $0x1  }
0x278: {  	s0 =	sadd.s32 $0x70, s0  }
0x279: {  	[hbm:s0@s13], [sflag:s21] =	dma.strided [spmem:s1@s13], $0x200, s12, $0x10   }
0x27a: {  	s1 =	sld [smem:$0x776]  }
0x27b: {  	s0 =	rddreg [dreg:$0xb]  }
0x27c: {  	s0 =	sadd.s32 s20, s0  }
0x27d: {  	[hbm:s0@s13], [sflag:s21] =	dma.strided [spmem:s1@s13], $0x200, s12, $0x10   }
0x27e: {  	s1 =	sld [smem:$0x777];
	_ =	sdelay $0x1  }
0x27f: {  	s25 =	sadd.s32 $0x10, s0  }
0x280: {  	[hbm:s25@s13], [sflag:s21] =	dma.strided [spmem:s1@s13], $0x200, s12, $0x10   }
0x281: {  	s1 =	sld [smem:$0x778];
	_ =	sdelay $0x1  }
0x282: {  	s26 =	sadd.s32 $0x20, s0  }
0x283: {  	[hbm:s26@s13], [sflag:s21] =	dma.strided [spmem:s1@s13], $0x200, s12, $0x10   }
0x284: {  	s1 =	sld [smem:$0x779];
	_ =	sdelay $0x1  }
0x285: {  	s28 =	sadd.s32 $0x30, s0  }
0x286: {  	[hbm:s28@s13], [sflag:s21] =	dma.strided [spmem:s1@s13], $0x200, s12, $0x10   }
0x287: {  	s1 =	sld [smem:$0x77A];
	_ =	sdelay $0x1  }
0x288: {  	s29 =	sadd.s32 $0x40, s0  }
0x289: {  	[hbm:s29@s13], [sflag:s21] =	dma.strided [spmem:s1@s13], $0x200, s12, $0x10   }
0x28a: {  	s1 =	sld [smem:$0x77B];
	_ =	sdelay $0x1  }
0x28b: {  	s30 =	sadd.s32 $0x50, s0  }
0x28c: {  	[hbm:s30@s13], [sflag:s21] =	dma.strided [spmem:s1@s13], $0x200, s12, $0x10   }
0x28d: {  	s1 =	sld [smem:$0x77C];
	_ =	sdelay $0x1  }
0x28e: {  	s31 =	sadd.s32 $0x60, s0  }
0x28f: {  	[hbm:s31@s13], [sflag:s21] =	dma.strided [spmem:s1@s13], $0x200, s12, $0x10   }
0x290: {  	s1 =	sld [smem:$0x77D];
	_ =	sdelay $0x1  }
0x291: {  	s0 =	sadd.s32 $0x70, s0  }
0x292: {  	[hbm:s0@s13], [sflag:s21] =	dma.strided [spmem:s1@s13], $0x200, s12, $0x10   }
0x293: {  	s1 =	sld [smem:$0x77E]  }
0x294: {  	s0 =	rddreg [dreg:$0xc]  }
0x295: {  	s0 =	sadd.s32 s20, s0  }
0x296: {  	[hbm:s0@s13], [sflag:s21] =	dma.strided [spmem:s1@s13], $0x200, s12, $0x10   }
0x297: {  	s1 =	sld [smem:$0x77F];
	_ =	sdelay $0x1  }
0x298: {  	s3 =	sadd.s32 $0x10, s0  }
0x299: {  	[hbm:s3@s13], [sflag:s21] =	dma.strided [spmem:s1@s13], $0x200, s12, $0x10   }
0x29a: {  	s1 =	sld [smem:$0x780];
	_ =	sdelay $0x1  }
0x29b: {  	s5 =	sadd.s32 $0x20, s0  }
0x29c: {  	[hbm:s5@s13], [sflag:s21] =	dma.strided [spmem:s1@s13], $0x200, s12, $0x10   }
0x29d: {  	s1 =	sld [smem:$0x781];
	_ =	sdelay $0x1  }
0x29e: {  	s6 =	sadd.s32 $0x30, s0  }
0x29f: {  	[hbm:s6@s13], [sflag:s21] =	dma.strided [spmem:s1@s13], $0x200, s12, $0x10   }
0x2a0: {  	s1 =	sld [smem:$0x782];
	_ =	sdelay $0x1  }
0x2a1: {  	s9 =	sadd.s32 $0x40, s0  }
0x2a2: {  	[hbm:s9@s13], [sflag:s21] =	dma.strided [spmem:s1@s13], $0x200, s12, $0x10   }
0x2a3: {  	s1 =	sld [smem:$0x783];
	_ =	sdelay $0x1  }
0x2a4: {  	s10 =	sadd.s32 $0x50, s0  }
0x2a5: {  	[hbm:s10@s13], [sflag:s21] =	dma.strided [spmem:s1@s13], $0x200, s12, $0x10   }
0x2a6: {  	s1 =	sld [smem:$0x784];
	_ =	sdelay $0x1  }
0x2a7: {  	s11 =	sadd.s32 $0x60, s0  }
0x2a8: {  	[hbm:s11@s13], [sflag:s21] =	dma.strided [spmem:s1@s13], $0x200, s12, $0x10   }
0x2a9: {  	s1 =	sld [smem:$0x785];
	_ =	sdelay $0x1  }
0x2aa: {  	s0 =	sadd.s32 $0x70, s0  }
0x2ab: {  	[hbm:s0@s13], [sflag:s21] =	dma.strided [spmem:s1@s13], $0x200, s12, $0x10   }
0x2ac: {  	s1 =	sld [smem:$0x786]  }
0x2ad: {  	s0 =	rddreg [dreg:$0xd]  }
0x2ae: {  	s0 =	sadd.s32 s20, s0  }
0x2af: {  	[hbm:s0@s13], [sflag:s21] =	dma.strided [spmem:s1@s13], $0x200, s12, $0x10   }
0x2b0: {  	s1 =	sld [smem:$0x787];
	_ =	sdelay $0x1  }
0x2b1: {  	s22 =	sadd.s32 $0x10, s0  }
0x2b2: {  	[hbm:s22@s13], [sflag:s21] =	dma.strided [spmem:s1@s13], $0x200, s12, $0x10   }
0x2b3: {  	s1 =	sld [smem:$0x788];
	_ =	sdelay $0x1  }
0x2b4: {  	s23 =	sadd.s32 $0x20, s0  }
0x2b5: {  	[hbm:s23@s13], [sflag:s21] =	dma.strided [spmem:s1@s13], $0x200, s12, $0x10   }
0x2b6: {  	s1 =	sld [smem:$0x789];
	_ =	sdelay $0x1  }
0x2b7: {  	s24 =	sadd.s32 $0x30, s0  }
0x2b8: {  	[hbm:s24@s13], [sflag:s21] =	dma.strided [spmem:s1@s13], $0x200, s12, $0x10   }
0x2b9: {  	s1 =	sld [smem:$0x78A];
	_ =	sdelay $0x1  }
0x2ba: {  	s25 =	sadd.s32 $0x40, s0  }
0x2bb: {  	[hbm:s25@s13], [sflag:s21] =	dma.strided [spmem:s1@s13], $0x200, s12, $0x10   }
0x2bc: {  	s1 =	sld [smem:$0x78B];
	_ =	sdelay $0x1  }
0x2bd: {  	s26 =	sadd.s32 $0x50, s0  }
0x2be: {  	[hbm:s26@s13], [sflag:s21] =	dma.strided [spmem:s1@s13], $0x200, s12, $0x10   }
0x2bf: {  	s1 =	sld [smem:$0x78C];
	_ =	sdelay $0x1  }
0x2c0: {  	s28 =	sadd.s32 $0x60, s0  }
0x2c1: {  	[hbm:s28@s13], [sflag:s21] =	dma.strided [spmem:s1@s13], $0x200, s12, $0x10   }
0x2c2: {  	s1 =	sld [smem:$0x78D];
	_ =	sdelay $0x1  }
0x2c3: {  	s0 =	sadd.s32 $0x70, s0  }
0x2c4: {  	[hbm:s0@s13], [sflag:s21] =	dma.strided [spmem:s1@s13], $0x200, s12, $0x10   }
0x2c5: {  	_ =	swait.ge [sflag:s14], $0x200  }
0x2c6: {  	[sflag:s14] =	ssyncset.done $0x0  }
0x2c7: {  	[sflag:s14] =	ssyncadd.s32 $0xFFFFFE00  }
0x2c8: {  	_ =	swait.ge [sflag:s14], $0x200  }
0x2c9: {  	[sflag:s14] =	ssyncset.done $0x0  }
0x2ca: {  	[sflag:s14] =	ssyncadd.s32 $0xFFFFFE00  }
0x2cb: {  	_ =	swait.ge [sflag:s14], $0x200  }
0x2cc: {  	[sflag:s14] =	ssyncset.done $0x0  }
0x2cd: {  	[sflag:s14] =	ssyncadd.s32 $0xFFFFFE00  }
0x2ce: {  	_ =	swait.ge [sflag:s14], $0x200  }
0x2cf: {  	[sflag:s14] =	ssyncset.done $0x0  }
0x2d0: {  	[sflag:s14] =	ssyncadd.s32 $0xFFFFFE00  }
0x2d1: {  	_ =	swait.ge [sflag:s14], $0x200  }
0x2d2: {  	[sflag:s14] =	ssyncset.done $0x0  }
0x2d3: {  	[sflag:s14] =	ssyncadd.s32 $0xFFFFFE00  }
0x2d4: {  	_ =	swait.ge [sflag:s14], $0x200  }
0x2d5: {  	[sflag:s14] =	ssyncset.done $0x0  }
0x2d6: {  	[sflag:s14] =	ssyncadd.s32 $0xFFFFFE00  }
0x2d7: {  	_ =	swait.ge [sflag:s14], $0x200  }
0x2d8: {  	[sflag:s14] =	ssyncset.done $0x0  }
0x2d9: {  	[sflag:s14] =	ssyncadd.s32 $0xFFFFFE00  }
0x2da: {  	_ =	swait.ge [sflag:s14], $0x200  }
0x2db: {  	[sflag:s14] =	ssyncset.done $0x0  }
0x2dc: {  	[sflag:s14] =	ssyncadd.s32 $0xFFFFFE00  }
0x2dd: {  	_ =	swait.ge [sflag:s14], $0x200  }
0x2de: {  	[sflag:s14] =	ssyncset.done $0x0  }
0x2df: {  	[sflag:s14] =	ssyncadd.s32 $0xFFFFFE00  }
0x2e0: {  	_ =	swait.ge [sflag:s14], $0x200  }
0x2e1: {  	[sflag:s14] =	ssyncset.done $0x0  }
0x2e2: {  	[sflag:s14] =	ssyncadd.s32 $0xFFFFFE00  }
0x2e3: {  	_ =	swait.ge [sflag:s14], $0x200  }
0x2e4: {  	[sflag:s14] =	ssyncset.done $0x0  }
0x2e5: {  	[sflag:s14] =	ssyncadd.s32 $0xFFFFFE00  }
0x2e6: {  	_ =	swait.ge [sflag:s14], $0x200  }
0x2e7: {  	[sflag:s14] =	ssyncset.done $0x0  }
0x2e8: {  	[sflag:s14] =	ssyncadd.s32 $0xFFFFFE00  }
0x2e9: {  	_ =	swait.ge [sflag:s14], $0x200  }
0x2ea: {  	[sflag:s14] =	ssyncset.done $0x0  }
0x2eb: {  	[sflag:s14] =	ssyncadd.s32 $0xFFFFFE00  }
0x2ec: {  	_ =	swait.ge [sflag:s14], $0x200  }
0x2ed: {  	[sflag:s14] =	ssyncset.done $0x0  }
0x2ee: {  	[sflag:s14] =	ssyncadd.s32 $0xFFFFFE00  }
0x2ef: {  	_ =	swait.ge [sflag:s14], $0x200  }
0x2f0: {  	[sflag:s14] =	ssyncset.done $0x0  }
0x2f1: {  	[sflag:s14] =	ssyncadd.s32 $0xFFFFFE00  }
0x2f2: {  	_ =	swait.ge [sflag:s14], $0x200  }
0x2f3: {  	[sflag:s14] =	ssyncset.done $0x0  }
0x2f4: {  	[sflag:s14] =	ssyncadd.s32 $0xFFFFFE00  }
0x2f5: {  	_ =	swait.ge [sflag:s14], $0x200  }
0x2f6: {  	[sflag:s14] =	ssyncset.done $0x0  }
0x2f7: {  	[sflag:s14] =	ssyncadd.s32 $0xFFFFFE00  }
0x2f8: {  	_ =	swait.ge [sflag:s14], $0x200  }
0x2f9: {  	[sflag:s14] =	ssyncset.done $0x0  }
0x2fa: {  	[sflag:s14] =	ssyncadd.s32 $0xFFFFFE00  }
0x2fb: {  	_ =	swait.ge [sflag:s14], $0x200  }
0x2fc: {  	[sflag:s14] =	ssyncset.done $0x0  }
0x2fd: {  	[sflag:s14] =	ssyncadd.s32 $0xFFFFFE00  }
0x2fe: {  	_ =	swait.ge [sflag:s14], $0x200  }
0x2ff: {  	[sflag:s14] =	ssyncset.done $0x0  }
0x300: {  	[sflag:s14] =	ssyncadd.s32 $0xFFFFFE00  }
0x301: {  	_ =	swait.ge [sflag:s14], $0x200  }
0x302: {  	[sflag:s14] =	ssyncset.done $0x0  }
0x303: {  	[sflag:s14] =	ssyncadd.s32 $0xFFFFFE00  }
0x304: {  	_ =	swait.ge [sflag:s14], $0x200  }
0x305: {  	[sflag:s14] =	ssyncset.done $0x0  }
0x306: {  	[sflag:s14] =	ssyncadd.s32 $0xFFFFFE00  }
0x307: {  	_ =	swait.ge [sflag:s14], $0x200  }
0x308: {  	[sflag:s14] =	ssyncset.done $0x0  }
0x309: {  	[sflag:s14] =	ssyncadd.s32 $0xFFFFFE00  }
0x30a: {  	_ =	swait.ge [sflag:s14], $0x200  }
0x30b: {  	[sflag:s14] =	ssyncset.done $0x0  }
0x30c: {  	[sflag:s14] =	ssyncadd.s32 $0xFFFFFE00  }
0x30d: {  	_ =	swait.ge [sflag:s14], $0x200  }
0x30e: {  	[sflag:s14] =	ssyncset.done $0x0  }
0x30f: {  	[sflag:s14] =	ssyncadd.s32 $0xFFFFFE00  }
0x310: {  	_ =	swait.ge [sflag:s14], $0x200  }
0x311: {  	[sflag:s14] =	ssyncset.done $0x0  }
0x312: {  	[sflag:s14] =	ssyncadd.s32 $0xFFFFFE00  }
0x313: {  	_ =	swait.ge [sflag:s14], $0x200  }
0x314: {  	[sflag:s14] =	ssyncset.done $0x0  }
0x315: {  	[sflag:s14] =	ssyncadd.s32 $0xFFFFFE00  }
0x316: {  	_ =	swait.ge [sflag:s14], $0x200  }
0x317: {  	[sflag:s14] =	ssyncset.done $0x0  }
0x318: {  	[sflag:s14] =	ssyncadd.s32 $0xFFFFFE00  }
0x319: {  	_ =	swait.ge [sflag:s14], $0x200  }
0x31a: {  	[sflag:s14] =	ssyncset.done $0x0  }
0x31b: {  	[sflag:s14] =	ssyncadd.s32 $0xFFFFFE00  }
0x31c: {  	_ =	swait.ge [sflag:s14], $0x200  }
0x31d: {  	[sflag:s14] =	ssyncset.done $0x0  }
0x31e: {  	[sflag:s14] =	ssyncadd.s32 $0xFFFFFE00  }
0x31f: {  	_ =	swait.ge [sflag:s14], $0x200  }
0x320: {  	[sflag:s14] =	ssyncset.done $0x0  }
0x321: {  	[sflag:s14] =	ssyncadd.s32 $0xFFFFFE00  }
0x322: {  	_ =	swait.ge [sflag:s14], $0x200  }
0x323: {  	[sflag:s14] =	ssyncset.done $0x0  }
0x324: {  	[sflag:s14] =	ssyncadd.s32 $0xFFFFFE00  }
0x325: {  	_ =	swait.ge [sflag:s14], $0x200  }
0x326: {  	[sflag:s14] =	ssyncset.done $0x0  }
0x327: {  	[sflag:s14] =	ssyncadd.s32 $0xFFFFFE00  }
0x328: {  	_ =	swait.ge [sflag:s14], $0x200  }
0x329: {  	[sflag:s14] =	ssyncset.done $0x0  }
0x32a: {  	[sflag:s14] =	ssyncadd.s32 $0xFFFFFE00  }
0x32b: {  	_ =	swait.ge [sflag:s14], $0x200  }
0x32c: {  	[sflag:s14] =	ssyncset.done $0x0  }
0x32d: {  	[sflag:s14] =	ssyncadd.s32 $0xFFFFFE00  }
0x32e: {  	_ =	swait.ge [sflag:s14], $0x200  }
0x32f: {  	[sflag:s14] =	ssyncset.done $0x0  }
0x330: {  	[sflag:s14] =	ssyncadd.s32 $0xFFFFFE00  }
0x331: {  	_ =	swait.ge [sflag:s14], $0x200  }
0x332: {  	[sflag:s14] =	ssyncset.done $0x0  }
0x333: {  	[sflag:s14] =	ssyncadd.s32 $0xFFFFFE00  }
0x334: {  	_ =	swait.ge [sflag:s14], $0x200  }
0x335: {  	[sflag:s14] =	ssyncset.done $0x0  }
0x336: {  	[sflag:s14] =	ssyncadd.s32 $0xFFFFFE00  }
0x337: {  	_ =	swait.ge [sflag:s14], $0x200  }
0x338: {  	[sflag:s14] =	ssyncset.done $0x0  }
0x339: {  	[sflag:s14] =	ssyncadd.s32 $0xFFFFFE00  }
0x33a: {  	_ =	swait.ge [sflag:s14], $0x200  }
0x33b: {  	[sflag:s14] =	ssyncset.done $0x0  }
0x33c: {  	[sflag:s14] =	ssyncadd.s32 $0xFFFFFE00  }
0x33d: {  	_ =	swait.ge [sflag:s14], $0x200  }
0x33e: {  	[sflag:s14] =	ssyncset.done $0x0  }
0x33f: {  	[sflag:s14] =	ssyncadd.s32 $0xFFFFFE00  }
0x340: {  	_ =	swait.ge [sflag:s14], $0x200  }
0x341: {  	[sflag:s14] =	ssyncset.done $0x0  }
0x342: {  	[sflag:s14] =	ssyncadd.s32 $0xFFFFFE00  }
0x343: {  	_ =	swait.ge [sflag:s14], $0x200  }
0x344: {  	[sflag:s14] =	ssyncset.done $0x0  }
0x345: {  	[sflag:s14] =	ssyncadd.s32 $0xFFFFFE00  }
0x346: {  	_ =	swait.ge [sflag:s14], $0x200  }
0x347: {  	[sflag:s14] =	ssyncset.done $0x0  }
0x348: {  	[sflag:s14] =	ssyncadd.s32 $0xFFFFFE00  }
0x349: {  	_ =	swait.ge [sflag:s14], $0x200  }
0x34a: {  	[sflag:s14] =	ssyncset.done $0x0  }
0x34b: {  	[sflag:s14] =	ssyncadd.s32 $0xFFFFFE00  }
0x34c: {  	_ =	swait.ge [sflag:s14], $0x200  }
0x34d: {  	[sflag:s14] =	ssyncset.done $0x0  }
0x34e: {  	[sflag:s14] =	ssyncadd.s32 $0xFFFFFE00  }
0x34f: {  	_ =	swait.ge [sflag:s14], $0x200  }
0x350: {  	[sflag:s14] =	ssyncset.done $0x0  }
0x351: {  	[sflag:s14] =	ssyncadd.s32 $0xFFFFFE00  }
0x352: {  	_ =	swait.ge [sflag:s14], $0x200  }
0x353: {  	[sflag:s14] =	ssyncset.done $0x0  }
0x354: {  	[sflag:s14] =	ssyncadd.s32 $0xFFFFFE00  }
0x355: {  	_ =	swait.ge [sflag:s14], $0x200  }
0x356: {  	[sflag:s14] =	ssyncset.done $0x0  }
0x357: {  	[sflag:s14] =	ssyncadd.s32 $0xFFFFFE00  }
0x358: {  	_ =	swait.ge [sflag:s14], $0x200  }
0x359: {  	[sflag:s14] =	ssyncset.done $0x0  }
0x35a: {  	[sflag:s14] =	ssyncadd.s32 $0xFFFFFE00  }
0x35b: {  	_ =	swait.ge [sflag:s14], $0x200  }
0x35c: {  	[sflag:s14] =	ssyncset.done $0x0  }
0x35d: {  	[sflag:s14] =	ssyncadd.s32 $0xFFFFFE00  }
0x35e: {  	_ =	swait.ge [sflag:s14], $0x200  }
0x35f: {  	[sflag:s14] =	ssyncset.done $0x0  }
0x360: {  	[sflag:s14] =	ssyncadd.s32 $0xFFFFFE00  }
0x361: {  	_ =	swait.ge [sflag:s14], $0x200  }
0x362: {  	[sflag:s14] =	ssyncset.done $0x0  }
0x363: {  	[sflag:s14] =	ssyncadd.s32 $0xFFFFFE00  }
0x364: {  	_ =	swait.ge [sflag:s14], $0x200  }
0x365: {  	[sflag:s14] =	ssyncset.done $0x0  }
0x366: {  	[sflag:s14] =	ssyncadd.s32 $0xFFFFFE00  }
0x367: {  	_ =	swait.ge [sflag:s14], $0x200  }
0x368: {  	[sflag:s14] =	ssyncset.done $0x0  }
0x369: {  	[sflag:s14] =	ssyncadd.s32 $0xFFFFFE00  }
0x36a: {  	_ =	swait.ge [sflag:s14], $0x200  }
0x36b: {  	[sflag:s14] =	ssyncset.done $0x0  }
0x36c: {  	[sflag:s14] =	ssyncadd.s32 $0xFFFFFE00  }
0x36d: {  	_ =	swait.ge [sflag:s14], $0x200  }
0x36e: {  	[sflag:s14] =	ssyncset.done $0x0  }
0x36f: {  	[sflag:s14] =	ssyncadd.s32 $0xFFFFFE00  }
0x370: {  	_ =	swait.ge [sflag:s14], $0x200  }
0x371: {  	[sflag:s14] =	ssyncset.done $0x0  }
0x372: {  	[sflag:s14] =	ssyncadd.s32 $0xFFFFFE00  }
0x373: {  	_ =	swait.ge [sflag:s14], $0x200  }
0x374: {  	[sflag:s14] =	ssyncset.done $0x0  }
0x375: {  	[sflag:s14] =	ssyncadd.s32 $0xFFFFFE00  }
0x376: {  	_ =	swait.ge [sflag:s14], $0x200  }
0x377: {  	[sflag:s14] =	ssyncset.done $0x0  }
0x378: {  	[sflag:s14] =	ssyncadd.s32 $0xFFFFFE00  }
0x379: {  	_ =	swait.ge [sflag:s14], $0x200  }
0x37a: {  	[sflag:s14] =	ssyncset.done $0x0  }
0x37b: {  	[sflag:s14] =	ssyncadd.s32 $0xFFFFFE00  }
0x37c: {  	_ =	swait.ge [sflag:s14], $0x200  }
0x37d: {  	[sflag:s14] =	ssyncset.done $0x0  }
0x37e: {  	[sflag:s14] =	ssyncadd.s32 $0xFFFFFE00  }
0x37f: {  	_ =	swait.ge [sflag:s14], $0x200  }
0x380: {  	[sflag:s14] =	ssyncset.done $0x0  }
0x381: {  	[sflag:s14] =	ssyncadd.s32 $0xFFFFFE00  }
0x382: {  	_ =	swait.ge [sflag:s14], $0x200  }
0x383: {  	[sflag:s14] =	ssyncset.done $0x0  }
0x384: {  	[sflag:s14] =	ssyncadd.s32 $0xFFFFFE00  }
0x385: {  	_ =	swait.ge [sflag:s15], $0x1000  }
0x386: {  	p0 =	seq.s32 s20, $0x4000;
	[sflag:s15] =	ssyncset.done $0x0  }
0x387: {  	s0 =	sshrl.u32 @!p0 s19, $0x3;
	[sflag:s15] =	ssyncadd.s32 $0xFFFFF000  }
0x388: {  	s1 =	sshrl.u32 @!p0 s8, $0x3;
	s0 =	sadd.s32 @!p0 s7, s0;
	[bflag:$0x0] =	sbarrier.arrive $0xFFFF  }
0x389: {  	[spmem:s1], [sflag:s18] =	dma.local @!p0 [hbm:s0], $0x1000  }
0x38a: {  	s1 =	sld [smem:$0x78E]  }
0x38b: {  	s0 =	rddreg [dreg:$0x14]  }
0x38c: {  	s0 =	sadd.s32 s20, s0  }
0x38d: {  	[hbm:s0@s13], [sflag:s21] =	dma.strided [spmem:s1@s13], $0x200, s12, $0x10   }
0x38e: {  	s1 =	sld [smem:$0x78F];
	_ =	sdelay $0x1  }
0x38f: {  	s29 =	sadd.s32 $0x10, s0  }
0x390: {  	[hbm:s29@s13], [sflag:s21] =	dma.strided [spmem:s1@s13], $0x200, s12, $0x10   }
0x391: {  	s1 =	sld [smem:$0x790];
	_ =	sdelay $0x1  }
0x392: {  	s30 =	sadd.s32 $0x20, s0  }
0x393: {  	[hbm:s30@s13], [sflag:s21] =	dma.strided [spmem:s1@s13], $0x200, s12, $0x10   }
0x394: {  	s1 =	sld [smem:$0x791];
	_ =	sdelay $0x1  }
0x395: {  	s31 =	sadd.s32 $0x30, s0  }
0x396: {  	[hbm:s31@s13], [sflag:s21] =	dma.strided [spmem:s1@s13], $0x200, s12, $0x10   }
0x397: {  	s1 =	sld [smem:$0x792];
	_ =	sdelay $0x1  }
0x398: {  	s3 =	sadd.s32 $0x40, s0  }
0x399: {  	[hbm:s3@s13], [sflag:s21] =	dma.strided [spmem:s1@s13], $0x200, s12, $0x10   }
0x39a: {  	s1 =	sld [smem:$0x793];
	_ =	sdelay $0x1  }
0x39b: {  	s5 =	sadd.s32 $0x50, s0  }
0x39c: {  	[hbm:s5@s13], [sflag:s21] =	dma.strided [spmem:s1@s13], $0x200, s12, $0x10   }
0x39d: {  	s1 =	sld [smem:$0x794];
	_ =	sdelay $0x1  }
0x39e: {  	s6 =	sadd.s32 $0x60, s0  }
0x39f: {  	[hbm:s6@s13], [sflag:s21] =	dma.strided [spmem:s1@s13], $0x200, s12, $0x10   }
0x3a0: {  	s1 =	sld [smem:$0x795];
	_ =	sdelay $0x1  }
0x3a1: {  	s0 =	sadd.s32 $0x70, s0  }
0x3a2: {  	[hbm:s0@s13], [sflag:s21] =	dma.strided [spmem:s1@s13], $0x200, s12, $0x10   }
0x3a3: {  	s1 =	sld [smem:$0x796]  }
0x3a4: {  	s0 =	rddreg [dreg:$0x13]  }
0x3a5: {  	s0 =	sadd.s32 s20, s0  }
0x3a6: {  	[hbm:s0@s13], [sflag:s21] =	dma.strided [spmem:s1@s13], $0x200, s12, $0x10   }
0x3a7: {  	s1 =	sld [smem:$0x797];
	_ =	sdelay $0x1  }
0x3a8: {  	s9 =	sadd.s32 $0x10, s0  }
0x3a9: {  	[hbm:s9@s13], [sflag:s21] =	dma.strided [spmem:s1@s13], $0x200, s12, $0x10   }
0x3aa: {  	s1 =	sld [smem:$0x798];
	_ =	sdelay $0x1  }
0x3ab: {  	s10 =	sadd.s32 $0x20, s0  }
0x3ac: {  	[hbm:s10@s13], [sflag:s21] =	dma.strided [spmem:s1@s13], $0x200, s12, $0x10   }
0x3ad: {  	s1 =	sld [smem:$0x799];
	_ =	sdelay $0x1  }
0x3ae: {  	s11 =	sadd.s32 $0x30, s0  }
0x3af: {  	[hbm:s11@s13], [sflag:s21] =	dma.strided [spmem:s1@s13], $0x200, s12, $0x10   }
0x3b0: {  	s1 =	sld [smem:$0x79B];
	_ =	sdelay $0x1  }
0x3b1: {  	s22 =	sadd.s32 $0x40, s0  }
0x3b2: {  	[hbm:s22@s13], [sflag:s21] =	dma.strided [spmem:s1@s13], $0x200, s12, $0x10   }
0x3b3: {  	s1 =	sld [smem:$0x79C];
	_ =	sdelay $0x1  }
0x3b4: {  	s23 =	sadd.s32 $0x50, s0  }
0x3b5: {  	[hbm:s23@s13], [sflag:s21] =	dma.strided [spmem:s1@s13], $0x200, s12, $0x10   }
0x3b6: {  	s1 =	sld [smem:$0x79E];
	_ =	sdelay $0x1  }
0x3b7: {  	s24 =	sadd.s32 $0x60, s0  }
0x3b8: {  	[hbm:s24@s13], [sflag:s21] =	dma.strided [spmem:s1@s13], $0x200, s12, $0x10   }
0x3b9: {  	s1 =	sld [smem:$0x79F];
	_ =	sdelay $0x1  }
0x3ba: {  	s0 =	sadd.s32 $0x70, s0  }
0x3bb: {  	[hbm:s0@s13], [sflag:s21] =	dma.strided [spmem:s1@s13], $0x200, s12, $0x10   }
0x3bc: {  	s1 =	sld [smem:$0x7A1]  }
0x3bd: {  	s0 =	rddreg [dreg:$0x12]  }
0x3be: {  	s0 =	sadd.s32 s20, s0  }
0x3bf: {  	[hbm:s0@s13], [sflag:s21] =	dma.strided [spmem:s1@s13], $0x200, s12, $0x10   }
0x3c0: {  	s1 =	sld [smem:$0x7A2];
	_ =	sdelay $0x1  }
0x3c1: {  	s25 =	sadd.s32 $0x10, s0  }
0x3c2: {  	[hbm:s25@s13], [sflag:s21] =	dma.strided [spmem:s1@s13], $0x200, s12, $0x10   }
0x3c3: {  	s1 =	sld [smem:$0x7A4];
	_ =	sdelay $0x1  }
0x3c4: {  	s26 =	sadd.s32 $0x20, s0  }
0x3c5: {  	[hbm:s26@s13], [sflag:s21] =	dma.strided [spmem:s1@s13], $0x200, s12, $0x10   }
0x3c6: {  	s1 =	sld [smem:$0x7A5];
	_ =	sdelay $0x1  }
0x3c7: {  	s28 =	sadd.s32 $0x30, s0  }
0x3c8: {  	[hbm:s28@s13], [sflag:s21] =	dma.strided [spmem:s1@s13], $0x200, s12, $0x10   }
0x3c9: {  	s1 =	sld [smem:$0x7A7];
	_ =	sdelay $0x1  }
0x3ca: {  	s29 =	sadd.s32 $0x40, s0  }
0x3cb: {  	[hbm:s29@s13], [sflag:s21] =	dma.strided [spmem:s1@s13], $0x200, s12, $0x10   }
0x3cc: {  	s1 =	sld [smem:$0x7A8];
	_ =	sdelay $0x1  }
0x3cd: {  	s30 =	sadd.s32 $0x50, s0  }
0x3ce: {  	[hbm:s30@s13], [sflag:s21] =	dma.strided [spmem:s1@s13], $0x200, s12, $0x10   }
0x3cf: {  	s1 =	sld [smem:$0x7AA];
	_ =	sdelay $0x1  }
0x3d0: {  	s31 =	sadd.s32 $0x60, s0  }
0x3d1: {  	[hbm:s31@s13], [sflag:s21] =	dma.strided [spmem:s1@s13], $0x200, s12, $0x10   }
0x3d2: {  	s1 =	sld [smem:$0x7AB];
	_ =	sdelay $0x1  }
0x3d3: {  	s0 =	sadd.s32 $0x70, s0  }
0x3d4: {  	[hbm:s0@s13], [sflag:s21] =	dma.strided [spmem:s1@s13], $0x200, s12, $0x10   }
0x3d5: {  	s1 =	sld [smem:$0x7AD]  }
0x3d6: {  	s0 =	rddreg [dreg:$0x11]  }
0x3d7: {  	s0 =	sadd.s32 s20, s0  }
0x3d8: {  	[hbm:s0@s13], [sflag:s21] =	dma.strided [spmem:s1@s13], $0x200, s12, $0x10   }
0x3d9: {  	s1 =	sld [smem:$0x7AE];
	_ =	sdelay $0x1  }
0x3da: {  	s3 =	sadd.s32 $0x10, s0  }
0x3db: {  	[hbm:s3@s13], [sflag:s21] =	dma.strided [spmem:s1@s13], $0x200, s12, $0x10   }
0x3dc: {  	s1 =	sld [smem:$0x7B0];
	_ =	sdelay $0x1  }
0x3dd: {  	s5 =	sadd.s32 $0x20, s0  }
0x3de: {  	[hbm:s5@s13], [sflag:s21] =	dma.strided [spmem:s1@s13], $0x200, s12, $0x10   }
0x3df: {  	s1 =	sld [smem:$0x7B2];
	_ =	sdelay $0x1  }
0x3e0: {  	s6 =	sadd.s32 $0x30, s0  }
0x3e1: {  	[hbm:s6@s13], [sflag:s21] =	dma.strided [spmem:s1@s13], $0x200, s12, $0x10   }
0x3e2: {  	s1 =	sld [smem:$0x7B4];
	_ =	sdelay $0x1  }
0x3e3: {  	s9 =	sadd.s32 $0x40, s0  }
0x3e4: {  	[hbm:s9@s13], [sflag:s21] =	dma.strided [spmem:s1@s13], $0x200, s12, $0x10   }
0x3e5: {  	s1 =	sld [smem:$0x7B6];
	_ =	sdelay $0x1  }
0x3e6: {  	s10 =	sadd.s32 $0x50, s0  }
0x3e7: {  	[hbm:s10@s13], [sflag:s21] =	dma.strided [spmem:s1@s13], $0x200, s12, $0x10   }
0x3e8: {  	s1 =	sld [smem:$0x7B8];
	_ =	sdelay $0x1  }
0x3e9: {  	s11 =	sadd.s32 $0x60, s0  }
0x3ea: {  	[hbm:s11@s13], [sflag:s21] =	dma.strided [spmem:s1@s13], $0x200, s12, $0x10   }
0x3eb: {  	s1 =	sld [smem:$0x7BA];
	_ =	sdelay $0x1  }
0x3ec: {  	s0 =	sadd.s32 $0x70, s0  }
0x3ed: {  	[hbm:s0@s13], [sflag:s21] =	dma.strided [spmem:s1@s13], $0x200, s12, $0x10   }
0x3ee: {  	s1 =	sld [smem:$0x7BC]  }
0x3ef: {  	s0 =	rddreg [dreg:$0x15]  }
0x3f0: {  	s0 =	sadd.s32 s20, s0  }
0x3f1: {  	[hbm:s0@s13], [sflag:s21] =	dma.strided [spmem:s1@s13], $0x200, s12, $0x10   }
0x3f2: {  	s1 =	sld [smem:$0x7BE];
	_ =	sdelay $0x1  }
0x3f3: {  	s22 =	sadd.s32 $0x10, s0  }
0x3f4: {  	[hbm:s22@s13], [sflag:s21] =	dma.strided [spmem:s1@s13], $0x200, s12, $0x10   }
0x3f5: {  	s1 =	sld [smem:$0x7C0];
	_ =	sdelay $0x1  }
0x3f6: {  	s23 =	sadd.s32 $0x20, s0  }
0x3f7: {  	[hbm:s23@s13], [sflag:s21] =	dma.strided [spmem:s1@s13], $0x200, s12, $0x10   }
0x3f8: {  	s1 =	sld [smem:$0x7C2];
	_ =	sdelay $0x1  }
0x3f9: {  	s24 =	sadd.s32 $0x30, s0  }
0x3fa: {  	[hbm:s24@s13], [sflag:s21] =	dma.strided [spmem:s1@s13], $0x200, s12, $0x10   }
0x3fb: {  	s1 =	sld [smem:$0x7C4];
	_ =	sdelay $0x1  }
0x3fc: {  	s25 =	sadd.s32 $0x40, s0  }
0x3fd: {  	[hbm:s25@s13], [sflag:s21] =	dma.strided [spmem:s1@s13], $0x200, s12, $0x10   }
0x3fe: {  	s1 =	sld [smem:$0x7C6];
	_ =	sdelay $0x1  }
0x3ff: {  	s26 =	sadd.s32 $0x50, s0  }
0x400: {  	[hbm:s26@s13], [sflag:s21] =	dma.strided [spmem:s1@s13], $0x200, s12, $0x10   }
0x401: {  	s1 =	sld [smem:$0x7C8];
	_ =	sdelay $0x1  }
0x402: {  	s28 =	sadd.s32 $0x60, s0  }
0x403: {  	[hbm:s28@s13], [sflag:s21] =	dma.strided [spmem:s1@s13], $0x200, s12, $0x10   }
0x404: {  	s1 =	sld [smem:$0x7CA];
	_ =	sdelay $0x1  }
0x405: {  	s0 =	sadd.s32 $0x70, s0  }
0x406: {  	[hbm:s0@s13], [sflag:s21] =	dma.strided [spmem:s1@s13], $0x200, s12, $0x10   }
0x407: {  	s1 =	sld [smem:$0x7CC]  }
0x408: {  	s0 =	rddreg [dreg:$0x10]  }
0x409: {  	s0 =	sadd.s32 s20, s0  }
0x40a: {  	[hbm:s0@s13], [sflag:s21] =	dma.strided [spmem:s1@s13], $0x200, s12, $0x10   }
0x40b: {  	s1 =	sld [smem:$0x7CE];
	_ =	sdelay $0x1  }
0x40c: {  	s29 =	sadd.s32 $0x10, s0  }
0x40d: {  	[hbm:s29@s13], [sflag:s21] =	dma.strided [spmem:s1@s13], $0x200, s12, $0x10   }
0x40e: {  	s1 =	sld [smem:$0x7D0];
	_ =	sdelay $0x1  }
0x40f: {  	s30 =	sadd.s32 $0x20, s0  }
0x410: {  	[hbm:s30@s13], [sflag:s21] =	dma.strided [spmem:s1@s13], $0x200, s12, $0x10   }
0x411: {  	s1 =	sld [smem:$0x7D2];
	_ =	sdelay $0x1  }
0x412: {  	s31 =	sadd.s32 $0x30, s0  }
0x413: {  	[hbm:s31@s13], [sflag:s21] =	dma.strided [spmem:s1@s13], $0x200, s12, $0x10   }
0x414: {  	s1 =	sld [smem:$0x7D4];
	_ =	sdelay $0x1  }
0x415: {  	s3 =	sadd.s32 $0x40, s0  }
0x416: {  	[hbm:s3@s13], [sflag:s21] =	dma.strided [spmem:s1@s13], $0x200, s12, $0x10   }
0x417: {  	s1 =	sld [smem:$0x7D6];
	_ =	sdelay $0x1  }
0x418: {  	s5 =	sadd.s32 $0x50, s0  }
0x419: {  	[hbm:s5@s13], [sflag:s21] =	dma.strided [spmem:s1@s13], $0x200, s12, $0x10   }
0x41a: {  	s1 =	sld [smem:$0x7D8];
	_ =	sdelay $0x1  }
0x41b: {  	s6 =	sadd.s32 $0x60, s0  }
0x41c: {  	[hbm:s6@s13], [sflag:s21] =	dma.strided [spmem:s1@s13], $0x200, s12, $0x10   }
0x41d: {  	s1 =	sld [smem:$0x7DA];
	_ =	sdelay $0x1  }
0x41e: {  	s0 =	sadd.s32 $0x70, s0  }
0x41f: {  	[hbm:s0@s13], [sflag:s21] =	dma.strided [spmem:s1@s13], $0x200, s12, $0x10   }
0x420: {  	s1 =	sld [smem:$0x7DC]  }
0x421: {  	s0 =	rddreg [dreg:$0xf]  }
0x422: {  	s0 =	sadd.s32 s20, s0  }
0x423: {  	[hbm:s0@s13], [sflag:s21] =	dma.strided [spmem:s1@s13], $0x200, s12, $0x10   }
0x424: {  	s1 =	sld [smem:$0x7DE];
	_ =	sdelay $0x1  }
0x425: {  	s9 =	sadd.s32 $0x10, s0  }
0x426: {  	[hbm:s9@s13], [sflag:s21] =	dma.strided [spmem:s1@s13], $0x200, s12, $0x10   }
0x427: {  	s1 =	sld [smem:$0x7E0];
	_ =	sdelay $0x1  }
0x428: {  	s10 =	sadd.s32 $0x20, s0  }
0x429: {  	[hbm:s10@s13], [sflag:s21] =	dma.strided [spmem:s1@s13], $0x200, s12, $0x10   }
0x42a: {  	s1 =	sld [smem:$0x7E2];
	_ =	sdelay $0x1  }
0x42b: {  	s11 =	sadd.s32 $0x30, s0  }
0x42c: {  	[hbm:s11@s13], [sflag:s21] =	dma.strided [spmem:s1@s13], $0x200, s12, $0x10   }
0x42d: {  	s1 =	sld [smem:$0x7E4];
	_ =	sdelay $0x1  }
0x42e: {  	s22 =	sadd.s32 $0x40, s0  }
0x42f: {  	[hbm:s22@s13], [sflag:s21] =	dma.strided [spmem:s1@s13], $0x200, s12, $0x10   }
0x430: {  	s1 =	sld [smem:$0x7E6];
	_ =	sdelay $0x1  }
0x431: {  	s23 =	sadd.s32 $0x50, s0  }
0x432: {  	[hbm:s23@s13], [sflag:s21] =	dma.strided [spmem:s1@s13], $0x200, s12, $0x10   }
0x433: {  	s1 =	sld [smem:$0x7E8];
	_ =	sdelay $0x1  }
0x434: {  	s24 =	sadd.s32 $0x60, s0  }
0x435: {  	[hbm:s24@s13], [sflag:s21] =	dma.strided [spmem:s1@s13], $0x200, s12, $0x10   }
0x436: {  	s1 =	sld [smem:$0x7EA];
	_ =	sdelay $0x1  }
0x437: {  	s0 =	sadd.s32 $0x70, s0  }
0x438: {  	[hbm:s0@s13], [sflag:s21] =	dma.strided [spmem:s1@s13], $0x200, s12, $0x10   }
0x439: {  	s1 =	sld [smem:$0x7EC]  }
0x43a: {  	s0 =	rddreg [dreg:$0xe]  }
0x43b: {  	s0 =	sadd.s32 s20, s0  }
0x43c: {  	[hbm:s0@s13], [sflag:s21] =	dma.strided [spmem:s1@s13], $0x200, s12, $0x10   }
0x43d: {  	s1 =	sld [smem:$0x7EE];
	_ =	sdelay $0x1  }
0x43e: {  	s25 =	sadd.s32 $0x10, s0  }
0x43f: {  	[hbm:s25@s13], [sflag:s21] =	dma.strided [spmem:s1@s13], $0x200, s12, $0x10   }
0x440: {  	s1 =	sld [smem:$0x7F0];
	_ =	sdelay $0x1  }
0x441: {  	s26 =	sadd.s32 $0x20, s0  }
0x442: {  	[hbm:s26@s13], [sflag:s21] =	dma.strided [spmem:s1@s13], $0x200, s12, $0x10   }
0x443: {  	s1 =	sld [smem:$0x7F2];
	_ =	sdelay $0x1  }
0x444: {  	s28 =	sadd.s32 $0x30, s0  }
0x445: {  	[hbm:s28@s13], [sflag:s21] =	dma.strided [spmem:s1@s13], $0x200, s12, $0x10   }
0x446: {  	s1 =	sld [smem:$0x7F4];
	_ =	sdelay $0x1  }
0x447: {  	s29 =	sadd.s32 $0x40, s0  }
0x448: {  	[hbm:s29@s13], [sflag:s21] =	dma.strided [spmem:s1@s13], $0x200, s12, $0x10   }
0x449: {  	s1 =	sld [smem:$0x7F6];
	_ =	sdelay $0x1  }
0x44a: {  	s30 =	sadd.s32 $0x50, s0  }
0x44b: {  	[hbm:s30@s13], [sflag:s21] =	dma.strided [spmem:s1@s13], $0x200, s12, $0x10   }
0x44c: {  	s1 =	sld [smem:$0x7F8];
	_ =	sdelay $0x1  }
0x44d: {  	s31 =	sadd.s32 $0x60, s0  }
0x44e: {  	[hbm:s31@s13], [sflag:s21] =	dma.strided [spmem:s1@s13], $0x200, s12, $0x10   }
0x44f: {  	s1 =	sld [smem:$0x7F9];
	_ =	sdelay $0x1  }
0x450: {  	s0 =	sadd.s32 $0x70, s0  }
0x451: {  	[hbm:s0@s13], [sflag:s21] =	dma.strided [spmem:s1@s13], $0x200, s12, $0x10   }
0x452: {  	_ =	swait.ge [sflag:s14], $0x200  }
0x453: {  	[sflag:s14] =	ssyncset.done $0x0  }
0x454: {  	[sflag:s14] =	ssyncadd.s32 $0xFFFFFE00  }
0x455: {  	_ =	swait.ge [sflag:s14], $0x200  }
0x456: {  	[sflag:s14] =	ssyncset.done $0x0  }
0x457: {  	[sflag:s14] =	ssyncadd.s32 $0xFFFFFE00  }
0x458: {  	_ =	swait.ge [sflag:s14], $0x200  }
0x459: {  	[sflag:s14] =	ssyncset.done $0x0  }
0x45a: {  	[sflag:s14] =	ssyncadd.s32 $0xFFFFFE00  }
0x45b: {  	_ =	swait.ge [sflag:s14], $0x200  }
0x45c: {  	[sflag:s14] =	ssyncset.done $0x0  }
0x45d: {  	[sflag:s14] =	ssyncadd.s32 $0xFFFFFE00  }
0x45e: {  	_ =	swait.ge [sflag:s14], $0x200  }
0x45f: {  	[sflag:s14] =	ssyncset.done $0x0  }
0x460: {  	[sflag:s14] =	ssyncadd.s32 $0xFFFFFE00  }
0x461: {  	_ =	swait.ge [sflag:s14], $0x200  }
0x462: {  	[sflag:s14] =	ssyncset.done $0x0  }
0x463: {  	[sflag:s14] =	ssyncadd.s32 $0xFFFFFE00  }
0x464: {  	_ =	swait.ge [sflag:s14], $0x200  }
0x465: {  	[sflag:s14] =	ssyncset.done $0x0  }
0x466: {  	[sflag:s14] =	ssyncadd.s32 $0xFFFFFE00  }
0x467: {  	_ =	swait.ge [sflag:s14], $0x200  }
0x468: {  	[sflag:s14] =	ssyncset.done $0x0  }
0x469: {  	[sflag:s14] =	ssyncadd.s32 $0xFFFFFE00  }
0x46a: {  	_ =	swait.ge [sflag:s14], $0x200  }
0x46b: {  	[sflag:s14] =	ssyncset.done $0x0  }
0x46c: {  	[sflag:s14] =	ssyncadd.s32 $0xFFFFFE00  }
0x46d: {  	_ =	swait.ge [sflag:s14], $0x200  }
0x46e: {  	[sflag:s14] =	ssyncset.done $0x0  }
0x46f: {  	[sflag:s14] =	ssyncadd.s32 $0xFFFFFE00  }
0x470: {  	_ =	swait.ge [sflag:s14], $0x200  }
0x471: {  	[sflag:s14] =	ssyncset.done $0x0  }
0x472: {  	[sflag:s14] =	ssyncadd.s32 $0xFFFFFE00  }
0x473: {  	_ =	swait.ge [sflag:s14], $0x200  }
0x474: {  	[sflag:s14] =	ssyncset.done $0x0  }
0x475: {  	[sflag:s14] =	ssyncadd.s32 $0xFFFFFE00  }
0x476: {  	_ =	swait.ge [sflag:s14], $0x200  }
0x477: {  	[sflag:s14] =	ssyncset.done $0x0  }
0x478: {  	[sflag:s14] =	ssyncadd.s32 $0xFFFFFE00  }
0x479: {  	_ =	swait.ge [sflag:s14], $0x200  }
0x47a: {  	[sflag:s14] =	ssyncset.done $0x0  }
0x47b: {  	[sflag:s14] =	ssyncadd.s32 $0xFFFFFE00  }
0x47c: {  	_ =	swait.ge [sflag:s14], $0x200  }
0x47d: {  	[sflag:s14] =	ssyncset.done $0x0  }
0x47e: {  	[sflag:s14] =	ssyncadd.s32 $0xFFFFFE00  }
0x47f: {  	_ =	swait.ge [sflag:s14], $0x200  }
0x480: {  	[sflag:s14] =	ssyncset.done $0x0  }
0x481: {  	[sflag:s14] =	ssyncadd.s32 $0xFFFFFE00  }
0x482: {  	_ =	swait.ge [sflag:s14], $0x200  }
0x483: {  	[sflag:s14] =	ssyncset.done $0x0  }
0x484: {  	[sflag:s14] =	ssyncadd.s32 $0xFFFFFE00  }
0x485: {  	_ =	swait.ge [sflag:s14], $0x200  }
0x486: {  	[sflag:s14] =	ssyncset.done $0x0  }
0x487: {  	[sflag:s14] =	ssyncadd.s32 $0xFFFFFE00  }
0x488: {  	_ =	swait.ge [sflag:s14], $0x200  }
0x489: {  	[sflag:s14] =	ssyncset.done $0x0  }
0x48a: {  	[sflag:s14] =	ssyncadd.s32 $0xFFFFFE00  }
0x48b: {  	_ =	swait.ge [sflag:s14], $0x200  }
0x48c: {  	[sflag:s14] =	ssyncset.done $0x0  }
0x48d: {  	[sflag:s14] =	ssyncadd.s32 $0xFFFFFE00  }
0x48e: {  	_ =	swait.ge [sflag:s14], $0x200  }
0x48f: {  	[sflag:s14] =	ssyncset.done $0x0  }
0x490: {  	[sflag:s14] =	ssyncadd.s32 $0xFFFFFE00  }
0x491: {  	_ =	swait.ge [sflag:s14], $0x200  }
0x492: {  	[sflag:s14] =	ssyncset.done $0x0  }
0x493: {  	[sflag:s14] =	ssyncadd.s32 $0xFFFFFE00  }
0x494: {  	_ =	swait.ge [sflag:s14], $0x200  }
0x495: {  	[sflag:s14] =	ssyncset.done $0x0  }
0x496: {  	[sflag:s14] =	ssyncadd.s32 $0xFFFFFE00  }
0x497: {  	_ =	swait.ge [sflag:s14], $0x200  }
0x498: {  	[sflag:s14] =	ssyncset.done $0x0  }
0x499: {  	[sflag:s14] =	ssyncadd.s32 $0xFFFFFE00  }
0x49a: {  	_ =	swait.ge [sflag:s14], $0x200  }
0x49b: {  	[sflag:s14] =	ssyncset.done $0x0  }
0x49c: {  	[sflag:s14] =	ssyncadd.s32 $0xFFFFFE00  }
0x49d: {  	_ =	swait.ge [sflag:s14], $0x200  }
0x49e: {  	[sflag:s14] =	ssyncset.done $0x0  }
0x49f: {  	[sflag:s14] =	ssyncadd.s32 $0xFFFFFE00  }
0x4a0: {  	_ =	swait.ge [sflag:s14], $0x200  }
0x4a1: {  	[sflag:s14] =	ssyncset.done $0x0  }
0x4a2: {  	[sflag:s14] =	ssyncadd.s32 $0xFFFFFE00  }
0x4a3: {  	_ =	swait.ge [sflag:s14], $0x200  }
0x4a4: {  	[sflag:s14] =	ssyncset.done $0x0  }
0x4a5: {  	[sflag:s14] =	ssyncadd.s32 $0xFFFFFE00  }
0x4a6: {  	_ =	swait.ge [sflag:s14], $0x200  }
0x4a7: {  	[sflag:s14] =	ssyncset.done $0x0  }
0x4a8: {  	[sflag:s14] =	ssyncadd.s32 $0xFFFFFE00  }
0x4a9: {  	_ =	swait.ge [sflag:s14], $0x200  }
0x4aa: {  	[sflag:s14] =	ssyncset.done $0x0  }
0x4ab: {  	[sflag:s14] =	ssyncadd.s32 $0xFFFFFE00  }
0x4ac: {  	_ =	swait.ge [sflag:s14], $0x200  }
0x4ad: {  	[sflag:s14] =	ssyncset.done $0x0  }
0x4ae: {  	[sflag:s14] =	ssyncadd.s32 $0xFFFFFE00  }
0x4af: {  	_ =	swait.ge [sflag:s14], $0x200  }
0x4b0: {  	[sflag:s14] =	ssyncset.done $0x0  }
0x4b1: {  	[sflag:s14] =	ssyncadd.s32 $0xFFFFFE00  }
0x4b2: {  	_ =	swait.ge [sflag:s14], $0x200  }
0x4b3: {  	[sflag:s14] =	ssyncset.done $0x0  }
0x4b4: {  	[sflag:s14] =	ssyncadd.s32 $0xFFFFFE00  }
0x4b5: {  	_ =	swait.ge [sflag:s14], $0x200  }
0x4b6: {  	[sflag:s14] =	ssyncset.done $0x0  }
0x4b7: {  	[sflag:s14] =	ssyncadd.s32 $0xFFFFFE00  }
0x4b8: {  	_ =	swait.ge [sflag:s14], $0x200  }
0x4b9: {  	[sflag:s14] =	ssyncset.done $0x0  }
0x4ba: {  	[sflag:s14] =	ssyncadd.s32 $0xFFFFFE00  }
0x4bb: {  	_ =	swait.ge [sflag:s14], $0x200  }
0x4bc: {  	[sflag:s14] =	ssyncset.done $0x0  }
0x4bd: {  	[sflag:s14] =	ssyncadd.s32 $0xFFFFFE00  }
0x4be: {  	_ =	swait.ge [sflag:s14], $0x200  }
0x4bf: {  	[sflag:s14] =	ssyncset.done $0x0  }
0x4c0: {  	[sflag:s14] =	ssyncadd.s32 $0xFFFFFE00  }
0x4c1: {  	_ =	swait.ge [sflag:s14], $0x200  }
0x4c2: {  	[sflag:s14] =	ssyncset.done $0x0  }
0x4c3: {  	[sflag:s14] =	ssyncadd.s32 $0xFFFFFE00  }
0x4c4: {  	_ =	swait.ge [sflag:s14], $0x200  }
0x4c5: {  	[sflag:s14] =	ssyncset.done $0x0  }
0x4c6: {  	[sflag:s14] =	ssyncadd.s32 $0xFFFFFE00  }
0x4c7: {  	_ =	swait.ge [sflag:s14], $0x200  }
0x4c8: {  	[sflag:s14] =	ssyncset.done $0x0  }
0x4c9: {  	[sflag:s14] =	ssyncadd.s32 $0xFFFFFE00  }
0x4ca: {  	_ =	swait.ge [sflag:s14], $0x200  }
0x4cb: {  	[sflag:s14] =	ssyncset.done $0x0  }
0x4cc: {  	[sflag:s14] =	ssyncadd.s32 $0xFFFFFE00  }
0x4cd: {  	_ =	swait.ge [sflag:s14], $0x200  }
0x4ce: {  	[sflag:s14] =	ssyncset.done $0x0  }
0x4cf: {  	[sflag:s14] =	ssyncadd.s32 $0xFFFFFE00  }
0x4d0: {  	_ =	swait.ge [sflag:s14], $0x200  }
0x4d1: {  	[sflag:s14] =	ssyncset.done $0x0  }
0x4d2: {  	[sflag:s14] =	ssyncadd.s32 $0xFFFFFE00  }
0x4d3: {  	_ =	swait.ge [sflag:s14], $0x200  }
0x4d4: {  	[sflag:s14] =	ssyncset.done $0x0  }
0x4d5: {  	[sflag:s14] =	ssyncadd.s32 $0xFFFFFE00  }
0x4d6: {  	_ =	swait.ge [sflag:s14], $0x200  }
0x4d7: {  	[sflag:s14] =	ssyncset.done $0x0  }
0x4d8: {  	[sflag:s14] =	ssyncadd.s32 $0xFFFFFE00  }
0x4d9: {  	_ =	swait.ge [sflag:s14], $0x200  }
0x4da: {  	[sflag:s14] =	ssyncset.done $0x0  }
0x4db: {  	[sflag:s14] =	ssyncadd.s32 $0xFFFFFE00  }
0x4dc: {  	_ =	swait.ge [sflag:s14], $0x200  }
0x4dd: {  	[sflag:s14] =	ssyncset.done $0x0  }
0x4de: {  	[sflag:s14] =	ssyncadd.s32 $0xFFFFFE00  }
0x4df: {  	_ =	swait.ge [sflag:s14], $0x200  }
0x4e0: {  	[sflag:s14] =	ssyncset.done $0x0  }
0x4e1: {  	[sflag:s14] =	ssyncadd.s32 $0xFFFFFE00  }
0x4e2: {  	_ =	swait.ge [sflag:s14], $0x200  }
0x4e3: {  	[sflag:s14] =	ssyncset.done $0x0  }
0x4e4: {  	[sflag:s14] =	ssyncadd.s32 $0xFFFFFE00  }
0x4e5: {  	_ =	swait.ge [sflag:s14], $0x200  }
0x4e6: {  	[sflag:s14] =	ssyncset.done $0x0  }
0x4e7: {  	[sflag:s14] =	ssyncadd.s32 $0xFFFFFE00  }
0x4e8: {  	_ =	swait.ge [sflag:s14], $0x200  }
0x4e9: {  	[sflag:s14] =	ssyncset.done $0x0  }
0x4ea: {  	[sflag:s14] =	ssyncadd.s32 $0xFFFFFE00  }
0x4eb: {  	_ =	swait.ge [sflag:s14], $0x200  }
0x4ec: {  	[sflag:s14] =	ssyncset.done $0x0  }
0x4ed: {  	[sflag:s14] =	ssyncadd.s32 $0xFFFFFE00  }
0x4ee: {  	_ =	swait.ge [sflag:s14], $0x200  }
0x4ef: {  	[sflag:s14] =	ssyncset.done $0x0  }
0x4f0: {  	[sflag:s14] =	ssyncadd.s32 $0xFFFFFE00  }
0x4f1: {  	_ =	swait.ge [sflag:s14], $0x200  }
0x4f2: {  	[sflag:s14] =	ssyncset.done $0x0  }
0x4f3: {  	[sflag:s14] =	ssyncadd.s32 $0xFFFFFE00  }
0x4f4: {  	_ =	swait.ge [sflag:s14], $0x200  }
0x4f5: {  	[sflag:s14] =	ssyncset.done $0x0  }
0x4f6: {  	[sflag:s14] =	ssyncadd.s32 $0xFFFFFE00  }
0x4f7: {  	_ =	swait.ge [sflag:s14], $0x200  }
0x4f8: {  	[sflag:s14] =	ssyncset.done $0x0  }
0x4f9: {  	[sflag:s14] =	ssyncadd.s32 $0xFFFFFE00  }
0x4fa: {  	_ =	swait.ge [sflag:s14], $0x200  }
0x4fb: {  	[sflag:s14] =	ssyncset.done $0x0  }
0x4fc: {  	[sflag:s14] =	ssyncadd.s32 $0xFFFFFE00  }
0x4fd: {  	_ =	swait.ge [sflag:s14], $0x200  }
0x4fe: {  	[sflag:s14] =	ssyncset.done $0x0  }
0x4ff: {  	[sflag:s14] =	ssyncadd.s32 $0xFFFFFE00  }
0x500: {  	_ =	swait.ge [sflag:s14], $0x200  }
0x501: {  	[sflag:s14] =	ssyncset.done $0x0  }
0x502: {  	[sflag:s14] =	ssyncadd.s32 $0xFFFFFE00  }
0x503: {  	_ =	swait.ge [sflag:s14], $0x200  }
0x504: {  	[sflag:s14] =	ssyncset.done $0x0  }
0x505: {  	[sflag:s14] =	ssyncadd.s32 $0xFFFFFE00  }
0x506: {  	_ =	swait.ge [sflag:s14], $0x200  }
0x507: {  	[sflag:s14] =	ssyncset.done $0x0  }
0x508: {  	[sflag:s14] =	ssyncadd.s32 $0xFFFFFE00  }
0x509: {  	_ =	swait.ge [sflag:s14], $0x200  }
0x50a: {  	[sflag:s14] =	ssyncset.done $0x0  }
0x50b: {  	s20 =	sadd.s32 $0x2000, s20;
	[sflag:s14] =	ssyncadd.s32 $0xFFFFFE00  }
0x50c: {  	p0 =	sne.s32 s20, $0x6000;
	_ =	swait.ge [sflag:s14], $0x200  }
.Ltmp0:
0x50d: {  	[sflag:s14] =	ssyncset.done $0x0;
	(pc) =	sbr.rel @p0 .LBB2_2-.Ltmp0, $4  }
0x50e: {  	[sflag:s14] =	ssyncadd.s32 $0xFFFFFE00  }
0x50f: {  	_ =	swait.ge [sflag:s14], $0x200  }
0x510: {  	[sflag:s14] =	ssyncset.done $0x0  }
0x511: {  	s19 =	sadd.s32 $0x10000, s19;
	[sflag:s14] =	ssyncadd.s32 $0xFFFFFE00  }
0x512: {  	s1 =	sld [smem:$0x715]  }
0x513: {  	s0 =	sld [smem:$0x7FC];
	_ =	sdelay $0x1  }
0x514: {  	s1 =	sadd.s32 $0x1, s1  }
0x515: {  	p0 =	sne.s32 s1, s0  }
.Ltmp1:
0x516: {  	_ = 	snop;
	(pc) =	sbr.rel @p0 .LBB2_1-.Ltmp1, $1  }
0x517: {  	_ =	sdelay $0x3  }
0x518: {  	_ =	sfence.sel $0x180000  }
0x519: {  	[bflag:$0x0] =	sbarrier.arrive $0xFFFF  }
0x51a: {  	_ =	strace $0x90000047  }
0x51b: {  	s0 =	stileid.u32;
	[bflag:$0x2] =	sbarrier.arrive $0xFFFF  }
0x51c: {  	p0 =	sne.s32 s0, $0x0;
	s0 =	rddreg [dreg:$0x5]  }
0x51d: {  	s0 =	sadd.s32 @!p0 $0x100000, s0  }
0x51e: {  	[sflag:s0] =	ssyncadd.tile.s32 @!p0 $0x1;
	_ =	shalt  }
.Lfunc_end2:
_tile_overlayer_lowered:
.L_overlay_start_2:
0x51f: {  	(tag) =	ssettag $0x2  }
0x520: {  	s0 =	rddreg [dreg:$0x0];
	s2 =	stileid.u32  }
0x521: {  	s1 =	rddreg [dreg:$0x1];
	p0 =	sne.s32 s2, $0x0  }
0x522: {  	s3 =	rddreg [dreg:$0x2];
	[bflag:$0x3] =	sbarrier.arrive $0xFFFF;
	s2 =	simm.s32 @!p0 $0x1C04  }
0x523: {  	[timem:s3], [sflag:s2] =	dma.local @!p0 [hbm:s0], s1  }
0x524: {  	s0 =	simm.s32 @!p0 $0x4  }
0x525: {  	_ =	swait.ge @!p0 [sflag:s0], s1  }
0x526: {  	s1 =	ssub.s32 @!p0 $0x0, s1;
	[sflag:s0] =	ssyncset.done @!p0 $0x0  }
0x527: {  	[sflag:s0] =	ssyncadd.s32 @!p0 s1  }
0x528: {  	[bflag:$0x3] =	sbarrier.arrive $0xFFFF  }
0x529: {  	_ =	shalt  }

</sc_bundles>
